<compile_context>
chip_gen: v7x
topology: tpu7x:2x2x1
jax: 0.10.2.dev20260603
libtpu: 0.0.44.dev20260713+nightly
codegen_flags: <defaults>
</compile_context>

<pallas_src>
import functools

import jax
import jax.numpy as jnp
from jax import lax
from jax.experimental import pallas as pl
from jax.experimental.pallas import tpu as pltpu
from jax.experimental.pallas import tpu_sc as plsc

NN = 10000
EE = 160000
DIN = 256
DP = 128
NH = 2

_BLK1 = 1000


def _k1_body(x_ref, w_ref, b_ref, ab_ref, wx0_ref, wx1_ref, s_ref, cs_ref):
    i = pl.program_id(0)
    xb = x_ref[...]
    wx = jnp.dot(xb, w_ref[...], preferred_element_type=jnp.float32) + b_ref[...]
    wx0_ref[...] = wx[:, :DP]
    wx1_ref[...] = wx[:, DP:]
    s_ref[...] = jnp.dot(wx, ab_ref[...], preferred_element_type=jnp.float32)
    colsum = jnp.sum(wx, axis=0, keepdims=True)

    @pl.when(i == 0)
    def _():
        cs_ref[...] = colsum

    @pl.when(i > 0)
    def _():
        cs_ref[...] += colsum


def _k1(x, wcat, bcat, ab):
    grid = NN // _BLK1
    return pl.pallas_call(
        _k1_body,
        grid=(grid,),
        in_specs=[
            pl.BlockSpec((_BLK1, DIN), lambda i: (i, 0)),
            pl.BlockSpec((DIN, NH * DP), lambda i: (0, 0)),
            pl.BlockSpec((1, NH * DP), lambda i: (0, 0)),
            pl.BlockSpec((DIN, 8), lambda i: (0, 0)),
        ],
        out_specs=[
            pl.BlockSpec((_BLK1, DP), lambda i: (i, 0)),
            pl.BlockSpec((_BLK1, DP), lambda i: (i, 0)),
            pl.BlockSpec((_BLK1, 8), lambda i: (i, 0)),
            pl.BlockSpec((1, NH * DP), lambda i: (0, 0)),
        ],
        out_shape=[
            jax.ShapeDtypeStruct((NN, DP), jnp.float32),
            jax.ShapeDtypeStruct((NN, DP), jnp.float32),
            jax.ShapeDtypeStruct((NN, 8), jnp.float32),
            jax.ShapeDtypeStruct((1, NH * DP), jnp.float32),
        ],
    )(x, wcat, bcat, ab)


_CH = EE // 16


def _k2a_body(sn_hbm, vi_hbm, vj_hbm, y0_hbm, y1_hbm, sn_v, vi_v, vj_v, y_v):
    c = lax.axis_index("c")
    s = lax.axis_index("s")
    base = s * _CH
    pltpu.sync_copy(sn_hbm, sn_v)
    pltpu.sync_copy(vi_hbm.at[pl.ds(base, _CH)], vi_v)
    pltpu.sync_copy(vj_hbm.at[pl.ds(base, _CH)], vj_v)
    zi = jnp.zeros((16,), jnp.int32)

    def body(k, _):
        sl = pl.ds(k * 16, 16)
        gi = plsc.load_gather(sn_v, [vi_v[sl] * 4 + c])
        gj = plsc.load_gather(sn_v, [vj_v[sl] * 4 + (NH + c)])
        t = gi + gj
        y_v[sl] = jnp.where(t >= 0.0, t, t * 0.2)
        return ()

    lax.fori_loop(0, _CH // 16, body, ())

    @pl.when(c == 0)
    def _():
        pltpu.sync_copy(y_v, y0_hbm.at[pl.ds(base, _CH)])

    @pl.when(c == 1)
    def _():
        pltpu.sync_copy(y_v, y1_hbm.at[pl.ds(base, _CH)])


def _k2a(sn, vi_s, vj_s):
    mesh = plsc.VectorSubcoreMesh(core_axis_name="c", subcore_axis_name="s")
    f = pl.kernel(
        _k2a_body,
        compiler_params=pltpu.CompilerParams(needs_layout_passes=False),
        out_type=[
            jax.ShapeDtypeStruct((EE,), jnp.float32),
            jax.ShapeDtypeStruct((EE,), jnp.float32),
        ],
        mesh=mesh,
        scratch_types=[
            pltpu.VMEM((NN * 2 * NH,), jnp.float32),
            pltpu.VMEM((_CH,), jnp.int32),
            pltpu.VMEM((_CH,), jnp.int32),
            pltpu.VMEM((_CH,), jnp.float32),
        ],
    )
    return f(sn, vi_s, vj_s)


_BB = 128
_MB = 8
_MC = 10
_RPT = _MB * _MC
_EPW = _RPT * _BB
_ZPAD = 10240


def _k2b_body(wx_hbm, vi2_hbm, vj2_hbm, w0_hbm, w1_hbm, num_hbm, z0_hbm,
              z1_hbm, num_sh, z_sh, zbz_v, vi2_v, vj2_v, vja_v, wv_v,
              rows_a, rows_b, sem_a, sem_b):
    c = lax.axis_index("c")
    s = lax.axis_index("s")
    rows = (rows_a, rows_b)
    sems = (sem_a, sem_b)

    def za_loop(k, _):
        rows_a[k // 8, pl.ds((k % 8) * 16, 16)] = jnp.zeros((16,), jnp.float32)
        return ()

    lax.fori_loop(0, _BB * 8, za_loop, ())

    def zbz_loop(k, _):
        zbz_v[pl.ds(k * 16, 16)] = jnp.zeros((16,), jnp.float32)
        return ()

    lax.fori_loop(0, 40, zbz_loop, ())

    for q in range(4):
        pltpu.sync_copy(rows_a, num_sh.at[pl.ds(s * 625 + q * 128, 128)])
    pltpu.sync_copy(rows_a.at[pl.ds(0, 113)],
                    num_sh.at[pl.ds(s * 625 + 512, 113)])
    pltpu.sync_copy(zbz_v, z_sh.at[pl.ds(s * 640, 640)])
    plsc.subcore_barrier()

    def scale(rref, wofs):
        def body(rr, _):
            r = rr * 4
            zi = jnp.zeros((16,), jnp.int32)
            wbs = [plsc.load_gather(wv_v, [zi + wofs + r + u]) for u in range(4)]
            for p in range(DP // 16):
                sl = pl.ds(p * 16, 16)
                for u in range(4):
                    rref[r + u, sl] = rref[r + u, sl] * wbs[u]
            return ()

        lax.fori_loop(0, _BB // 4, body, ())

    def mc_loop(mc, _):
        rowbase = s * _RPT + mc * _MB
        base = rowbase * _BB
        pltpu.sync_copy(vi2_hbm.at[pl.ds(rowbase, _MB)], vi2_v)
        pltpu.sync_copy(vj2_hbm.at[pl.ds(rowbase, _MB)], vj2_v)

        @pl.when(c == 0)
        def _():
            pltpu.sync_copy(w0_hbm.at[pl.ds(base, _MB * _BB)], wv_v)

        @pl.when(c == 1)
        def _():
            pltpu.sync_copy(w1_hbm.at[pl.ds(base, _MB * _BB)], wv_v)

        def prep(k, _):
            sl = pl.ds((k % 8) * 16, 16)
            vja_v[k // 8, sl] = vj2_v[k // 8, sl] + c * NN
            return ()

        lax.fori_loop(0, _MB * 8, prep, ())

        pltpu.async_copy(wx_hbm.at[vja_v.at[0]], rows_a, sem_a)
        for b in range(_MB):
            pb = b % 2
            if b + 1 < _MB:
                pltpu.async_copy(wx_hbm.at[vja_v.at[b + 1]],
                                 rows[(b + 1) % 2], sems[(b + 1) % 2])
            pltpu.make_async_copy(wx_hbm.at[vja_v.at[b]],
                                  rows[pb], sems[pb]).wait()
            scale(rows[pb], b * _BB)
            pltpu.sync_copy(rows[pb], num_sh.at[vi2_v.at[b]], add=True)
            pltpu.sync_copy(wv_v.at[pl.ds(b * _BB, _BB)],
                            z_sh.at[vi2_v.at[b]], add=True)
        return ()

    lax.fori_loop(0, _MC, mc_loop, ())
    plsc.subcore_barrier()

    @pl.when((s == 0) & (c == 0))
    def _():
        pltpu.sync_copy(num_sh, num_hbm.at[0])
        pltpu.sync_copy(z_sh, z0_hbm)

    @pl.when((s == 0) & (c == 1))
    def _():
        pltpu.sync_copy(num_sh, num_hbm.at[1])
        pltpu.sync_copy(z_sh, z1_hbm)


def _k2b(wxcat, vi2, vj2, w0, w1):
    mesh = plsc.VectorSubcoreMesh(core_axis_name="c", subcore_axis_name="s")
    f = pl.kernel(
        _k2b_body,
        compiler_params=pltpu.CompilerParams(needs_layout_passes=False),
        out_type=[
            jax.ShapeDtypeStruct((NH, NN, DP), jnp.float32),
            jax.ShapeDtypeStruct((_ZPAD,), jnp.float32),
            jax.ShapeDtypeStruct((_ZPAD,), jnp.float32),
        ],
        mesh=mesh,
        scratch_types=[
            pltpu.VMEM_SHARED((NN, DP), jnp.float32),
            pltpu.VMEM_SHARED((_ZPAD,), jnp.float32),
            pltpu.VMEM((640,), jnp.float32),
            pltpu.VMEM((_MB, _BB), jnp.int32),
            pltpu.VMEM((_MB, _BB), jnp.int32),
            pltpu.VMEM((_MB, _BB), jnp.int32),
            pltpu.VMEM((_MB * _BB,), jnp.float32),
            pltpu.VMEM((_BB, DP), jnp.float32),
            pltpu.VMEM((_BB, DP), jnp.float32),
            pltpu.SemaphoreType.DMA,
            pltpu.SemaphoreType.DMA,
        ],
    )
    return f(wxcat, vi2, vj2, w0, w1)


def _k2w_body(v_ref, m_ref, o_ref):
    o_ref[...] = m_ref[...] * (jnp.exp(v_ref[...]) - 1.0)


def _k2w(v2, m):
    vr = v2.reshape(20, NH * EE // 20)
    mr = jnp.broadcast_to(m, (NH, EE)).reshape(20, NH * EE // 20)
    out = pl.pallas_call(
        _k2w_body,
        out_shape=jax.ShapeDtypeStruct(vr.shape, jnp.float32),
    )(vr, mr)
    return out.reshape(NH, EE)


_BLK3 = 1000


def _k3_body(num_ref, z_ref, cs_ref, o_ref):
    v = (cs_ref[0] + num_ref[0]) / (float(NN) + z_ref[0])
    o_ref[...] = jnp.where(v > 0.0, v, jnp.exp(v) - 1.0)


def _k3(num, z3, s2):
    return pl.pallas_call(
        _k3_body,
        grid=(NH, NN // _BLK3),
        in_specs=[
            pl.BlockSpec((1, _BLK3, DP), lambda h, i: (h, i, 0)),
            pl.BlockSpec((1, _BLK3, 1), lambda h, i: (h, i, 0)),
            pl.BlockSpec((1, 1, DP), lambda h, i: (h, 0, 0)),
        ],
        out_specs=pl.BlockSpec((_BLK3, DP), lambda h, i: (i, h)),
        out_shape=jax.ShapeDtypeStruct((NN, NH * DP), jnp.float32),
    )(num, z3, s2)


def kernel(x, edge_index, W_w, W_b, a_w, a_b):
    vi = edge_index[0]
    vj = edge_index[1]

    wcat = jnp.concatenate([W_w[0].T, W_w[1].T], axis=1)
    bcat = W_b.reshape(1, NH * DP)
    zcol = jnp.zeros((DP,), jnp.float32)
    ab = jnp.stack([
        jnp.concatenate([a_w[0, :DP], zcol]),
        jnp.concatenate([zcol, a_w[1, :DP]]),
        jnp.concatenate([a_w[0, DP:], zcol]),
        jnp.concatenate([zcol, a_w[1, DP:]]),
    ], axis=1)
    ab = jnp.concatenate([ab, jnp.zeros((NH * DP, 4), jnp.float32)], axis=1)

    wx0, wx1, s8, cs = _k1(x, wcat, bcat, ab)

    key = vi * NN + vj
    ks = lax.sort([key], is_stable=False)[0]
    vi_s = ks // NN
    vj_s = ks - vi_s * NN

    sn = jnp.stack([
        s8[:, 0], s8[:, 1],
        s8[:, 2] + a_b[0], s8[:, 3] + a_b[1],
    ], axis=1)

    y0, y1 = _k2a(sn.reshape(-1), vi_s, vj_s)
    y2 = jnp.stack([y0, y1])

    starts = jnp.concatenate(
        [jnp.ones((1,), bool), ks[1:] != ks[:-1]])
    lasts = jnp.concatenate([starts[1:], jnp.ones((1,), bool)])
    idxe = jnp.arange(EE, dtype=jnp.int32)
    c0 = jnp.cumsum(y2, axis=1)
    sidx = jax.lax.cummax(jnp.where(starts, idxe, 0))
    cprev = jnp.where(sidx > 0, c0[:, sidx - 1], 0.0)
    m = lasts.astype(jnp.float32)
    w2 = _k2w(c0 - cprev, m)

    wxcat = jnp.concatenate([wx0, wx1], axis=0)
    padi = jnp.zeros((30, _BB), jnp.int32)
    padw = jnp.zeros((NH, 30, _BB), jnp.float32)
    vi2 = jnp.concatenate([vi_s.reshape(1250, _BB), padi], axis=0)
    vj2 = jnp.concatenate([vj_s.reshape(1250, _BB), padi], axis=0)
    w2p = jnp.concatenate(
        [w2.reshape(NH, 1250, _BB), padw], axis=1).reshape(NH, 1280 * _BB)
    num, z0, z1 = _k2b(wxcat, vi2, vj2, w2p[0], w2p[1])

    z3 = jnp.stack([z0[:NN], z1[:NN]]).reshape(NH, NN, 1)
    s2 = cs.reshape(NH, 1, DP)
    return _k3(num, z3, s2)

# --- scband reference (transcript-rebuilt; emitter-appended) ---
"""Pipeline reference for scband-gatlayer-39719857553790 (READ-ONLY COPY).

The authoritative reference and input builder live on the scoring server;
editing this copy changes nothing except your own understanding.
"""

import jax, jax.numpy as jnp
import numpy as np

N = 10000
E = 160000
D_IN = 256
D_OUT = 256
H = 2
DP = D_OUT // H  # is_concat=True -> d_prime = d_out // head_num


def setup_inputs(seed: int = 0) -> dict:
    key = jax.random.key(seed)
    ks = jax.random.split(key, 6)
    x = jax.random.normal(ks[0], (N, D_IN), dtype=jnp.float32)
    edge_index = jax.random.randint(ks[1], (2, E), 0, N, dtype=jnp.int32)
    # per-head linear W: weight [DP, D_IN], bias [DP]; stacked over heads
    W_w = jax.random.normal(ks[2], (H, DP, D_IN), dtype=jnp.float32) * (1.0 / np.sqrt(D_IN))
    W_b = jax.random.normal(ks[3], (H, DP), dtype=jnp.float32) * 0.01
    # per-head attention linear a: weight [1, 2*DP] -> stored as [H, 2*DP], bias [H]
    a_w = jax.random.normal(ks[4], (H, 2 * DP), dtype=jnp.float32) * (1.0 / np.sqrt(2 * DP))
    a_b = jax.random.normal(ks[5], (H,), dtype=jnp.float32) * 0.01
    return {"x": x, "edge_index": edge_index, "W_w": W_w, "W_b": W_b, "a_w": a_w, "a_b": a_b}


def reference(x, edge_index, W_w, W_b, a_w, a_b):
    n = x.shape[-2]
    vi = edge_index[0]
    vj = edge_index[1]
    x_tildes = []
    for h in range(H):
        Wx = x @ W_w[h].T + W_b[h]                      # [N, DP]
        WxPair = jnp.concatenate([Wx[vi], Wx[vj]], axis=-1)  # [E, 2*DP] (gather)
        yPair = WxPair @ a_w[h] + a_b[h]                # [E]
        yPair = jax.nn.leaky_relu(yPair, negative_slope=0.2)
        # dense NxN attention logits; scatter-add edge scores at (vi, vj)
        A = jnp.zeros((n, n), dtype=x.dtype).at[vi, vj].add(yPair)
        A = jax.nn.softmax(A, axis=-1)
        x_tildes.append(A @ Wx)                          # [N, DP]
    x_primes = jnp.stack(x_tildes)                       # [H, N, DP]
    # is_concat=True
    x_primes = jnp.transpose(x_primes, (1, 0, 2)).reshape(n, -1)  # [N, D_OUT]
    return jax.nn.elu(x_primes)

if __name__ == "__main__":
    import jax
    _d = setup_inputs()
    print(jax.jit(kernel)(*tuple(_d.values())))

</pallas_src>

<mosaic_0001>
#map = affine_map<(d0, d1) -> (0)>
module attributes {stable_mosaic.version = 14 : i64} {
  func.func @_k2a_body(%arg0: i32, %arg1: i32, %arg2: memref<40000xf32, #tpu.memory_space<hbm>>, %arg3: memref<160000xi32, #tpu.memory_space<hbm>>, %arg4: memref<160000xi32, #tpu.memory_space<hbm>>, %arg5: memref<160000xf32, #tpu.memory_space<hbm>>, %arg6: memref<160000xf32, #tpu.memory_space<hbm>>, %arg7: memref<40000xf32, #tpu.memory_space<vmem>>, %arg8: memref<10000xi32, #tpu.memory_space<vmem>>, %arg9: memref<10000xi32, #tpu.memory_space<vmem>>, %arg10: memref<10000xf32, #tpu.memory_space<vmem>>) attributes {dimension_semantics = [#tpu.dimension_semantics<core_parallel>, #tpu.dimension_semantics<subcore_parallel>], iteration_bounds = array<i64: 2, 16>, scalar_prefetch = 0 : i64, scratch_operands = 4 : i64, tpu.core_type = #tpu.core_type<sc_vector_subcore>, window_params = [{transform_indices = #map}, {transform_indices = #map}, {transform_indices = #map}, {transform_indices = #map}, {transform_indices = #map}]} {
    %mul3A = arith.constant 10000 : i32
    %mul3A_0 = arith.muli %arg1, %mul3A : i32
    "tpu.region"() ({
      %run_scoped3A = tpu.sem_alloc : memref<!tpu.dma_semaphore, #tpu.memory_space<semaphore_mem>>
      tpu.enqueue_dma source(%arg2 : memref<40000xf32, #tpu.memory_space<hbm>>) target(%arg7 : memref<40000xf32, #tpu.memory_space<vmem>>) target_semaphore(%run_scoped3A : memref<!tpu.dma_semaphore, #tpu.memory_space<semaphore_mem>>)
      tpu.wait_dma2 semaphore(%run_scoped3A : memref<!tpu.dma_semaphore, #tpu.memory_space<semaphore_mem>>) src(%arg2 : memref<40000xf32, #tpu.memory_space<hbm>>) dst(%arg7 : memref<40000xf32, #tpu.memory_space<vmem>>)
      tpu.yield
    }) : () -> ()
    "tpu.region"() ({
      %run_scoped3A = tpu.sem_alloc : memref<!tpu.dma_semaphore, #tpu.memory_space<semaphore_mem>>
      %dma_start3A = tpu.memref_slice %arg3[%mul3A_0] : memref<160000xi32, #tpu.memory_space<hbm>> -> memref<10000xi32, #tpu.memory_space<hbm>>
      %dma_start3A_13 = tpu.memref_slice %arg3[%mul3A_0] : memref<160000xi32, #tpu.memory_space<hbm>> -> memref<10000xi32, #tpu.memory_space<hbm>>
      tpu.enqueue_dma source(%dma_start3A_13 : memref<10000xi32, #tpu.memory_space<hbm>>) target(%arg8 : memref<10000xi32, #tpu.memory_space<vmem>>) target_semaphore(%run_scoped3A : memref<!tpu.dma_semaphore, #tpu.memory_space<semaphore_mem>>)
      %dma_wait3A = tpu.memref_slice %arg3[%mul3A_0] : memref<160000xi32, #tpu.memory_space<hbm>> -> memref<10000xi32, #tpu.memory_space<hbm>>
      %dma_wait3A_14 = tpu.memref_slice %arg3[%mul3A_0] : memref<160000xi32, #tpu.memory_space<hbm>> -> memref<10000xi32, #tpu.memory_space<hbm>>
      tpu.wait_dma2 semaphore(%run_scoped3A : memref<!tpu.dma_semaphore, #tpu.memory_space<semaphore_mem>>) src(%dma_wait3A_14 : memref<10000xi32, #tpu.memory_space<hbm>>) dst(%arg8 : memref<10000xi32, #tpu.memory_space<vmem>>)
      tpu.yield
    }) : () -> ()
    "tpu.region"() ({
      %run_scoped3A = tpu.sem_alloc : memref<!tpu.dma_semaphore, #tpu.memory_space<semaphore_mem>>
      %dma_start3A = tpu.memref_slice %arg4[%mul3A_0] : memref<160000xi32, #tpu.memory_space<hbm>> -> memref<10000xi32, #tpu.memory_space<hbm>>
      %dma_start3A_13 = tpu.memref_slice %arg4[%mul3A_0] : memref<160000xi32, #tpu.memory_space<hbm>> -> memref<10000xi32, #tpu.memory_space<hbm>>
      tpu.enqueue_dma source(%dma_start3A_13 : memref<10000xi32, #tpu.memory_space<hbm>>) target(%arg9 : memref<10000xi32, #tpu.memory_space<vmem>>) target_semaphore(%run_scoped3A : memref<!tpu.dma_semaphore, #tpu.memory_space<semaphore_mem>>)
      %dma_wait3A = tpu.memref_slice %arg4[%mul3A_0] : memref<160000xi32, #tpu.memory_space<hbm>> -> memref<10000xi32, #tpu.memory_space<hbm>>
      %dma_wait3A_14 = tpu.memref_slice %arg4[%mul3A_0] : memref<160000xi32, #tpu.memory_space<hbm>> -> memref<10000xi32, #tpu.memory_space<hbm>>
      tpu.wait_dma2 semaphore(%run_scoped3A : memref<!tpu.dma_semaphore, #tpu.memory_space<semaphore_mem>>) src(%dma_wait3A_14 : memref<10000xi32, #tpu.memory_space<hbm>>) dst(%arg9 : memref<10000xi32, #tpu.memory_space<vmem>>)
      tpu.yield
    }) : () -> ()
    %broadcast_in_dim3A = arith.constant 0 : i32
    %broadcast_in_dim3A_1 = vector.broadcast %broadcast_in_dim3A : i32 to vector<16xi32>
    %scan3A = arith.constant 0 : i32
    %scan3A_2 = arith.constant 625 : i32
    %scan3A_3 = arith.addi %scan3A, %scan3A_2 : i32
    %scan3A_4 = arith.constant 1 : i32
    scf.for %scan3A_13 = %scan3A to %scan3A_3 step %scan3A_4  : i32 {
      %mul3A_14 = arith.constant 16 : i32
      %mul3A_15 = arith.muli %scan3A_13, %mul3A_14 : i32
      %get3A = arith.index_cast %mul3A_15 : i32 to index
      %get3A_16 = tpu.vector_load %arg8[%get3A] {strides = array<i32>} : memref<10000xi32, #tpu.memory_space<vmem>>, vector<16xi32>,
      %mul3A_17 = arith.constant 4 : i32
      %mul3A_18 = vector.broadcast %mul3A_17 : i32 to vector<16xi32>
      %mul3A_19 = arith.muli %get3A_16, %mul3A_18 : vector<16xi32>
      %add3A = vector.broadcast %arg0 : i32 to vector<16xi32>
      %add3A_20 = arith.addi %mul3A_19, %add3A : vector<16xi32>
      %gather3A = tpu.vector_load_idx %arg7[%add3A_20] : memref<40000xf32, #tpu.memory_space<vmem>>[vector<16xi32>], vector<16xf32>,
      %get3A_21 = arith.index_cast %mul3A_15 : i32 to index
      %get3A_22 = tpu.vector_load %arg9[%get3A_21] {strides = array<i32>} : memref<10000xi32, #tpu.memory_space<vmem>>, vector<16xi32>,
      %mul3A_23 = arith.constant 4 : i32
      %mul3A_24 = vector.broadcast %mul3A_23 : i32 to vector<16xi32>
      %mul3A_25 = arith.muli %get3A_22, %mul3A_24 : vector<16xi32>
      %add3A_26 = arith.constant 2 : i32
      %add3A_27 = arith.addi %add3A_26, %arg0 : i32
      %add3A_28 = vector.broadcast %add3A_27 : i32 to vector<16xi32>
      %add3A_29 = arith.addi %mul3A_25, %add3A_28 : vector<16xi32>
      %gather3A_30 = tpu.vector_load_idx %arg7[%add3A_29] : memref<40000xf32, #tpu.memory_space<vmem>>[vector<16xi32>], vector<16xf32>,
      %add3A_31 = arith.addf %gather3A, %gather3A_30 : vector<16xf32>
      %ge3A = arith.constant 0.000000e+00 : f32
      %ge3A_32 = vector.broadcast %ge3A : f32 to vector<16xf32>
      %ge3A_33 = arith.cmpf oge, %add3A_31, %ge3A_32 : vector<16xf32>
      %mul3A_34 = arith.constant 2.000000e-01 : f32
      %mul3A_35 = vector.broadcast %mul3A_34 : f32 to vector<16xf32>
      %mul3A_36 = arith.mulf %add3A_31, %mul3A_35 : vector<16xf32>
      %select_n3A = arith.select %ge3A_33, %add3A_31, %mul3A_36 : vector<16xi1>, vector<16xf32>
      %swap3A = arith.index_cast %mul3A_15 : i32 to index
      %swap3A_37 = tpu.vector_load %arg10[%swap3A] {strides = array<i32>} : memref<10000xf32, #tpu.memory_space<vmem>>, vector<16xf32>,
      tpu.vector_store %arg10[%swap3A], %select_n3A {strides = array<i32>} : memref<10000xf32, #tpu.memory_space<vmem>>, vector<16xf32>,
    }
    %scan3A_5 = arith.constant 625 : i32
    %eq3A = arith.constant 0 : i32
    %eq3A_6 = arith.cmpi eq, %arg0, %eq3A : i32
    %convert_element_type3A = arith.extui %eq3A_6 : i1 to i32
    %cond3A = arith.constant 0 : i32
    %cond3A_7 = arith.cmpi ne, %convert_element_type3A, %cond3A : i32
    scf.if %cond3A_7 {
      "tpu.region"() ({
        %run_scoped3A = tpu.sem_alloc : memref<!tpu.dma_semaphore, #tpu.memory_space<semaphore_mem>>
        %dma_start3A = tpu.memref_slice %arg5[%mul3A_0] : memref<160000xf32, #tpu.memory_space<hbm>> -> memref<10000xf32, #tpu.memory_space<hbm>>
        %dma_start3A_13 = tpu.memref_slice %arg5[%mul3A_0] : memref<160000xf32, #tpu.memory_space<hbm>> -> memref<10000xf32, #tpu.memory_space<hbm>>
        tpu.enqueue_dma source(%arg10 : memref<10000xf32, #tpu.memory_space<vmem>>) target(%dma_start3A_13 : memref<10000xf32, #tpu.memory_space<hbm>>) target_semaphore(%run_scoped3A : memref<!tpu.dma_semaphore, #tpu.memory_space<semaphore_mem>>)
        %dma_wait3A = tpu.memref_slice %arg5[%mul3A_0] : memref<160000xf32, #tpu.memory_space<hbm>> -> memref<10000xf32, #tpu.memory_space<hbm>>
        %dma_wait3A_14 = tpu.memref_slice %arg5[%mul3A_0] : memref<160000xf32, #tpu.memory_space<hbm>> -> memref<10000xf32, #tpu.memory_space<hbm>>
        tpu.wait_dma2 semaphore(%run_scoped3A : memref<!tpu.dma_semaphore, #tpu.memory_space<semaphore_mem>>) src(%arg10 : memref<10000xf32, #tpu.memory_space<vmem>>) dst(%dma_wait3A_14 : memref<10000xf32, #tpu.memory_space<hbm>>)
        tpu.yield
      }) : () -> ()
    } else {
    }
    %eq3A_8 = arith.constant 1 : i32
    %eq3A_9 = arith.cmpi eq, %arg0, %eq3A_8 : i32
    %convert_element_type3A_10 = arith.extui %eq3A_9 : i1 to i32
    %cond3A_11 = arith.constant 0 : i32
    %cond3A_12 = arith.cmpi ne, %convert_element_type3A_10, %cond3A_11 : i32
    scf.if %cond3A_12 {
      "tpu.region"() ({
        %run_scoped3A = tpu.sem_alloc : memref<!tpu.dma_semaphore, #tpu.memory_space<semaphore_mem>>
        %dma_start3A = tpu.memref_slice %arg6[%mul3A_0] : memref<160000xf32, #tpu.memory_space<hbm>> -> memref<10000xf32, #tpu.memory_space<hbm>>
        %dma_start3A_13 = tpu.memref_slice %arg6[%mul3A_0] : memref<160000xf32, #tpu.memory_space<hbm>> -> memref<10000xf32, #tpu.memory_space<hbm>>
        tpu.enqueue_dma source(%arg10 : memref<10000xf32, #tpu.memory_space<vmem>>) target(%dma_start3A_13 : memref<10000xf32, #tpu.memory_space<hbm>>) target_semaphore(%run_scoped3A : memref<!tpu.dma_semaphore, #tpu.memory_space<semaphore_mem>>)
        %dma_wait3A = tpu.memref_slice %arg6[%mul3A_0] : memref<160000xf32, #tpu.memory_space<hbm>> -> memref<10000xf32, #tpu.memory_space<hbm>>
        %dma_wait3A_14 = tpu.memref_slice %arg6[%mul3A_0] : memref<160000xf32, #tpu.memory_space<hbm>> -> memref<10000xf32, #tpu.memory_space<hbm>>
        tpu.wait_dma2 semaphore(%run_scoped3A : memref<!tpu.dma_semaphore, #tpu.memory_space<semaphore_mem>>) src(%arg10 : memref<10000xf32, #tpu.memory_space<vmem>>) dst(%dma_wait3A_14 : memref<10000xf32, #tpu.memory_space<hbm>>)
        tpu.yield
      }) : () -> ()
    } else {
    }
    return
  }
}

#map = affine_map<(d0, d1) -> (0, 0)>
#map1 = affine_map<(d0, d1) -> (0)>
#map2 = affine_map<(d0, d1) -> (0, 0, 0)>
module attributes {stable_mosaic.version = 14 : i64} {
  func.func @_k2b_body(%arg0: i32, %arg1: i32, %arg2: memref<20000x128xf32, #tpu.memory_space<hbm>>, %arg3: memref<1280x128xi32, #tpu.memory_space<hbm>>, %arg4: memref<1280x128xi32, #tpu.memory_space<hbm>>, %arg5: memref<163840xf32, #tpu.memory_space<hbm>>, %arg6: memref<163840xf32, #tpu.memory_space<hbm>>, %arg7: memref<2x10000x128xf32, #tpu.memory_space<hbm>>, %arg8: memref<10240xf32, #tpu.memory_space<hbm>>, %arg9: memref<10240xf32, #tpu.memory_space<hbm>>, %arg10: memref<10000x128xf32, #tpu.memory_space<vmem_shared>>, %arg11: memref<10240xf32, #tpu.memory_space<vmem_shared>>, %arg12: memref<640xf32, #tpu.memory_space<vmem>>, %arg13: memref<8x128xi32, #tpu.memory_space<vmem>>, %arg14: memref<8x128xi32, #tpu.memory_space<vmem>>, %arg15: memref<8x128xi32, #tpu.memory_space<vmem>>, %arg16: memref<1024xf32, #tpu.memory_space<vmem>>, %arg17: memref<128x128xf32, #tpu.memory_space<vmem>>, %arg18: memref<128x128xf32, #tpu.memory_space<vmem>>, %arg19: memref<!tpu.dma_semaphore, #tpu.memory_space<semaphore_mem>>, %arg20: memref<!tpu.dma_semaphore, #tpu.memory_space<semaphore_mem>>) attributes {dimension_semantics = [#tpu.dimension_semantics<core_parallel>, #tpu.dimension_semantics<subcore_parallel>], iteration_bounds = array<i64: 2, 16>, scalar_prefetch = 0 : i64, scratch_operands = 11 : i64, tpu.core_type = #tpu.core_type<sc_vector_subcore>, window_params = [{transform_indices = #map}, {transform_indices = #map}, {transform_indices = #map}, {transform_indices = #map1}, {transform_indices = #map1}, {transform_indices = #map2}, {transform_indices = #map1}, {transform_indices = #map1}]} {
    %scan3A = arith.constant 0 : i32
    %scan3A_0 = arith.constant 1024 : i32
    %scan3A_1 = arith.addi %scan3A, %scan3A_0 : i32
    %scan3A_2 = arith.constant 1 : i32
    scf.for %scan3A_47 = %scan3A to %scan3A_1 step %scan3A_2  : i32 {
      %broadcast_in_dim3A = arith.constant 0.000000e+00 : f32
      %broadcast_in_dim3A_48 = vector.broadcast %broadcast_in_dim3A : f32 to vector<16xf32>
      %jit3A = arith.constant 8 : i32
      %div3A = arith.divsi %scan3A_47, %jit3A : i32
      %sign3A = arith.constant 0 : i32
      %sign3A_49 = arith.cmpi sgt, %scan3A_47, %sign3A : i32
      %sign3A_50 = arith.extui %sign3A_49 : i1 to i32
      %sign3A_51 = arith.constant 0 : i32
      %sign3A_52 = arith.cmpi slt, %scan3A_47, %sign3A_51 : i32
      %sign3A_53 = arith.extui %sign3A_52 : i1 to i32
      %sign3A_54 = arith.subi %sign3A_50, %sign3A_53 : i32
      %sign3A_55 = arith.constant 0 : i32
      %sign3A_56 = arith.cmpi sgt, %jit3A, %sign3A_55 : i32
      %sign3A_57 = arith.extui %sign3A_56 : i1 to i32
      %sign3A_58 = arith.constant 0 : i32
      %sign3A_59 = arith.cmpi slt, %jit3A, %sign3A_58 : i32
      %sign3A_60 = arith.extui %sign3A_59 : i1 to i32
      %sign3A_61 = arith.subi %sign3A_57, %sign3A_60 : i32
      %ne3A = arith.cmpi ne, %sign3A_54, %sign3A_61 : i32
      %rem3A = arith.remsi %scan3A_47, %jit3A : i32
      %ne3A_62 = arith.constant 0 : i32
      %ne3A_63 = arith.cmpi ne, %rem3A, %ne3A_62 : i32
      %and3A_64 = arith.andi %ne3A, %ne3A_63 : i1
      %sub3A = arith.constant 1 : i32
      %sub3A_65 = arith.subi %div3A, %sub3A : i32
      %select_n3A = arith.select %and3A_64, %sub3A_65, %div3A : i32
      %jit3A_66 = arith.constant 8 : i32
      %eq3A_67 = arith.constant 0 : i32
      %eq3A_68 = arith.cmpi eq, %jit3A_66, %eq3A_67 : i32
      %jit3A_69 = arith.constant 1 : i32
      %select_n3A_70 = arith.select %eq3A_68, %jit3A_69, %jit3A_66 : i32
      %rem3A_71 = arith.remsi %scan3A_47, %select_n3A_70 : i32
      %ne3A_72 = arith.constant 0 : i32
      %ne3A_73 = arith.cmpi ne, %rem3A_71, %ne3A_72 : i32
      %lt3A = arith.constant 0 : i32
      %lt3A_74 = arith.cmpi slt, %rem3A_71, %lt3A : i32
      %lt3A_75 = arith.constant 0 : i32
      %lt3A_76 = arith.cmpi slt, %select_n3A_70, %lt3A_75 : i32
      %ne3A_77 = arith.xori %lt3A_74, %lt3A_76 : i1
      %and3A_78 = arith.andi %ne3A_77, %ne3A_73 : i1
      %add3A_79 = arith.addi %rem3A_71, %select_n3A_70 : i32
      %select_n3A_80 = arith.select %and3A_78, %add3A_79, %rem3A_71 : i32
      %mul3A_81 = arith.constant 16 : i32
      %mul3A_82 = arith.muli %select_n3A_80, %mul3A_81 : i32
      %swap3A = arith.index_cast %select_n3A : i32 to index
      %swap3A_83 = arith.index_cast %mul3A_82 : i32 to index
      %swap3A_84 = tpu.vector_load %arg17[%swap3A, %swap3A_83] {strides = array<i32>} : memref<128x128xf32, #tpu.memory_space<vmem>>, vector<16xf32>,
      tpu.vector_store %arg17[%swap3A, %swap3A_83], %broadcast_in_dim3A_48 {strides = array<i32>} : memref<128x128xf32, #tpu.memory_space<vmem>>, vector<16xf32>,
    }
    %scan3A_3 = arith.constant 1024 : i32
    %scan3A_4 = arith.constant 0 : i32
    %scan3A_5 = arith.constant 40 : i32
    %scan3A_6 = arith.addi %scan3A_4, %scan3A_5 : i32
    %scan3A_7 = arith.constant 1 : i32
    scf.for %scan3A_47 = %scan3A_4 to %scan3A_6 step %scan3A_7  : i32 {
      %broadcast_in_dim3A = arith.constant 0.000000e+00 : f32
      %broadcast_in_dim3A_48 = vector.broadcast %broadcast_in_dim3A : f32 to vector<16xf32>
      %mul3A_49 = arith.constant 16 : i32
      %mul3A_50 = arith.muli %scan3A_47, %mul3A_49 : i32
      %swap3A = arith.index_cast %mul3A_50 : i32 to index
      %swap3A_51 = tpu.vector_load %arg12[%swap3A] {strides = array<i32>} : memref<640xf32, #tpu.memory_space<vmem>>, vector<16xf32>,
      tpu.vector_store %arg12[%swap3A], %broadcast_in_dim3A_48 {strides = array<i32>} : memref<640xf32, #tpu.memory_space<vmem>>, vector<16xf32>,
    }
    %scan3A_8 = arith.constant 40 : i32
    %mul3A = arith.constant 625 : i32
    %mul3A_9 = arith.muli %arg1, %mul3A : i32
    %add3A = arith.constant 0 : i32
    %add3A_10 = arith.addi %mul3A_9, %add3A : i32
    "tpu.region"() ({
      %run_scoped3A = tpu.sem_alloc : memref<!tpu.dma_semaphore, #tpu.memory_space<semaphore_mem>>
      %dma_start3A = arith.constant 0 : i32
      %dma_start3A_47 = tpu.memref_slice %arg10[%add3A_10, %dma_start3A] : memref<10000x128xf32, #tpu.memory_space<vmem_shared>> -> memref<128x128xf32, #tpu.memory_space<vmem_shared>>
      %dma_start3A_48 = arith.constant 0 : i32
      %dma_start3A_49 = tpu.memref_slice %arg10[%add3A_10, %dma_start3A_48] : memref<10000x128xf32, #tpu.memory_space<vmem_shared>> -> memref<128x128xf32, #tpu.memory_space<vmem_shared>>
      tpu.enqueue_dma source(%arg17 : memref<128x128xf32, #tpu.memory_space<vmem>>) target(%dma_start3A_49 : memref<128x128xf32, #tpu.memory_space<vmem_shared>>) target_semaphore(%run_scoped3A : memref<!tpu.dma_semaphore, #tpu.memory_space<semaphore_mem>>)
      %dma_wait3A = arith.constant 0 : i32
      %dma_wait3A_50 = tpu.memref_slice %arg10[%add3A_10, %dma_wait3A] : memref<10000x128xf32, #tpu.memory_space<vmem_shared>> -> memref<128x128xf32, #tpu.memory_space<vmem_shared>>
      %dma_wait3A_51 = arith.constant 0 : i32
      %dma_wait3A_52 = tpu.memref_slice %arg10[%add3A_10, %dma_wait3A_51] : memref<10000x128xf32, #tpu.memory_space<vmem_shared>> -> memref<128x128xf32, #tpu.memory_space<vmem_shared>>
      tpu.wait_dma2 semaphore(%run_scoped3A : memref<!tpu.dma_semaphore, #tpu.memory_space<semaphore_mem>>) src(%arg17 : memref<128x128xf32, #tpu.memory_space<vmem>>) dst(%dma_wait3A_52 : memref<128x128xf32, #tpu.memory_space<vmem_shared>>)
      tpu.yield
    }) : () -> ()
    %mul3A_11 = arith.constant 625 : i32
    %mul3A_12 = arith.muli %arg1, %mul3A_11 : i32
    %add3A_13 = arith.constant 128 : i32
    %add3A_14 = arith.addi %mul3A_12, %add3A_13 : i32
    "tpu.region"() ({
      %run_scoped3A = tpu.sem_alloc : memref<!tpu.dma_semaphore, #tpu.memory_space<semaphore_mem>>
      %dma_start3A = arith.constant 0 : i32
      %dma_start3A_47 = tpu.memref_slice %arg10[%add3A_14, %dma_start3A] : memref<10000x128xf32, #tpu.memory_space<vmem_shared>> -> memref<128x128xf32, #tpu.memory_space<vmem_shared>>
      %dma_start3A_48 = arith.constant 0 : i32
      %dma_start3A_49 = tpu.memref_slice %arg10[%add3A_14, %dma_start3A_48] : memref<10000x128xf32, #tpu.memory_space<vmem_shared>> -> memref<128x128xf32, #tpu.memory_space<vmem_shared>>
      tpu.enqueue_dma source(%arg17 : memref<128x128xf32, #tpu.memory_space<vmem>>) target(%dma_start3A_49 : memref<128x128xf32, #tpu.memory_space<vmem_shared>>) target_semaphore(%run_scoped3A : memref<!tpu.dma_semaphore, #tpu.memory_space<semaphore_mem>>)
      %dma_wait3A = arith.constant 0 : i32
      %dma_wait3A_50 = tpu.memref_slice %arg10[%add3A_14, %dma_wait3A] : memref<10000x128xf32, #tpu.memory_space<vmem_shared>> -> memref<128x128xf32, #tpu.memory_space<vmem_shared>>
      %dma_wait3A_51 = arith.constant 0 : i32
      %dma_wait3A_52 = tpu.memref_slice %arg10[%add3A_14, %dma_wait3A_51] : memref<10000x128xf32, #tpu.memory_space<vmem_shared>> -> memref<128x128xf32, #tpu.memory_space<vmem_shared>>
      tpu.wait_dma2 semaphore(%run_scoped3A : memref<!tpu.dma_semaphore, #tpu.memory_space<semaphore_mem>>) src(%arg17 : memref<128x128xf32, #tpu.memory_space<vmem>>) dst(%dma_wait3A_52 : memref<128x128xf32, #tpu.memory_space<vmem_shared>>)
      tpu.yield
    }) : () -> ()
    %mul3A_15 = arith.constant 625 : i32
    %mul3A_16 = arith.muli %arg1, %mul3A_15 : i32
    %add3A_17 = arith.constant 256 : i32
    %add3A_18 = arith.addi %mul3A_16, %add3A_17 : i32
    "tpu.region"() ({
      %run_scoped3A = tpu.sem_alloc : memref<!tpu.dma_semaphore, #tpu.memory_space<semaphore_mem>>
      %dma_start3A = arith.constant 0 : i32
      %dma_start3A_47 = tpu.memref_slice %arg10[%add3A_18, %dma_start3A] : memref<10000x128xf32, #tpu.memory_space<vmem_shared>> -> memref<128x128xf32, #tpu.memory_space<vmem_shared>>
      %dma_start3A_48 = arith.constant 0 : i32
      %dma_start3A_49 = tpu.memref_slice %arg10[%add3A_18, %dma_start3A_48] : memref<10000x128xf32, #tpu.memory_space<vmem_shared>> -> memref<128x128xf32, #tpu.memory_space<vmem_shared>>
      tpu.enqueue_dma source(%arg17 : memref<128x128xf32, #tpu.memory_space<vmem>>) target(%dma_start3A_49 : memref<128x128xf32, #tpu.memory_space<vmem_shared>>) target_semaphore(%run_scoped3A : memref<!tpu.dma_semaphore, #tpu.memory_space<semaphore_mem>>)
      %dma_wait3A = arith.constant 0 : i32
      %dma_wait3A_50 = tpu.memref_slice %arg10[%add3A_18, %dma_wait3A] : memref<10000x128xf32, #tpu.memory_space<vmem_shared>> -> memref<128x128xf32, #tpu.memory_space<vmem_shared>>
      %dma_wait3A_51 = arith.constant 0 : i32
      %dma_wait3A_52 = tpu.memref_slice %arg10[%add3A_18, %dma_wait3A_51] : memref<10000x128xf32, #tpu.memory_space<vmem_shared>> -> memref<128x128xf32, #tpu.memory_space<vmem_shared>>
      tpu.wait_dma2 semaphore(%run_scoped3A : memref<!tpu.dma_semaphore, #tpu.memory_space<semaphore_mem>>) src(%arg17 : memref<128x128xf32, #tpu.memory_space<vmem>>) dst(%dma_wait3A_52 : memref<128x128xf32, #tpu.memory_space<vmem_shared>>)
      tpu.yield
    }) : () -> ()
    %mul3A_19 = arith.constant 625 : i32
    %mul3A_20 = arith.muli %arg1, %mul3A_19 : i32
    %add3A_21 = arith.constant 384 : i32
    %add3A_22 = arith.addi %mul3A_20, %add3A_21 : i32
    "tpu.region"() ({
      %run_scoped3A = tpu.sem_alloc : memref<!tpu.dma_semaphore, #tpu.memory_space<semaphore_mem>>
      %dma_start3A = arith.constant 0 : i32
      %dma_start3A_47 = tpu.memref_slice %arg10[%add3A_22, %dma_start3A] : memref<10000x128xf32, #tpu.memory_space<vmem_shared>> -> memref<128x128xf32, #tpu.memory_space<vmem_shared>>
      %dma_start3A_48 = arith.constant 0 : i32
      %dma_start3A_49 = tpu.memref_slice %arg10[%add3A_22, %dma_start3A_48] : memref<10000x128xf32, #tpu.memory_space<vmem_shared>> -> memref<128x128xf32, #tpu.memory_space<vmem_shared>>
      tpu.enqueue_dma source(%arg17 : memref<128x128xf32, #tpu.memory_space<vmem>>) target(%dma_start3A_49 : memref<128x128xf32, #tpu.memory_space<vmem_shared>>) target_semaphore(%run_scoped3A : memref<!tpu.dma_semaphore, #tpu.memory_space<semaphore_mem>>)
      %dma_wait3A = arith.constant 0 : i32
      %dma_wait3A_50 = tpu.memref_slice %arg10[%add3A_22, %dma_wait3A] : memref<10000x128xf32, #tpu.memory_space<vmem_shared>> -> memref<128x128xf32, #tpu.memory_space<vmem_shared>>
      %dma_wait3A_51 = arith.constant 0 : i32
      %dma_wait3A_52 = tpu.memref_slice %arg10[%add3A_22, %dma_wait3A_51] : memref<10000x128xf32, #tpu.memory_space<vmem_shared>> -> memref<128x128xf32, #tpu.memory_space<vmem_shared>>
      tpu.wait_dma2 semaphore(%run_scoped3A : memref<!tpu.dma_semaphore, #tpu.memory_space<semaphore_mem>>) src(%arg17 : memref<128x128xf32, #tpu.memory_space<vmem>>) dst(%dma_wait3A_52 : memref<128x128xf32, #tpu.memory_space<vmem_shared>>)
      tpu.yield
    }) : () -> ()
    %mul3A_23 = arith.constant 625 : i32
    %mul3A_24 = arith.muli %arg1, %mul3A_23 : i32
    %add3A_25 = arith.constant 512 : i32
    %add3A_26 = arith.addi %mul3A_24, %add3A_25 : i32
    "tpu.region"() ({
      %run_scoped3A = tpu.sem_alloc : memref<!tpu.dma_semaphore, #tpu.memory_space<semaphore_mem>>
      %dma_start3A = arith.constant 0 : i32
      %dma_start3A_47 = arith.constant 0 : i32
      %dma_start3A_48 = tpu.memref_slice %arg17[%dma_start3A, %dma_start3A_47] : memref<128x128xf32, #tpu.memory_space<vmem>> -> memref<113x128xf32, #tpu.memory_space<vmem>>
      %dma_start3A_49 = arith.constant 0 : i32
      %dma_start3A_50 = tpu.memref_slice %arg10[%add3A_26, %dma_start3A_49] : memref<10000x128xf32, #tpu.memory_space<vmem_shared>> -> memref<113x128xf32, #tpu.memory_space<vmem_shared>>
      %dma_start3A_51 = arith.constant 0 : i32
      %dma_start3A_52 = tpu.memref_slice %arg10[%add3A_26, %dma_start3A_51] : memref<10000x128xf32, #tpu.memory_space<vmem_shared>> -> memref<113x128xf32, #tpu.memory_space<vmem_shared>>
      %dma_start3A_53 = arith.constant 0 : i32
      %dma_start3A_54 = arith.constant 0 : i32
      %dma_start3A_55 = tpu.memref_slice %arg17[%dma_start3A_53, %dma_start3A_54] : memref<128x128xf32, #tpu.memory_space<vmem>> -> memref<113x128xf32, #tpu.memory_space<vmem>>
      tpu.enqueue_dma source(%dma_start3A_55 : memref<113x128xf32, #tpu.memory_space<vmem>>) target(%dma_start3A_52 : memref<113x128xf32, #tpu.memory_space<vmem_shared>>) target_semaphore(%run_scoped3A : memref<!tpu.dma_semaphore, #tpu.memory_space<semaphore_mem>>)
      %dma_wait3A = arith.constant 0 : i32
      %dma_wait3A_56 = arith.constant 0 : i32
      %dma_wait3A_57 = tpu.memref_slice %arg17[%dma_wait3A, %dma_wait3A_56] : memref<128x128xf32, #tpu.memory_space<vmem>> -> memref<113x128xf32, #tpu.memory_space<vmem>>
      %dma_wait3A_58 = arith.constant 0 : i32
      %dma_wait3A_59 = tpu.memref_slice %arg10[%add3A_26, %dma_wait3A_58] : memref<10000x128xf32, #tpu.memory_space<vmem_shared>> -> memref<113x128xf32, #tpu.memory_space<vmem_shared>>
      %dma_wait3A_60 = arith.constant 0 : i32
      %dma_wait3A_61 = tpu.memref_slice %arg10[%add3A_26, %dma_wait3A_60] : memref<10000x128xf32, #tpu.memory_space<vmem_shared>> -> memref<113x128xf32, #tpu.memory_space<vmem_shared>>
      %dma_wait3A_62 = arith.constant 0 : i32
      %dma_wait3A_63 = arith.constant 0 : i32
      %dma_wait3A_64 = tpu.memref_slice %arg17[%dma_wait3A_62, %dma_wait3A_63] : memref<128x128xf32, #tpu.memory_space<vmem>> -> memref<113x128xf32, #tpu.memory_space<vmem>>
      tpu.wait_dma2 semaphore(%run_scoped3A : memref<!tpu.dma_semaphore, #tpu.memory_space<semaphore_mem>>) src(%dma_wait3A_64 : memref<113x128xf32, #tpu.memory_space<vmem>>) dst(%dma_wait3A_61 : memref<113x128xf32, #tpu.memory_space<vmem_shared>>)
      tpu.yield
    }) : () -> ()
    %mul3A_27 = arith.constant 640 : i32
    %mul3A_28 = arith.muli %arg1, %mul3A_27 : i32
    "tpu.region"() ({
      %run_scoped3A = tpu.sem_alloc : memref<!tpu.dma_semaphore, #tpu.memory_space<semaphore_mem>>
      %dma_start3A = tpu.memref_slice %arg11[%mul3A_28] : memref<10240xf32, #tpu.memory_space<vmem_shared>> -> memref<640xf32, #tpu.memory_space<vmem_shared>>
      %dma_start3A_47 = tpu.memref_slice %arg11[%mul3A_28] : memref<10240xf32, #tpu.memory_space<vmem_shared>> -> memref<640xf32, #tpu.memory_space<vmem_shared>>
      tpu.enqueue_dma source(%arg12 : memref<640xf32, #tpu.memory_space<vmem>>) target(%dma_start3A_47 : memref<640xf32, #tpu.memory_space<vmem_shared>>) target_semaphore(%run_scoped3A : memref<!tpu.dma_semaphore, #tpu.memory_space<semaphore_mem>>)
      %dma_wait3A = tpu.memref_slice %arg11[%mul3A_28] : memref<10240xf32, #tpu.memory_space<vmem_shared>> -> memref<640xf32, #tpu.memory_space<vmem_shared>>
      %dma_wait3A_48 = tpu.memref_slice %arg11[%mul3A_28] : memref<10240xf32, #tpu.memory_space<vmem_shared>> -> memref<640xf32, #tpu.memory_space<vmem_shared>>
      tpu.wait_dma2 semaphore(%run_scoped3A : memref<!tpu.dma_semaphore, #tpu.memory_space<semaphore_mem>>) src(%arg12 : memref<640xf32, #tpu.memory_space<vmem>>) dst(%dma_wait3A_48 : memref<640xf32, #tpu.memory_space<vmem_shared>>)
      tpu.yield
    }) : () -> ()
    %barrier3A = arith.constant 0 : index
    tpu.barrier barrier_id(%barrier3A)
    %scan3A_29 = arith.constant 0 : i32
    %scan3A_30 = arith.constant 10 : i32
    %scan3A_31 = arith.addi %scan3A_29, %scan3A_30 : i32
    %scan3A_32 = arith.constant 1 : i32
    scf.for %scan3A_47 = %scan3A_29 to %scan3A_31 step %scan3A_32  : i32 {
      %mul3A_48 = arith.constant 80 : i32
      %mul3A_49 = arith.muli %arg1, %mul3A_48 : i32
      %mul3A_50 = arith.constant 8 : i32
      %mul3A_51 = arith.muli %scan3A_47, %mul3A_50 : i32
      %add3A_52 = arith.addi %mul3A_49, %mul3A_51 : i32
      %mul3A_53 = arith.constant 128 : i32
      %mul3A_54 = arith.muli %add3A_52, %mul3A_53 : i32
      "tpu.region"() ({
        %run_scoped3A_235 = tpu.sem_alloc : memref<!tpu.dma_semaphore, #tpu.memory_space<semaphore_mem>>
        %dma_start3A_236 = arith.constant 0 : i32
        %dma_start3A_237 = tpu.memref_slice %arg3[%add3A_52, %dma_start3A_236] : memref<1280x128xi32, #tpu.memory_space<hbm>> -> memref<8x128xi32, #tpu.memory_space<hbm>>
        %dma_start3A_238 = arith.constant 0 : i32
        %dma_start3A_239 = tpu.memref_slice %arg3[%add3A_52, %dma_start3A_238] : memref<1280x128xi32, #tpu.memory_space<hbm>> -> memref<8x128xi32, #tpu.memory_space<hbm>>
        tpu.enqueue_dma source(%dma_start3A_239 : memref<8x128xi32, #tpu.memory_space<hbm>>) target(%arg13 : memref<8x128xi32, #tpu.memory_space<vmem>>) target_semaphore(%run_scoped3A_235 : memref<!tpu.dma_semaphore, #tpu.memory_space<semaphore_mem>>)
        %dma_wait3A_240 = arith.constant 0 : i32
        %dma_wait3A_241 = tpu.memref_slice %arg3[%add3A_52, %dma_wait3A_240] : memref<1280x128xi32, #tpu.memory_space<hbm>> -> memref<8x128xi32, #tpu.memory_space<hbm>>
        %dma_wait3A_242 = arith.constant 0 : i32
        %dma_wait3A_243 = tpu.memref_slice %arg3[%add3A_52, %dma_wait3A_242] : memref<1280x128xi32, #tpu.memory_space<hbm>> -> memref<8x128xi32, #tpu.memory_space<hbm>>
        tpu.wait_dma2 semaphore(%run_scoped3A_235 : memref<!tpu.dma_semaphore, #tpu.memory_space<semaphore_mem>>) src(%dma_wait3A_243 : memref<8x128xi32, #tpu.memory_space<hbm>>) dst(%arg13 : memref<8x128xi32, #tpu.memory_space<vmem>>)
        tpu.yield
      }) : () -> ()
      "tpu.region"() ({
        %run_scoped3A_235 = tpu.sem_alloc : memref<!tpu.dma_semaphore, #tpu.memory_space<semaphore_mem>>
        %dma_start3A_236 = arith.constant 0 : i32
        %dma_start3A_237 = tpu.memref_slice %arg4[%add3A_52, %dma_start3A_236] : memref<1280x128xi32, #tpu.memory_space<hbm>> -> memref<8x128xi32, #tpu.memory_space<hbm>>
        %dma_start3A_238 = arith.constant 0 : i32
        %dma_start3A_239 = tpu.memref_slice %arg4[%add3A_52, %dma_start3A_238] : memref<1280x128xi32, #tpu.memory_space<hbm>> -> memref<8x128xi32, #tpu.memory_space<hbm>>
        tpu.enqueue_dma source(%dma_start3A_239 : memref<8x128xi32, #tpu.memory_space<hbm>>) target(%arg14 : memref<8x128xi32, #tpu.memory_space<vmem>>) target_semaphore(%run_scoped3A_235 : memref<!tpu.dma_semaphore, #tpu.memory_space<semaphore_mem>>)
        %dma_wait3A_240 = arith.constant 0 : i32
        %dma_wait3A_241 = tpu.memref_slice %arg4[%add3A_52, %dma_wait3A_240] : memref<1280x128xi32, #tpu.memory_space<hbm>> -> memref<8x128xi32, #tpu.memory_space<hbm>>
        %dma_wait3A_242 = arith.constant 0 : i32
        %dma_wait3A_243 = tpu.memref_slice %arg4[%add3A_52, %dma_wait3A_242] : memref<1280x128xi32, #tpu.memory_space<hbm>> -> memref<8x128xi32, #tpu.memory_space<hbm>>
        tpu.wait_dma2 semaphore(%run_scoped3A_235 : memref<!tpu.dma_semaphore, #tpu.memory_space<semaphore_mem>>) src(%dma_wait3A_243 : memref<8x128xi32, #tpu.memory_space<hbm>>) dst(%arg14 : memref<8x128xi32, #tpu.memory_space<vmem>>)
        tpu.yield
      }) : () -> ()
      %eq3A_55 = arith.constant 0 : i32
      %eq3A_56 = arith.cmpi eq, %arg0, %eq3A_55 : i32
      %convert_element_type3A_57 = arith.extui %eq3A_56 : i1 to i32
      %cond3A_58 = arith.constant 0 : i32
      %cond3A_59 = arith.cmpi ne, %convert_element_type3A_57, %cond3A_58 : i32
      scf.if %cond3A_59 {
        "tpu.region"() ({
          %run_scoped3A_235 = tpu.sem_alloc : memref<!tpu.dma_semaphore, #tpu.memory_space<semaphore_mem>>
          %dma_start3A_236 = tpu.memref_slice %arg5[%mul3A_54] : memref<163840xf32, #tpu.memory_space<hbm>> -> memref<1024xf32, #tpu.memory_space<hbm>>
          %dma_start3A_237 = tpu.memref_slice %arg5[%mul3A_54] : memref<163840xf32, #tpu.memory_space<hbm>> -> memref<1024xf32, #tpu.memory_space<hbm>>
          tpu.enqueue_dma source(%dma_start3A_237 : memref<1024xf32, #tpu.memory_space<hbm>>) target(%arg16 : memref<1024xf32, #tpu.memory_space<vmem>>) target_semaphore(%run_scoped3A_235 : memref<!tpu.dma_semaphore, #tpu.memory_space<semaphore_mem>>)
          %dma_wait3A_238 = tpu.memref_slice %arg5[%mul3A_54] : memref<163840xf32, #tpu.memory_space<hbm>> -> memref<1024xf32, #tpu.memory_space<hbm>>
          %dma_wait3A_239 = tpu.memref_slice %arg5[%mul3A_54] : memref<163840xf32, #tpu.memory_space<hbm>> -> memref<1024xf32, #tpu.memory_space<hbm>>
          tpu.wait_dma2 semaphore(%run_scoped3A_235 : memref<!tpu.dma_semaphore, #tpu.memory_space<semaphore_mem>>) src(%dma_wait3A_239 : memref<1024xf32, #tpu.memory_space<hbm>>) dst(%arg16 : memref<1024xf32, #tpu.memory_space<vmem>>)
          tpu.yield
        }) : () -> ()
      } else {
      }
      %eq3A_60 = arith.constant 1 : i32
      %eq3A_61 = arith.cmpi eq, %arg0, %eq3A_60 : i32
      %convert_element_type3A_62 = arith.extui %eq3A_61 : i1 to i32
      %cond3A_63 = arith.constant 0 : i32
      %cond3A_64 = arith.cmpi ne, %convert_element_type3A_62, %cond3A_63 : i32
      scf.if %cond3A_64 {
        "tpu.region"() ({
          %run_scoped3A_235 = tpu.sem_alloc : memref<!tpu.dma_semaphore, #tpu.memory_space<semaphore_mem>>
          %dma_start3A_236 = tpu.memref_slice %arg6[%mul3A_54] : memref<163840xf32, #tpu.memory_space<hbm>> -> memref<1024xf32, #tpu.memory_space<hbm>>
          %dma_start3A_237 = tpu.memref_slice %arg6[%mul3A_54] : memref<163840xf32, #tpu.memory_space<hbm>> -> memref<1024xf32, #tpu.memory_space<hbm>>
          tpu.enqueue_dma source(%dma_start3A_237 : memref<1024xf32, #tpu.memory_space<hbm>>) target(%arg16 : memref<1024xf32, #tpu.memory_space<vmem>>) target_semaphore(%run_scoped3A_235 : memref<!tpu.dma_semaphore, #tpu.memory_space<semaphore_mem>>)
          %dma_wait3A_238 = tpu.memref_slice %arg6[%mul3A_54] : memref<163840xf32, #tpu.memory_space<hbm>> -> memref<1024xf32, #tpu.memory_space<hbm>>
          %dma_wait3A_239 = tpu.memref_slice %arg6[%mul3A_54] : memref<163840xf32, #tpu.memory_space<hbm>> -> memref<1024xf32, #tpu.memory_space<hbm>>
          tpu.wait_dma2 semaphore(%run_scoped3A_235 : memref<!tpu.dma_semaphore, #tpu.memory_space<semaphore_mem>>) src(%dma_wait3A_239 : memref<1024xf32, #tpu.memory_space<hbm>>) dst(%arg16 : memref<1024xf32, #tpu.memory_space<vmem>>)
          tpu.yield
        }) : () -> ()
      } else {
      }
      %scan3A_65 = arith.constant 0 : i32
      %scan3A_66 = arith.constant 64 : i32
      %scan3A_67 = arith.addi %scan3A_65, %scan3A_66 : i32
      %scan3A_68 = arith.constant 1 : i32
      scf.for %scan3A_235 = %scan3A_65 to %scan3A_67 step %scan3A_68  : i32 {
        %jit3A = arith.constant 8 : i32
        %eq3A_236 = arith.constant 0 : i32
        %eq3A_237 = arith.cmpi eq, %jit3A, %eq3A_236 : i32
        %jit3A_238 = arith.constant 1 : i32
        %select_n3A = arith.select %eq3A_237, %jit3A_238, %jit3A : i32
        %rem3A = arith.remsi %scan3A_235, %select_n3A : i32
        %ne3A = arith.constant 0 : i32
        %ne3A_239 = arith.cmpi ne, %rem3A, %ne3A : i32
        %lt3A = arith.constant 0 : i32
        %lt3A_240 = arith.cmpi slt, %rem3A, %lt3A : i32
        %lt3A_241 = arith.constant 0 : i32
        %lt3A_242 = arith.cmpi slt, %select_n3A, %lt3A_241 : i32
        %ne3A_243 = arith.xori %lt3A_240, %lt3A_242 : i1
        %and3A_244 = arith.andi %ne3A_243, %ne3A_239 : i1
        %add3A_245 = arith.addi %rem3A, %select_n3A : i32
        %select_n3A_246 = arith.select %and3A_244, %add3A_245, %rem3A : i32
        %mul3A_247 = arith.constant 16 : i32
        %mul3A_248 = arith.muli %select_n3A_246, %mul3A_247 : i32
        %jit3A_249 = arith.constant 8 : i32
        %div3A = arith.divsi %scan3A_235, %jit3A_249 : i32
        %sign3A = arith.constant 0 : i32
        %sign3A_250 = arith.cmpi sgt, %scan3A_235, %sign3A : i32
        %sign3A_251 = arith.extui %sign3A_250 : i1 to i32
        %sign3A_252 = arith.constant 0 : i32
        %sign3A_253 = arith.cmpi slt, %scan3A_235, %sign3A_252 : i32
        %sign3A_254 = arith.extui %sign3A_253 : i1 to i32
        %sign3A_255 = arith.subi %sign3A_251, %sign3A_254 : i32
        %sign3A_256 = arith.constant 0 : i32
        %sign3A_257 = arith.cmpi sgt, %jit3A_249, %sign3A_256 : i32
        %sign3A_258 = arith.extui %sign3A_257 : i1 to i32
        %sign3A_259 = arith.constant 0 : i32
        %sign3A_260 = arith.cmpi slt, %jit3A_249, %sign3A_259 : i32
        %sign3A_261 = arith.extui %sign3A_260 : i1 to i32
        %sign3A_262 = arith.subi %sign3A_258, %sign3A_261 : i32
        %ne3A_263 = arith.cmpi ne, %sign3A_255, %sign3A_262 : i32
        %rem3A_264 = arith.remsi %scan3A_235, %jit3A_249 : i32
        %ne3A_265 = arith.constant 0 : i32
        %ne3A_266 = arith.cmpi ne, %rem3A_264, %ne3A_265 : i32
        %and3A_267 = arith.andi %ne3A_263, %ne3A_266 : i1
        %sub3A = arith.constant 1 : i32
        %sub3A_268 = arith.subi %div3A, %sub3A : i32
        %select_n3A_269 = arith.select %and3A_267, %sub3A_268, %div3A : i32
        %get3A = arith.index_cast %select_n3A_269 : i32 to index
        %get3A_270 = arith.index_cast %mul3A_248 : i32 to index
        %get3A_271 = tpu.vector_load %arg14[%get3A, %get3A_270] {strides = array<i32>} : memref<8x128xi32, #tpu.memory_space<vmem>>, vector<16xi32>,
        %mul3A_272 = arith.constant 10000 : i32
        %mul3A_273 = arith.muli %arg0, %mul3A_272 : i32
        %add3A_274 = vector.broadcast %mul3A_273 : i32 to vector<16xi32>
        %add3A_275 = arith.addi %get3A_271, %add3A_274 : vector<16xi32>
        %jit3A_276 = arith.constant 8 : i32
        %div3A_277 = arith.divsi %scan3A_235, %jit3A_276 : i32
        %sign3A_278 = arith.constant 0 : i32
        %sign3A_279 = arith.cmpi sgt, %scan3A_235, %sign3A_278 : i32
        %sign3A_280 = arith.extui %sign3A_279 : i1 to i32
        %sign3A_281 = arith.constant 0 : i32
        %sign3A_282 = arith.cmpi slt, %scan3A_235, %sign3A_281 : i32
        %sign3A_283 = arith.extui %sign3A_282 : i1 to i32
        %sign3A_284 = arith.subi %sign3A_280, %sign3A_283 : i32
        %sign3A_285 = arith.constant 0 : i32
        %sign3A_286 = arith.cmpi sgt, %jit3A_276, %sign3A_285 : i32
        %sign3A_287 = arith.extui %sign3A_286 : i1 to i32
        %sign3A_288 = arith.constant 0 : i32
        %sign3A_289 = arith.cmpi slt, %jit3A_276, %sign3A_288 : i32
        %sign3A_290 = arith.extui %sign3A_289 : i1 to i32
        %sign3A_291 = arith.subi %sign3A_287, %sign3A_290 : i32
        %ne3A_292 = arith.cmpi ne, %sign3A_284, %sign3A_291 : i32
        %rem3A_293 = arith.remsi %scan3A_235, %jit3A_276 : i32
        %ne3A_294 = arith.constant 0 : i32
        %ne3A_295 = arith.cmpi ne, %rem3A_293, %ne3A_294 : i32
        %and3A_296 = arith.andi %ne3A_292, %ne3A_295 : i1
        %sub3A_297 = arith.constant 1 : i32
        %sub3A_298 = arith.subi %div3A_277, %sub3A_297 : i32
        %select_n3A_299 = arith.select %and3A_296, %sub3A_298, %div3A_277 : i32
        %swap3A = arith.index_cast %select_n3A_299 : i32 to index
        %swap3A_300 = arith.index_cast %mul3A_248 : i32 to index
        %swap3A_301 = tpu.vector_load %arg15[%swap3A, %swap3A_300] {strides = array<i32>} : memref<8x128xi32, #tpu.memory_space<vmem>>, vector<16xi32>,
        tpu.vector_store %arg15[%swap3A, %swap3A_300], %add3A_275 {strides = array<i32>} : memref<8x128xi32, #tpu.memory_space<vmem>>, vector<16xi32>,
      }
      %scan3A_69 = arith.constant 64 : i32
      %dma_start3A = arith.constant 0 : i32
      %dma_start3A_70 = arith.constant 0 : i32
      %dma_start3A_71 = tpu.memref_slice %arg15[%dma_start3A, %dma_start3A_70] : memref<8x128xi32, #tpu.memory_space<vmem>> -> memref<1x128xi32, #tpu.memory_space<vmem>>
      %dma_start3A_72 = tpu.memref_squeeze %dma_start3A_71 : memref<1x128xi32, #tpu.memory_space<vmem>> -> memref<128xi32, #tpu.memory_space<vmem>>
      %dma_start3A_73 = arith.constant 0 : i32
      %dma_start3A_74 = arith.constant 0 : i32
      %dma_start3A_75 = tpu.memref_slice %arg2[%dma_start3A_73, %dma_start3A_74] : memref<20000x128xf32, #tpu.memory_space<hbm>> -> memref<20000x128xf32, #tpu.memory_space<hbm>>
      tpu.enqueue_indirect_dma source(%dma_start3A_75 : memref<20000x128xf32, #tpu.memory_space<hbm>>) target(%arg17 : memref<128x128xf32, #tpu.memory_space<vmem>>) offsets(%dma_start3A_72 : memref<128xi32, #tpu.memory_space<vmem>>) semaphore(%arg19 : memref<!tpu.dma_semaphore, #tpu.memory_space<semaphore_mem>>)
      %dma_start3A_76 = arith.constant 1 : i32
      %dma_start3A_77 = arith.constant 0 : i32
      %dma_start3A_78 = tpu.memref_slice %arg15[%dma_start3A_76, %dma_start3A_77] : memref<8x128xi32, #tpu.memory_space<vmem>> -> memref<1x128xi32, #tpu.memory_space<vmem>>
      %dma_start3A_79 = tpu.memref_squeeze %dma_start3A_78 : memref<1x128xi32, #tpu.memory_space<vmem>> -> memref<128xi32, #tpu.memory_space<vmem>>
      %dma_start3A_80 = arith.constant 0 : i32
      %dma_start3A_81 = arith.constant 0 : i32
      %dma_start3A_82 = tpu.memref_slice %arg2[%dma_start3A_80, %dma_start3A_81] : memref<20000x128xf32, #tpu.memory_space<hbm>> -> memref<20000x128xf32, #tpu.memory_space<hbm>>
      tpu.enqueue_indirect_dma source(%dma_start3A_82 : memref<20000x128xf32, #tpu.memory_space<hbm>>) target(%arg18 : memref<128x128xf32, #tpu.memory_space<vmem>>) offsets(%dma_start3A_79 : memref<128xi32, #tpu.memory_space<vmem>>) semaphore(%arg20 : memref<!tpu.dma_semaphore, #tpu.memory_space<semaphore_mem>>)
      %dma_wait3A = arith.constant 0 : i32
      %dma_wait3A_83 = arith.constant 0 : i32
      %dma_wait3A_84 = tpu.memref_slice %arg15[%dma_wait3A, %dma_wait3A_83] : memref<8x128xi32, #tpu.memory_space<vmem>> -> memref<1x128xi32, #tpu.memory_space<vmem>>
      %dma_wait3A_85 = tpu.memref_squeeze %dma_wait3A_84 : memref<1x128xi32, #tpu.memory_space<vmem>> -> memref<128xi32, #tpu.memory_space<vmem>>
      %dma_wait3A_86 = arith.constant 0 : i32
      %dma_wait3A_87 = arith.constant 0 : i32
      %dma_wait3A_88 = tpu.memref_slice %arg2[%dma_wait3A_86, %dma_wait3A_87] : memref<20000x128xf32, #tpu.memory_space<hbm>> -> memref<20000x128xf32, #tpu.memory_space<hbm>>
      tpu.wait_indirect_dma semaphore(%arg19 : memref<!tpu.dma_semaphore, #tpu.memory_space<semaphore_mem>>) src(%dma_wait3A_88 : memref<20000x128xf32, #tpu.memory_space<hbm>>) dst(%arg17 : memref<128x128xf32, #tpu.memory_space<vmem>>)
      %scan3A_89 = arith.constant 0 : i32
      %scan3A_90 = arith.constant 32 : i32
      %scan3A_91 = arith.addi %scan3A_89, %scan3A_90 : i32
      %scan3A_92 = arith.constant 1 : i32
      scf.for %scan3A_235 = %scan3A_89 to %scan3A_91 step %scan3A_92  : i32 {
        %mul3A_236 = arith.constant 4 : i32
        %mul3A_237 = arith.muli %scan3A_235, %mul3A_236 : i32
        %broadcast_in_dim3A = arith.constant 0 : i32
        %broadcast_in_dim3A_238 = vector.broadcast %broadcast_in_dim3A : i32 to vector<16xi32>
        %add3A_239 = arith.constant 0 : i32
        %add3A_240 = vector.broadcast %add3A_239 : i32 to vector<16xi32>
        %add3A_241 = arith.addi %broadcast_in_dim3A_238, %add3A_240 : vector<16xi32>
        %add3A_242 = vector.broadcast %mul3A_237 : i32 to vector<16xi32>
        %add3A_243 = arith.addi %add3A_241, %add3A_242 : vector<16xi32>
        %add3A_244 = arith.constant 0 : i32
        %add3A_245 = vector.broadcast %add3A_244 : i32 to vector<16xi32>
        %add3A_246 = arith.addi %add3A_243, %add3A_245 : vector<16xi32>
        %gather3A = tpu.vector_load_idx %arg16[%add3A_246] : memref<1024xf32, #tpu.memory_space<vmem>>[vector<16xi32>], vector<16xf32>,
        %add3A_247 = arith.constant 0 : i32
        %add3A_248 = vector.broadcast %add3A_247 : i32 to vector<16xi32>
        %add3A_249 = arith.addi %broadcast_in_dim3A_238, %add3A_248 : vector<16xi32>
        %add3A_250 = vector.broadcast %mul3A_237 : i32 to vector<16xi32>
        %add3A_251 = arith.addi %add3A_249, %add3A_250 : vector<16xi32>
        %add3A_252 = arith.constant 1 : i32
        %add3A_253 = vector.broadcast %add3A_252 : i32 to vector<16xi32>
        %add3A_254 = arith.addi %add3A_251, %add3A_253 : vector<16xi32>
        %gather3A_255 = tpu.vector_load_idx %arg16[%add3A_254] : memref<1024xf32, #tpu.memory_space<vmem>>[vector<16xi32>], vector<16xf32>,
        %add3A_256 = arith.constant 0 : i32
        %add3A_257 = vector.broadcast %add3A_256 : i32 to vector<16xi32>
        %add3A_258 = arith.addi %broadcast_in_dim3A_238, %add3A_257 : vector<16xi32>
        %add3A_259 = vector.broadcast %mul3A_237 : i32 to vector<16xi32>
        %add3A_260 = arith.addi %add3A_258, %add3A_259 : vector<16xi32>
        %add3A_261 = arith.constant 2 : i32
        %add3A_262 = vector.broadcast %add3A_261 : i32 to vector<16xi32>
        %add3A_263 = arith.addi %add3A_260, %add3A_262 : vector<16xi32>
        %gather3A_264 = tpu.vector_load_idx %arg16[%add3A_263] : memref<1024xf32, #tpu.memory_space<vmem>>[vector<16xi32>], vector<16xf32>,
        %add3A_265 = arith.constant 0 : i32
        %add3A_266 = vector.broadcast %add3A_265 : i32 to vector<16xi32>
        %add3A_267 = arith.addi %broadcast_in_dim3A_238, %add3A_266 : vector<16xi32>
        %add3A_268 = vector.broadcast %mul3A_237 : i32 to vector<16xi32>
        %add3A_269 = arith.addi %add3A_267, %add3A_268 : vector<16xi32>
        %add3A_270 = arith.constant 3 : i32
        %add3A_271 = vector.broadcast %add3A_270 : i32 to vector<16xi32>
        %add3A_272 = arith.addi %add3A_269, %add3A_271 : vector<16xi32>
        %gather3A_273 = tpu.vector_load_idx %arg16[%add3A_272] : memref<1024xf32, #tpu.memory_space<vmem>>[vector<16xi32>], vector<16xf32>,
        %add3A_274 = arith.constant 0 : i32
        %add3A_275 = arith.addi %mul3A_237, %add3A_274 : i32
        %get3A = arith.index_cast %add3A_275 : i32 to index
        %get3A_276 = arith.constant 0 : index
        %get3A_277 = tpu.vector_load %arg17[%get3A, %get3A_276] {strides = array<i32>} : memref<128x128xf32, #tpu.memory_space<vmem>>, vector<16xf32>,
        %mul3A_278 = arith.mulf %get3A_277, %gather3A : vector<16xf32>
        %add3A_279 = arith.constant 0 : i32
        %add3A_280 = arith.addi %mul3A_237, %add3A_279 : i32
        %swap3A = arith.index_cast %add3A_280 : i32 to index
        %swap3A_281 = arith.constant 0 : index
        %swap3A_282 = tpu.vector_load %arg17[%swap3A, %swap3A_281] {strides = array<i32>} : memref<128x128xf32, #tpu.memory_space<vmem>>, vector<16xf32>,
        tpu.vector_store %arg17[%swap3A, %swap3A_281], %mul3A_278 {strides = array<i32>} : memref<128x128xf32, #tpu.memory_space<vmem>>, vector<16xf32>,
        %add3A_283 = arith.constant 1 : i32
        %add3A_284 = arith.addi %mul3A_237, %add3A_283 : i32
        %get3A_285 = arith.index_cast %add3A_284 : i32 to index
        %get3A_286 = arith.constant 0 : index
        %get3A_287 = tpu.vector_load %arg17[%get3A_285, %get3A_286] {strides = array<i32>} : memref<128x128xf32, #tpu.memory_space<vmem>>, vector<16xf32>,
        %mul3A_288 = arith.mulf %get3A_287, %gather3A_255 : vector<16xf32>
        %add3A_289 = arith.constant 1 : i32
        %add3A_290 = arith.addi %mul3A_237, %add3A_289 : i32
        %swap3A_291 = arith.index_cast %add3A_290 : i32 to index
        %swap3A_292 = arith.constant 0 : index
        %swap3A_293 = tpu.vector_load %arg17[%swap3A_291, %swap3A_292] {strides = array<i32>} : memref<128x128xf32, #tpu.memory_space<vmem>>, vector<16xf32>,
        tpu.vector_store %arg17[%swap3A_291, %swap3A_292], %mul3A_288 {strides = array<i32>} : memref<128x128xf32, #tpu.memory_space<vmem>>, vector<16xf32>,
        %add3A_294 = arith.constant 2 : i32
        %add3A_295 = arith.addi %mul3A_237, %add3A_294 : i32
        %get3A_296 = arith.index_cast %add3A_295 : i32 to index
        %get3A_297 = arith.constant 0 : index
        %get3A_298 = tpu.vector_load %arg17[%get3A_296, %get3A_297] {strides = array<i32>} : memref<128x128xf32, #tpu.memory_space<vmem>>, vector<16xf32>,
        %mul3A_299 = arith.mulf %get3A_298, %gather3A_264 : vector<16xf32>
        %add3A_300 = arith.constant 2 : i32
        %add3A_301 = arith.addi %mul3A_237, %add3A_300 : i32
        %swap3A_302 = arith.index_cast %add3A_301 : i32 to index
        %swap3A_303 = arith.constant 0 : index
        %swap3A_304 = tpu.vector_load %arg17[%swap3A_302, %swap3A_303] {strides = array<i32>} : memref<128x128xf32, #tpu.memory_space<vmem>>, vector<16xf32>,
        tpu.vector_store %arg17[%swap3A_302, %swap3A_303], %mul3A_299 {strides = array<i32>} : memref<128x128xf32, #tpu.memory_space<vmem>>, vector<16xf32>,
        %add3A_305 = arith.constant 3 : i32
        %add3A_306 = arith.addi %mul3A_237, %add3A_305 : i32
        %get3A_307 = arith.index_cast %add3A_306 : i32 to index
        %get3A_308 = arith.constant 0 : index
        %get3A_309 = tpu.vector_load %arg17[%get3A_307, %get3A_308] {strides = array<i32>} : memref<128x128xf32, #tpu.memory_space<vmem>>, vector<16xf32>,
        %mul3A_310 = arith.mulf %get3A_309, %gather3A_273 : vector<16xf32>
        %add3A_311 = arith.constant 3 : i32
        %add3A_312 = arith.addi %mul3A_237, %add3A_311 : i32
        %swap3A_313 = arith.index_cast %add3A_312 : i32 to index
        %swap3A_314 = arith.constant 0 : index
        %swap3A_315 = tpu.vector_load %arg17[%swap3A_313, %swap3A_314] {strides = array<i32>} : memref<128x128xf32, #tpu.memory_space<vmem>>, vector<16xf32>,
        tpu.vector_store %arg17[%swap3A_313, %swap3A_314], %mul3A_310 {strides = array<i32>} : memref<128x128xf32, #tpu.memory_space<vmem>>, vector<16xf32>,
        %add3A_316 = arith.constant 0 : i32
        %add3A_317 = arith.addi %mul3A_237, %add3A_316 : i32
        %get3A_318 = arith.index_cast %add3A_317 : i32 to index
        %get3A_319 = arith.constant 16 : index
        %get3A_320 = tpu.vector_load %arg17[%get3A_318, %get3A_319] {strides = array<i32>} : memref<128x128xf32, #tpu.memory_space<vmem>>, vector<16xf32>,
        %mul3A_321 = arith.mulf %get3A_320, %gather3A : vector<16xf32>
        %add3A_322 = arith.constant 0 : i32
        %add3A_323 = arith.addi %mul3A_237, %add3A_322 : i32
        %swap3A_324 = arith.index_cast %add3A_323 : i32 to index
        %swap3A_325 = arith.constant 16 : index
        %swap3A_326 = tpu.vector_load %arg17[%swap3A_324, %swap3A_325] {strides = array<i32>} : memref<128x128xf32, #tpu.memory_space<vmem>>, vector<16xf32>,
        tpu.vector_store %arg17[%swap3A_324, %swap3A_325], %mul3A_321 {strides = array<i32>} : memref<128x128xf32, #tpu.memory_space<vmem>>, vector<16xf32>,
        %add3A_327 = arith.constant 1 : i32
        %add3A_328 = arith.addi %mul3A_237, %add3A_327 : i32
        %get3A_329 = arith.index_cast %add3A_328 : i32 to index
        %get3A_330 = arith.constant 16 : index
        %get3A_331 = tpu.vector_load %arg17[%get3A_329, %get3A_330] {strides = array<i32>} : memref<128x128xf32, #tpu.memory_space<vmem>>, vector<16xf32>,
        %mul3A_332 = arith.mulf %get3A_331, %gather3A_255 : vector<16xf32>
        %add3A_333 = arith.constant 1 : i32
        %add3A_334 = arith.addi %mul3A_237, %add3A_333 : i32
        %swap3A_335 = arith.index_cast %add3A_334 : i32 to index
        %swap3A_336 = arith.constant 16 : index
        %swap3A_337 = tpu.vector_load %arg17[%swap3A_335, %swap3A_336] {strides = array<i32>} : memref<128x128xf32, #tpu.memory_space<vmem>>, vector<16xf32>,
        tpu.vector_store %arg17[%swap3A_335, %swap3A_336], %mul3A_332 {strides = array<i32>} : memref<128x128xf32, #tpu.memory_space<vmem>>, vector<16xf32>,
        %add3A_338 = arith.constant 2 : i32
        %add3A_339 = arith.addi %mul3A_237, %add3A_338 : i32
        %get3A_340 = arith.index_cast %add3A_339 : i32 to index
        %get3A_341 = arith.constant 16 : index
        %get3A_342 = tpu.vector_load %arg17[%get3A_340, %get3A_341] {strides = array<i32>} : memref<128x128xf32, #tpu.memory_space<vmem>>, vector<16xf32>,
        %mul3A_343 = arith.mulf %get3A_342, %gather3A_264 : vector<16xf32>
        %add3A_344 = arith.constant 2 : i32
        %add3A_345 = arith.addi %mul3A_237, %add3A_344 : i32
        %swap3A_346 = arith.index_cast %add3A_345 : i32 to index
        %swap3A_347 = arith.constant 16 : index
        %swap3A_348 = tpu.vector_load %arg17[%swap3A_346, %swap3A_347] {strides = array<i32>} : memref<128x128xf32, #tpu.memory_space<vmem>>, vector<16xf32>,
        tpu.vector_store %arg17[%swap3A_346, %swap3A_347], %mul3A_343 {strides = array<i32>} : memref<128x128xf32, #tpu.memory_space<vmem>>, vector<16xf32>,
        %add3A_349 = arith.constant 3 : i32
        %add3A_350 = arith.addi %mul3A_237, %add3A_349 : i32
        %get3A_351 = arith.index_cast %add3A_350 : i32 to index
        %get3A_352 = arith.constant 16 : index
        %get3A_353 = tpu.vector_load %arg17[%get3A_351, %get3A_352] {strides = array<i32>} : memref<128x128xf32, #tpu.memory_space<vmem>>, vector<16xf32>,
        %mul3A_354 = arith.mulf %get3A_353, %gather3A_273 : vector<16xf32>
        %add3A_355 = arith.constant 3 : i32
        %add3A_356 = arith.addi %mul3A_237, %add3A_355 : i32
        %swap3A_357 = arith.index_cast %add3A_356 : i32 to index
        %swap3A_358 = arith.constant 16 : index
        %swap3A_359 = tpu.vector_load %arg17[%swap3A_357, %swap3A_358] {strides = array<i32>} : memref<128x128xf32, #tpu.memory_space<vmem>>, vector<16xf32>,
        tpu.vector_store %arg17[%swap3A_357, %swap3A_358], %mul3A_354 {strides = array<i32>} : memref<128x128xf32, #tpu.memory_space<vmem>>, vector<16xf32>,
        %add3A_360 = arith.constant 0 : i32
        %add3A_361 = arith.addi %mul3A_237, %add3A_360 : i32
        %get3A_362 = arith.index_cast %add3A_361 : i32 to index
        %get3A_363 = arith.constant 32 : index
        %get3A_364 = tpu.vector_load %arg17[%get3A_362, %get3A_363] {strides = array<i32>} : memref<128x128xf32, #tpu.memory_space<vmem>>, vector<16xf32>,
        %mul3A_365 = arith.mulf %get3A_364, %gather3A : vector<16xf32>
        %add3A_366 = arith.constant 0 : i32
        %add3A_367 = arith.addi %mul3A_237, %add3A_366 : i32
        %swap3A_368 = arith.index_cast %add3A_367 : i32 to index
        %swap3A_369 = arith.constant 32 : index
        %swap3A_370 = tpu.vector_load %arg17[%swap3A_368, %swap3A_369] {strides = array<i32>} : memref<128x128xf32, #tpu.memory_space<vmem>>, vector<16xf32>,
        tpu.vector_store %arg17[%swap3A_368, %swap3A_369], %mul3A_365 {strides = array<i32>} : memref<128x128xf32, #tpu.memory_space<vmem>>, vector<16xf32>,
        %add3A_371 = arith.constant 1 : i32
        %add3A_372 = arith.addi %mul3A_237, %add3A_371 : i32
        %get3A_373 = arith.index_cast %add3A_372 : i32 to index
        %get3A_374 = arith.constant 32 : index
        %get3A_375 = tpu.vector_load %arg17[%get3A_373, %get3A_374] {strides = array<i32>} : memref<128x128xf32, #tpu.memory_space<vmem>>, vector<16xf32>,
        %mul3A_376 = arith.mulf %get3A_375, %gather3A_255 : vector<16xf32>
        %add3A_377 = arith.constant 1 : i32
        %add3A_378 = arith.addi %mul3A_237, %add3A_377 : i32
        %swap3A_379 = arith.index_cast %add3A_378 : i32 to index
        %swap3A_380 = arith.constant 32 : index
        %swap3A_381 = tpu.vector_load %arg17[%swap3A_379, %swap3A_380] {strides = array<i32>} : memref<128x128xf32, #tpu.memory_space<vmem>>, vector<16xf32>,
        tpu.vector_store %arg17[%swap3A_379, %swap3A_380], %mul3A_376 {strides = array<i32>} : memref<128x128xf32, #tpu.memory_space<vmem>>, vector<16xf32>,
        %add3A_382 = arith.constant 2 : i32
        %add3A_383 = arith.addi %mul3A_237, %add3A_382 : i32
        %get3A_384 = arith.index_cast %add3A_383 : i32 to index
        %get3A_385 = arith.constant 32 : index
        %get3A_386 = tpu.vector_load %arg17[%get3A_384, %get3A_385] {strides = array<i32>} : memref<128x128xf32, #tpu.memory_space<vmem>>, vector<16xf32>,
        %mul3A_387 = arith.mulf %get3A_386, %gather3A_264 : vector<16xf32>
        %add3A_388 = arith.constant 2 : i32
        %add3A_389 = arith.addi %mul3A_237, %add3A_388 : i32
        %swap3A_390 = arith.index_cast %add3A_389 : i32 to index
        %swap3A_391 = arith.constant 32 : index
        %swap3A_392 = tpu.vector_load %arg17[%swap3A_390, %swap3A_391] {strides = array<i32>} : memref<128x128xf32, #tpu.memory_space<vmem>>, vector<16xf32>,
        tpu.vector_store %arg17[%swap3A_390, %swap3A_391], %mul3A_387 {strides = array<i32>} : memref<128x128xf32, #tpu.memory_space<vmem>>, vector<16xf32>,
        %add3A_393 = arith.constant 3 : i32
        %add3A_394 = arith.addi %mul3A_237, %add3A_393 : i32
        %get3A_395 = arith.index_cast %add3A_394 : i32 to index
        %get3A_396 = arith.constant 32 : index
        %get3A_397 = tpu.vector_load %arg17[%get3A_395, %get3A_396] {strides = array<i32>} : memref<128x128xf32, #tpu.memory_space<vmem>>, vector<16xf32>,
        %mul3A_398 = arith.mulf %get3A_397, %gather3A_273 : vector<16xf32>
        %add3A_399 = arith.constant 3 : i32
        %add3A_400 = arith.addi %mul3A_237, %add3A_399 : i32
        %swap3A_401 = arith.index_cast %add3A_400 : i32 to index
        %swap3A_402 = arith.constant 32 : index
        %swap3A_403 = tpu.vector_load %arg17[%swap3A_401, %swap3A_402] {strides = array<i32>} : memref<128x128xf32, #tpu.memory_space<vmem>>, vector<16xf32>,
        tpu.vector_store %arg17[%swap3A_401, %swap3A_402], %mul3A_398 {strides = array<i32>} : memref<128x128xf32, #tpu.memory_space<vmem>>, vector<16xf32>,
        %add3A_404 = arith.constant 0 : i32
        %add3A_405 = arith.addi %mul3A_237, %add3A_404 : i32
        %get3A_406 = arith.index_cast %add3A_405 : i32 to index
        %get3A_407 = arith.constant 48 : index
        %get3A_408 = tpu.vector_load %arg17[%get3A_406, %get3A_407] {strides = array<i32>} : memref<128x128xf32, #tpu.memory_space<vmem>>, vector<16xf32>,
        %mul3A_409 = arith.mulf %get3A_408, %gather3A : vector<16xf32>
        %add3A_410 = arith.constant 0 : i32
        %add3A_411 = arith.addi %mul3A_237, %add3A_410 : i32
        %swap3A_412 = arith.index_cast %add3A_411 : i32 to index
        %swap3A_413 = arith.constant 48 : index
        %swap3A_414 = tpu.vector_load %arg17[%swap3A_412, %swap3A_413] {strides = array<i32>} : memref<128x128xf32, #tpu.memory_space<vmem>>, vector<16xf32>,
        tpu.vector_store %arg17[%swap3A_412, %swap3A_413], %mul3A_409 {strides = array<i32>} : memref<128x128xf32, #tpu.memory_space<vmem>>, vector<16xf32>,
        %add3A_415 = arith.constant 1 : i32
        %add3A_416 = arith.addi %mul3A_237, %add3A_415 : i32
        %get3A_417 = arith.index_cast %add3A_416 : i32 to index
        %get3A_418 = arith.constant 48 : index
        %get3A_419 = tpu.vector_load %arg17[%get3A_417, %get3A_418] {strides = array<i32>} : memref<128x128xf32, #tpu.memory_space<vmem>>, vector<16xf32>,
        %mul3A_420 = arith.mulf %get3A_419, %gather3A_255 : vector<16xf32>
        %add3A_421 = arith.constant 1 : i32
        %add3A_422 = arith.addi %mul3A_237, %add3A_421 : i32
        %swap3A_423 = arith.index_cast %add3A_422 : i32 to index
        %swap3A_424 = arith.constant 48 : index
        %swap3A_425 = tpu.vector_load %arg17[%swap3A_423, %swap3A_424] {strides = array<i32>} : memref<128x128xf32, #tpu.memory_space<vmem>>, vector<16xf32>,
        tpu.vector_store %arg17[%swap3A_423, %swap3A_424], %mul3A_420 {strides = array<i32>} : memref<128x128xf32, #tpu.memory_space<vmem>>, vector<16xf32>,
        %add3A_426 = arith.constant 2 : i32
        %add3A_427 = arith.addi %mul3A_237, %add3A_426 : i32
        %get3A_428 = arith.index_cast %add3A_427 : i32 to index
        %get3A_429 = arith.constant 48 : index
        %get3A_430 = tpu.vector_load %arg17[%get3A_428, %get3A_429] {strides = array<i32>} : memref<128x128xf32, #tpu.memory_space<vmem>>, vector<16xf32>,
        %mul3A_431 = arith.mulf %get3A_430, %gather3A_264 : vector<16xf32>
        %add3A_432 = arith.constant 2 : i32
        %add3A_433 = arith.addi %mul3A_237, %add3A_432 : i32
        %swap3A_434 = arith.index_cast %add3A_433 : i32 to index
        %swap3A_435 = arith.constant 48 : index
        %swap3A_436 = tpu.vector_load %arg17[%swap3A_434, %swap3A_435] {strides = array<i32>} : memref<128x128xf32, #tpu.memory_space<vmem>>, vector<16xf32>,
        tpu.vector_store %arg17[%swap3A_434, %swap3A_435], %mul3A_431 {strides = array<i32>} : memref<128x128xf32, #tpu.memory_space<vmem>>, vector<16xf32>,
        %add3A_437 = arith.constant 3 : i32
        %add3A_438 = arith.addi %mul3A_237, %add3A_437 : i32
        %get3A_439 = arith.index_cast %add3A_438 : i32 to index
        %get3A_440 = arith.constant 48 : index
        %get3A_441 = tpu.vector_load %arg17[%get3A_439, %get3A_440] {strides = array<i32>} : memref<128x128xf32, #tpu.memory_space<vmem>>, vector<16xf32>,
        %mul3A_442 = arith.mulf %get3A_441, %gather3A_273 : vector<16xf32>
        %add3A_443 = arith.constant 3 : i32
        %add3A_444 = arith.addi %mul3A_237, %add3A_443 : i32
        %swap3A_445 = arith.index_cast %add3A_444 : i32 to index
        %swap3A_446 = arith.constant 48 : index
        %swap3A_447 = tpu.vector_load %arg17[%swap3A_445, %swap3A_446] {strides = array<i32>} : memref<128x128xf32, #tpu.memory_space<vmem>>, vector<16xf32>,
        tpu.vector_store %arg17[%swap3A_445, %swap3A_446], %mul3A_442 {strides = array<i32>} : memref<128x128xf32, #tpu.memory_space<vmem>>, vector<16xf32>,
        %add3A_448 = arith.constant 0 : i32
        %add3A_449 = arith.addi %mul3A_237, %add3A_448 : i32
        %get3A_450 = arith.index_cast %add3A_449 : i32 to index
        %get3A_451 = arith.constant 64 : index
        %get3A_452 = tpu.vector_load %arg17[%get3A_450, %get3A_451] {strides = array<i32>} : memref<128x128xf32, #tpu.memory_space<vmem>>, vector<16xf32>,
        %mul3A_453 = arith.mulf %get3A_452, %gather3A : vector<16xf32>
        %add3A_454 = arith.constant 0 : i32
        %add3A_455 = arith.addi %mul3A_237, %add3A_454 : i32
        %swap3A_456 = arith.index_cast %add3A_455 : i32 to index
        %swap3A_457 = arith.constant 64 : index
        %swap3A_458 = tpu.vector_load %arg17[%swap3A_456, %swap3A_457] {strides = array<i32>} : memref<128x128xf32, #tpu.memory_space<vmem>>, vector<16xf32>,
        tpu.vector_store %arg17[%swap3A_456, %swap3A_457], %mul3A_453 {strides = array<i32>} : memref<128x128xf32, #tpu.memory_space<vmem>>, vector<16xf32>,
        %add3A_459 = arith.constant 1 : i32
        %add3A_460 = arith.addi %mul3A_237, %add3A_459 : i32
        %get3A_461 = arith.index_cast %add3A_460 : i32 to index
        %get3A_462 = arith.constant 64 : index
        %get3A_463 = tpu.vector_load %arg17[%get3A_461, %get3A_462] {strides = array<i32>} : memref<128x128xf32, #tpu.memory_space<vmem>>, vector<16xf32>,
        %mul3A_464 = arith.mulf %get3A_463, %gather3A_255 : vector<16xf32>
        %add3A_465 = arith.constant 1 : i32
        %add3A_466 = arith.addi %mul3A_237, %add3A_465 : i32
        %swap3A_467 = arith.index_cast %add3A_466 : i32 to index
        %swap3A_468 = arith.constant 64 : index
        %swap3A_469 = tpu.vector_load %arg17[%swap3A_467, %swap3A_468] {strides = array<i32>} : memref<128x128xf32, #tpu.memory_space<vmem>>, vector<16xf32>,
        tpu.vector_store %arg17[%swap3A_467, %swap3A_468], %mul3A_464 {strides = array<i32>} : memref<128x128xf32, #tpu.memory_space<vmem>>, vector<16xf32>,
        %add3A_470 = arith.constant 2 : i32
        %add3A_471 = arith.addi %mul3A_237, %add3A_470 : i32
        %get3A_472 = arith.index_cast %add3A_471 : i32 to index
        %get3A_473 = arith.constant 64 : index
        %get3A_474 = tpu.vector_load %arg17[%get3A_472, %get3A_473] {strides = array<i32>} : memref<128x128xf32, #tpu.memory_space<vmem>>, vector<16xf32>,
        %mul3A_475 = arith.mulf %get3A_474, %gather3A_264 : vector<16xf32>
        %add3A_476 = arith.constant 2 : i32
        %add3A_477 = arith.addi %mul3A_237, %add3A_476 : i32
        %swap3A_478 = arith.index_cast %add3A_477 : i32 to index
        %swap3A_479 = arith.constant 64 : index
        %swap3A_480 = tpu.vector_load %arg17[%swap3A_478, %swap3A_479] {strides = array<i32>} : memref<128x128xf32, #tpu.memory_space<vmem>>, vector<16xf32>,
        tpu.vector_store %arg17[%swap3A_478, %swap3A_479], %mul3A_475 {strides = array<i32>} : memref<128x128xf32, #tpu.memory_space<vmem>>, vector<16xf32>,
        %add3A_481 = arith.constant 3 : i32
        %add3A_482 = arith.addi %mul3A_237, %add3A_481 : i32
        %get3A_483 = arith.index_cast %add3A_482 : i32 to index
        %get3A_484 = arith.constant 64 : index
        %get3A_485 = tpu.vector_load %arg17[%get3A_483, %get3A_484] {strides = array<i32>} : memref<128x128xf32, #tpu.memory_space<vmem>>, vector<16xf32>,
        %mul3A_486 = arith.mulf %get3A_485, %gather3A_273 : vector<16xf32>
        %add3A_487 = arith.constant 3 : i32
        %add3A_488 = arith.addi %mul3A_237, %add3A_487 : i32
        %swap3A_489 = arith.index_cast %add3A_488 : i32 to index
        %swap3A_490 = arith.constant 64 : index
        %swap3A_491 = tpu.vector_load %arg17[%swap3A_489, %swap3A_490] {strides = array<i32>} : memref<128x128xf32, #tpu.memory_space<vmem>>, vector<16xf32>,
        tpu.vector_store %arg17[%swap3A_489, %swap3A_490], %mul3A_486 {strides = array<i32>} : memref<128x128xf32, #tpu.memory_space<vmem>>, vector<16xf32>,
        %add3A_492 = arith.constant 0 : i32
        %add3A_493 = arith.addi %mul3A_237, %add3A_492 : i32
        %get3A_494 = arith.index_cast %add3A_493 : i32 to index
        %get3A_495 = arith.constant 80 : index
        %get3A_496 = tpu.vector_load %arg17[%get3A_494, %get3A_495] {strides = array<i32>} : memref<128x128xf32, #tpu.memory_space<vmem>>, vector<16xf32>,
        %mul3A_497 = arith.mulf %get3A_496, %gather3A : vector<16xf32>
        %add3A_498 = arith.constant 0 : i32
        %add3A_499 = arith.addi %mul3A_237, %add3A_498 : i32
        %swap3A_500 = arith.index_cast %add3A_499 : i32 to index
        %swap3A_501 = arith.constant 80 : index
        %swap3A_502 = tpu.vector_load %arg17[%swap3A_500, %swap3A_501] {strides = array<i32>} : memref<128x128xf32, #tpu.memory_space<vmem>>, vector<16xf32>,
        tpu.vector_store %arg17[%swap3A_500, %swap3A_501], %mul3A_497 {strides = array<i32>} : memref<128x128xf32, #tpu.memory_space<vmem>>, vector<16xf32>,
        %add3A_503 = arith.constant 1 : i32
        %add3A_504 = arith.addi %mul3A_237, %add3A_503 : i32
        %get3A_505 = arith.index_cast %add3A_504 : i32 to index
        %get3A_506 = arith.constant 80 : index
        %get3A_507 = tpu.vector_load %arg17[%get3A_505, %get3A_506] {strides = array<i32>} : memref<128x128xf32, #tpu.memory_space<vmem>>, vector<16xf32>,
        %mul3A_508 = arith.mulf %get3A_507, %gather3A_255 : vector<16xf32>
        %add3A_509 = arith.constant 1 : i32
        %add3A_510 = arith.addi %mul3A_237, %add3A_509 : i32
        %swap3A_511 = arith.index_cast %add3A_510 : i32 to index
        %swap3A_512 = arith.constant 80 : index
        %swap3A_513 = tpu.vector_load %arg17[%swap3A_511, %swap3A_512] {strides = array<i32>} : memref<128x128xf32, #tpu.memory_space<vmem>>, vector<16xf32>,
        tpu.vector_store %arg17[%swap3A_511, %swap3A_512], %mul3A_508 {strides = array<i32>} : memref<128x128xf32, #tpu.memory_space<vmem>>, vector<16xf32>,
        %add3A_514 = arith.constant 2 : i32
        %add3A_515 = arith.addi %mul3A_237, %add3A_514 : i32
        %get3A_516 = arith.index_cast %add3A_515 : i32 to index
        %get3A_517 = arith.constant 80 : index
        %get3A_518 = tpu.vector_load %arg17[%get3A_516, %get3A_517] {strides = array<i32>} : memref<128x128xf32, #tpu.memory_space<vmem>>, vector<16xf32>,
        %mul3A_519 = arith.mulf %get3A_518, %gather3A_264 : vector<16xf32>
        %add3A_520 = arith.constant 2 : i32
        %add3A_521 = arith.addi %mul3A_237, %add3A_520 : i32
        %swap3A_522 = arith.index_cast %add3A_521 : i32 to index
        %swap3A_523 = arith.constant 80 : index
        %swap3A_524 = tpu.vector_load %arg17[%swap3A_522, %swap3A_523] {strides = array<i32>} : memref<128x128xf32, #tpu.memory_space<vmem>>, vector<16xf32>,
        tpu.vector_store %arg17[%swap3A_522, %swap3A_523], %mul3A_519 {strides = array<i32>} : memref<128x128xf32, #tpu.memory_space<vmem>>, vector<16xf32>,
        %add3A_525 = arith.constant 3 : i32
        %add3A_526 = arith.addi %mul3A_237, %add3A_525 : i32
        %get3A_527 = arith.index_cast %add3A_526 : i32 to index
        %get3A_528 = arith.constant 80 : index
        %get3A_529 = tpu.vector_load %arg17[%get3A_527, %get3A_528] {strides = array<i32>} : memref<128x128xf32, #tpu.memory_space<vmem>>, vector<16xf32>,
        %mul3A_530 = arith.mulf %get3A_529, %gather3A_273 : vector<16xf32>
        %add3A_531 = arith.constant 3 : i32
        %add3A_532 = arith.addi %mul3A_237, %add3A_531 : i32
        %swap3A_533 = arith.index_cast %add3A_532 : i32 to index
        %swap3A_534 = arith.constant 80 : index
        %swap3A_535 = tpu.vector_load %arg17[%swap3A_533, %swap3A_534] {strides = array<i32>} : memref<128x128xf32, #tpu.memory_space<vmem>>, vector<16xf32>,
        tpu.vector_store %arg17[%swap3A_533, %swap3A_534], %mul3A_530 {strides = array<i32>} : memref<128x128xf32, #tpu.memory_space<vmem>>, vector<16xf32>,
        %add3A_536 = arith.constant 0 : i32
        %add3A_537 = arith.addi %mul3A_237, %add3A_536 : i32
        %get3A_538 = arith.index_cast %add3A_537 : i32 to index
        %get3A_539 = arith.constant 96 : index
        %get3A_540 = tpu.vector_load %arg17[%get3A_538, %get3A_539] {strides = array<i32>} : memref<128x128xf32, #tpu.memory_space<vmem>>, vector<16xf32>,
        %mul3A_541 = arith.mulf %get3A_540, %gather3A : vector<16xf32>
        %add3A_542 = arith.constant 0 : i32
        %add3A_543 = arith.addi %mul3A_237, %add3A_542 : i32
        %swap3A_544 = arith.index_cast %add3A_543 : i32 to index
        %swap3A_545 = arith.constant 96 : index
        %swap3A_546 = tpu.vector_load %arg17[%swap3A_544, %swap3A_545] {strides = array<i32>} : memref<128x128xf32, #tpu.memory_space<vmem>>, vector<16xf32>,
        tpu.vector_store %arg17[%swap3A_544, %swap3A_545], %mul3A_541 {strides = array<i32>} : memref<128x128xf32, #tpu.memory_space<vmem>>, vector<16xf32>,
        %add3A_547 = arith.constant 1 : i32
        %add3A_548 = arith.addi %mul3A_237, %add3A_547 : i32
        %get3A_549 = arith.index_cast %add3A_548 : i32 to index
        %get3A_550 = arith.constant 96 : index
        %get3A_551 = tpu.vector_load %arg17[%get3A_549, %get3A_550] {strides = array<i32>} : memref<128x128xf32, #tpu.memory_space<vmem>>, vector<16xf32>,
        %mul3A_552 = arith.mulf %get3A_551, %gather3A_255 : vector<16xf32>
        %add3A_553 = arith.constant 1 : i32
        %add3A_554 = arith.addi %mul3A_237, %add3A_553 : i32
        %swap3A_555 = arith.index_cast %add3A_554 : i32 to index
        %swap3A_556 = arith.constant 96 : index
        %swap3A_557 = tpu.vector_load %arg17[%swap3A_555, %swap3A_556] {strides = array<i32>} : memref<128x128xf32, #tpu.memory_space<vmem>>, vector<16xf32>,
        tpu.vector_store %arg17[%swap3A_555, %swap3A_556], %mul3A_552 {strides = array<i32>} : memref<128x128xf32, #tpu.memory_space<vmem>>, vector<16xf32>,
        %add3A_558 = arith.constant 2 : i32
        %add3A_559 = arith.addi %mul3A_237, %add3A_558 : i32
        %get3A_560 = arith.index_cast %add3A_559 : i32 to index
        %get3A_561 = arith.constant 96 : index
        %get3A_562 = tpu.vector_load %arg17[%get3A_560, %get3A_561] {strides = array<i32>} : memref<128x128xf32, #tpu.memory_space<vmem>>, vector<16xf32>,
        %mul3A_563 = arith.mulf %get3A_562, %gather3A_264 : vector<16xf32>
        %add3A_564 = arith.constant 2 : i32
        %add3A_565 = arith.addi %mul3A_237, %add3A_564 : i32
        %swap3A_566 = arith.index_cast %add3A_565 : i32 to index
        %swap3A_567 = arith.constant 96 : index
        %swap3A_568 = tpu.vector_load %arg17[%swap3A_566, %swap3A_567] {strides = array<i32>} : memref<128x128xf32, #tpu.memory_space<vmem>>, vector<16xf32>,
        tpu.vector_store %arg17[%swap3A_566, %swap3A_567], %mul3A_563 {strides = array<i32>} : memref<128x128xf32, #tpu.memory_space<vmem>>, vector<16xf32>,
        %add3A_569 = arith.constant 3 : i32
        %add3A_570 = arith.addi %mul3A_237, %add3A_569 : i32
        %get3A_571 = arith.index_cast %add3A_570 : i32 to index
        %get3A_572 = arith.constant 96 : index
        %get3A_573 = tpu.vector_load %arg17[%get3A_571, %get3A_572] {strides = array<i32>} : memref<128x128xf32, #tpu.memory_space<vmem>>, vector<16xf32>,
        %mul3A_574 = arith.mulf %get3A_573, %gather3A_273 : vector<16xf32>
        %add3A_575 = arith.constant 3 : i32
        %add3A_576 = arith.addi %mul3A_237, %add3A_575 : i32
        %swap3A_577 = arith.index_cast %add3A_576 : i32 to index
        %swap3A_578 = arith.constant 96 : index
        %swap3A_579 = tpu.vector_load %arg17[%swap3A_577, %swap3A_578] {strides = array<i32>} : memref<128x128xf32, #tpu.memory_space<vmem>>, vector<16xf32>,
        tpu.vector_store %arg17[%swap3A_577, %swap3A_578], %mul3A_574 {strides = array<i32>} : memref<128x128xf32, #tpu.memory_space<vmem>>, vector<16xf32>,
        %add3A_580 = arith.constant 0 : i32
        %add3A_581 = arith.addi %mul3A_237, %add3A_580 : i32
        %get3A_582 = arith.index_cast %add3A_581 : i32 to index
        %get3A_583 = arith.constant 112 : index
        %get3A_584 = tpu.vector_load %arg17[%get3A_582, %get3A_583] {strides = array<i32>} : memref<128x128xf32, #tpu.memory_space<vmem>>, vector<16xf32>,
        %mul3A_585 = arith.mulf %get3A_584, %gather3A : vector<16xf32>
        %add3A_586 = arith.constant 0 : i32
        %add3A_587 = arith.addi %mul3A_237, %add3A_586 : i32
        %swap3A_588 = arith.index_cast %add3A_587 : i32 to index
        %swap3A_589 = arith.constant 112 : index
        %swap3A_590 = tpu.vector_load %arg17[%swap3A_588, %swap3A_589] {strides = array<i32>} : memref<128x128xf32, #tpu.memory_space<vmem>>, vector<16xf32>,
        tpu.vector_store %arg17[%swap3A_588, %swap3A_589], %mul3A_585 {strides = array<i32>} : memref<128x128xf32, #tpu.memory_space<vmem>>, vector<16xf32>,
        %add3A_591 = arith.constant 1 : i32
        %add3A_592 = arith.addi %mul3A_237, %add3A_591 : i32
        %get3A_593 = arith.index_cast %add3A_592 : i32 to index
        %get3A_594 = arith.constant 112 : index
        %get3A_595 = tpu.vector_load %arg17[%get3A_593, %get3A_594] {strides = array<i32>} : memref<128x128xf32, #tpu.memory_space<vmem>>, vector<16xf32>,
        %mul3A_596 = arith.mulf %get3A_595, %gather3A_255 : vector<16xf32>
        %add3A_597 = arith.constant 1 : i32
        %add3A_598 = arith.addi %mul3A_237, %add3A_597 : i32
        %swap3A_599 = arith.index_cast %add3A_598 : i32 to index
        %swap3A_600 = arith.constant 112 : index
        %swap3A_601 = tpu.vector_load %arg17[%swap3A_599, %swap3A_600] {strides = array<i32>} : memref<128x128xf32, #tpu.memory_space<vmem>>, vector<16xf32>,
        tpu.vector_store %arg17[%swap3A_599, %swap3A_600], %mul3A_596 {strides = array<i32>} : memref<128x128xf32, #tpu.memory_space<vmem>>, vector<16xf32>,
        %add3A_602 = arith.constant 2 : i32
        %add3A_603 = arith.addi %mul3A_237, %add3A_602 : i32
        %get3A_604 = arith.index_cast %add3A_603 : i32 to index
        %get3A_605 = arith.constant 112 : index
        %get3A_606 = tpu.vector_load %arg17[%get3A_604, %get3A_605] {strides = array<i32>} : memref<128x128xf32, #tpu.memory_space<vmem>>, vector<16xf32>,
        %mul3A_607 = arith.mulf %get3A_606, %gather3A_264 : vector<16xf32>
        %add3A_608 = arith.constant 2 : i32
        %add3A_609 = arith.addi %mul3A_237, %add3A_608 : i32
        %swap3A_610 = arith.index_cast %add3A_609 : i32 to index
        %swap3A_611 = arith.constant 112 : index
        %swap3A_612 = tpu.vector_load %arg17[%swap3A_610, %swap3A_611] {strides = array<i32>} : memref<128x128xf32, #tpu.memory_space<vmem>>, vector<16xf32>,
        tpu.vector_store %arg17[%swap3A_610, %swap3A_611], %mul3A_607 {strides = array<i32>} : memref<128x128xf32, #tpu.memory_space<vmem>>, vector<16xf32>,
        %add3A_613 = arith.constant 3 : i32
        %add3A_614 = arith.addi %mul3A_237, %add3A_613 : i32
        %get3A_615 = arith.index_cast %add3A_614 : i32 to index
        %get3A_616 = arith.constant 112 : index
        %get3A_617 = tpu.vector_load %arg17[%get3A_615, %get3A_616] {strides = array<i32>} : memref<128x128xf32, #tpu.memory_space<vmem>>, vector<16xf32>,
        %mul3A_618 = arith.mulf %get3A_617, %gather3A_273 : vector<16xf32>
        %add3A_619 = arith.constant 3 : i32
        %add3A_620 = arith.addi %mul3A_237, %add3A_619 : i32
        %swap3A_621 = arith.index_cast %add3A_620 : i32 to index
        %swap3A_622 = arith.constant 112 : index
        %swap3A_623 = tpu.vector_load %arg17[%swap3A_621, %swap3A_622] {strides = array<i32>} : memref<128x128xf32, #tpu.memory_space<vmem>>, vector<16xf32>,
        tpu.vector_store %arg17[%swap3A_621, %swap3A_622], %mul3A_618 {strides = array<i32>} : memref<128x128xf32, #tpu.memory_space<vmem>>, vector<16xf32>,
      }
      %scan3A_93 = arith.constant 32 : i32
      %run_scoped3A = arith.constant 0 : i32
      "tpu.region"() ({
        %run_scoped3A_235 = tpu.sem_alloc : memref<!tpu.dma_semaphore, #tpu.memory_space<semaphore_mem>>
        %dma_start3A_236 = arith.constant 0 : i32
        %dma_start3A_237 = tpu.memref_slice %arg13[%run_scoped3A, %dma_start3A_236] : memref<8x128xi32, #tpu.memory_space<vmem>> -> memref<1x128xi32, #tpu.memory_space<vmem>>
        %dma_start3A_238 = tpu.memref_squeeze %dma_start3A_237 : memref<1x128xi32, #tpu.memory_space<vmem>> -> memref<128xi32, #tpu.memory_space<vmem>>
        %dma_start3A_239 = arith.constant 0 : i32
        %dma_start3A_240 = arith.constant 0 : i32
        %dma_start3A_241 = tpu.memref_slice %arg10[%dma_start3A_239, %dma_start3A_240] : memref<10000x128xf32, #tpu.memory_space<vmem_shared>> -> memref<10000x128xf32, #tpu.memory_space<vmem_shared>>
        tpu.enqueue_indirect_dma source(%arg17 : memref<128x128xf32, #tpu.memory_space<vmem>>) target(%dma_start3A_241 : memref<10000x128xf32, #tpu.memory_space<vmem_shared>>) offsets(%dma_start3A_238 : memref<128xi32, #tpu.memory_space<vmem>>) semaphore(%run_scoped3A_235 : memref<!tpu.dma_semaphore, #tpu.memory_space<semaphore_mem>>) {add = true}
        %dma_wait3A_242 = arith.constant 0 : i32
        %dma_wait3A_243 = tpu.memref_slice %arg13[%run_scoped3A, %dma_wait3A_242] : memref<8x128xi32, #tpu.memory_space<vmem>> -> memref<1x128xi32, #tpu.memory_space<vmem>>
        %dma_wait3A_244 = tpu.memref_squeeze %dma_wait3A_243 : memref<1x128xi32, #tpu.memory_space<vmem>> -> memref<128xi32, #tpu.memory_space<vmem>>
        %dma_wait3A_245 = arith.constant 0 : i32
        %dma_wait3A_246 = arith.constant 0 : i32
        %dma_wait3A_247 = tpu.memref_slice %arg10[%dma_wait3A_245, %dma_wait3A_246] : memref<10000x128xf32, #tpu.memory_space<vmem_shared>> -> memref<10000x128xf32, #tpu.memory_space<vmem_shared>>
        tpu.wait_indirect_dma semaphore(%run_scoped3A_235 : memref<!tpu.dma_semaphore, #tpu.memory_space<semaphore_mem>>) src(%arg17 : memref<128x128xf32, #tpu.memory_space<vmem>>) dst(%dma_wait3A_247 : memref<10000x128xf32, #tpu.memory_space<vmem_shared>>)
        tpu.yield
      }) : () -> ()
      %run_scoped3A_94 = arith.constant 0 : i32
      "tpu.region"() ({
        %run_scoped3A_235 = tpu.sem_alloc : memref<!tpu.dma_semaphore, #tpu.memory_space<semaphore_mem>>
        %dma_start3A_236 = arith.constant 0 : i32
        %dma_start3A_237 = tpu.memref_slice %arg16[%dma_start3A_236] : memref<1024xf32, #tpu.memory_space<vmem>> -> memref<128xf32, #tpu.memory_space<vmem>>
        %dma_start3A_238 = arith.constant 0 : i32
        %dma_start3A_239 = tpu.memref_slice %arg13[%run_scoped3A_94, %dma_start3A_238] : memref<8x128xi32, #tpu.memory_space<vmem>> -> memref<1x128xi32, #tpu.memory_space<vmem>>
        %dma_start3A_240 = tpu.memref_squeeze %dma_start3A_239 : memref<1x128xi32, #tpu.memory_space<vmem>> -> memref<128xi32, #tpu.memory_space<vmem>>
        %dma_start3A_241 = arith.constant 0 : i32
        %dma_start3A_242 = tpu.memref_slice %arg11[%dma_start3A_241] : memref<10240xf32, #tpu.memory_space<vmem_shared>> -> memref<10240xf32, #tpu.memory_space<vmem_shared>>
        tpu.enqueue_indirect_dma source(%dma_start3A_237 : memref<128xf32, #tpu.memory_space<vmem>>) target(%dma_start3A_242 : memref<10240xf32, #tpu.memory_space<vmem_shared>>) offsets(%dma_start3A_240 : memref<128xi32, #tpu.memory_space<vmem>>) semaphore(%run_scoped3A_235 : memref<!tpu.dma_semaphore, #tpu.memory_space<semaphore_mem>>) {add = true}
        %dma_wait3A_243 = arith.constant 0 : i32
        %dma_wait3A_244 = tpu.memref_slice %arg16[%dma_wait3A_243] : memref<1024xf32, #tpu.memory_space<vmem>> -> memref<128xf32, #tpu.memory_space<vmem>>
        %dma_wait3A_245 = arith.constant 0 : i32
        %dma_wait3A_246 = tpu.memref_slice %arg13[%run_scoped3A_94, %dma_wait3A_245] : memref<8x128xi32, #tpu.memory_space<vmem>> -> memref<1x128xi32, #tpu.memory_space<vmem>>
        %dma_wait3A_247 = tpu.memref_squeeze %dma_wait3A_246 : memref<1x128xi32, #tpu.memory_space<vmem>> -> memref<128xi32, #tpu.memory_space<vmem>>
        %dma_wait3A_248 = arith.constant 0 : i32
        %dma_wait3A_249 = tpu.memref_slice %arg11[%dma_wait3A_248] : memref<10240xf32, #tpu.memory_space<vmem_shared>> -> memref<10240xf32, #tpu.memory_space<vmem_shared>>
        tpu.wait_indirect_dma semaphore(%run_scoped3A_235 : memref<!tpu.dma_semaphore, #tpu.memory_space<semaphore_mem>>) src(%dma_wait3A_244 : memref<128xf32, #tpu.memory_space<vmem>>) dst(%dma_wait3A_249 : memref<10240xf32, #tpu.memory_space<vmem_shared>>)
        tpu.yield
      }) : () -> ()
      %dma_start3A_95 = arith.constant 2 : i32
      %dma_start3A_96 = arith.constant 0 : i32
      %dma_start3A_97 = tpu.memref_slice %arg15[%dma_start3A_95, %dma_start3A_96] : memref<8x128xi32, #tpu.memory_space<vmem>> -> memref<1x128xi32, #tpu.memory_space<vmem>>
      %dma_start3A_98 = tpu.memref_squeeze %dma_start3A_97 : memref<1x128xi32, #tpu.memory_space<vmem>> -> memref<128xi32, #tpu.memory_space<vmem>>
      %dma_start3A_99 = arith.constant 0 : i32
      %dma_start3A_100 = arith.constant 0 : i32
      %dma_start3A_101 = tpu.memref_slice %arg2[%dma_start3A_99, %dma_start3A_100] : memref<20000x128xf32, #tpu.memory_space<hbm>> -> memref<20000x128xf32, #tpu.memory_space<hbm>>
      tpu.enqueue_indirect_dma source(%dma_start3A_101 : memref<20000x128xf32, #tpu.memory_space<hbm>>) target(%arg17 : memref<128x128xf32, #tpu.memory_space<vmem>>) offsets(%dma_start3A_98 : memref<128xi32, #tpu.memory_space<vmem>>) semaphore(%arg19 : memref<!tpu.dma_semaphore, #tpu.memory_space<semaphore_mem>>)
      %dma_wait3A_102 = arith.constant 1 : i32
      %dma_wait3A_103 = arith.constant 0 : i32
      %dma_wait3A_104 = tpu.memref_slice %arg15[%dma_wait3A_102, %dma_wait3A_103] : memref<8x128xi32, #tpu.memory_space<vmem>> -> memref<1x128xi32, #tpu.memory_space<vmem>>
      %dma_wait3A_105 = tpu.memref_squeeze %dma_wait3A_104 : memref<1x128xi32, #tpu.memory_space<vmem>> -> memref<128xi32, #tpu.memory_space<vmem>>
      %dma_wait3A_106 = arith.constant 0 : i32
      %dma_wait3A_107 = arith.constant 0 : i32
      %dma_wait3A_108 = tpu.memref_slice %arg2[%dma_wait3A_106, %dma_wait3A_107] : memref<20000x128xf32, #tpu.memory_space<hbm>> -> memref<20000x128xf32, #tpu.memory_space<hbm>>
      tpu.wait_indirect_dma semaphore(%arg20 : memref<!tpu.dma_semaphore, #tpu.memory_space<semaphore_mem>>) src(%dma_wait3A_108 : memref<20000x128xf32, #tpu.memory_space<hbm>>) dst(%arg18 : memref<128x128xf32, #tpu.memory_space<vmem>>)
      %scan3A_109 = arith.constant 0 : i32
      %scan3A_110 = arith.constant 32 : i32
      %scan3A_111 = arith.addi %scan3A_109, %scan3A_110 : i32
      %scan3A_112 = arith.constant 1 : i32
      scf.for %scan3A_235 = %scan3A_109 to %scan3A_111 step %scan3A_112  : i32 {
        %mul3A_236 = arith.constant 4 : i32
        %mul3A_237 = arith.muli %scan3A_235, %mul3A_236 : i32
        %broadcast_in_dim3A = arith.constant 0 : i32
        %broadcast_in_dim3A_238 = vector.broadcast %broadcast_in_dim3A : i32 to vector<16xi32>
        %add3A_239 = arith.constant 128 : i32
        %add3A_240 = vector.broadcast %add3A_239 : i32 to vector<16xi32>
        %add3A_241 = arith.addi %broadcast_in_dim3A_238, %add3A_240 : vector<16xi32>
        %add3A_242 = vector.broadcast %mul3A_237 : i32 to vector<16xi32>
        %add3A_243 = arith.addi %add3A_241, %add3A_242 : vector<16xi32>
        %add3A_244 = arith.constant 0 : i32
        %add3A_245 = vector.broadcast %add3A_244 : i32 to vector<16xi32>
        %add3A_246 = arith.addi %add3A_243, %add3A_245 : vector<16xi32>
        %gather3A = tpu.vector_load_idx %arg16[%add3A_246] : memref<1024xf32, #tpu.memory_space<vmem>>[vector<16xi32>], vector<16xf32>,
        %add3A_247 = arith.constant 128 : i32
        %add3A_248 = vector.broadcast %add3A_247 : i32 to vector<16xi32>
        %add3A_249 = arith.addi %broadcast_in_dim3A_238, %add3A_248 : vector<16xi32>
        %add3A_250 = vector.broadcast %mul3A_237 : i32 to vector<16xi32>
        %add3A_251 = arith.addi %add3A_249, %add3A_250 : vector<16xi32>
        %add3A_252 = arith.constant 1 : i32
        %add3A_253 = vector.broadcast %add3A_252 : i32 to vector<16xi32>
        %add3A_254 = arith.addi %add3A_251, %add3A_253 : vector<16xi32>
        %gather3A_255 = tpu.vector_load_idx %arg16[%add3A_254] : memref<1024xf32, #tpu.memory_space<vmem>>[vector<16xi32>], vector<16xf32>,
        %add3A_256 = arith.constant 128 : i32
        %add3A_257 = vector.broadcast %add3A_256 : i32 to vector<16xi32>
        %add3A_258 = arith.addi %broadcast_in_dim3A_238, %add3A_257 : vector<16xi32>
        %add3A_259 = vector.broadcast %mul3A_237 : i32 to vector<16xi32>
        %add3A_260 = arith.addi %add3A_258, %add3A_259 : vector<16xi32>
        %add3A_261 = arith.constant 2 : i32
        %add3A_262 = vector.broadcast %add3A_261 : i32 to vector<16xi32>
        %add3A_263 = arith.addi %add3A_260, %add3A_262 : vector<16xi32>
        %gather3A_264 = tpu.vector_load_idx %arg16[%add3A_263] : memref<1024xf32, #tpu.memory_space<vmem>>[vector<16xi32>], vector<16xf32>,
        %add3A_265 = arith.constant 128 : i32
        %add3A_266 = vector.broadcast %add3A_265 : i32 to vector<16xi32>
        %add3A_267 = arith.addi %broadcast_in_dim3A_238, %add3A_266 : vector<16xi32>
        %add3A_268 = vector.broadcast %mul3A_237 : i32 to vector<16xi32>
        %add3A_269 = arith.addi %add3A_267, %add3A_268 : vector<16xi32>
        %add3A_270 = arith.constant 3 : i32
        %add3A_271 = vector.broadcast %add3A_270 : i32 to vector<16xi32>
        %add3A_272 = arith.addi %add3A_269, %add3A_271 : vector<16xi32>
        %gather3A_273 = tpu.vector_load_idx %arg16[%add3A_272] : memref<1024xf32, #tpu.memory_space<vmem>>[vector<16xi32>], vector<16xf32>,
        %add3A_274 = arith.constant 0 : i32
        %add3A_275 = arith.addi %mul3A_237, %add3A_274 : i32
        %get3A = arith.index_cast %add3A_275 : i32 to index
        %get3A_276 = arith.constant 0 : index
        %get3A_277 = tpu.vector_load %arg18[%get3A, %get3A_276] {strides = array<i32>} : memref<128x128xf32, #tpu.memory_space<vmem>>, vector<16xf32>,
        %mul3A_278 = arith.mulf %get3A_277, %gather3A : vector<16xf32>
        %add3A_279 = arith.constant 0 : i32
        %add3A_280 = arith.addi %mul3A_237, %add3A_279 : i32
        %swap3A = arith.index_cast %add3A_280 : i32 to index
        %swap3A_281 = arith.constant 0 : index
        %swap3A_282 = tpu.vector_load %arg18[%swap3A, %swap3A_281] {strides = array<i32>} : memref<128x128xf32, #tpu.memory_space<vmem>>, vector<16xf32>,
        tpu.vector_store %arg18[%swap3A, %swap3A_281], %mul3A_278 {strides = array<i32>} : memref<128x128xf32, #tpu.memory_space<vmem>>, vector<16xf32>,
        %add3A_283 = arith.constant 1 : i32
        %add3A_284 = arith.addi %mul3A_237, %add3A_283 : i32
        %get3A_285 = arith.index_cast %add3A_284 : i32 to index
        %get3A_286 = arith.constant 0 : index
        %get3A_287 = tpu.vector_load %arg18[%get3A_285, %get3A_286] {strides = array<i32>} : memref<128x128xf32, #tpu.memory_space<vmem>>, vector<16xf32>,
        %mul3A_288 = arith.mulf %get3A_287, %gather3A_255 : vector<16xf32>
        %add3A_289 = arith.constant 1 : i32
        %add3A_290 = arith.addi %mul3A_237, %add3A_289 : i32
        %swap3A_291 = arith.index_cast %add3A_290 : i32 to index
        %swap3A_292 = arith.constant 0 : index
        %swap3A_293 = tpu.vector_load %arg18[%swap3A_291, %swap3A_292] {strides = array<i32>} : memref<128x128xf32, #tpu.memory_space<vmem>>, vector<16xf32>,
        tpu.vector_store %arg18[%swap3A_291, %swap3A_292], %mul3A_288 {strides = array<i32>} : memref<128x128xf32, #tpu.memory_space<vmem>>, vector<16xf32>,
        %add3A_294 = arith.constant 2 : i32
        %add3A_295 = arith.addi %mul3A_237, %add3A_294 : i32
        %get3A_296 = arith.index_cast %add3A_295 : i32 to index
        %get3A_297 = arith.constant 0 : index
        %get3A_298 = tpu.vector_load %arg18[%get3A_296, %get3A_297] {strides = array<i32>} : memref<128x128xf32, #tpu.memory_space<vmem>>, vector<16xf32>,
        %mul3A_299 = arith.mulf %get3A_298, %gather3A_264 : vector<16xf32>
        %add3A_300 = arith.constant 2 : i32
        %add3A_301 = arith.addi %mul3A_237, %add3A_300 : i32
        %swap3A_302 = arith.index_cast %add3A_301 : i32 to index
        %swap3A_303 = arith.constant 0 : index
        %swap3A_304 = tpu.vector_load %arg18[%swap3A_302, %swap3A_303] {strides = array<i32>} : memref<128x128xf32, #tpu.memory_space<vmem>>, vector<16xf32>,
        tpu.vector_store %arg18[%swap3A_302, %swap3A_303], %mul3A_299 {strides = array<i32>} : memref<128x128xf32, #tpu.memory_space<vmem>>, vector<16xf32>,
        %add3A_305 = arith.constant 3 : i32
        %add3A_306 = arith.addi %mul3A_237, %add3A_305 : i32
        %get3A_307 = arith.index_cast %add3A_306 : i32 to index
        %get3A_308 = arith.constant 0 : index
        %get3A_309 = tpu.vector_load %arg18[%get3A_307, %get3A_308] {strides = array<i32>} : memref<128x128xf32, #tpu.memory_space<vmem>>, vector<16xf32>,
        %mul3A_310 = arith.mulf %get3A_309, %gather3A_273 : vector<16xf32>
        %add3A_311 = arith.constant 3 : i32
        %add3A_312 = arith.addi %mul3A_237, %add3A_311 : i32
        %swap3A_313 = arith.index_cast %add3A_312 : i32 to index
        %swap3A_314 = arith.constant 0 : index
        %swap3A_315 = tpu.vector_load %arg18[%swap3A_313, %swap3A_314] {strides = array<i32>} : memref<128x128xf32, #tpu.memory_space<vmem>>, vector<16xf32>,
        tpu.vector_store %arg18[%swap3A_313, %swap3A_314], %mul3A_310 {strides = array<i32>} : memref<128x128xf32, #tpu.memory_space<vmem>>, vector<16xf32>,
        %add3A_316 = arith.constant 0 : i32
        %add3A_317 = arith.addi %mul3A_237, %add3A_316 : i32
        %get3A_318 = arith.index_cast %add3A_317 : i32 to index
        %get3A_319 = arith.constant 16 : index
        %get3A_320 = tpu.vector_load %arg18[%get3A_318, %get3A_319] {strides = array<i32>} : memref<128x128xf32, #tpu.memory_space<vmem>>, vector<16xf32>,
        %mul3A_321 = arith.mulf %get3A_320, %gather3A : vector<16xf32>
        %add3A_322 = arith.constant 0 : i32
        %add3A_323 = arith.addi %mul3A_237, %add3A_322 : i32
        %swap3A_324 = arith.index_cast %add3A_323 : i32 to index
        %swap3A_325 = arith.constant 16 : index
        %swap3A_326 = tpu.vector_load %arg18[%swap3A_324, %swap3A_325] {strides = array<i32>} : memref<128x128xf32, #tpu.memory_space<vmem>>, vector<16xf32>,
        tpu.vector_store %arg18[%swap3A_324, %swap3A_325], %mul3A_321 {strides = array<i32>} : memref<128x128xf32, #tpu.memory_space<vmem>>, vector<16xf32>,
        %add3A_327 = arith.constant 1 : i32
        %add3A_328 = arith.addi %mul3A_237, %add3A_327 : i32
        %get3A_329 = arith.index_cast %add3A_328 : i32 to index
        %get3A_330 = arith.constant 16 : index
        %get3A_331 = tpu.vector_load %arg18[%get3A_329, %get3A_330] {strides = array<i32>} : memref<128x128xf32, #tpu.memory_space<vmem>>, vector<16xf32>,
        %mul3A_332 = arith.mulf %get3A_331, %gather3A_255 : vector<16xf32>
        %add3A_333 = arith.constant 1 : i32
        %add3A_334 = arith.addi %mul3A_237, %add3A_333 : i32
        %swap3A_335 = arith.index_cast %add3A_334 : i32 to index
        %swap3A_336 = arith.constant 16 : index
        %swap3A_337 = tpu.vector_load %arg18[%swap3A_335, %swap3A_336] {strides = array<i32>} : memref<128x128xf32, #tpu.memory_space<vmem>>, vector<16xf32>,
        tpu.vector_store %arg18[%swap3A_335, %swap3A_336], %mul3A_332 {strides = array<i32>} : memref<128x128xf32, #tpu.memory_space<vmem>>, vector<16xf32>,
        %add3A_338 = arith.constant 2 : i32
        %add3A_339 = arith.addi %mul3A_237, %add3A_338 : i32
        %get3A_340 = arith.index_cast %add3A_339 : i32 to index
        %get3A_341 = arith.constant 16 : index
        %get3A_342 = tpu.vector_load %arg18[%get3A_340, %get3A_341] {strides = array<i32>} : memref<128x128xf32, #tpu.memory_space<vmem>>, vector<16xf32>,
        %mul3A_343 = arith.mulf %get3A_342, %gather3A_264 : vector<16xf32>
        %add3A_344 = arith.constant 2 : i32
        %add3A_345 = arith.addi %mul3A_237, %add3A_344 : i32
        %swap3A_346 = arith.index_cast %add3A_345 : i32 to index
        %swap3A_347 = arith.constant 16 : index
        %swap3A_348 = tpu.vector_load %arg18[%swap3A_346, %swap3A_347] {strides = array<i32>} : memref<128x128xf32, #tpu.memory_space<vmem>>, vector<16xf32>,
        tpu.vector_store %arg18[%swap3A_346, %swap3A_347], %mul3A_343 {strides = array<i32>} : memref<128x128xf32, #tpu.memory_space<vmem>>, vector<16xf32>,
        %add3A_349 = arith.constant 3 : i32
        %add3A_350 = arith.addi %mul3A_237, %add3A_349 : i32
        %get3A_351 = arith.index_cast %add3A_350 : i32 to index
        %get3A_352 = arith.constant 16 : index
        %get3A_353 = tpu.vector_load %arg18[%get3A_351, %get3A_352] {strides = array<i32>} : memref<128x128xf32, #tpu.memory_space<vmem>>, vector<16xf32>,
        %mul3A_354 = arith.mulf %get3A_353, %gather3A_273 : vector<16xf32>
        %add3A_355 = arith.constant 3 : i32
        %add3A_356 = arith.addi %mul3A_237, %add3A_355 : i32
        %swap3A_357 = arith.index_cast %add3A_356 : i32 to index
        %swap3A_358 = arith.constant 16 : index
        %swap3A_359 = tpu.vector_load %arg18[%swap3A_357, %swap3A_358] {strides = array<i32>} : memref<128x128xf32, #tpu.memory_space<vmem>>, vector<16xf32>,
        tpu.vector_store %arg18[%swap3A_357, %swap3A_358], %mul3A_354 {strides = array<i32>} : memref<128x128xf32, #tpu.memory_space<vmem>>, vector<16xf32>,
        %add3A_360 = arith.constant 0 : i32
        %add3A_361 = arith.addi %mul3A_237, %add3A_360 : i32
        %get3A_362 = arith.index_cast %add3A_361 : i32 to index
        %get3A_363 = arith.constant 32 : index
        %get3A_364 = tpu.vector_load %arg18[%get3A_362, %get3A_363] {strides = array<i32>} : memref<128x128xf32, #tpu.memory_space<vmem>>, vector<16xf32>,
        %mul3A_365 = arith.mulf %get3A_364, %gather3A : vector<16xf32>
        %add3A_366 = arith.constant 0 : i32
        %add3A_367 = arith.addi %mul3A_237, %add3A_366 : i32
        %swap3A_368 = arith.index_cast %add3A_367 : i32 to index
        %swap3A_369 = arith.constant 32 : index
        %swap3A_370 = tpu.vector_load %arg18[%swap3A_368, %swap3A_369] {strides = array<i32>} : memref<128x128xf32, #tpu.memory_space<vmem>>, vector<16xf32>,
        tpu.vector_store %arg18[%swap3A_368, %swap3A_369], %mul3A_365 {strides = array<i32>} : memref<128x128xf32, #tpu.memory_space<vmem>>, vector<16xf32>,
        %add3A_371 = arith.constant 1 : i32
        %add3A_372 = arith.addi %mul3A_237, %add3A_371 : i32
        %get3A_373 = arith.index_cast %add3A_372 : i32 to index
        %get3A_374 = arith.constant 32 : index
        %get3A_375 = tpu.vector_load %arg18[%get3A_373, %get3A_374] {strides = array<i32>} : memref<128x128xf32, #tpu.memory_space<vmem>>, vector<16xf32>,
        %mul3A_376 = arith.mulf %get3A_375, %gather3A_255 : vector<16xf32>
        %add3A_377 = arith.constant 1 : i32
        %add3A_378 = arith.addi %mul3A_237, %add3A_377 : i32
        %swap3A_379 = arith.index_cast %add3A_378 : i32 to index
        %swap3A_380 = arith.constant 32 : index
        %swap3A_381 = tpu.vector_load %arg18[%swap3A_379, %swap3A_380] {strides = array<i32>} : memref<128x128xf32, #tpu.memory_space<vmem>>, vector<16xf32>,
        tpu.vector_store %arg18[%swap3A_379, %swap3A_380], %mul3A_376 {strides = array<i32>} : memref<128x128xf32, #tpu.memory_space<vmem>>, vector<16xf32>,
        %add3A_382 = arith.constant 2 : i32
        %add3A_383 = arith.addi %mul3A_237, %add3A_382 : i32
        %get3A_384 = arith.index_cast %add3A_383 : i32 to index
        %get3A_385 = arith.constant 32 : index
        %get3A_386 = tpu.vector_load %arg18[%get3A_384, %get3A_385] {strides = array<i32>} : memref<128x128xf32, #tpu.memory_space<vmem>>, vector<16xf32>,
        %mul3A_387 = arith.mulf %get3A_386, %gather3A_264 : vector<16xf32>
        %add3A_388 = arith.constant 2 : i32
        %add3A_389 = arith.addi %mul3A_237, %add3A_388 : i32
        %swap3A_390 = arith.index_cast %add3A_389 : i32 to index
        %swap3A_391 = arith.constant 32 : index
        %swap3A_392 = tpu.vector_load %arg18[%swap3A_390, %swap3A_391] {strides = array<i32>} : memref<128x128xf32, #tpu.memory_space<vmem>>, vector<16xf32>,
        tpu.vector_store %arg18[%swap3A_390, %swap3A_391], %mul3A_387 {strides = array<i32>} : memref<128x128xf32, #tpu.memory_space<vmem>>, vector<16xf32>,
        %add3A_393 = arith.constant 3 : i32
        %add3A_394 = arith.addi %mul3A_237, %add3A_393 : i32
        %get3A_395 = arith.index_cast %add3A_394 : i32 to index
        %get3A_396 = arith.constant 32 : index
        %get3A_397 = tpu.vector_load %arg18[%get3A_395, %get3A_396] {strides = array<i32>} : memref<128x128xf32, #tpu.memory_space<vmem>>, vector<16xf32>,
        %mul3A_398 = arith.mulf %get3A_397, %gather3A_273 : vector<16xf32>
        %add3A_399 = arith.constant 3 : i32
        %add3A_400 = arith.addi %mul3A_237, %add3A_399 : i32
        %swap3A_401 = arith.index_cast %add3A_400 : i32 to index
        %swap3A_402 = arith.constant 32 : index
        %swap3A_403 = tpu.vector_load %arg18[%swap3A_401, %swap3A_402] {strides = array<i32>} : memref<128x128xf32, #tpu.memory_space<vmem>>, vector<16xf32>,
        tpu.vector_store %arg18[%swap3A_401, %swap3A_402], %mul3A_398 {strides = array<i32>} : memref<128x128xf32, #tpu.memory_space<vmem>>, vector<16xf32>,
        %add3A_404 = arith.constant 0 : i32
        %add3A_405 = arith.addi %mul3A_237, %add3A_404 : i32
        %get3A_406 = arith.index_cast %add3A_405 : i32 to index
        %get3A_407 = arith.constant 48 : index
        %get3A_408 = tpu.vector_load %arg18[%get3A_406, %get3A_407] {strides = array<i32>} : memref<128x128xf32, #tpu.memory_space<vmem>>, vector<16xf32>,
        %mul3A_409 = arith.mulf %get3A_408, %gather3A : vector<16xf32>
        %add3A_410 = arith.constant 0 : i32
        %add3A_411 = arith.addi %mul3A_237, %add3A_410 : i32
        %swap3A_412 = arith.index_cast %add3A_411 : i32 to index
        %swap3A_413 = arith.constant 48 : index
        %swap3A_414 = tpu.vector_load %arg18[%swap3A_412, %swap3A_413] {strides = array<i32>} : memref<128x128xf32, #tpu.memory_space<vmem>>, vector<16xf32>,
        tpu.vector_store %arg18[%swap3A_412, %swap3A_413], %mul3A_409 {strides = array<i32>} : memref<128x128xf32, #tpu.memory_space<vmem>>, vector<16xf32>,
        %add3A_415 = arith.constant 1 : i32
        %add3A_416 = arith.addi %mul3A_237, %add3A_415 : i32
        %get3A_417 = arith.index_cast %add3A_416 : i32 to index
        %get3A_418 = arith.constant 48 : index
        %get3A_419 = tpu.vector_load %arg18[%get3A_417, %get3A_418] {strides = array<i32>} : memref<128x128xf32, #tpu.memory_space<vmem>>, vector<16xf32>,
        %mul3A_420 = arith.mulf %get3A_419, %gather3A_255 : vector<16xf32>
        %add3A_421 = arith.constant 1 : i32
        %add3A_422 = arith.addi %mul3A_237, %add3A_421 : i32
        %swap3A_423 = arith.index_cast %add3A_422 : i32 to index
        %swap3A_424 = arith.constant 48 : index
        %swap3A_425 = tpu.vector_load %arg18[%swap3A_423, %swap3A_424] {strides = array<i32>} : memref<128x128xf32, #tpu.memory_space<vmem>>, vector<16xf32>,
        tpu.vector_store %arg18[%swap3A_423, %swap3A_424], %mul3A_420 {strides = array<i32>} : memref<128x128xf32, #tpu.memory_space<vmem>>, vector<16xf32>,
        %add3A_426 = arith.constant 2 : i32
        %add3A_427 = arith.addi %mul3A_237, %add3A_426 : i32
        %get3A_428 = arith.index_cast %add3A_427 : i32 to index
        %get3A_429 = arith.constant 48 : index
        %get3A_430 = tpu.vector_load %arg18[%get3A_428, %get3A_429] {strides = array<i32>} : memref<128x128xf32, #tpu.memory_space<vmem>>, vector<16xf32>,
        %mul3A_431 = arith.mulf %get3A_430, %gather3A_264 : vector<16xf32>
        %add3A_432 = arith.constant 2 : i32
        %add3A_433 = arith.addi %mul3A_237, %add3A_432 : i32
        %swap3A_434 = arith.index_cast %add3A_433 : i32 to index
        %swap3A_435 = arith.constant 48 : index
        %swap3A_436 = tpu.vector_load %arg18[%swap3A_434, %swap3A_435] {strides = array<i32>} : memref<128x128xf32, #tpu.memory_space<vmem>>, vector<16xf32>,
        tpu.vector_store %arg18[%swap3A_434, %swap3A_435], %mul3A_431 {strides = array<i32>} : memref<128x128xf32, #tpu.memory_space<vmem>>, vector<16xf32>,
        %add3A_437 = arith.constant 3 : i32
        %add3A_438 = arith.addi %mul3A_237, %add3A_437 : i32
        %get3A_439 = arith.index_cast %add3A_438 : i32 to index
        %get3A_440 = arith.constant 48 : index
        %get3A_441 = tpu.vector_load %arg18[%get3A_439, %get3A_440] {strides = array<i32>} : memref<128x128xf32, #tpu.memory_space<vmem>>, vector<16xf32>,
        %mul3A_442 = arith.mulf %get3A_441, %gather3A_273 : vector<16xf32>
        %add3A_443 = arith.constant 3 : i32
        %add3A_444 = arith.addi %mul3A_237, %add3A_443 : i32
        %swap3A_445 = arith.index_cast %add3A_444 : i32 to index
        %swap3A_446 = arith.constant 48 : index
        %swap3A_447 = tpu.vector_load %arg18[%swap3A_445, %swap3A_446] {strides = array<i32>} : memref<128x128xf32, #tpu.memory_space<vmem>>, vector<16xf32>,
        tpu.vector_store %arg18[%swap3A_445, %swap3A_446], %mul3A_442 {strides = array<i32>} : memref<128x128xf32, #tpu.memory_space<vmem>>, vector<16xf32>,
        %add3A_448 = arith.constant 0 : i32
        %add3A_449 = arith.addi %mul3A_237, %add3A_448 : i32
        %get3A_450 = arith.index_cast %add3A_449 : i32 to index
        %get3A_451 = arith.constant 64 : index
        %get3A_452 = tpu.vector_load %arg18[%get3A_450, %get3A_451] {strides = array<i32>} : memref<128x128xf32, #tpu.memory_space<vmem>>, vector<16xf32>,
        %mul3A_453 = arith.mulf %get3A_452, %gather3A : vector<16xf32>
        %add3A_454 = arith.constant 0 : i32
        %add3A_455 = arith.addi %mul3A_237, %add3A_454 : i32
        %swap3A_456 = arith.index_cast %add3A_455 : i32 to index
        %swap3A_457 = arith.constant 64 : index
        %swap3A_458 = tpu.vector_load %arg18[%swap3A_456, %swap3A_457] {strides = array<i32>} : memref<128x128xf32, #tpu.memory_space<vmem>>, vector<16xf32>,
        tpu.vector_store %arg18[%swap3A_456, %swap3A_457], %mul3A_453 {strides = array<i32>} : memref<128x128xf32, #tpu.memory_space<vmem>>, vector<16xf32>,
        %add3A_459 = arith.constant 1 : i32
        %add3A_460 = arith.addi %mul3A_237, %add3A_459 : i32
        %get3A_461 = arith.index_cast %add3A_460 : i32 to index
        %get3A_462 = arith.constant 64 : index
        %get3A_463 = tpu.vector_load %arg18[%get3A_461, %get3A_462] {strides = array<i32>} : memref<128x128xf32, #tpu.memory_space<vmem>>, vector<16xf32>,
        %mul3A_464 = arith.mulf %get3A_463, %gather3A_255 : vector<16xf32>
        %add3A_465 = arith.constant 1 : i32
        %add3A_466 = arith.addi %mul3A_237, %add3A_465 : i32
        %swap3A_467 = arith.index_cast %add3A_466 : i32 to index
        %swap3A_468 = arith.constant 64 : index
        %swap3A_469 = tpu.vector_load %arg18[%swap3A_467, %swap3A_468] {strides = array<i32>} : memref<128x128xf32, #tpu.memory_space<vmem>>, vector<16xf32>,
        tpu.vector_store %arg18[%swap3A_467, %swap3A_468], %mul3A_464 {strides = array<i32>} : memref<128x128xf32, #tpu.memory_space<vmem>>, vector<16xf32>,
        %add3A_470 = arith.constant 2 : i32
        %add3A_471 = arith.addi %mul3A_237, %add3A_470 : i32
        %get3A_472 = arith.index_cast %add3A_471 : i32 to index
        %get3A_473 = arith.constant 64 : index
        %get3A_474 = tpu.vector_load %arg18[%get3A_472, %get3A_473] {strides = array<i32>} : memref<128x128xf32, #tpu.memory_space<vmem>>, vector<16xf32>,
        %mul3A_475 = arith.mulf %get3A_474, %gather3A_264 : vector<16xf32>
        %add3A_476 = arith.constant 2 : i32
        %add3A_477 = arith.addi %mul3A_237, %add3A_476 : i32
        %swap3A_478 = arith.index_cast %add3A_477 : i32 to index
        %swap3A_479 = arith.constant 64 : index
        %swap3A_480 = tpu.vector_load %arg18[%swap3A_478, %swap3A_479] {strides = array<i32>} : memref<128x128xf32, #tpu.memory_space<vmem>>, vector<16xf32>,
        tpu.vector_store %arg18[%swap3A_478, %swap3A_479], %mul3A_475 {strides = array<i32>} : memref<128x128xf32, #tpu.memory_space<vmem>>, vector<16xf32>,
        %add3A_481 = arith.constant 3 : i32
        %add3A_482 = arith.addi %mul3A_237, %add3A_481 : i32
        %get3A_483 = arith.index_cast %add3A_482 : i32 to index
        %get3A_484 = arith.constant 64 : index
        %get3A_485 = tpu.vector_load %arg18[%get3A_483, %get3A_484] {strides = array<i32>} : memref<128x128xf32, #tpu.memory_space<vmem>>, vector<16xf32>,
        %mul3A_486 = arith.mulf %get3A_485, %gather3A_273 : vector<16xf32>
        %add3A_487 = arith.constant 3 : i32
        %add3A_488 = arith.addi %mul3A_237, %add3A_487 : i32
        %swap3A_489 = arith.index_cast %add3A_488 : i32 to index
        %swap3A_490 = arith.constant 64 : index
        %swap3A_491 = tpu.vector_load %arg18[%swap3A_489, %swap3A_490] {strides = array<i32>} : memref<128x128xf32, #tpu.memory_space<vmem>>, vector<16xf32>,
        tpu.vector_store %arg18[%swap3A_489, %swap3A_490], %mul3A_486 {strides = array<i32>} : memref<128x128xf32, #tpu.memory_space<vmem>>, vector<16xf32>,
        %add3A_492 = arith.constant 0 : i32
        %add3A_493 = arith.addi %mul3A_237, %add3A_492 : i32
        %get3A_494 = arith.index_cast %add3A_493 : i32 to index
        %get3A_495 = arith.constant 80 : index
        %get3A_496 = tpu.vector_load %arg18[%get3A_494, %get3A_495] {strides = array<i32>} : memref<128x128xf32, #tpu.memory_space<vmem>>, vector<16xf32>,
        %mul3A_497 = arith.mulf %get3A_496, %gather3A : vector<16xf32>
        %add3A_498 = arith.constant 0 : i32
        %add3A_499 = arith.addi %mul3A_237, %add3A_498 : i32
        %swap3A_500 = arith.index_cast %add3A_499 : i32 to index
        %swap3A_501 = arith.constant 80 : index
        %swap3A_502 = tpu.vector_load %arg18[%swap3A_500, %swap3A_501] {strides = array<i32>} : memref<128x128xf32, #tpu.memory_space<vmem>>, vector<16xf32>,
        tpu.vector_store %arg18[%swap3A_500, %swap3A_501], %mul3A_497 {strides = array<i32>} : memref<128x128xf32, #tpu.memory_space<vmem>>, vector<16xf32>,
        %add3A_503 = arith.constant 1 : i32
        %add3A_504 = arith.addi %mul3A_237, %add3A_503 : i32
        %get3A_505 = arith.index_cast %add3A_504 : i32 to index
        %get3A_506 = arith.constant 80 : index
        %get3A_507 = tpu.vector_load %arg18[%get3A_505, %get3A_506] {strides = array<i32>} : memref<128x128xf32, #tpu.memory_space<vmem>>, vector<16xf32>,
        %mul3A_508 = arith.mulf %get3A_507, %gather3A_255 : vector<16xf32>
        %add3A_509 = arith.constant 1 : i32
        %add3A_510 = arith.addi %mul3A_237, %add3A_509 : i32
        %swap3A_511 = arith.index_cast %add3A_510 : i32 to index
        %swap3A_512 = arith.constant 80 : index
        %swap3A_513 = tpu.vector_load %arg18[%swap3A_511, %swap3A_512] {strides = array<i32>} : memref<128x128xf32, #tpu.memory_space<vmem>>, vector<16xf32>,
        tpu.vector_store %arg18[%swap3A_511, %swap3A_512], %mul3A_508 {strides = array<i32>} : memref<128x128xf32, #tpu.memory_space<vmem>>, vector<16xf32>,
        %add3A_514 = arith.constant 2 : i32
        %add3A_515 = arith.addi %mul3A_237, %add3A_514 : i32
        %get3A_516 = arith.index_cast %add3A_515 : i32 to index
        %get3A_517 = arith.constant 80 : index
        %get3A_518 = tpu.vector_load %arg18[%get3A_516, %get3A_517] {strides = array<i32>} : memref<128x128xf32, #tpu.memory_space<vmem>>, vector<16xf32>,
        %mul3A_519 = arith.mulf %get3A_518, %gather3A_264 : vector<16xf32>
        %add3A_520 = arith.constant 2 : i32
        %add3A_521 = arith.addi %mul3A_237, %add3A_520 : i32
        %swap3A_522 = arith.index_cast %add3A_521 : i32 to index
        %swap3A_523 = arith.constant 80 : index
        %swap3A_524 = tpu.vector_load %arg18[%swap3A_522, %swap3A_523] {strides = array<i32>} : memref<128x128xf32, #tpu.memory_space<vmem>>, vector<16xf32>,
        tpu.vector_store %arg18[%swap3A_522, %swap3A_523], %mul3A_519 {strides = array<i32>} : memref<128x128xf32, #tpu.memory_space<vmem>>, vector<16xf32>,
        %add3A_525 = arith.constant 3 : i32
        %add3A_526 = arith.addi %mul3A_237, %add3A_525 : i32
        %get3A_527 = arith.index_cast %add3A_526 : i32 to index
        %get3A_528 = arith.constant 80 : index
        %get3A_529 = tpu.vector_load %arg18[%get3A_527, %get3A_528] {strides = array<i32>} : memref<128x128xf32, #tpu.memory_space<vmem>>, vector<16xf32>,
        %mul3A_530 = arith.mulf %get3A_529, %gather3A_273 : vector<16xf32>
        %add3A_531 = arith.constant 3 : i32
        %add3A_532 = arith.addi %mul3A_237, %add3A_531 : i32
        %swap3A_533 = arith.index_cast %add3A_532 : i32 to index
        %swap3A_534 = arith.constant 80 : index
        %swap3A_535 = tpu.vector_load %arg18[%swap3A_533, %swap3A_534] {strides = array<i32>} : memref<128x128xf32, #tpu.memory_space<vmem>>, vector<16xf32>,
        tpu.vector_store %arg18[%swap3A_533, %swap3A_534], %mul3A_530 {strides = array<i32>} : memref<128x128xf32, #tpu.memory_space<vmem>>, vector<16xf32>,
        %add3A_536 = arith.constant 0 : i32
        %add3A_537 = arith.addi %mul3A_237, %add3A_536 : i32
        %get3A_538 = arith.index_cast %add3A_537 : i32 to index
        %get3A_539 = arith.constant 96 : index
        %get3A_540 = tpu.vector_load %arg18[%get3A_538, %get3A_539] {strides = array<i32>} : memref<128x128xf32, #tpu.memory_space<vmem>>, vector<16xf32>,
        %mul3A_541 = arith.mulf %get3A_540, %gather3A : vector<16xf32>
        %add3A_542 = arith.constant 0 : i32
        %add3A_543 = arith.addi %mul3A_237, %add3A_542 : i32
        %swap3A_544 = arith.index_cast %add3A_543 : i32 to index
        %swap3A_545 = arith.constant 96 : index
        %swap3A_546 = tpu.vector_load %arg18[%swap3A_544, %swap3A_545] {strides = array<i32>} : memref<128x128xf32, #tpu.memory_space<vmem>>, vector<16xf32>,
        tpu.vector_store %arg18[%swap3A_544, %swap3A_545], %mul3A_541 {strides = array<i32>} : memref<128x128xf32, #tpu.memory_space<vmem>>, vector<16xf32>,
        %add3A_547 = arith.constant 1 : i32
        %add3A_548 = arith.addi %mul3A_237, %add3A_547 : i32
        %get3A_549 = arith.index_cast %add3A_548 : i32 to index
        %get3A_550 = arith.constant 96 : index
        %get3A_551 = tpu.vector_load %arg18[%get3A_549, %get3A_550] {strides = array<i32>} : memref<128x128xf32, #tpu.memory_space<vmem>>, vector<16xf32>,
        %mul3A_552 = arith.mulf %get3A_551, %gather3A_255 : vector<16xf32>
        %add3A_553 = arith.constant 1 : i32
        %add3A_554 = arith.addi %mul3A_237, %add3A_553 : i32
        %swap3A_555 = arith.index_cast %add3A_554 : i32 to index
        %swap3A_556 = arith.constant 96 : index
        %swap3A_557 = tpu.vector_load %arg18[%swap3A_555, %swap3A_556] {strides = array<i32>} : memref<128x128xf32, #tpu.memory_space<vmem>>, vector<16xf32>,
        tpu.vector_store %arg18[%swap3A_555, %swap3A_556], %mul3A_552 {strides = array<i32>} : memref<128x128xf32, #tpu.memory_space<vmem>>, vector<16xf32>,
        %add3A_558 = arith.constant 2 : i32
        %add3A_559 = arith.addi %mul3A_237, %add3A_558 : i32
        %get3A_560 = arith.index_cast %add3A_559 : i32 to index
        %get3A_561 = arith.constant 96 : index
        %get3A_562 = tpu.vector_load %arg18[%get3A_560, %get3A_561] {strides = array<i32>} : memref<128x128xf32, #tpu.memory_space<vmem>>, vector<16xf32>,
        %mul3A_563 = arith.mulf %get3A_562, %gather3A_264 : vector<16xf32>
        %add3A_564 = arith.constant 2 : i32
        %add3A_565 = arith.addi %mul3A_237, %add3A_564 : i32
        %swap3A_566 = arith.index_cast %add3A_565 : i32 to index
        %swap3A_567 = arith.constant 96 : index
        %swap3A_568 = tpu.vector_load %arg18[%swap3A_566, %swap3A_567] {strides = array<i32>} : memref<128x128xf32, #tpu.memory_space<vmem>>, vector<16xf32>,
        tpu.vector_store %arg18[%swap3A_566, %swap3A_567], %mul3A_563 {strides = array<i32>} : memref<128x128xf32, #tpu.memory_space<vmem>>, vector<16xf32>,
        %add3A_569 = arith.constant 3 : i32
        %add3A_570 = arith.addi %mul3A_237, %add3A_569 : i32
        %get3A_571 = arith.index_cast %add3A_570 : i32 to index
        %get3A_572 = arith.constant 96 : index
        %get3A_573 = tpu.vector_load %arg18[%get3A_571, %get3A_572] {strides = array<i32>} : memref<128x128xf32, #tpu.memory_space<vmem>>, vector<16xf32>,
        %mul3A_574 = arith.mulf %get3A_573, %gather3A_273 : vector<16xf32>
        %add3A_575 = arith.constant 3 : i32
        %add3A_576 = arith.addi %mul3A_237, %add3A_575 : i32
        %swap3A_577 = arith.index_cast %add3A_576 : i32 to index
        %swap3A_578 = arith.constant 96 : index
        %swap3A_579 = tpu.vector_load %arg18[%swap3A_577, %swap3A_578] {strides = array<i32>} : memref<128x128xf32, #tpu.memory_space<vmem>>, vector<16xf32>,
        tpu.vector_store %arg18[%swap3A_577, %swap3A_578], %mul3A_574 {strides = array<i32>} : memref<128x128xf32, #tpu.memory_space<vmem>>, vector<16xf32>,
        %add3A_580 = arith.constant 0 : i32
        %add3A_581 = arith.addi %mul3A_237, %add3A_580 : i32
        %get3A_582 = arith.index_cast %add3A_581 : i32 to index
        %get3A_583 = arith.constant 112 : index
        %get3A_584 = tpu.vector_load %arg18[%get3A_582, %get3A_583] {strides = array<i32>} : memref<128x128xf32, #tpu.memory_space<vmem>>, vector<16xf32>,
        %mul3A_585 = arith.mulf %get3A_584, %gather3A : vector<16xf32>
        %add3A_586 = arith.constant 0 : i32
        %add3A_587 = arith.addi %mul3A_237, %add3A_586 : i32
        %swap3A_588 = arith.index_cast %add3A_587 : i32 to index
        %swap3A_589 = arith.constant 112 : index
        %swap3A_590 = tpu.vector_load %arg18[%swap3A_588, %swap3A_589] {strides = array<i32>} : memref<128x128xf32, #tpu.memory_space<vmem>>, vector<16xf32>,
        tpu.vector_store %arg18[%swap3A_588, %swap3A_589], %mul3A_585 {strides = array<i32>} : memref<128x128xf32, #tpu.memory_space<vmem>>, vector<16xf32>,
        %add3A_591 = arith.constant 1 : i32
        %add3A_592 = arith.addi %mul3A_237, %add3A_591 : i32
        %get3A_593 = arith.index_cast %add3A_592 : i32 to index
        %get3A_594 = arith.constant 112 : index
        %get3A_595 = tpu.vector_load %arg18[%get3A_593, %get3A_594] {strides = array<i32>} : memref<128x128xf32, #tpu.memory_space<vmem>>, vector<16xf32>,
        %mul3A_596 = arith.mulf %get3A_595, %gather3A_255 : vector<16xf32>
        %add3A_597 = arith.constant 1 : i32
        %add3A_598 = arith.addi %mul3A_237, %add3A_597 : i32
        %swap3A_599 = arith.index_cast %add3A_598 : i32 to index
        %swap3A_600 = arith.constant 112 : index
        %swap3A_601 = tpu.vector_load %arg18[%swap3A_599, %swap3A_600] {strides = array<i32>} : memref<128x128xf32, #tpu.memory_space<vmem>>, vector<16xf32>,
        tpu.vector_store %arg18[%swap3A_599, %swap3A_600], %mul3A_596 {strides = array<i32>} : memref<128x128xf32, #tpu.memory_space<vmem>>, vector<16xf32>,
        %add3A_602 = arith.constant 2 : i32
        %add3A_603 = arith.addi %mul3A_237, %add3A_602 : i32
        %get3A_604 = arith.index_cast %add3A_603 : i32 to index
        %get3A_605 = arith.constant 112 : index
        %get3A_606 = tpu.vector_load %arg18[%get3A_604, %get3A_605] {strides = array<i32>} : memref<128x128xf32, #tpu.memory_space<vmem>>, vector<16xf32>,
        %mul3A_607 = arith.mulf %get3A_606, %gather3A_264 : vector<16xf32>
        %add3A_608 = arith.constant 2 : i32
        %add3A_609 = arith.addi %mul3A_237, %add3A_608 : i32
        %swap3A_610 = arith.index_cast %add3A_609 : i32 to index
        %swap3A_611 = arith.constant 112 : index
        %swap3A_612 = tpu.vector_load %arg18[%swap3A_610, %swap3A_611] {strides = array<i32>} : memref<128x128xf32, #tpu.memory_space<vmem>>, vector<16xf32>,
        tpu.vector_store %arg18[%swap3A_610, %swap3A_611], %mul3A_607 {strides = array<i32>} : memref<128x128xf32, #tpu.memory_space<vmem>>, vector<16xf32>,
        %add3A_613 = arith.constant 3 : i32
        %add3A_614 = arith.addi %mul3A_237, %add3A_613 : i32
        %get3A_615 = arith.index_cast %add3A_614 : i32 to index
        %get3A_616 = arith.constant 112 : index
        %get3A_617 = tpu.vector_load %arg18[%get3A_615, %get3A_616] {strides = array<i32>} : memref<128x128xf32, #tpu.memory_space<vmem>>, vector<16xf32>,
        %mul3A_618 = arith.mulf %get3A_617, %gather3A_273 : vector<16xf32>
        %add3A_619 = arith.constant 3 : i32
        %add3A_620 = arith.addi %mul3A_237, %add3A_619 : i32
        %swap3A_621 = arith.index_cast %add3A_620 : i32 to index
        %swap3A_622 = arith.constant 112 : index
        %swap3A_623 = tpu.vector_load %arg18[%swap3A_621, %swap3A_622] {strides = array<i32>} : memref<128x128xf32, #tpu.memory_space<vmem>>, vector<16xf32>,
        tpu.vector_store %arg18[%swap3A_621, %swap3A_622], %mul3A_618 {strides = array<i32>} : memref<128x128xf32, #tpu.memory_space<vmem>>, vector<16xf32>,
      }
      %scan3A_113 = arith.constant 32 : i32
      %run_scoped3A_114 = arith.constant 1 : i32
      "tpu.region"() ({
        %run_scoped3A_235 = tpu.sem_alloc : memref<!tpu.dma_semaphore, #tpu.memory_space<semaphore_mem>>
        %dma_start3A_236 = arith.constant 0 : i32
        %dma_start3A_237 = tpu.memref_slice %arg13[%run_scoped3A_114, %dma_start3A_236] : memref<8x128xi32, #tpu.memory_space<vmem>> -> memref<1x128xi32, #tpu.memory_space<vmem>>
        %dma_start3A_238 = tpu.memref_squeeze %dma_start3A_237 : memref<1x128xi32, #tpu.memory_space<vmem>> -> memref<128xi32, #tpu.memory_space<vmem>>
        %dma_start3A_239 = arith.constant 0 : i32
        %dma_start3A_240 = arith.constant 0 : i32
        %dma_start3A_241 = tpu.memref_slice %arg10[%dma_start3A_239, %dma_start3A_240] : memref<10000x128xf32, #tpu.memory_space<vmem_shared>> -> memref<10000x128xf32, #tpu.memory_space<vmem_shared>>
        tpu.enqueue_indirect_dma source(%arg18 : memref<128x128xf32, #tpu.memory_space<vmem>>) target(%dma_start3A_241 : memref<10000x128xf32, #tpu.memory_space<vmem_shared>>) offsets(%dma_start3A_238 : memref<128xi32, #tpu.memory_space<vmem>>) semaphore(%run_scoped3A_235 : memref<!tpu.dma_semaphore, #tpu.memory_space<semaphore_mem>>) {add = true}
        %dma_wait3A_242 = arith.constant 0 : i32
        %dma_wait3A_243 = tpu.memref_slice %arg13[%run_scoped3A_114, %dma_wait3A_242] : memref<8x128xi32, #tpu.memory_space<vmem>> -> memref<1x128xi32, #tpu.memory_space<vmem>>
        %dma_wait3A_244 = tpu.memref_squeeze %dma_wait3A_243 : memref<1x128xi32, #tpu.memory_space<vmem>> -> memref<128xi32, #tpu.memory_space<vmem>>
        %dma_wait3A_245 = arith.constant 0 : i32
        %dma_wait3A_246 = arith.constant 0 : i32
        %dma_wait3A_247 = tpu.memref_slice %arg10[%dma_wait3A_245, %dma_wait3A_246] : memref<10000x128xf32, #tpu.memory_space<vmem_shared>> -> memref<10000x128xf32, #tpu.memory_space<vmem_shared>>
        tpu.wait_indirect_dma semaphore(%run_scoped3A_235 : memref<!tpu.dma_semaphore, #tpu.memory_space<semaphore_mem>>) src(%arg18 : memref<128x128xf32, #tpu.memory_space<vmem>>) dst(%dma_wait3A_247 : memref<10000x128xf32, #tpu.memory_space<vmem_shared>>)
        tpu.yield
      }) : () -> ()
      %run_scoped3A_115 = arith.constant 1 : i32
      "tpu.region"() ({
        %run_scoped3A_235 = tpu.sem_alloc : memref<!tpu.dma_semaphore, #tpu.memory_space<semaphore_mem>>
        %dma_start3A_236 = arith.constant 128 : i32
        %dma_start3A_237 = tpu.memref_slice %arg16[%dma_start3A_236] : memref<1024xf32, #tpu.memory_space<vmem>> -> memref<128xf32, #tpu.memory_space<vmem>>
        %dma_start3A_238 = arith.constant 0 : i32
        %dma_start3A_239 = tpu.memref_slice %arg13[%run_scoped3A_115, %dma_start3A_238] : memref<8x128xi32, #tpu.memory_space<vmem>> -> memref<1x128xi32, #tpu.memory_space<vmem>>
        %dma_start3A_240 = tpu.memref_squeeze %dma_start3A_239 : memref<1x128xi32, #tpu.memory_space<vmem>> -> memref<128xi32, #tpu.memory_space<vmem>>
        %dma_start3A_241 = arith.constant 0 : i32
        %dma_start3A_242 = tpu.memref_slice %arg11[%dma_start3A_241] : memref<10240xf32, #tpu.memory_space<vmem_shared>> -> memref<10240xf32, #tpu.memory_space<vmem_shared>>
        tpu.enqueue_indirect_dma source(%dma_start3A_237 : memref<128xf32, #tpu.memory_space<vmem>>) target(%dma_start3A_242 : memref<10240xf32, #tpu.memory_space<vmem_shared>>) offsets(%dma_start3A_240 : memref<128xi32, #tpu.memory_space<vmem>>) semaphore(%run_scoped3A_235 : memref<!tpu.dma_semaphore, #tpu.memory_space<semaphore_mem>>) {add = true}
        %dma_wait3A_243 = arith.constant 128 : i32
        %dma_wait3A_244 = tpu.memref_slice %arg16[%dma_wait3A_243] : memref<1024xf32, #tpu.memory_space<vmem>> -> memref<128xf32, #tpu.memory_space<vmem>>
        %dma_wait3A_245 = arith.constant 0 : i32
        %dma_wait3A_246 = tpu.memref_slice %arg13[%run_scoped3A_115, %dma_wait3A_245] : memref<8x128xi32, #tpu.memory_space<vmem>> -> memref<1x128xi32, #tpu.memory_space<vmem>>
        %dma_wait3A_247 = tpu.memref_squeeze %dma_wait3A_246 : memref<1x128xi32, #tpu.memory_space<vmem>> -> memref<128xi32, #tpu.memory_space<vmem>>
        %dma_wait3A_248 = arith.constant 0 : i32
        %dma_wait3A_249 = tpu.memref_slice %arg11[%dma_wait3A_248] : memref<10240xf32, #tpu.memory_space<vmem_shared>> -> memref<10240xf32, #tpu.memory_space<vmem_shared>>
        tpu.wait_indirect_dma semaphore(%run_scoped3A_235 : memref<!tpu.dma_semaphore, #tpu.memory_space<semaphore_mem>>) src(%dma_wait3A_244 : memref<128xf32, #tpu.memory_space<vmem>>) dst(%dma_wait3A_249 : memref<10240xf32, #tpu.memory_space<vmem_shared>>)
        tpu.yield
      }) : () -> ()
      %dma_start3A_116 = arith.constant 3 : i32
      %dma_start3A_117 = arith.constant 0 : i32
      %dma_start3A_118 = tpu.memref_slice %arg15[%dma_start3A_116, %dma_start3A_117] : memref<8x128xi32, #tpu.memory_space<vmem>> -> memref<1x128xi32, #tpu.memory_space<vmem>>
      %dma_start3A_119 = tpu.memref_squeeze %dma_start3A_118 : memref<1x128xi32, #tpu.memory_space<vmem>> -> memref<128xi32, #tpu.memory_space<vmem>>
      %dma_start3A_120 = arith.constant 0 : i32
      %dma_start3A_121 = arith.constant 0 : i32
      %dma_start3A_122 = tpu.memref_slice %arg2[%dma_start3A_120, %dma_start3A_121] : memref<20000x128xf32, #tpu.memory_space<hbm>> -> memref<20000x128xf32, #tpu.memory_space<hbm>>
      tpu.enqueue_indirect_dma source(%dma_start3A_122 : memref<20000x128xf32, #tpu.memory_space<hbm>>) target(%arg18 : memref<128x128xf32, #tpu.memory_space<vmem>>) offsets(%dma_start3A_119 : memref<128xi32, #tpu.memory_space<vmem>>) semaphore(%arg20 : memref<!tpu.dma_semaphore, #tpu.memory_space<semaphore_mem>>)
      %dma_wait3A_123 = arith.constant 2 : i32
      %dma_wait3A_124 = arith.constant 0 : i32
      %dma_wait3A_125 = tpu.memref_slice %arg15[%dma_wait3A_123, %dma_wait3A_124] : memref<8x128xi32, #tpu.memory_space<vmem>> -> memref<1x128xi32, #tpu.memory_space<vmem>>
      %dma_wait3A_126 = tpu.memref_squeeze %dma_wait3A_125 : memref<1x128xi32, #tpu.memory_space<vmem>> -> memref<128xi32, #tpu.memory_space<vmem>>
      %dma_wait3A_127 = arith.constant 0 : i32
      %dma_wait3A_128 = arith.constant 0 : i32
      %dma_wait3A_129 = tpu.memref_slice %arg2[%dma_wait3A_127, %dma_wait3A_128] : memref<20000x128xf32, #tpu.memory_space<hbm>> -> memref<20000x128xf32, #tpu.memory_space<hbm>>
      tpu.wait_indirect_dma semaphore(%arg19 : memref<!tpu.dma_semaphore, #tpu.memory_space<semaphore_mem>>) src(%dma_wait3A_129 : memref<20000x128xf32, #tpu.memory_space<hbm>>) dst(%arg17 : memref<128x128xf32, #tpu.memory_space<vmem>>)
      %scan3A_130 = arith.constant 0 : i32
      %scan3A_131 = arith.constant 32 : i32
      %scan3A_132 = arith.addi %scan3A_130, %scan3A_131 : i32
      %scan3A_133 = arith.constant 1 : i32
      scf.for %scan3A_235 = %scan3A_130 to %scan3A_132 step %scan3A_133  : i32 {
        %mul3A_236 = arith.constant 4 : i32
        %mul3A_237 = arith.muli %scan3A_235, %mul3A_236 : i32
        %broadcast_in_dim3A = arith.constant 0 : i32
        %broadcast_in_dim3A_238 = vector.broadcast %broadcast_in_dim3A : i32 to vector<16xi32>
        %add3A_239 = arith.constant 256 : i32
        %add3A_240 = vector.broadcast %add3A_239 : i32 to vector<16xi32>
        %add3A_241 = arith.addi %broadcast_in_dim3A_238, %add3A_240 : vector<16xi32>
        %add3A_242 = vector.broadcast %mul3A_237 : i32 to vector<16xi32>
        %add3A_243 = arith.addi %add3A_241, %add3A_242 : vector<16xi32>
        %add3A_244 = arith.constant 0 : i32
        %add3A_245 = vector.broadcast %add3A_244 : i32 to vector<16xi32>
        %add3A_246 = arith.addi %add3A_243, %add3A_245 : vector<16xi32>
        %gather3A = tpu.vector_load_idx %arg16[%add3A_246] : memref<1024xf32, #tpu.memory_space<vmem>>[vector<16xi32>], vector<16xf32>,
        %add3A_247 = arith.constant 256 : i32
        %add3A_248 = vector.broadcast %add3A_247 : i32 to vector<16xi32>
        %add3A_249 = arith.addi %broadcast_in_dim3A_238, %add3A_248 : vector<16xi32>
        %add3A_250 = vector.broadcast %mul3A_237 : i32 to vector<16xi32>
        %add3A_251 = arith.addi %add3A_249, %add3A_250 : vector<16xi32>
        %add3A_252 = arith.constant 1 : i32
        %add3A_253 = vector.broadcast %add3A_252 : i32 to vector<16xi32>
        %add3A_254 = arith.addi %add3A_251, %add3A_253 : vector<16xi32>
        %gather3A_255 = tpu.vector_load_idx %arg16[%add3A_254] : memref<1024xf32, #tpu.memory_space<vmem>>[vector<16xi32>], vector<16xf32>,
        %add3A_256 = arith.constant 256 : i32
        %add3A_257 = vector.broadcast %add3A_256 : i32 to vector<16xi32>
        %add3A_258 = arith.addi %broadcast_in_dim3A_238, %add3A_257 : vector<16xi32>
        %add3A_259 = vector.broadcast %mul3A_237 : i32 to vector<16xi32>
        %add3A_260 = arith.addi %add3A_258, %add3A_259 : vector<16xi32>
        %add3A_261 = arith.constant 2 : i32
        %add3A_262 = vector.broadcast %add3A_261 : i32 to vector<16xi32>
        %add3A_263 = arith.addi %add3A_260, %add3A_262 : vector<16xi32>
        %gather3A_264 = tpu.vector_load_idx %arg16[%add3A_263] : memref<1024xf32, #tpu.memory_space<vmem>>[vector<16xi32>], vector<16xf32>,
        %add3A_265 = arith.constant 256 : i32
        %add3A_266 = vector.broadcast %add3A_265 : i32 to vector<16xi32>
        %add3A_267 = arith.addi %broadcast_in_dim3A_238, %add3A_266 : vector<16xi32>
        %add3A_268 = vector.broadcast %mul3A_237 : i32 to vector<16xi32>
        %add3A_269 = arith.addi %add3A_267, %add3A_268 : vector<16xi32>
        %add3A_270 = arith.constant 3 : i32
        %add3A_271 = vector.broadcast %add3A_270 : i32 to vector<16xi32>
        %add3A_272 = arith.addi %add3A_269, %add3A_271 : vector<16xi32>
        %gather3A_273 = tpu.vector_load_idx %arg16[%add3A_272] : memref<1024xf32, #tpu.memory_space<vmem>>[vector<16xi32>], vector<16xf32>,
        %add3A_274 = arith.constant 0 : i32
        %add3A_275 = arith.addi %mul3A_237, %add3A_274 : i32
        %get3A = arith.index_cast %add3A_275 : i32 to index
        %get3A_276 = arith.constant 0 : index
        %get3A_277 = tpu.vector_load %arg17[%get3A, %get3A_276] {strides = array<i32>} : memref<128x128xf32, #tpu.memory_space<vmem>>, vector<16xf32>,
        %mul3A_278 = arith.mulf %get3A_277, %gather3A : vector<16xf32>
        %add3A_279 = arith.constant 0 : i32
        %add3A_280 = arith.addi %mul3A_237, %add3A_279 : i32
        %swap3A = arith.index_cast %add3A_280 : i32 to index
        %swap3A_281 = arith.constant 0 : index
        %swap3A_282 = tpu.vector_load %arg17[%swap3A, %swap3A_281] {strides = array<i32>} : memref<128x128xf32, #tpu.memory_space<vmem>>, vector<16xf32>,
        tpu.vector_store %arg17[%swap3A, %swap3A_281], %mul3A_278 {strides = array<i32>} : memref<128x128xf32, #tpu.memory_space<vmem>>, vector<16xf32>,
        %add3A_283 = arith.constant 1 : i32
        %add3A_284 = arith.addi %mul3A_237, %add3A_283 : i32
        %get3A_285 = arith.index_cast %add3A_284 : i32 to index
        %get3A_286 = arith.constant 0 : index
        %get3A_287 = tpu.vector_load %arg17[%get3A_285, %get3A_286] {strides = array<i32>} : memref<128x128xf32, #tpu.memory_space<vmem>>, vector<16xf32>,
        %mul3A_288 = arith.mulf %get3A_287, %gather3A_255 : vector<16xf32>
        %add3A_289 = arith.constant 1 : i32
        %add3A_290 = arith.addi %mul3A_237, %add3A_289 : i32
        %swap3A_291 = arith.index_cast %add3A_290 : i32 to index
        %swap3A_292 = arith.constant 0 : index
        %swap3A_293 = tpu.vector_load %arg17[%swap3A_291, %swap3A_292] {strides = array<i32>} : memref<128x128xf32, #tpu.memory_space<vmem>>, vector<16xf32>,
        tpu.vector_store %arg17[%swap3A_291, %swap3A_292], %mul3A_288 {strides = array<i32>} : memref<128x128xf32, #tpu.memory_space<vmem>>, vector<16xf32>,
        %add3A_294 = arith.constant 2 : i32
        %add3A_295 = arith.addi %mul3A_237, %add3A_294 : i32
        %get3A_296 = arith.index_cast %add3A_295 : i32 to index
        %get3A_297 = arith.constant 0 : index
        %get3A_298 = tpu.vector_load %arg17[%get3A_296, %get3A_297] {strides = array<i32>} : memref<128x128xf32, #tpu.memory_space<vmem>>, vector<16xf32>,
        %mul3A_299 = arith.mulf %get3A_298, %gather3A_264 : vector<16xf32>
        %add3A_300 = arith.constant 2 : i32
        %add3A_301 = arith.addi %mul3A_237, %add3A_300 : i32
        %swap3A_302 = arith.index_cast %add3A_301 : i32 to index
        %swap3A_303 = arith.constant 0 : index
        %swap3A_304 = tpu.vector_load %arg17[%swap3A_302, %swap3A_303] {strides = array<i32>} : memref<128x128xf32, #tpu.memory_space<vmem>>, vector<16xf32>,
        tpu.vector_store %arg17[%swap3A_302, %swap3A_303], %mul3A_299 {strides = array<i32>} : memref<128x128xf32, #tpu.memory_space<vmem>>, vector<16xf32>,
        %add3A_305 = arith.constant 3 : i32
        %add3A_306 = arith.addi %mul3A_237, %add3A_305 : i32
        %get3A_307 = arith.index_cast %add3A_306 : i32 to index
        %get3A_308 = arith.constant 0 : index
        %get3A_309 = tpu.vector_load %arg17[%get3A_307, %get3A_308] {strides = array<i32>} : memref<128x128xf32, #tpu.memory_space<vmem>>, vector<16xf32>,
        %mul3A_310 = arith.mulf %get3A_309, %gather3A_273 : vector<16xf32>
        %add3A_311 = arith.constant 3 : i32
        %add3A_312 = arith.addi %mul3A_237, %add3A_311 : i32
        %swap3A_313 = arith.index_cast %add3A_312 : i32 to index
        %swap3A_314 = arith.constant 0 : index
        %swap3A_315 = tpu.vector_load %arg17[%swap3A_313, %swap3A_314] {strides = array<i32>} : memref<128x128xf32, #tpu.memory_space<vmem>>, vector<16xf32>,
        tpu.vector_store %arg17[%swap3A_313, %swap3A_314], %mul3A_310 {strides = array<i32>} : memref<128x128xf32, #tpu.memory_space<vmem>>, vector<16xf32>,
        %add3A_316 = arith.constant 0 : i32
        %add3A_317 = arith.addi %mul3A_237, %add3A_316 : i32
        %get3A_318 = arith.index_cast %add3A_317 : i32 to index
        %get3A_319 = arith.constant 16 : index
        %get3A_320 = tpu.vector_load %arg17[%get3A_318, %get3A_319] {strides = array<i32>} : memref<128x128xf32, #tpu.memory_space<vmem>>, vector<16xf32>,
        %mul3A_321 = arith.mulf %get3A_320, %gather3A : vector<16xf32>
        %add3A_322 = arith.constant 0 : i32
        %add3A_323 = arith.addi %mul3A_237, %add3A_322 : i32
        %swap3A_324 = arith.index_cast %add3A_323 : i32 to index
        %swap3A_325 = arith.constant 16 : index
        %swap3A_326 = tpu.vector_load %arg17[%swap3A_324, %swap3A_325] {strides = array<i32>} : memref<128x128xf32, #tpu.memory_space<vmem>>, vector<16xf32>,
        tpu.vector_store %arg17[%swap3A_324, %swap3A_325], %mul3A_321 {strides = array<i32>} : memref<128x128xf32, #tpu.memory_space<vmem>>, vector<16xf32>,
        %add3A_327 = arith.constant 1 : i32
        %add3A_328 = arith.addi %mul3A_237, %add3A_327 : i32
        %get3A_329 = arith.index_cast %add3A_328 : i32 to index
        %get3A_330 = arith.constant 16 : index
        %get3A_331 = tpu.vector_load %arg17[%get3A_329, %get3A_330] {strides = array<i32>} : memref<128x128xf32, #tpu.memory_space<vmem>>, vector<16xf32>,
        %mul3A_332 = arith.mulf %get3A_331, %gather3A_255 : vector<16xf32>
        %add3A_333 = arith.constant 1 : i32
        %add3A_334 = arith.addi %mul3A_237, %add3A_333 : i32
        %swap3A_335 = arith.index_cast %add3A_334 : i32 to index
        %swap3A_336 = arith.constant 16 : index
        %swap3A_337 = tpu.vector_load %arg17[%swap3A_335, %swap3A_336] {strides = array<i32>} : memref<128x128xf32, #tpu.memory_space<vmem>>, vector<16xf32>,
        tpu.vector_store %arg17[%swap3A_335, %swap3A_336], %mul3A_332 {strides = array<i32>} : memref<128x128xf32, #tpu.memory_space<vmem>>, vector<16xf32>,
        %add3A_338 = arith.constant 2 : i32
        %add3A_339 = arith.addi %mul3A_237, %add3A_338 : i32
        %get3A_340 = arith.index_cast %add3A_339 : i32 to index
        %get3A_341 = arith.constant 16 : index
        %get3A_342 = tpu.vector_load %arg17[%get3A_340, %get3A_341] {strides = array<i32>} : memref<128x128xf32, #tpu.memory_space<vmem>>, vector<16xf32>,
        %mul3A_343 = arith.mulf %get3A_342, %gather3A_264 : vector<16xf32>
        %add3A_344 = arith.constant 2 : i32
        %add3A_345 = arith.addi %mul3A_237, %add3A_344 : i32
        %swap3A_346 = arith.index_cast %add3A_345 : i32 to index
        %swap3A_347 = arith.constant 16 : index
        %swap3A_348 = tpu.vector_load %arg17[%swap3A_346, %swap3A_347] {strides = array<i32>} : memref<128x128xf32, #tpu.memory_space<vmem>>, vector<16xf32>,
        tpu.vector_store %arg17[%swap3A_346, %swap3A_347], %mul3A_343 {strides = array<i32>} : memref<128x128xf32, #tpu.memory_space<vmem>>, vector<16xf32>,
        %add3A_349 = arith.constant 3 : i32
        %add3A_350 = arith.addi %mul3A_237, %add3A_349 : i32
        %get3A_351 = arith.index_cast %add3A_350 : i32 to index
        %get3A_352 = arith.constant 16 : index
        %get3A_353 = tpu.vector_load %arg17[%get3A_351, %get3A_352] {strides = array<i32>} : memref<128x128xf32, #tpu.memory_space<vmem>>, vector<16xf32>,
        %mul3A_354 = arith.mulf %get3A_353, %gather3A_273 : vector<16xf32>
        %add3A_355 = arith.constant 3 : i32
        %add3A_356 = arith.addi %mul3A_237, %add3A_355 : i32
        %swap3A_357 = arith.index_cast %add3A_356 : i32 to index
        %swap3A_358 = arith.constant 16 : index
        %swap3A_359 = tpu.vector_load %arg17[%swap3A_357, %swap3A_358] {strides = array<i32>} : memref<128x128xf32, #tpu.memory_space<vmem>>, vector<16xf32>,
        tpu.vector_store %arg17[%swap3A_357, %swap3A_358], %mul3A_354 {strides = array<i32>} : memref<128x128xf32, #tpu.memory_space<vmem>>, vector<16xf32>,
        %add3A_360 = arith.constant 0 : i32
        %add3A_361 = arith.addi %mul3A_237, %add3A_360 : i32
        %get3A_362 = arith.index_cast %add3A_361 : i32 to index
        %get3A_363 = arith.constant 32 : index
        %get3A_364 = tpu.vector_load %arg17[%get3A_362, %get3A_363] {strides = array<i32>} : memref<128x128xf32, #tpu.memory_space<vmem>>, vector<16xf32>,
        %mul3A_365 = arith.mulf %get3A_364, %gather3A : vector<16xf32>
        %add3A_366 = arith.constant 0 : i32
        %add3A_367 = arith.addi %mul3A_237, %add3A_366 : i32
        %swap3A_368 = arith.index_cast %add3A_367 : i32 to index
        %swap3A_369 = arith.constant 32 : index
        %swap3A_370 = tpu.vector_load %arg17[%swap3A_368, %swap3A_369] {strides = array<i32>} : memref<128x128xf32, #tpu.memory_space<vmem>>, vector<16xf32>,
        tpu.vector_store %arg17[%swap3A_368, %swap3A_369], %mul3A_365 {strides = array<i32>} : memref<128x128xf32, #tpu.memory_space<vmem>>, vector<16xf32>,
        %add3A_371 = arith.constant 1 : i32
        %add3A_372 = arith.addi %mul3A_237, %add3A_371 : i32
        %get3A_373 = arith.index_cast %add3A_372 : i32 to index
        %get3A_374 = arith.constant 32 : index
        %get3A_375 = tpu.vector_load %arg17[%get3A_373, %get3A_374] {strides = array<i32>} : memref<128x128xf32, #tpu.memory_space<vmem>>, vector<16xf32>,
        %mul3A_376 = arith.mulf %get3A_375, %gather3A_255 : vector<16xf32>
        %add3A_377 = arith.constant 1 : i32
        %add3A_378 = arith.addi %mul3A_237, %add3A_377 : i32
        %swap3A_379 = arith.index_cast %add3A_378 : i32 to index
        %swap3A_380 = arith.constant 32 : index
        %swap3A_381 = tpu.vector_load %arg17[%swap3A_379, %swap3A_380] {strides = array<i32>} : memref<128x128xf32, #tpu.memory_space<vmem>>, vector<16xf32>,
        tpu.vector_store %arg17[%swap3A_379, %swap3A_380], %mul3A_376 {strides = array<i32>} : memref<128x128xf32, #tpu.memory_space<vmem>>, vector<16xf32>,
        %add3A_382 = arith.constant 2 : i32
        %add3A_383 = arith.addi %mul3A_237, %add3A_382 : i32
        %get3A_384 = arith.index_cast %add3A_383 : i32 to index
        %get3A_385 = arith.constant 32 : index
        %get3A_386 = tpu.vector_load %arg17[%get3A_384, %get3A_385] {strides = array<i32>} : memref<128x128xf32, #tpu.memory_space<vmem>>, vector<16xf32>,
        %mul3A_387 = arith.mulf %get3A_386, %gather3A_264 : vector<16xf32>
        %add3A_388 = arith.constant 2 : i32
        %add3A_389 = arith.addi %mul3A_237, %add3A_388 : i32
        %swap3A_390 = arith.index_cast %add3A_389 : i32 to index
        %swap3A_391 = arith.constant 32 : index
        %swap3A_392 = tpu.vector_load %arg17[%swap3A_390, %swap3A_391] {strides = array<i32>} : memref<128x128xf32, #tpu.memory_space<vmem>>, vector<16xf32>,
        tpu.vector_store %arg17[%swap3A_390, %swap3A_391], %mul3A_387 {strides = array<i32>} : memref<128x128xf32, #tpu.memory_space<vmem>>, vector<16xf32>,
        %add3A_393 = arith.constant 3 : i32
        %add3A_394 = arith.addi %mul3A_237, %add3A_393 : i32
        %get3A_395 = arith.index_cast %add3A_394 : i32 to index
        %get3A_396 = arith.constant 32 : index
        %get3A_397 = tpu.vector_load %arg17[%get3A_395, %get3A_396] {strides = array<i32>} : memref<128x128xf32, #tpu.memory_space<vmem>>, vector<16xf32>,
        %mul3A_398 = arith.mulf %get3A_397, %gather3A_273 : vector<16xf32>
        %add3A_399 = arith.constant 3 : i32
        %add3A_400 = arith.addi %mul3A_237, %add3A_399 : i32
        %swap3A_401 = arith.index_cast %add3A_400 : i32 to index
        %swap3A_402 = arith.constant 32 : index
        %swap3A_403 = tpu.vector_load %arg17[%swap3A_401, %swap3A_402] {strides = array<i32>} : memref<128x128xf32, #tpu.memory_space<vmem>>, vector<16xf32>,
        tpu.vector_store %arg17[%swap3A_401, %swap3A_402], %mul3A_398 {strides = array<i32>} : memref<128x128xf32, #tpu.memory_space<vmem>>, vector<16xf32>,
        %add3A_404 = arith.constant 0 : i32
        %add3A_405 = arith.addi %mul3A_237, %add3A_404 : i32
        %get3A_406 = arith.index_cast %add3A_405 : i32 to index
        %get3A_407 = arith.constant 48 : index
        %get3A_408 = tpu.vector_load %arg17[%get3A_406, %get3A_407] {strides = array<i32>} : memref<128x128xf32, #tpu.memory_space<vmem>>, vector<16xf32>,
        %mul3A_409 = arith.mulf %get3A_408, %gather3A : vector<16xf32>
        %add3A_410 = arith.constant 0 : i32
        %add3A_411 = arith.addi %mul3A_237, %add3A_410 : i32
        %swap3A_412 = arith.index_cast %add3A_411 : i32 to index
        %swap3A_413 = arith.constant 48 : index
        %swap3A_414 = tpu.vector_load %arg17[%swap3A_412, %swap3A_413] {strides = array<i32>} : memref<128x128xf32, #tpu.memory_space<vmem>>, vector<16xf32>,
        tpu.vector_store %arg17[%swap3A_412, %swap3A_413], %mul3A_409 {strides = array<i32>} : memref<128x128xf32, #tpu.memory_space<vmem>>, vector<16xf32>,
        %add3A_415 = arith.constant 1 : i32
        %add3A_416 = arith.addi %mul3A_237, %add3A_415 : i32
        %get3A_417 = arith.index_cast %add3A_416 : i32 to index
        %get3A_418 = arith.constant 48 : index
        %get3A_419 = tpu.vector_load %arg17[%get3A_417, %get3A_418] {strides = array<i32>} : memref<128x128xf32, #tpu.memory_space<vmem>>, vector<16xf32>,
        %mul3A_420 = arith.mulf %get3A_419, %gather3A_255 : vector<16xf32>
        %add3A_421 = arith.constant 1 : i32
        %add3A_422 = arith.addi %mul3A_237, %add3A_421 : i32
        %swap3A_423 = arith.index_cast %add3A_422 : i32 to index
        %swap3A_424 = arith.constant 48 : index
        %swap3A_425 = tpu.vector_load %arg17[%swap3A_423, %swap3A_424] {strides = array<i32>} : memref<128x128xf32, #tpu.memory_space<vmem>>, vector<16xf32>,
        tpu.vector_store %arg17[%swap3A_423, %swap3A_424], %mul3A_420 {strides = array<i32>} : memref<128x128xf32, #tpu.memory_space<vmem>>, vector<16xf32>,
        %add3A_426 = arith.constant 2 : i32
        %add3A_427 = arith.addi %mul3A_237, %add3A_426 : i32
        %get3A_428 = arith.index_cast %add3A_427 : i32 to index
        %get3A_429 = arith.constant 48 : index
        %get3A_430 = tpu.vector_load %arg17[%get3A_428, %get3A_429] {strides = array<i32>} : memref<128x128xf32, #tpu.memory_space<vmem>>, vector<16xf32>,
        %mul3A_431 = arith.mulf %get3A_430, %gather3A_264 : vector<16xf32>
        %add3A_432 = arith.constant 2 : i32
        %add3A_433 = arith.addi %mul3A_237, %add3A_432 : i32
        %swap3A_434 = arith.index_cast %add3A_433 : i32 to index
        %swap3A_435 = arith.constant 48 : index
        %swap3A_436 = tpu.vector_load %arg17[%swap3A_434, %swap3A_435] {strides = array<i32>} : memref<128x128xf32, #tpu.memory_space<vmem>>, vector<16xf32>,
        tpu.vector_store %arg17[%swap3A_434, %swap3A_435], %mul3A_431 {strides = array<i32>} : memref<128x128xf32, #tpu.memory_space<vmem>>, vector<16xf32>,
        %add3A_437 = arith.constant 3 : i32
        %add3A_438 = arith.addi %mul3A_237, %add3A_437 : i32
        %get3A_439 = arith.index_cast %add3A_438 : i32 to index
        %get3A_440 = arith.constant 48 : index
        %get3A_441 = tpu.vector_load %arg17[%get3A_439, %get3A_440] {strides = array<i32>} : memref<128x128xf32, #tpu.memory_space<vmem>>, vector<16xf32>,
        %mul3A_442 = arith.mulf %get3A_441, %gather3A_273 : vector<16xf32>
        %add3A_443 = arith.constant 3 : i32
        %add3A_444 = arith.addi %mul3A_237, %add3A_443 : i32
        %swap3A_445 = arith.index_cast %add3A_444 : i32 to index
        %swap3A_446 = arith.constant 48 : index
        %swap3A_447 = tpu.vector_load %arg17[%swap3A_445, %swap3A_446] {strides = array<i32>} : memref<128x128xf32, #tpu.memory_space<vmem>>, vector<16xf32>,
        tpu.vector_store %arg17[%swap3A_445, %swap3A_446], %mul3A_442 {strides = array<i32>} : memref<128x128xf32, #tpu.memory_space<vmem>>, vector<16xf32>,
        %add3A_448 = arith.constant 0 : i32
        %add3A_449 = arith.addi %mul3A_237, %add3A_448 : i32
        %get3A_450 = arith.index_cast %add3A_449 : i32 to index
        %get3A_451 = arith.constant 64 : index
        %get3A_452 = tpu.vector_load %arg17[%get3A_450, %get3A_451] {strides = array<i32>} : memref<128x128xf32, #tpu.memory_space<vmem>>, vector<16xf32>,
        %mul3A_453 = arith.mulf %get3A_452, %gather3A : vector<16xf32>
        %add3A_454 = arith.constant 0 : i32
        %add3A_455 = arith.addi %mul3A_237, %add3A_454 : i32
        %swap3A_456 = arith.index_cast %add3A_455 : i32 to index
        %swap3A_457 = arith.constant 64 : index
        %swap3A_458 = tpu.vector_load %arg17[%swap3A_456, %swap3A_457] {strides = array<i32>} : memref<128x128xf32, #tpu.memory_space<vmem>>, vector<16xf32>,
        tpu.vector_store %arg17[%swap3A_456, %swap3A_457], %mul3A_453 {strides = array<i32>} : memref<128x128xf32, #tpu.memory_space<vmem>>, vector<16xf32>,
        %add3A_459 = arith.constant 1 : i32
        %add3A_460 = arith.addi %mul3A_237, %add3A_459 : i32
        %get3A_461 = arith.index_cast %add3A_460 : i32 to index
        %get3A_462 = arith.constant 64 : index
        %get3A_463 = tpu.vector_load %arg17[%get3A_461, %get3A_462] {strides = array<i32>} : memref<128x128xf32, #tpu.memory_space<vmem>>, vector<16xf32>,
        %mul3A_464 = arith.mulf %get3A_463, %gather3A_255 : vector<16xf32>
        %add3A_465 = arith.constant 1 : i32
        %add3A_466 = arith.addi %mul3A_237, %add3A_465 : i32
        %swap3A_467 = arith.index_cast %add3A_466 : i32 to index
        %swap3A_468 = arith.constant 64 : index
        %swap3A_469 = tpu.vector_load %arg17[%swap3A_467, %swap3A_468] {strides = array<i32>} : memref<128x128xf32, #tpu.memory_space<vmem>>, vector<16xf32>,
        tpu.vector_store %arg17[%swap3A_467, %swap3A_468], %mul3A_464 {strides = array<i32>} : memref<128x128xf32, #tpu.memory_space<vmem>>, vector<16xf32>,
        %add3A_470 = arith.constant 2 : i32
        %add3A_471 = arith.addi %mul3A_237, %add3A_470 : i32
        %get3A_472 = arith.index_cast %add3A_471 : i32 to index
        %get3A_473 = arith.constant 64 : index
        %get3A_474 = tpu.vector_load %arg17[%get3A_472, %get3A_473] {strides = array<i32>} : memref<128x128xf32, #tpu.memory_space<vmem>>, vector<16xf32>,
        %mul3A_475 = arith.mulf %get3A_474, %gather3A_264 : vector<16xf32>
        %add3A_476 = arith.constant 2 : i32
        %add3A_477 = arith.addi %mul3A_237, %add3A_476 : i32
        %swap3A_478 = arith.index_cast %add3A_477 : i32 to index
        %swap3A_479 = arith.constant 64 : index
        %swap3A_480 = tpu.vector_load %arg17[%swap3A_478, %swap3A_479] {strides = array<i32>} : memref<128x128xf32, #tpu.memory_space<vmem>>, vector<16xf32>,
        tpu.vector_store %arg17[%swap3A_478, %swap3A_479], %mul3A_475 {strides = array<i32>} : memref<128x128xf32, #tpu.memory_space<vmem>>, vector<16xf32>,
        %add3A_481 = arith.constant 3 : i32
        %add3A_482 = arith.addi %mul3A_237, %add3A_481 : i32
        %get3A_483 = arith.index_cast %add3A_482 : i32 to index
        %get3A_484 = arith.constant 64 : index
        %get3A_485 = tpu.vector_load %arg17[%get3A_483, %get3A_484] {strides = array<i32>} : memref<128x128xf32, #tpu.memory_space<vmem>>, vector<16xf32>,
        %mul3A_486 = arith.mulf %get3A_485, %gather3A_273 : vector<16xf32>
        %add3A_487 = arith.constant 3 : i32
        %add3A_488 = arith.addi %mul3A_237, %add3A_487 : i32
        %swap3A_489 = arith.index_cast %add3A_488 : i32 to index
        %swap3A_490 = arith.constant 64 : index
        %swap3A_491 = tpu.vector_load %arg17[%swap3A_489, %swap3A_490] {strides = array<i32>} : memref<128x128xf32, #tpu.memory_space<vmem>>, vector<16xf32>,
        tpu.vector_store %arg17[%swap3A_489, %swap3A_490], %mul3A_486 {strides = array<i32>} : memref<128x128xf32, #tpu.memory_space<vmem>>, vector<16xf32>,
        %add3A_492 = arith.constant 0 : i32
        %add3A_493 = arith.addi %mul3A_237, %add3A_492 : i32
        %get3A_494 = arith.index_cast %add3A_493 : i32 to index
        %get3A_495 = arith.constant 80 : index
        %get3A_496 = tpu.vector_load %arg17[%get3A_494, %get3A_495] {strides = array<i32>} : memref<128x128xf32, #tpu.memory_space<vmem>>, vector<16xf32>,
        %mul3A_497 = arith.mulf %get3A_496, %gather3A : vector<16xf32>
        %add3A_498 = arith.constant 0 : i32
        %add3A_499 = arith.addi %mul3A_237, %add3A_498 : i32
        %swap3A_500 = arith.index_cast %add3A_499 : i32 to index
        %swap3A_501 = arith.constant 80 : index
        %swap3A_502 = tpu.vector_load %arg17[%swap3A_500, %swap3A_501] {strides = array<i32>} : memref<128x128xf32, #tpu.memory_space<vmem>>, vector<16xf32>,
        tpu.vector_store %arg17[%swap3A_500, %swap3A_501], %mul3A_497 {strides = array<i32>} : memref<128x128xf32, #tpu.memory_space<vmem>>, vector<16xf32>,
        %add3A_503 = arith.constant 1 : i32
        %add3A_504 = arith.addi %mul3A_237, %add3A_503 : i32
        %get3A_505 = arith.index_cast %add3A_504 : i32 to index
        %get3A_506 = arith.constant 80 : index
        %get3A_507 = tpu.vector_load %arg17[%get3A_505, %get3A_506] {strides = array<i32>} : memref<128x128xf32, #tpu.memory_space<vmem>>, vector<16xf32>,
        %mul3A_508 = arith.mulf %get3A_507, %gather3A_255 : vector<16xf32>
        %add3A_509 = arith.constant 1 : i32
        %add3A_510 = arith.addi %mul3A_237, %add3A_509 : i32
        %swap3A_511 = arith.index_cast %add3A_510 : i32 to index
        %swap3A_512 = arith.constant 80 : index
        %swap3A_513 = tpu.vector_load %arg17[%swap3A_511, %swap3A_512] {strides = array<i32>} : memref<128x128xf32, #tpu.memory_space<vmem>>, vector<16xf32>,
        tpu.vector_store %arg17[%swap3A_511, %swap3A_512], %mul3A_508 {strides = array<i32>} : memref<128x128xf32, #tpu.memory_space<vmem>>, vector<16xf32>,
        %add3A_514 = arith.constant 2 : i32
        %add3A_515 = arith.addi %mul3A_237, %add3A_514 : i32
        %get3A_516 = arith.index_cast %add3A_515 : i32 to index
        %get3A_517 = arith.constant 80 : index
        %get3A_518 = tpu.vector_load %arg17[%get3A_516, %get3A_517] {strides = array<i32>} : memref<128x128xf32, #tpu.memory_space<vmem>>, vector<16xf32>,
        %mul3A_519 = arith.mulf %get3A_518, %gather3A_264 : vector<16xf32>
        %add3A_520 = arith.constant 2 : i32
        %add3A_521 = arith.addi %mul3A_237, %add3A_520 : i32
        %swap3A_522 = arith.index_cast %add3A_521 : i32 to index
        %swap3A_523 = arith.constant 80 : index
        %swap3A_524 = tpu.vector_load %arg17[%swap3A_522, %swap3A_523] {strides = array<i32>} : memref<128x128xf32, #tpu.memory_space<vmem>>, vector<16xf32>,
        tpu.vector_store %arg17[%swap3A_522, %swap3A_523], %mul3A_519 {strides = array<i32>} : memref<128x128xf32, #tpu.memory_space<vmem>>, vector<16xf32>,
        %add3A_525 = arith.constant 3 : i32
        %add3A_526 = arith.addi %mul3A_237, %add3A_525 : i32
        %get3A_527 = arith.index_cast %add3A_526 : i32 to index
        %get3A_528 = arith.constant 80 : index
        %get3A_529 = tpu.vector_load %arg17[%get3A_527, %get3A_528] {strides = array<i32>} : memref<128x128xf32, #tpu.memory_space<vmem>>, vector<16xf32>,
        %mul3A_530 = arith.mulf %get3A_529, %gather3A_273 : vector<16xf32>
        %add3A_531 = arith.constant 3 : i32
        %add3A_532 = arith.addi %mul3A_237, %add3A_531 : i32
        %swap3A_533 = arith.index_cast %add3A_532 : i32 to index
        %swap3A_534 = arith.constant 80 : index
        %swap3A_535 = tpu.vector_load %arg17[%swap3A_533, %swap3A_534] {strides = array<i32>} : memref<128x128xf32, #tpu.memory_space<vmem>>, vector<16xf32>,
        tpu.vector_store %arg17[%swap3A_533, %swap3A_534], %mul3A_530 {strides = array<i32>} : memref<128x128xf32, #tpu.memory_space<vmem>>, vector<16xf32>,
        %add3A_536 = arith.constant 0 : i32
        %add3A_537 = arith.addi %mul3A_237, %add3A_536 : i32
        %get3A_538 = arith.index_cast %add3A_537 : i32 to index
        %get3A_539 = arith.constant 96 : index
        %get3A_540 = tpu.vector_load %arg17[%get3A_538, %get3A_539] {strides = array<i32>} : memref<128x128xf32, #tpu.memory_space<vmem>>, vector<16xf32>,
        %mul3A_541 = arith.mulf %get3A_540, %gather3A : vector<16xf32>
        %add3A_542 = arith.constant 0 : i32
        %add3A_543 = arith.addi %mul3A_237, %add3A_542 : i32
        %swap3A_544 = arith.index_cast %add3A_543 : i32 to index
        %swap3A_545 = arith.constant 96 : index
        %swap3A_546 = tpu.vector_load %arg17[%swap3A_544, %swap3A_545] {strides = array<i32>} : memref<128x128xf32, #tpu.memory_space<vmem>>, vector<16xf32>,
        tpu.vector_store %arg17[%swap3A_544, %swap3A_545], %mul3A_541 {strides = array<i32>} : memref<128x128xf32, #tpu.memory_space<vmem>>, vector<16xf32>,
        %add3A_547 = arith.constant 1 : i32
        %add3A_548 = arith.addi %mul3A_237, %add3A_547 : i32
        %get3A_549 = arith.index_cast %add3A_548 : i32 to index
        %get3A_550 = arith.constant 96 : index
        %get3A_551 = tpu.vector_load %arg17[%get3A_549, %get3A_550] {strides = array<i32>} : memref<128x128xf32, #tpu.memory_space<vmem>>, vector<16xf32>,
        %mul3A_552 = arith.mulf %get3A_551, %gather3A_255 : vector<16xf32>
        %add3A_553 = arith.constant 1 : i32
        %add3A_554 = arith.addi %mul3A_237, %add3A_553 : i32
        %swap3A_555 = arith.index_cast %add3A_554 : i32 to index
        %swap3A_556 = arith.constant 96 : index
        %swap3A_557 = tpu.vector_load %arg17[%swap3A_555, %swap3A_556] {strides = array<i32>} : memref<128x128xf32, #tpu.memory_space<vmem>>, vector<16xf32>,
        tpu.vector_store %arg17[%swap3A_555, %swap3A_556], %mul3A_552 {strides = array<i32>} : memref<128x128xf32, #tpu.memory_space<vmem>>, vector<16xf32>,
        %add3A_558 = arith.constant 2 : i32
        %add3A_559 = arith.addi %mul3A_237, %add3A_558 : i32
        %get3A_560 = arith.index_cast %add3A_559 : i32 to index
        %get3A_561 = arith.constant 96 : index
        %get3A_562 = tpu.vector_load %arg17[%get3A_560, %get3A_561] {strides = array<i32>} : memref<128x128xf32, #tpu.memory_space<vmem>>, vector<16xf32>,
        %mul3A_563 = arith.mulf %get3A_562, %gather3A_264 : vector<16xf32>
        %add3A_564 = arith.constant 2 : i32
        %add3A_565 = arith.addi %mul3A_237, %add3A_564 : i32
        %swap3A_566 = arith.index_cast %add3A_565 : i32 to index
        %swap3A_567 = arith.constant 96 : index
        %swap3A_568 = tpu.vector_load %arg17[%swap3A_566, %swap3A_567] {strides = array<i32>} : memref<128x128xf32, #tpu.memory_space<vmem>>, vector<16xf32>,
        tpu.vector_store %arg17[%swap3A_566, %swap3A_567], %mul3A_563 {strides = array<i32>} : memref<128x128xf32, #tpu.memory_space<vmem>>, vector<16xf32>,
        %add3A_569 = arith.constant 3 : i32
        %add3A_570 = arith.addi %mul3A_237, %add3A_569 : i32
        %get3A_571 = arith.index_cast %add3A_570 : i32 to index
        %get3A_572 = arith.constant 96 : index
        %get3A_573 = tpu.vector_load %arg17[%get3A_571, %get3A_572] {strides = array<i32>} : memref<128x128xf32, #tpu.memory_space<vmem>>, vector<16xf32>,
        %mul3A_574 = arith.mulf %get3A_573, %gather3A_273 : vector<16xf32>
        %add3A_575 = arith.constant 3 : i32
        %add3A_576 = arith.addi %mul3A_237, %add3A_575 : i32
        %swap3A_577 = arith.index_cast %add3A_576 : i32 to index
        %swap3A_578 = arith.constant 96 : index
        %swap3A_579 = tpu.vector_load %arg17[%swap3A_577, %swap3A_578] {strides = array<i32>} : memref<128x128xf32, #tpu.memory_space<vmem>>, vector<16xf32>,
        tpu.vector_store %arg17[%swap3A_577, %swap3A_578], %mul3A_574 {strides = array<i32>} : memref<128x128xf32, #tpu.memory_space<vmem>>, vector<16xf32>,
        %add3A_580 = arith.constant 0 : i32
        %add3A_581 = arith.addi %mul3A_237, %add3A_580 : i32
        %get3A_582 = arith.index_cast %add3A_581 : i32 to index
        %get3A_583 = arith.constant 112 : index
        %get3A_584 = tpu.vector_load %arg17[%get3A_582, %get3A_583] {strides = array<i32>} : memref<128x128xf32, #tpu.memory_space<vmem>>, vector<16xf32>,
        %mul3A_585 = arith.mulf %get3A_584, %gather3A : vector<16xf32>
        %add3A_586 = arith.constant 0 : i32
        %add3A_587 = arith.addi %mul3A_237, %add3A_586 : i32
        %swap3A_588 = arith.index_cast %add3A_587 : i32 to index
        %swap3A_589 = arith.constant 112 : index
        %swap3A_590 = tpu.vector_load %arg17[%swap3A_588, %swap3A_589] {strides = array<i32>} : memref<128x128xf32, #tpu.memory_space<vmem>>, vector<16xf32>,
        tpu.vector_store %arg17[%swap3A_588, %swap3A_589], %mul3A_585 {strides = array<i32>} : memref<128x128xf32, #tpu.memory_space<vmem>>, vector<16xf32>,
        %add3A_591 = arith.constant 1 : i32
        %add3A_592 = arith.addi %mul3A_237, %add3A_591 : i32
        %get3A_593 = arith.index_cast %add3A_592 : i32 to index
        %get3A_594 = arith.constant 112 : index
        %get3A_595 = tpu.vector_load %arg17[%get3A_593, %get3A_594] {strides = array<i32>} : memref<128x128xf32, #tpu.memory_space<vmem>>, vector<16xf32>,
        %mul3A_596 = arith.mulf %get3A_595, %gather3A_255 : vector<16xf32>
        %add3A_597 = arith.constant 1 : i32
        %add3A_598 = arith.addi %mul3A_237, %add3A_597 : i32
        %swap3A_599 = arith.index_cast %add3A_598 : i32 to index
        %swap3A_600 = arith.constant 112 : index
        %swap3A_601 = tpu.vector_load %arg17[%swap3A_599, %swap3A_600] {strides = array<i32>} : memref<128x128xf32, #tpu.memory_space<vmem>>, vector<16xf32>,
        tpu.vector_store %arg17[%swap3A_599, %swap3A_600], %mul3A_596 {strides = array<i32>} : memref<128x128xf32, #tpu.memory_space<vmem>>, vector<16xf32>,
        %add3A_602 = arith.constant 2 : i32
        %add3A_603 = arith.addi %mul3A_237, %add3A_602 : i32
        %get3A_604 = arith.index_cast %add3A_603 : i32 to index
        %get3A_605 = arith.constant 112 : index
        %get3A_606 = tpu.vector_load %arg17[%get3A_604, %get3A_605] {strides = array<i32>} : memref<128x128xf32, #tpu.memory_space<vmem>>, vector<16xf32>,
        %mul3A_607 = arith.mulf %get3A_606, %gather3A_264 : vector<16xf32>
        %add3A_608 = arith.constant 2 : i32
        %add3A_609 = arith.addi %mul3A_237, %add3A_608 : i32
        %swap3A_610 = arith.index_cast %add3A_609 : i32 to index
        %swap3A_611 = arith.constant 112 : index
        %swap3A_612 = tpu.vector_load %arg17[%swap3A_610, %swap3A_611] {strides = array<i32>} : memref<128x128xf32, #tpu.memory_space<vmem>>, vector<16xf32>,
        tpu.vector_store %arg17[%swap3A_610, %swap3A_611], %mul3A_607 {strides = array<i32>} : memref<128x128xf32, #tpu.memory_space<vmem>>, vector<16xf32>,
        %add3A_613 = arith.constant 3 : i32
        %add3A_614 = arith.addi %mul3A_237, %add3A_613 : i32
        %get3A_615 = arith.index_cast %add3A_614 : i32 to index
        %get3A_616 = arith.constant 112 : index
        %get3A_617 = tpu.vector_load %arg17[%get3A_615, %get3A_616] {strides = array<i32>} : memref<128x128xf32, #tpu.memory_space<vmem>>, vector<16xf32>,
        %mul3A_618 = arith.mulf %get3A_617, %gather3A_273 : vector<16xf32>
        %add3A_619 = arith.constant 3 : i32
        %add3A_620 = arith.addi %mul3A_237, %add3A_619 : i32
        %swap3A_621 = arith.index_cast %add3A_620 : i32 to index
        %swap3A_622 = arith.constant 112 : index
        %swap3A_623 = tpu.vector_load %arg17[%swap3A_621, %swap3A_622] {strides = array<i32>} : memref<128x128xf32, #tpu.memory_space<vmem>>, vector<16xf32>,
        tpu.vector_store %arg17[%swap3A_621, %swap3A_622], %mul3A_618 {strides = array<i32>} : memref<128x128xf32, #tpu.memory_space<vmem>>, vector<16xf32>,
      }
      %scan3A_134 = arith.constant 32 : i32
      %run_scoped3A_135 = arith.constant 2 : i32
      "tpu.region"() ({
        %run_scoped3A_235 = tpu.sem_alloc : memref<!tpu.dma_semaphore, #tpu.memory_space<semaphore_mem>>
        %dma_start3A_236 = arith.constant 0 : i32
        %dma_start3A_237 = tpu.memref_slice %arg13[%run_scoped3A_135, %dma_start3A_236] : memref<8x128xi32, #tpu.memory_space<vmem>> -> memref<1x128xi32, #tpu.memory_space<vmem>>
        %dma_start3A_238 = tpu.memref_squeeze %dma_start3A_237 : memref<1x128xi32, #tpu.memory_space<vmem>> -> memref<128xi32, #tpu.memory_space<vmem>>
        %dma_start3A_239 = arith.constant 0 : i32
        %dma_start3A_240 = arith.constant 0 : i32
        %dma_start3A_241 = tpu.memref_slice %arg10[%dma_start3A_239, %dma_start3A_240] : memref<10000x128xf32, #tpu.memory_space<vmem_shared>> -> memref<10000x128xf32, #tpu.memory_space<vmem_shared>>
        tpu.enqueue_indirect_dma source(%arg17 : memref<128x128xf32, #tpu.memory_space<vmem>>) target(%dma_start3A_241 : memref<10000x128xf32, #tpu.memory_space<vmem_shared>>) offsets(%dma_start3A_238 : memref<128xi32, #tpu.memory_space<vmem>>) semaphore(%run_scoped3A_235 : memref<!tpu.dma_semaphore, #tpu.memory_space<semaphore_mem>>) {add = true}
        %dma_wait3A_242 = arith.constant 0 : i32
        %dma_wait3A_243 = tpu.memref_slice %arg13[%run_scoped3A_135, %dma_wait3A_242] : memref<8x128xi32, #tpu.memory_space<vmem>> -> memref<1x128xi32, #tpu.memory_space<vmem>>
        %dma_wait3A_244 = tpu.memref_squeeze %dma_wait3A_243 : memref<1x128xi32, #tpu.memory_space<vmem>> -> memref<128xi32, #tpu.memory_space<vmem>>
        %dma_wait3A_245 = arith.constant 0 : i32
        %dma_wait3A_246 = arith.constant 0 : i32
        %dma_wait3A_247 = tpu.memref_slice %arg10[%dma_wait3A_245, %dma_wait3A_246] : memref<10000x128xf32, #tpu.memory_space<vmem_shared>> -> memref<10000x128xf32, #tpu.memory_space<vmem_shared>>
        tpu.wait_indirect_dma semaphore(%run_scoped3A_235 : memref<!tpu.dma_semaphore, #tpu.memory_space<semaphore_mem>>) src(%arg17 : memref<128x128xf32, #tpu.memory_space<vmem>>) dst(%dma_wait3A_247 : memref<10000x128xf32, #tpu.memory_space<vmem_shared>>)
        tpu.yield
      }) : () -> ()
      %run_scoped3A_136 = arith.constant 2 : i32
      "tpu.region"() ({
        %run_scoped3A_235 = tpu.sem_alloc : memref<!tpu.dma_semaphore, #tpu.memory_space<semaphore_mem>>
        %dma_start3A_236 = arith.constant 256 : i32
        %dma_start3A_237 = tpu.memref_slice %arg16[%dma_start3A_236] : memref<1024xf32, #tpu.memory_space<vmem>> -> memref<128xf32, #tpu.memory_space<vmem>>
        %dma_start3A_238 = arith.constant 0 : i32
        %dma_start3A_239 = tpu.memref_slice %arg13[%run_scoped3A_136, %dma_start3A_238] : memref<8x128xi32, #tpu.memory_space<vmem>> -> memref<1x128xi32, #tpu.memory_space<vmem>>
        %dma_start3A_240 = tpu.memref_squeeze %dma_start3A_239 : memref<1x128xi32, #tpu.memory_space<vmem>> -> memref<128xi32, #tpu.memory_space<vmem>>
        %dma_start3A_241 = arith.constant 0 : i32
        %dma_start3A_242 = tpu.memref_slice %arg11[%dma_start3A_241] : memref<10240xf32, #tpu.memory_space<vmem_shared>> -> memref<10240xf32, #tpu.memory_space<vmem_shared>>
        tpu.enqueue_indirect_dma source(%dma_start3A_237 : memref<128xf32, #tpu.memory_space<vmem>>) target(%dma_start3A_242 : memref<10240xf32, #tpu.memory_space<vmem_shared>>) offsets(%dma_start3A_240 : memref<128xi32, #tpu.memory_space<vmem>>) semaphore(%run_scoped3A_235 : memref<!tpu.dma_semaphore, #tpu.memory_space<semaphore_mem>>) {add = true}
        %dma_wait3A_243 = arith.constant 256 : i32
        %dma_wait3A_244 = tpu.memref_slice %arg16[%dma_wait3A_243] : memref<1024xf32, #tpu.memory_space<vmem>> -> memref<128xf32, #tpu.memory_space<vmem>>
        %dma_wait3A_245 = arith.constant 0 : i32
        %dma_wait3A_246 = tpu.memref_slice %arg13[%run_scoped3A_136, %dma_wait3A_245] : memref<8x128xi32, #tpu.memory_space<vmem>> -> memref<1x128xi32, #tpu.memory_space<vmem>>
        %dma_wait3A_247 = tpu.memref_squeeze %dma_wait3A_246 : memref<1x128xi32, #tpu.memory_space<vmem>> -> memref<128xi32, #tpu.memory_space<vmem>>
        %dma_wait3A_248 = arith.constant 0 : i32
        %dma_wait3A_249 = tpu.memref_slice %arg11[%dma_wait3A_248] : memref<10240xf32, #tpu.memory_space<vmem_shared>> -> memref<10240xf32, #tpu.memory_space<vmem_shared>>
        tpu.wait_indirect_dma semaphore(%run_scoped3A_235 : memref<!tpu.dma_semaphore, #tpu.memory_space<semaphore_mem>>) src(%dma_wait3A_244 : memref<128xf32, #tpu.memory_space<vmem>>) dst(%dma_wait3A_249 : memref<10240xf32, #tpu.memory_space<vmem_shared>>)
        tpu.yield
      }) : () -> ()
      %dma_start3A_137 = arith.constant 4 : i32
      %dma_start3A_138 = arith.constant 0 : i32
      %dma_start3A_139 = tpu.memref_slice %arg15[%dma_start3A_137, %dma_start3A_138] : memref<8x128xi32, #tpu.memory_space<vmem>> -> memref<1x128xi32, #tpu.memory_space<vmem>>
      %dma_start3A_140 = tpu.memref_squeeze %dma_start3A_139 : memref<1x128xi32, #tpu.memory_space<vmem>> -> memref<128xi32, #tpu.memory_space<vmem>>
      %dma_start3A_141 = arith.constant 0 : i32
      %dma_start3A_142 = arith.constant 0 : i32
      %dma_start3A_143 = tpu.memref_slice %arg2[%dma_start3A_141, %dma_start3A_142] : memref<20000x128xf32, #tpu.memory_space<hbm>> -> memref<20000x128xf32, #tpu.memory_space<hbm>>
      tpu.enqueue_indirect_dma source(%dma_start3A_143 : memref<20000x128xf32, #tpu.memory_space<hbm>>) target(%arg17 : memref<128x128xf32, #tpu.memory_space<vmem>>) offsets(%dma_start3A_140 : memref<128xi32, #tpu.memory_space<vmem>>) semaphore(%arg19 : memref<!tpu.dma_semaphore, #tpu.memory_space<semaphore_mem>>)
      %dma_wait3A_144 = arith.constant 3 : i32
      %dma_wait3A_145 = arith.constant 0 : i32
      %dma_wait3A_146 = tpu.memref_slice %arg15[%dma_wait3A_144, %dma_wait3A_145] : memref<8x128xi32, #tpu.memory_space<vmem>> -> memref<1x128xi32, #tpu.memory_space<vmem>>
      %dma_wait3A_147 = tpu.memref_squeeze %dma_wait3A_146 : memref<1x128xi32, #tpu.memory_space<vmem>> -> memref<128xi32, #tpu.memory_space<vmem>>
      %dma_wait3A_148 = arith.constant 0 : i32
      %dma_wait3A_149 = arith.constant 0 : i32
      %dma_wait3A_150 = tpu.memref_slice %arg2[%dma_wait3A_148, %dma_wait3A_149] : memref<20000x128xf32, #tpu.memory_space<hbm>> -> memref<20000x128xf32, #tpu.memory_space<hbm>>
      tpu.wait_indirect_dma semaphore(%arg20 : memref<!tpu.dma_semaphore, #tpu.memory_space<semaphore_mem>>) src(%dma_wait3A_150 : memref<20000x128xf32, #tpu.memory_space<hbm>>) dst(%arg18 : memref<128x128xf32, #tpu.memory_space<vmem>>)
      %scan3A_151 = arith.constant 0 : i32
      %scan3A_152 = arith.constant 32 : i32
      %scan3A_153 = arith.addi %scan3A_151, %scan3A_152 : i32
      %scan3A_154 = arith.constant 1 : i32
      scf.for %scan3A_235 = %scan3A_151 to %scan3A_153 step %scan3A_154  : i32 {
        %mul3A_236 = arith.constant 4 : i32
        %mul3A_237 = arith.muli %scan3A_235, %mul3A_236 : i32
        %broadcast_in_dim3A = arith.constant 0 : i32
        %broadcast_in_dim3A_238 = vector.broadcast %broadcast_in_dim3A : i32 to vector<16xi32>
        %add3A_239 = arith.constant 384 : i32
        %add3A_240 = vector.broadcast %add3A_239 : i32 to vector<16xi32>
        %add3A_241 = arith.addi %broadcast_in_dim3A_238, %add3A_240 : vector<16xi32>
        %add3A_242 = vector.broadcast %mul3A_237 : i32 to vector<16xi32>
        %add3A_243 = arith.addi %add3A_241, %add3A_242 : vector<16xi32>
        %add3A_244 = arith.constant 0 : i32
        %add3A_245 = vector.broadcast %add3A_244 : i32 to vector<16xi32>
        %add3A_246 = arith.addi %add3A_243, %add3A_245 : vector<16xi32>
        %gather3A = tpu.vector_load_idx %arg16[%add3A_246] : memref<1024xf32, #tpu.memory_space<vmem>>[vector<16xi32>], vector<16xf32>,
        %add3A_247 = arith.constant 384 : i32
        %add3A_248 = vector.broadcast %add3A_247 : i32 to vector<16xi32>
        %add3A_249 = arith.addi %broadcast_in_dim3A_238, %add3A_248 : vector<16xi32>
        %add3A_250 = vector.broadcast %mul3A_237 : i32 to vector<16xi32>
        %add3A_251 = arith.addi %add3A_249, %add3A_250 : vector<16xi32>
        %add3A_252 = arith.constant 1 : i32
        %add3A_253 = vector.broadcast %add3A_252 : i32 to vector<16xi32>
        %add3A_254 = arith.addi %add3A_251, %add3A_253 : vector<16xi32>
        %gather3A_255 = tpu.vector_load_idx %arg16[%add3A_254] : memref<1024xf32, #tpu.memory_space<vmem>>[vector<16xi32>], vector<16xf32>,
        %add3A_256 = arith.constant 384 : i32
        %add3A_257 = vector.broadcast %add3A_256 : i32 to vector<16xi32>
        %add3A_258 = arith.addi %broadcast_in_dim3A_238, %add3A_257 : vector<16xi32>
        %add3A_259 = vector.broadcast %mul3A_237 : i32 to vector<16xi32>
        %add3A_260 = arith.addi %add3A_258, %add3A_259 : vector<16xi32>
        %add3A_261 = arith.constant 2 : i32
        %add3A_262 = vector.broadcast %add3A_261 : i32 to vector<16xi32>
        %add3A_263 = arith.addi %add3A_260, %add3A_262 : vector<16xi32>
        %gather3A_264 = tpu.vector_load_idx %arg16[%add3A_263] : memref<1024xf32, #tpu.memory_space<vmem>>[vector<16xi32>], vector<16xf32>,
        %add3A_265 = arith.constant 384 : i32
        %add3A_266 = vector.broadcast %add3A_265 : i32 to vector<16xi32>
        %add3A_267 = arith.addi %broadcast_in_dim3A_238, %add3A_266 : vector<16xi32>
        %add3A_268 = vector.broadcast %mul3A_237 : i32 to vector<16xi32>
        %add3A_269 = arith.addi %add3A_267, %add3A_268 : vector<16xi32>
        %add3A_270 = arith.constant 3 : i32
        %add3A_271 = vector.broadcast %add3A_270 : i32 to vector<16xi32>
        %add3A_272 = arith.addi %add3A_269, %add3A_271 : vector<16xi32>
        %gather3A_273 = tpu.vector_load_idx %arg16[%add3A_272] : memref<1024xf32, #tpu.memory_space<vmem>>[vector<16xi32>], vector<16xf32>,
        %add3A_274 = arith.constant 0 : i32
        %add3A_275 = arith.addi %mul3A_237, %add3A_274 : i32
        %get3A = arith.index_cast %add3A_275 : i32 to index
        %get3A_276 = arith.constant 0 : index
        %get3A_277 = tpu.vector_load %arg18[%get3A, %get3A_276] {strides = array<i32>} : memref<128x128xf32, #tpu.memory_space<vmem>>, vector<16xf32>,
        %mul3A_278 = arith.mulf %get3A_277, %gather3A : vector<16xf32>
        %add3A_279 = arith.constant 0 : i32
        %add3A_280 = arith.addi %mul3A_237, %add3A_279 : i32
        %swap3A = arith.index_cast %add3A_280 : i32 to index
        %swap3A_281 = arith.constant 0 : index
        %swap3A_282 = tpu.vector_load %arg18[%swap3A, %swap3A_281] {strides = array<i32>} : memref<128x128xf32, #tpu.memory_space<vmem>>, vector<16xf32>,
        tpu.vector_store %arg18[%swap3A, %swap3A_281], %mul3A_278 {strides = array<i32>} : memref<128x128xf32, #tpu.memory_space<vmem>>, vector<16xf32>,
        %add3A_283 = arith.constant 1 : i32
        %add3A_284 = arith.addi %mul3A_237, %add3A_283 : i32
        %get3A_285 = arith.index_cast %add3A_284 : i32 to index
        %get3A_286 = arith.constant 0 : index
        %get3A_287 = tpu.vector_load %arg18[%get3A_285, %get3A_286] {strides = array<i32>} : memref<128x128xf32, #tpu.memory_space<vmem>>, vector<16xf32>,
        %mul3A_288 = arith.mulf %get3A_287, %gather3A_255 : vector<16xf32>
        %add3A_289 = arith.constant 1 : i32
        %add3A_290 = arith.addi %mul3A_237, %add3A_289 : i32
        %swap3A_291 = arith.index_cast %add3A_290 : i32 to index
        %swap3A_292 = arith.constant 0 : index
        %swap3A_293 = tpu.vector_load %arg18[%swap3A_291, %swap3A_292] {strides = array<i32>} : memref<128x128xf32, #tpu.memory_space<vmem>>, vector<16xf32>,
        tpu.vector_store %arg18[%swap3A_291, %swap3A_292], %mul3A_288 {strides = array<i32>} : memref<128x128xf32, #tpu.memory_space<vmem>>, vector<16xf32>,
        %add3A_294 = arith.constant 2 : i32
        %add3A_295 = arith.addi %mul3A_237, %add3A_294 : i32
        %get3A_296 = arith.index_cast %add3A_295 : i32 to index
        %get3A_297 = arith.constant 0 : index
        %get3A_298 = tpu.vector_load %arg18[%get3A_296, %get3A_297] {strides = array<i32>} : memref<128x128xf32, #tpu.memory_space<vmem>>, vector<16xf32>,
        %mul3A_299 = arith.mulf %get3A_298, %gather3A_264 : vector<16xf32>
        %add3A_300 = arith.constant 2 : i32
        %add3A_301 = arith.addi %mul3A_237, %add3A_300 : i32
        %swap3A_302 = arith.index_cast %add3A_301 : i32 to index
        %swap3A_303 = arith.constant 0 : index
        %swap3A_304 = tpu.vector_load %arg18[%swap3A_302, %swap3A_303] {strides = array<i32>} : memref<128x128xf32, #tpu.memory_space<vmem>>, vector<16xf32>,
        tpu.vector_store %arg18[%swap3A_302, %swap3A_303], %mul3A_299 {strides = array<i32>} : memref<128x128xf32, #tpu.memory_space<vmem>>, vector<16xf32>,
        %add3A_305 = arith.constant 3 : i32
        %add3A_306 = arith.addi %mul3A_237, %add3A_305 : i32
        %get3A_307 = arith.index_cast %add3A_306 : i32 to index
        %get3A_308 = arith.constant 0 : index
        %get3A_309 = tpu.vector_load %arg18[%get3A_307, %get3A_308] {strides = array<i32>} : memref<128x128xf32, #tpu.memory_space<vmem>>, vector<16xf32>,
        %mul3A_310 = arith.mulf %get3A_309, %gather3A_273 : vector<16xf32>
        %add3A_311 = arith.constant 3 : i32
        %add3A_312 = arith.addi %mul3A_237, %add3A_311 : i32
        %swap3A_313 = arith.index_cast %add3A_312 : i32 to index
        %swap3A_314 = arith.constant 0 : index
        %swap3A_315 = tpu.vector_load %arg18[%swap3A_313, %swap3A_314] {strides = array<i32>} : memref<128x128xf32, #tpu.memory_space<vmem>>, vector<16xf32>,
        tpu.vector_store %arg18[%swap3A_313, %swap3A_314], %mul3A_310 {strides = array<i32>} : memref<128x128xf32, #tpu.memory_space<vmem>>, vector<16xf32>,
        %add3A_316 = arith.constant 0 : i32
        %add3A_317 = arith.addi %mul3A_237, %add3A_316 : i32
        %get3A_318 = arith.index_cast %add3A_317 : i32 to index
        %get3A_319 = arith.constant 16 : index
        %get3A_320 = tpu.vector_load %arg18[%get3A_318, %get3A_319] {strides = array<i32>} : memref<128x128xf32, #tpu.memory_space<vmem>>, vector<16xf32>,
        %mul3A_321 = arith.mulf %get3A_320, %gather3A : vector<16xf32>
        %add3A_322 = arith.constant 0 : i32
        %add3A_323 = arith.addi %mul3A_237, %add3A_322 : i32
        %swap3A_324 = arith.index_cast %add3A_323 : i32 to index
        %swap3A_325 = arith.constant 16 : index
        %swap3A_326 = tpu.vector_load %arg18[%swap3A_324, %swap3A_325] {strides = array<i32>} : memref<128x128xf32, #tpu.memory_space<vmem>>, vector<16xf32>,
        tpu.vector_store %arg18[%swap3A_324, %swap3A_325], %mul3A_321 {strides = array<i32>} : memref<128x128xf32, #tpu.memory_space<vmem>>, vector<16xf32>,
        %add3A_327 = arith.constant 1 : i32
        %add3A_328 = arith.addi %mul3A_237, %add3A_327 : i32
        %get3A_329 = arith.index_cast %add3A_328 : i32 to index
        %get3A_330 = arith.constant 16 : index
        %get3A_331 = tpu.vector_load %arg18[%get3A_329, %get3A_330] {strides = array<i32>} : memref<128x128xf32, #tpu.memory_space<vmem>>, vector<16xf32>,
        %mul3A_332 = arith.mulf %get3A_331, %gather3A_255 : vector<16xf32>
        %add3A_333 = arith.constant 1 : i32
        %add3A_334 = arith.addi %mul3A_237, %add3A_333 : i32
        %swap3A_335 = arith.index_cast %add3A_334 : i32 to index
        %swap3A_336 = arith.constant 16 : index
        %swap3A_337 = tpu.vector_load %arg18[%swap3A_335, %swap3A_336] {strides = array<i32>} : memref<128x128xf32, #tpu.memory_space<vmem>>, vector<16xf32>,
        tpu.vector_store %arg18[%swap3A_335, %swap3A_336], %mul3A_332 {strides = array<i32>} : memref<128x128xf32, #tpu.memory_space<vmem>>, vector<16xf32>,
        %add3A_338 = arith.constant 2 : i32
        %add3A_339 = arith.addi %mul3A_237, %add3A_338 : i32
        %get3A_340 = arith.index_cast %add3A_339 : i32 to index
        %get3A_341 = arith.constant 16 : index
        %get3A_342 = tpu.vector_load %arg18[%get3A_340, %get3A_341] {strides = array<i32>} : memref<128x128xf32, #tpu.memory_space<vmem>>, vector<16xf32>,
        %mul3A_343 = arith.mulf %get3A_342, %gather3A_264 : vector<16xf32>
        %add3A_344 = arith.constant 2 : i32
        %add3A_345 = arith.addi %mul3A_237, %add3A_344 : i32
        %swap3A_346 = arith.index_cast %add3A_345 : i32 to index
        %swap3A_347 = arith.constant 16 : index
        %swap3A_348 = tpu.vector_load %arg18[%swap3A_346, %swap3A_347] {strides = array<i32>} : memref<128x128xf32, #tpu.memory_space<vmem>>, vector<16xf32>,
        tpu.vector_store %arg18[%swap3A_346, %swap3A_347], %mul3A_343 {strides = array<i32>} : memref<128x128xf32, #tpu.memory_space<vmem>>, vector<16xf32>,
        %add3A_349 = arith.constant 3 : i32
        %add3A_350 = arith.addi %mul3A_237, %add3A_349 : i32
        %get3A_351 = arith.index_cast %add3A_350 : i32 to index
        %get3A_352 = arith.constant 16 : index
        %get3A_353 = tpu.vector_load %arg18[%get3A_351, %get3A_352] {strides = array<i32>} : memref<128x128xf32, #tpu.memory_space<vmem>>, vector<16xf32>,
        %mul3A_354 = arith.mulf %get3A_353, %gather3A_273 : vector<16xf32>
        %add3A_355 = arith.constant 3 : i32
        %add3A_356 = arith.addi %mul3A_237, %add3A_355 : i32
        %swap3A_357 = arith.index_cast %add3A_356 : i32 to index
        %swap3A_358 = arith.constant 16 : index
        %swap3A_359 = tpu.vector_load %arg18[%swap3A_357, %swap3A_358] {strides = array<i32>} : memref<128x128xf32, #tpu.memory_space<vmem>>, vector<16xf32>,
        tpu.vector_store %arg18[%swap3A_357, %swap3A_358], %mul3A_354 {strides = array<i32>} : memref<128x128xf32, #tpu.memory_space<vmem>>, vector<16xf32>,
        %add3A_360 = arith.constant 0 : i32
        %add3A_361 = arith.addi %mul3A_237, %add3A_360 : i32
        %get3A_362 = arith.index_cast %add3A_361 : i32 to index
        %get3A_363 = arith.constant 32 : index
        %get3A_364 = tpu.vector_load %arg18[%get3A_362, %get3A_363] {strides = array<i32>} : memref<128x128xf32, #tpu.memory_space<vmem>>, vector<16xf32>,
        %mul3A_365 = arith.mulf %get3A_364, %gather3A : vector<16xf32>
        %add3A_366 = arith.constant 0 : i32
        %add3A_367 = arith.addi %mul3A_237, %add3A_366 : i32
        %swap3A_368 = arith.index_cast %add3A_367 : i32 to index
        %swap3A_369 = arith.constant 32 : index
        %swap3A_370 = tpu.vector_load %arg18[%swap3A_368, %swap3A_369] {strides = array<i32>} : memref<128x128xf32, #tpu.memory_space<vmem>>, vector<16xf32>,
        tpu.vector_store %arg18[%swap3A_368, %swap3A_369], %mul3A_365 {strides = array<i32>} : memref<128x128xf32, #tpu.memory_space<vmem>>, vector<16xf32>,
        %add3A_371 = arith.constant 1 : i32
        %add3A_372 = arith.addi %mul3A_237, %add3A_371 : i32
        %get3A_373 = arith.index_cast %add3A_372 : i32 to index
        %get3A_374 = arith.constant 32 : index
        %get3A_375 = tpu.vector_load %arg18[%get3A_373, %get3A_374] {strides = array<i32>} : memref<128x128xf32, #tpu.memory_space<vmem>>, vector<16xf32>,
        %mul3A_376 = arith.mulf %get3A_375, %gather3A_255 : vector<16xf32>
        %add3A_377 = arith.constant 1 : i32
        %add3A_378 = arith.addi %mul3A_237, %add3A_377 : i32
        %swap3A_379 = arith.index_cast %add3A_378 : i32 to index
        %swap3A_380 = arith.constant 32 : index
        %swap3A_381 = tpu.vector_load %arg18[%swap3A_379, %swap3A_380] {strides = array<i32>} : memref<128x128xf32, #tpu.memory_space<vmem>>, vector<16xf32>,
        tpu.vector_store %arg18[%swap3A_379, %swap3A_380], %mul3A_376 {strides = array<i32>} : memref<128x128xf32, #tpu.memory_space<vmem>>, vector<16xf32>,
        %add3A_382 = arith.constant 2 : i32
        %add3A_383 = arith.addi %mul3A_237, %add3A_382 : i32
        %get3A_384 = arith.index_cast %add3A_383 : i32 to index
        %get3A_385 = arith.constant 32 : index
        %get3A_386 = tpu.vector_load %arg18[%get3A_384, %get3A_385] {strides = array<i32>} : memref<128x128xf32, #tpu.memory_space<vmem>>, vector<16xf32>,
        %mul3A_387 = arith.mulf %get3A_386, %gather3A_264 : vector<16xf32>
        %add3A_388 = arith.constant 2 : i32
        %add3A_389 = arith.addi %mul3A_237, %add3A_388 : i32
        %swap3A_390 = arith.index_cast %add3A_389 : i32 to index
        %swap3A_391 = arith.constant 32 : index
        %swap3A_392 = tpu.vector_load %arg18[%swap3A_390, %swap3A_391] {strides = array<i32>} : memref<128x128xf32, #tpu.memory_space<vmem>>, vector<16xf32>,
        tpu.vector_store %arg18[%swap3A_390, %swap3A_391], %mul3A_387 {strides = array<i32>} : memref<128x128xf32, #tpu.memory_space<vmem>>, vector<16xf32>,
        %add3A_393 = arith.constant 3 : i32
        %add3A_394 = arith.addi %mul3A_237, %add3A_393 : i32
        %get3A_395 = arith.index_cast %add3A_394 : i32 to index
        %get3A_396 = arith.constant 32 : index
        %get3A_397 = tpu.vector_load %arg18[%get3A_395, %get3A_396] {strides = array<i32>} : memref<128x128xf32, #tpu.memory_space<vmem>>, vector<16xf32>,
        %mul3A_398 = arith.mulf %get3A_397, %gather3A_273 : vector<16xf32>
        %add3A_399 = arith.constant 3 : i32
        %add3A_400 = arith.addi %mul3A_237, %add3A_399 : i32
        %swap3A_401 = arith.index_cast %add3A_400 : i32 to index
        %swap3A_402 = arith.constant 32 : index
        %swap3A_403 = tpu.vector_load %arg18[%swap3A_401, %swap3A_402] {strides = array<i32>} : memref<128x128xf32, #tpu.memory_space<vmem>>, vector<16xf32>,
        tpu.vector_store %arg18[%swap3A_401, %swap3A_402], %mul3A_398 {strides = array<i32>} : memref<128x128xf32, #tpu.memory_space<vmem>>, vector<16xf32>,
        %add3A_404 = arith.constant 0 : i32
        %add3A_405 = arith.addi %mul3A_237, %add3A_404 : i32
        %get3A_406 = arith.index_cast %add3A_405 : i32 to index
        %get3A_407 = arith.constant 48 : index
        %get3A_408 = tpu.vector_load %arg18[%get3A_406, %get3A_407] {strides = array<i32>} : memref<128x128xf32, #tpu.memory_space<vmem>>, vector<16xf32>,
        %mul3A_409 = arith.mulf %get3A_408, %gather3A : vector<16xf32>
        %add3A_410 = arith.constant 0 : i32
        %add3A_411 = arith.addi %mul3A_237, %add3A_410 : i32
        %swap3A_412 = arith.index_cast %add3A_411 : i32 to index
        %swap3A_413 = arith.constant 48 : index
        %swap3A_414 = tpu.vector_load %arg18[%swap3A_412, %swap3A_413] {strides = array<i32>} : memref<128x128xf32, #tpu.memory_space<vmem>>, vector<16xf32>,
        tpu.vector_store %arg18[%swap3A_412, %swap3A_413], %mul3A_409 {strides = array<i32>} : memref<128x128xf32, #tpu.memory_space<vmem>>, vector<16xf32>,
        %add3A_415 = arith.constant 1 : i32
        %add3A_416 = arith.addi %mul3A_237, %add3A_415 : i32
        %get3A_417 = arith.index_cast %add3A_416 : i32 to index
        %get3A_418 = arith.constant 48 : index
        %get3A_419 = tpu.vector_load %arg18[%get3A_417, %get3A_418] {strides = array<i32>} : memref<128x128xf32, #tpu.memory_space<vmem>>, vector<16xf32>,
        %mul3A_420 = arith.mulf %get3A_419, %gather3A_255 : vector<16xf32>
        %add3A_421 = arith.constant 1 : i32
        %add3A_422 = arith.addi %mul3A_237, %add3A_421 : i32
        %swap3A_423 = arith.index_cast %add3A_422 : i32 to index
        %swap3A_424 = arith.constant 48 : index
        %swap3A_425 = tpu.vector_load %arg18[%swap3A_423, %swap3A_424] {strides = array<i32>} : memref<128x128xf32, #tpu.memory_space<vmem>>, vector<16xf32>,
        tpu.vector_store %arg18[%swap3A_423, %swap3A_424], %mul3A_420 {strides = array<i32>} : memref<128x128xf32, #tpu.memory_space<vmem>>, vector<16xf32>,
        %add3A_426 = arith.constant 2 : i32
        %add3A_427 = arith.addi %mul3A_237, %add3A_426 : i32
        %get3A_428 = arith.index_cast %add3A_427 : i32 to index
        %get3A_429 = arith.constant 48 : index
        %get3A_430 = tpu.vector_load %arg18[%get3A_428, %get3A_429] {strides = array<i32>} : memref<128x128xf32, #tpu.memory_space<vmem>>, vector<16xf32>,
        %mul3A_431 = arith.mulf %get3A_430, %gather3A_264 : vector<16xf32>
        %add3A_432 = arith.constant 2 : i32
        %add3A_433 = arith.addi %mul3A_237, %add3A_432 : i32
        %swap3A_434 = arith.index_cast %add3A_433 : i32 to index
        %swap3A_435 = arith.constant 48 : index
        %swap3A_436 = tpu.vector_load %arg18[%swap3A_434, %swap3A_435] {strides = array<i32>} : memref<128x128xf32, #tpu.memory_space<vmem>>, vector<16xf32>,
        tpu.vector_store %arg18[%swap3A_434, %swap3A_435], %mul3A_431 {strides = array<i32>} : memref<128x128xf32, #tpu.memory_space<vmem>>, vector<16xf32>,
        %add3A_437 = arith.constant 3 : i32
        %add3A_438 = arith.addi %mul3A_237, %add3A_437 : i32
        %get3A_439 = arith.index_cast %add3A_438 : i32 to index
        %get3A_440 = arith.constant 48 : index
        %get3A_441 = tpu.vector_load %arg18[%get3A_439, %get3A_440] {strides = array<i32>} : memref<128x128xf32, #tpu.memory_space<vmem>>, vector<16xf32>,
        %mul3A_442 = arith.mulf %get3A_441, %gather3A_273 : vector<16xf32>
        %add3A_443 = arith.constant 3 : i32
        %add3A_444 = arith.addi %mul3A_237, %add3A_443 : i32
        %swap3A_445 = arith.index_cast %add3A_444 : i32 to index
        %swap3A_446 = arith.constant 48 : index
        %swap3A_447 = tpu.vector_load %arg18[%swap3A_445, %swap3A_446] {strides = array<i32>} : memref<128x128xf32, #tpu.memory_space<vmem>>, vector<16xf32>,
        tpu.vector_store %arg18[%swap3A_445, %swap3A_446], %mul3A_442 {strides = array<i32>} : memref<128x128xf32, #tpu.memory_space<vmem>>, vector<16xf32>,
        %add3A_448 = arith.constant 0 : i32
        %add3A_449 = arith.addi %mul3A_237, %add3A_448 : i32
        %get3A_450 = arith.index_cast %add3A_449 : i32 to index
        %get3A_451 = arith.constant 64 : index
        %get3A_452 = tpu.vector_load %arg18[%get3A_450, %get3A_451] {strides = array<i32>} : memref<128x128xf32, #tpu.memory_space<vmem>>, vector<16xf32>,
        %mul3A_453 = arith.mulf %get3A_452, %gather3A : vector<16xf32>
        %add3A_454 = arith.constant 0 : i32
        %add3A_455 = arith.addi %mul3A_237, %add3A_454 : i32
        %swap3A_456 = arith.index_cast %add3A_455 : i32 to index
        %swap3A_457 = arith.constant 64 : index
        %swap3A_458 = tpu.vector_load %arg18[%swap3A_456, %swap3A_457] {strides = array<i32>} : memref<128x128xf32, #tpu.memory_space<vmem>>, vector<16xf32>,
        tpu.vector_store %arg18[%swap3A_456, %swap3A_457], %mul3A_453 {strides = array<i32>} : memref<128x128xf32, #tpu.memory_space<vmem>>, vector<16xf32>,
        %add3A_459 = arith.constant 1 : i32
        %add3A_460 = arith.addi %mul3A_237, %add3A_459 : i32
        %get3A_461 = arith.index_cast %add3A_460 : i32 to index
        %get3A_462 = arith.constant 64 : index
        %get3A_463 = tpu.vector_load %arg18[%get3A_461, %get3A_462] {strides = array<i32>} : memref<128x128xf32, #tpu.memory_space<vmem>>, vector<16xf32>,
        %mul3A_464 = arith.mulf %get3A_463, %gather3A_255 : vector<16xf32>
        %add3A_465 = arith.constant 1 : i32
        %add3A_466 = arith.addi %mul3A_237, %add3A_465 : i32
        %swap3A_467 = arith.index_cast %add3A_466 : i32 to index
        %swap3A_468 = arith.constant 64 : index
        %swap3A_469 = tpu.vector_load %arg18[%swap3A_467, %swap3A_468] {strides = array<i32>} : memref<128x128xf32, #tpu.memory_space<vmem>>, vector<16xf32>,
        tpu.vector_store %arg18[%swap3A_467, %swap3A_468], %mul3A_464 {strides = array<i32>} : memref<128x128xf32, #tpu.memory_space<vmem>>, vector<16xf32>,
        %add3A_470 = arith.constant 2 : i32
        %add3A_471 = arith.addi %mul3A_237, %add3A_470 : i32
        %get3A_472 = arith.index_cast %add3A_471 : i32 to index
        %get3A_473 = arith.constant 64 : index
        %get3A_474 = tpu.vector_load %arg18[%get3A_472, %get3A_473] {strides = array<i32>} : memref<128x128xf32, #tpu.memory_space<vmem>>, vector<16xf32>,
        %mul3A_475 = arith.mulf %get3A_474, %gather3A_264 : vector<16xf32>
        %add3A_476 = arith.constant 2 : i32
        %add3A_477 = arith.addi %mul3A_237, %add3A_476 : i32
        %swap3A_478 = arith.index_cast %add3A_477 : i32 to index
        %swap3A_479 = arith.constant 64 : index
        %swap3A_480 = tpu.vector_load %arg18[%swap3A_478, %swap3A_479] {strides = array<i32>} : memref<128x128xf32, #tpu.memory_space<vmem>>, vector<16xf32>,
        tpu.vector_store %arg18[%swap3A_478, %swap3A_479], %mul3A_475 {strides = array<i32>} : memref<128x128xf32, #tpu.memory_space<vmem>>, vector<16xf32>,
        %add3A_481 = arith.constant 3 : i32
        %add3A_482 = arith.addi %mul3A_237, %add3A_481 : i32
        %get3A_483 = arith.index_cast %add3A_482 : i32 to index
        %get3A_484 = arith.constant 64 : index
        %get3A_485 = tpu.vector_load %arg18[%get3A_483, %get3A_484] {strides = array<i32>} : memref<128x128xf32, #tpu.memory_space<vmem>>, vector<16xf32>,
        %mul3A_486 = arith.mulf %get3A_485, %gather3A_273 : vector<16xf32>
        %add3A_487 = arith.constant 3 : i32
        %add3A_488 = arith.addi %mul3A_237, %add3A_487 : i32
        %swap3A_489 = arith.index_cast %add3A_488 : i32 to index
        %swap3A_490 = arith.constant 64 : index
        %swap3A_491 = tpu.vector_load %arg18[%swap3A_489, %swap3A_490] {strides = array<i32>} : memref<128x128xf32, #tpu.memory_space<vmem>>, vector<16xf32>,
        tpu.vector_store %arg18[%swap3A_489, %swap3A_490], %mul3A_486 {strides = array<i32>} : memref<128x128xf32, #tpu.memory_space<vmem>>, vector<16xf32>,
        %add3A_492 = arith.constant 0 : i32
        %add3A_493 = arith.addi %mul3A_237, %add3A_492 : i32
        %get3A_494 = arith.index_cast %add3A_493 : i32 to index
        %get3A_495 = arith.constant 80 : index
        %get3A_496 = tpu.vector_load %arg18[%get3A_494, %get3A_495] {strides = array<i32>} : memref<128x128xf32, #tpu.memory_space<vmem>>, vector<16xf32>,
        %mul3A_497 = arith.mulf %get3A_496, %gather3A : vector<16xf32>
        %add3A_498 = arith.constant 0 : i32
        %add3A_499 = arith.addi %mul3A_237, %add3A_498 : i32
        %swap3A_500 = arith.index_cast %add3A_499 : i32 to index
        %swap3A_501 = arith.constant 80 : index
        %swap3A_502 = tpu.vector_load %arg18[%swap3A_500, %swap3A_501] {strides = array<i32>} : memref<128x128xf32, #tpu.memory_space<vmem>>, vector<16xf32>,
        tpu.vector_store %arg18[%swap3A_500, %swap3A_501], %mul3A_497 {strides = array<i32>} : memref<128x128xf32, #tpu.memory_space<vmem>>, vector<16xf32>,
        %add3A_503 = arith.constant 1 : i32
        %add3A_504 = arith.addi %mul3A_237, %add3A_503 : i32
        %get3A_505 = arith.index_cast %add3A_504 : i32 to index
        %get3A_506 = arith.constant 80 : index
        %get3A_507 = tpu.vector_load %arg18[%get3A_505, %get3A_506] {strides = array<i32>} : memref<128x128xf32, #tpu.memory_space<vmem>>, vector<16xf32>,
        %mul3A_508 = arith.mulf %get3A_507, %gather3A_255 : vector<16xf32>
        %add3A_509 = arith.constant 1 : i32
        %add3A_510 = arith.addi %mul3A_237, %add3A_509 : i32
        %swap3A_511 = arith.index_cast %add3A_510 : i32 to index
        %swap3A_512 = arith.constant 80 : index
        %swap3A_513 = tpu.vector_load %arg18[%swap3A_511, %swap3A_512] {strides = array<i32>} : memref<128x128xf32, #tpu.memory_space<vmem>>, vector<16xf32>,
        tpu.vector_store %arg18[%swap3A_511, %swap3A_512], %mul3A_508 {strides = array<i32>} : memref<128x128xf32, #tpu.memory_space<vmem>>, vector<16xf32>,
        %add3A_514 = arith.constant 2 : i32
        %add3A_515 = arith.addi %mul3A_237, %add3A_514 : i32
        %get3A_516 = arith.index_cast %add3A_515 : i32 to index
        %get3A_517 = arith.constant 80 : index
        %get3A_518 = tpu.vector_load %arg18[%get3A_516, %get3A_517] {strides = array<i32>} : memref<128x128xf32, #tpu.memory_space<vmem>>, vector<16xf32>,
        %mul3A_519 = arith.mulf %get3A_518, %gather3A_264 : vector<16xf32>
        %add3A_520 = arith.constant 2 : i32
        %add3A_521 = arith.addi %mul3A_237, %add3A_520 : i32
        %swap3A_522 = arith.index_cast %add3A_521 : i32 to index
        %swap3A_523 = arith.constant 80 : index
        %swap3A_524 = tpu.vector_load %arg18[%swap3A_522, %swap3A_523] {strides = array<i32>} : memref<128x128xf32, #tpu.memory_space<vmem>>, vector<16xf32>,
        tpu.vector_store %arg18[%swap3A_522, %swap3A_523], %mul3A_519 {strides = array<i32>} : memref<128x128xf32, #tpu.memory_space<vmem>>, vector<16xf32>,
        %add3A_525 = arith.constant 3 : i32
        %add3A_526 = arith.addi %mul3A_237, %add3A_525 : i32
        %get3A_527 = arith.index_cast %add3A_526 : i32 to index
        %get3A_528 = arith.constant 80 : index
        %get3A_529 = tpu.vector_load %arg18[%get3A_527, %get3A_528] {strides = array<i32>} : memref<128x128xf32, #tpu.memory_space<vmem>>, vector<16xf32>,
        %mul3A_530 = arith.mulf %get3A_529, %gather3A_273 : vector<16xf32>
        %add3A_531 = arith.constant 3 : i32
        %add3A_532 = arith.addi %mul3A_237, %add3A_531 : i32
        %swap3A_533 = arith.index_cast %add3A_532 : i32 to index
        %swap3A_534 = arith.constant 80 : index
        %swap3A_535 = tpu.vector_load %arg18[%swap3A_533, %swap3A_534] {strides = array<i32>} : memref<128x128xf32, #tpu.memory_space<vmem>>, vector<16xf32>,
        tpu.vector_store %arg18[%swap3A_533, %swap3A_534], %mul3A_530 {strides = array<i32>} : memref<128x128xf32, #tpu.memory_space<vmem>>, vector<16xf32>,
        %add3A_536 = arith.constant 0 : i32
        %add3A_537 = arith.addi %mul3A_237, %add3A_536 : i32
        %get3A_538 = arith.index_cast %add3A_537 : i32 to index
        %get3A_539 = arith.constant 96 : index
        %get3A_540 = tpu.vector_load %arg18[%get3A_538, %get3A_539] {strides = array<i32>} : memref<128x128xf32, #tpu.memory_space<vmem>>, vector<16xf32>,
        %mul3A_541 = arith.mulf %get3A_540, %gather3A : vector<16xf32>
        %add3A_542 = arith.constant 0 : i32
        %add3A_543 = arith.addi %mul3A_237, %add3A_542 : i32
        %swap3A_544 = arith.index_cast %add3A_543 : i32 to index
        %swap3A_545 = arith.constant 96 : index
        %swap3A_546 = tpu.vector_load %arg18[%swap3A_544, %swap3A_545] {strides = array<i32>} : memref<128x128xf32, #tpu.memory_space<vmem>>, vector<16xf32>,
        tpu.vector_store %arg18[%swap3A_544, %swap3A_545], %mul3A_541 {strides = array<i32>} : memref<128x128xf32, #tpu.memory_space<vmem>>, vector<16xf32>,
        %add3A_547 = arith.constant 1 : i32
        %add3A_548 = arith.addi %mul3A_237, %add3A_547 : i32
        %get3A_549 = arith.index_cast %add3A_548 : i32 to index
        %get3A_550 = arith.constant 96 : index
        %get3A_551 = tpu.vector_load %arg18[%get3A_549, %get3A_550] {strides = array<i32>} : memref<128x128xf32, #tpu.memory_space<vmem>>, vector<16xf32>,
        %mul3A_552 = arith.mulf %get3A_551, %gather3A_255 : vector<16xf32>
        %add3A_553 = arith.constant 1 : i32
        %add3A_554 = arith.addi %mul3A_237, %add3A_553 : i32
        %swap3A_555 = arith.index_cast %add3A_554 : i32 to index
        %swap3A_556 = arith.constant 96 : index
        %swap3A_557 = tpu.vector_load %arg18[%swap3A_555, %swap3A_556] {strides = array<i32>} : memref<128x128xf32, #tpu.memory_space<vmem>>, vector<16xf32>,
        tpu.vector_store %arg18[%swap3A_555, %swap3A_556], %mul3A_552 {strides = array<i32>} : memref<128x128xf32, #tpu.memory_space<vmem>>, vector<16xf32>,
        %add3A_558 = arith.constant 2 : i32
        %add3A_559 = arith.addi %mul3A_237, %add3A_558 : i32
        %get3A_560 = arith.index_cast %add3A_559 : i32 to index
        %get3A_561 = arith.constant 96 : index
        %get3A_562 = tpu.vector_load %arg18[%get3A_560, %get3A_561] {strides = array<i32>} : memref<128x128xf32, #tpu.memory_space<vmem>>, vector<16xf32>,
        %mul3A_563 = arith.mulf %get3A_562, %gather3A_264 : vector<16xf32>
        %add3A_564 = arith.constant 2 : i32
        %add3A_565 = arith.addi %mul3A_237, %add3A_564 : i32
        %swap3A_566 = arith.index_cast %add3A_565 : i32 to index
        %swap3A_567 = arith.constant 96 : index
        %swap3A_568 = tpu.vector_load %arg18[%swap3A_566, %swap3A_567] {strides = array<i32>} : memref<128x128xf32, #tpu.memory_space<vmem>>, vector<16xf32>,
        tpu.vector_store %arg18[%swap3A_566, %swap3A_567], %mul3A_563 {strides = array<i32>} : memref<128x128xf32, #tpu.memory_space<vmem>>, vector<16xf32>,
        %add3A_569 = arith.constant 3 : i32
        %add3A_570 = arith.addi %mul3A_237, %add3A_569 : i32
        %get3A_571 = arith.index_cast %add3A_570 : i32 to index
        %get3A_572 = arith.constant 96 : index
        %get3A_573 = tpu.vector_load %arg18[%get3A_571, %get3A_572] {strides = array<i32>} : memref<128x128xf32, #tpu.memory_space<vmem>>, vector<16xf32>,
        %mul3A_574 = arith.mulf %get3A_573, %gather3A_273 : vector<16xf32>
        %add3A_575 = arith.constant 3 : i32
        %add3A_576 = arith.addi %mul3A_237, %add3A_575 : i32
        %swap3A_577 = arith.index_cast %add3A_576 : i32 to index
        %swap3A_578 = arith.constant 96 : index
        %swap3A_579 = tpu.vector_load %arg18[%swap3A_577, %swap3A_578] {strides = array<i32>} : memref<128x128xf32, #tpu.memory_space<vmem>>, vector<16xf32>,
        tpu.vector_store %arg18[%swap3A_577, %swap3A_578], %mul3A_574 {strides = array<i32>} : memref<128x128xf32, #tpu.memory_space<vmem>>, vector<16xf32>,
        %add3A_580 = arith.constant 0 : i32
        %add3A_581 = arith.addi %mul3A_237, %add3A_580 : i32
        %get3A_582 = arith.index_cast %add3A_581 : i32 to index
        %get3A_583 = arith.constant 112 : index
        %get3A_584 = tpu.vector_load %arg18[%get3A_582, %get3A_583] {strides = array<i32>} : memref<128x128xf32, #tpu.memory_space<vmem>>, vector<16xf32>,
        %mul3A_585 = arith.mulf %get3A_584, %gather3A : vector<16xf32>
        %add3A_586 = arith.constant 0 : i32
        %add3A_587 = arith.addi %mul3A_237, %add3A_586 : i32
        %swap3A_588 = arith.index_cast %add3A_587 : i32 to index
        %swap3A_589 = arith.constant 112 : index
        %swap3A_590 = tpu.vector_load %arg18[%swap3A_588, %swap3A_589] {strides = array<i32>} : memref<128x128xf32, #tpu.memory_space<vmem>>, vector<16xf32>,
        tpu.vector_store %arg18[%swap3A_588, %swap3A_589], %mul3A_585 {strides = array<i32>} : memref<128x128xf32, #tpu.memory_space<vmem>>, vector<16xf32>,
        %add3A_591 = arith.constant 1 : i32
        %add3A_592 = arith.addi %mul3A_237, %add3A_591 : i32
        %get3A_593 = arith.index_cast %add3A_592 : i32 to index
        %get3A_594 = arith.constant 112 : index
        %get3A_595 = tpu.vector_load %arg18[%get3A_593, %get3A_594] {strides = array<i32>} : memref<128x128xf32, #tpu.memory_space<vmem>>, vector<16xf32>,
        %mul3A_596 = arith.mulf %get3A_595, %gather3A_255 : vector<16xf32>
        %add3A_597 = arith.constant 1 : i32
        %add3A_598 = arith.addi %mul3A_237, %add3A_597 : i32
        %swap3A_599 = arith.index_cast %add3A_598 : i32 to index
        %swap3A_600 = arith.constant 112 : index
        %swap3A_601 = tpu.vector_load %arg18[%swap3A_599, %swap3A_600] {strides = array<i32>} : memref<128x128xf32, #tpu.memory_space<vmem>>, vector<16xf32>,
        tpu.vector_store %arg18[%swap3A_599, %swap3A_600], %mul3A_596 {strides = array<i32>} : memref<128x128xf32, #tpu.memory_space<vmem>>, vector<16xf32>,
        %add3A_602 = arith.constant 2 : i32
        %add3A_603 = arith.addi %mul3A_237, %add3A_602 : i32
        %get3A_604 = arith.index_cast %add3A_603 : i32 to index
        %get3A_605 = arith.constant 112 : index
        %get3A_606 = tpu.vector_load %arg18[%get3A_604, %get3A_605] {strides = array<i32>} : memref<128x128xf32, #tpu.memory_space<vmem>>, vector<16xf32>,
        %mul3A_607 = arith.mulf %get3A_606, %gather3A_264 : vector<16xf32>
        %add3A_608 = arith.constant 2 : i32
        %add3A_609 = arith.addi %mul3A_237, %add3A_608 : i32
        %swap3A_610 = arith.index_cast %add3A_609 : i32 to index
        %swap3A_611 = arith.constant 112 : index
        %swap3A_612 = tpu.vector_load %arg18[%swap3A_610, %swap3A_611] {strides = array<i32>} : memref<128x128xf32, #tpu.memory_space<vmem>>, vector<16xf32>,
        tpu.vector_store %arg18[%swap3A_610, %swap3A_611], %mul3A_607 {strides = array<i32>} : memref<128x128xf32, #tpu.memory_space<vmem>>, vector<16xf32>,
        %add3A_613 = arith.constant 3 : i32
        %add3A_614 = arith.addi %mul3A_237, %add3A_613 : i32
        %get3A_615 = arith.index_cast %add3A_614 : i32 to index
        %get3A_616 = arith.constant 112 : index
        %get3A_617 = tpu.vector_load %arg18[%get3A_615, %get3A_616] {strides = array<i32>} : memref<128x128xf32, #tpu.memory_space<vmem>>, vector<16xf32>,
        %mul3A_618 = arith.mulf %get3A_617, %gather3A_273 : vector<16xf32>
        %add3A_619 = arith.constant 3 : i32
        %add3A_620 = arith.addi %mul3A_237, %add3A_619 : i32
        %swap3A_621 = arith.index_cast %add3A_620 : i32 to index
        %swap3A_622 = arith.constant 112 : index
        %swap3A_623 = tpu.vector_load %arg18[%swap3A_621, %swap3A_622] {strides = array<i32>} : memref<128x128xf32, #tpu.memory_space<vmem>>, vector<16xf32>,
        tpu.vector_store %arg18[%swap3A_621, %swap3A_622], %mul3A_618 {strides = array<i32>} : memref<128x128xf32, #tpu.memory_space<vmem>>, vector<16xf32>,
      }
      %scan3A_155 = arith.constant 32 : i32
      %run_scoped3A_156 = arith.constant 3 : i32
      "tpu.region"() ({
        %run_scoped3A_235 = tpu.sem_alloc : memref<!tpu.dma_semaphore, #tpu.memory_space<semaphore_mem>>
        %dma_start3A_236 = arith.constant 0 : i32
        %dma_start3A_237 = tpu.memref_slice %arg13[%run_scoped3A_156, %dma_start3A_236] : memref<8x128xi32, #tpu.memory_space<vmem>> -> memref<1x128xi32, #tpu.memory_space<vmem>>
        %dma_start3A_238 = tpu.memref_squeeze %dma_start3A_237 : memref<1x128xi32, #tpu.memory_space<vmem>> -> memref<128xi32, #tpu.memory_space<vmem>>
        %dma_start3A_239 = arith.constant 0 : i32
        %dma_start3A_240 = arith.constant 0 : i32
        %dma_start3A_241 = tpu.memref_slice %arg10[%dma_start3A_239, %dma_start3A_240] : memref<10000x128xf32, #tpu.memory_space<vmem_shared>> -> memref<10000x128xf32, #tpu.memory_space<vmem_shared>>
        tpu.enqueue_indirect_dma source(%arg18 : memref<128x128xf32, #tpu.memory_space<vmem>>) target(%dma_start3A_241 : memref<10000x128xf32, #tpu.memory_space<vmem_shared>>) offsets(%dma_start3A_238 : memref<128xi32, #tpu.memory_space<vmem>>) semaphore(%run_scoped3A_235 : memref<!tpu.dma_semaphore, #tpu.memory_space<semaphore_mem>>) {add = true}
        %dma_wait3A_242 = arith.constant 0 : i32
        %dma_wait3A_243 = tpu.memref_slice %arg13[%run_scoped3A_156, %dma_wait3A_242] : memref<8x128xi32, #tpu.memory_space<vmem>> -> memref<1x128xi32, #tpu.memory_space<vmem>>
        %dma_wait3A_244 = tpu.memref_squeeze %dma_wait3A_243 : memref<1x128xi32, #tpu.memory_space<vmem>> -> memref<128xi32, #tpu.memory_space<vmem>>
        %dma_wait3A_245 = arith.constant 0 : i32
        %dma_wait3A_246 = arith.constant 0 : i32
        %dma_wait3A_247 = tpu.memref_slice %arg10[%dma_wait3A_245, %dma_wait3A_246] : memref<10000x128xf32, #tpu.memory_space<vmem_shared>> -> memref<10000x128xf32, #tpu.memory_space<vmem_shared>>
        tpu.wait_indirect_dma semaphore(%run_scoped3A_235 : memref<!tpu.dma_semaphore, #tpu.memory_space<semaphore_mem>>) src(%arg18 : memref<128x128xf32, #tpu.memory_space<vmem>>) dst(%dma_wait3A_247 : memref<10000x128xf32, #tpu.memory_space<vmem_shared>>)
        tpu.yield
      }) : () -> ()
      %run_scoped3A_157 = arith.constant 3 : i32
      "tpu.region"() ({
        %run_scoped3A_235 = tpu.sem_alloc : memref<!tpu.dma_semaphore, #tpu.memory_space<semaphore_mem>>
        %dma_start3A_236 = arith.constant 384 : i32
        %dma_start3A_237 = tpu.memref_slice %arg16[%dma_start3A_236] : memref<1024xf32, #tpu.memory_space<vmem>> -> memref<128xf32, #tpu.memory_space<vmem>>
        %dma_start3A_238 = arith.constant 0 : i32
        %dma_start3A_239 = tpu.memref_slice %arg13[%run_scoped3A_157, %dma_start3A_238] : memref<8x128xi32, #tpu.memory_space<vmem>> -> memref<1x128xi32, #tpu.memory_space<vmem>>
        %dma_start3A_240 = tpu.memref_squeeze %dma_start3A_239 : memref<1x128xi32, #tpu.memory_space<vmem>> -> memref<128xi32, #tpu.memory_space<vmem>>
        %dma_start3A_241 = arith.constant 0 : i32
        %dma_start3A_242 = tpu.memref_slice %arg11[%dma_start3A_241] : memref<10240xf32, #tpu.memory_space<vmem_shared>> -> memref<10240xf32, #tpu.memory_space<vmem_shared>>
        tpu.enqueue_indirect_dma source(%dma_start3A_237 : memref<128xf32, #tpu.memory_space<vmem>>) target(%dma_start3A_242 : memref<10240xf32, #tpu.memory_space<vmem_shared>>) offsets(%dma_start3A_240 : memref<128xi32, #tpu.memory_space<vmem>>) semaphore(%run_scoped3A_235 : memref<!tpu.dma_semaphore, #tpu.memory_space<semaphore_mem>>) {add = true}
        %dma_wait3A_243 = arith.constant 384 : i32
        %dma_wait3A_244 = tpu.memref_slice %arg16[%dma_wait3A_243] : memref<1024xf32, #tpu.memory_space<vmem>> -> memref<128xf32, #tpu.memory_space<vmem>>
        %dma_wait3A_245 = arith.constant 0 : i32
        %dma_wait3A_246 = tpu.memref_slice %arg13[%run_scoped3A_157, %dma_wait3A_245] : memref<8x128xi32, #tpu.memory_space<vmem>> -> memref<1x128xi32, #tpu.memory_space<vmem>>
        %dma_wait3A_247 = tpu.memref_squeeze %dma_wait3A_246 : memref<1x128xi32, #tpu.memory_space<vmem>> -> memref<128xi32, #tpu.memory_space<vmem>>
        %dma_wait3A_248 = arith.constant 0 : i32
        %dma_wait3A_249 = tpu.memref_slice %arg11[%dma_wait3A_248] : memref<10240xf32, #tpu.memory_space<vmem_shared>> -> memref<10240xf32, #tpu.memory_space<vmem_shared>>
        tpu.wait_indirect_dma semaphore(%run_scoped3A_235 : memref<!tpu.dma_semaphore, #tpu.memory_space<semaphore_mem>>) src(%dma_wait3A_244 : memref<128xf32, #tpu.memory_space<vmem>>) dst(%dma_wait3A_249 : memref<10240xf32, #tpu.memory_space<vmem_shared>>)
        tpu.yield
      }) : () -> ()
      %dma_start3A_158 = arith.constant 5 : i32
      %dma_start3A_159 = arith.constant 0 : i32
      %dma_start3A_160 = tpu.memref_slice %arg15[%dma_start3A_158, %dma_start3A_159] : memref<8x128xi32, #tpu.memory_space<vmem>> -> memref<1x128xi32, #tpu.memory_space<vmem>>
      %dma_start3A_161 = tpu.memref_squeeze %dma_start3A_160 : memref<1x128xi32, #tpu.memory_space<vmem>> -> memref<128xi32, #tpu.memory_space<vmem>>
      %dma_start3A_162 = arith.constant 0 : i32
      %dma_start3A_163 = arith.constant 0 : i32
      %dma_start3A_164 = tpu.memref_slice %arg2[%dma_start3A_162, %dma_start3A_163] : memref<20000x128xf32, #tpu.memory_space<hbm>> -> memref<20000x128xf32, #tpu.memory_space<hbm>>
      tpu.enqueue_indirect_dma source(%dma_start3A_164 : memref<20000x128xf32, #tpu.memory_space<hbm>>) target(%arg18 : memref<128x128xf32, #tpu.memory_space<vmem>>) offsets(%dma_start3A_161 : memref<128xi32, #tpu.memory_space<vmem>>) semaphore(%arg20 : memref<!tpu.dma_semaphore, #tpu.memory_space<semaphore_mem>>)
      %dma_wait3A_165 = arith.constant 4 : i32
      %dma_wait3A_166 = arith.constant 0 : i32
      %dma_wait3A_167 = tpu.memref_slice %arg15[%dma_wait3A_165, %dma_wait3A_166] : memref<8x128xi32, #tpu.memory_space<vmem>> -> memref<1x128xi32, #tpu.memory_space<vmem>>
      %dma_wait3A_168 = tpu.memref_squeeze %dma_wait3A_167 : memref<1x128xi32, #tpu.memory_space<vmem>> -> memref<128xi32, #tpu.memory_space<vmem>>
      %dma_wait3A_169 = arith.constant 0 : i32
      %dma_wait3A_170 = arith.constant 0 : i32
      %dma_wait3A_171 = tpu.memref_slice %arg2[%dma_wait3A_169, %dma_wait3A_170] : memref<20000x128xf32, #tpu.memory_space<hbm>> -> memref<20000x128xf32, #tpu.memory_space<hbm>>
      tpu.wait_indirect_dma semaphore(%arg19 : memref<!tpu.dma_semaphore, #tpu.memory_space<semaphore_mem>>) src(%dma_wait3A_171 : memref<20000x128xf32, #tpu.memory_space<hbm>>) dst(%arg17 : memref<128x128xf32, #tpu.memory_space<vmem>>)
      %scan3A_172 = arith.constant 0 : i32
      %scan3A_173 = arith.constant 32 : i32
      %scan3A_174 = arith.addi %scan3A_172, %scan3A_173 : i32
      %scan3A_175 = arith.constant 1 : i32
      scf.for %scan3A_235 = %scan3A_172 to %scan3A_174 step %scan3A_175  : i32 {
        %mul3A_236 = arith.constant 4 : i32
        %mul3A_237 = arith.muli %scan3A_235, %mul3A_236 : i32
        %broadcast_in_dim3A = arith.constant 0 : i32
        %broadcast_in_dim3A_238 = vector.broadcast %broadcast_in_dim3A : i32 to vector<16xi32>
        %add3A_239 = arith.constant 512 : i32
        %add3A_240 = vector.broadcast %add3A_239 : i32 to vector<16xi32>
        %add3A_241 = arith.addi %broadcast_in_dim3A_238, %add3A_240 : vector<16xi32>
        %add3A_242 = vector.broadcast %mul3A_237 : i32 to vector<16xi32>
        %add3A_243 = arith.addi %add3A_241, %add3A_242 : vector<16xi32>
        %add3A_244 = arith.constant 0 : i32
        %add3A_245 = vector.broadcast %add3A_244 : i32 to vector<16xi32>
        %add3A_246 = arith.addi %add3A_243, %add3A_245 : vector<16xi32>
        %gather3A = tpu.vector_load_idx %arg16[%add3A_246] : memref<1024xf32, #tpu.memory_space<vmem>>[vector<16xi32>], vector<16xf32>,
        %add3A_247 = arith.constant 512 : i32
        %add3A_248 = vector.broadcast %add3A_247 : i32 to vector<16xi32>
        %add3A_249 = arith.addi %broadcast_in_dim3A_238, %add3A_248 : vector<16xi32>
        %add3A_250 = vector.broadcast %mul3A_237 : i32 to vector<16xi32>
        %add3A_251 = arith.addi %add3A_249, %add3A_250 : vector<16xi32>
        %add3A_252 = arith.constant 1 : i32
        %add3A_253 = vector.broadcast %add3A_252 : i32 to vector<16xi32>
        %add3A_254 = arith.addi %add3A_251, %add3A_253 : vector<16xi32>
        %gather3A_255 = tpu.vector_load_idx %arg16[%add3A_254] : memref<1024xf32, #tpu.memory_space<vmem>>[vector<16xi32>], vector<16xf32>,
        %add3A_256 = arith.constant 512 : i32
        %add3A_257 = vector.broadcast %add3A_256 : i32 to vector<16xi32>
        %add3A_258 = arith.addi %broadcast_in_dim3A_238, %add3A_257 : vector<16xi32>
        %add3A_259 = vector.broadcast %mul3A_237 : i32 to vector<16xi32>
        %add3A_260 = arith.addi %add3A_258, %add3A_259 : vector<16xi32>
        %add3A_261 = arith.constant 2 : i32
        %add3A_262 = vector.broadcast %add3A_261 : i32 to vector<16xi32>
        %add3A_263 = arith.addi %add3A_260, %add3A_262 : vector<16xi32>
        %gather3A_264 = tpu.vector_load_idx %arg16[%add3A_263] : memref<1024xf32, #tpu.memory_space<vmem>>[vector<16xi32>], vector<16xf32>,
        %add3A_265 = arith.constant 512 : i32
        %add3A_266 = vector.broadcast %add3A_265 : i32 to vector<16xi32>
        %add3A_267 = arith.addi %broadcast_in_dim3A_238, %add3A_266 : vector<16xi32>
        %add3A_268 = vector.broadcast %mul3A_237 : i32 to vector<16xi32>
        %add3A_269 = arith.addi %add3A_267, %add3A_268 : vector<16xi32>
        %add3A_270 = arith.constant 3 : i32
        %add3A_271 = vector.broadcast %add3A_270 : i32 to vector<16xi32>
        %add3A_272 = arith.addi %add3A_269, %add3A_271 : vector<16xi32>
        %gather3A_273 = tpu.vector_load_idx %arg16[%add3A_272] : memref<1024xf32, #tpu.memory_space<vmem>>[vector<16xi32>], vector<16xf32>,
        %add3A_274 = arith.constant 0 : i32
        %add3A_275 = arith.addi %mul3A_237, %add3A_274 : i32
        %get3A = arith.index_cast %add3A_275 : i32 to index
        %get3A_276 = arith.constant 0 : index
        %get3A_277 = tpu.vector_load %arg17[%get3A, %get3A_276] {strides = array<i32>} : memref<128x128xf32, #tpu.memory_space<vmem>>, vector<16xf32>,
        %mul3A_278 = arith.mulf %get3A_277, %gather3A : vector<16xf32>
        %add3A_279 = arith.constant 0 : i32
        %add3A_280 = arith.addi %mul3A_237, %add3A_279 : i32
        %swap3A = arith.index_cast %add3A_280 : i32 to index
        %swap3A_281 = arith.constant 0 : index
        %swap3A_282 = tpu.vector_load %arg17[%swap3A, %swap3A_281] {strides = array<i32>} : memref<128x128xf32, #tpu.memory_space<vmem>>, vector<16xf32>,
        tpu.vector_store %arg17[%swap3A, %swap3A_281], %mul3A_278 {strides = array<i32>} : memref<128x128xf32, #tpu.memory_space<vmem>>, vector<16xf32>,
        %add3A_283 = arith.constant 1 : i32
        %add3A_284 = arith.addi %mul3A_237, %add3A_283 : i32
        %get3A_285 = arith.index_cast %add3A_284 : i32 to index
        %get3A_286 = arith.constant 0 : index
        %get3A_287 = tpu.vector_load %arg17[%get3A_285, %get3A_286] {strides = array<i32>} : memref<128x128xf32, #tpu.memory_space<vmem>>, vector<16xf32>,
        %mul3A_288 = arith.mulf %get3A_287, %gather3A_255 : vector<16xf32>
        %add3A_289 = arith.constant 1 : i32
        %add3A_290 = arith.addi %mul3A_237, %add3A_289 : i32
        %swap3A_291 = arith.index_cast %add3A_290 : i32 to index
        %swap3A_292 = arith.constant 0 : index
        %swap3A_293 = tpu.vector_load %arg17[%swap3A_291, %swap3A_292] {strides = array<i32>} : memref<128x128xf32, #tpu.memory_space<vmem>>, vector<16xf32>,
        tpu.vector_store %arg17[%swap3A_291, %swap3A_292], %mul3A_288 {strides = array<i32>} : memref<128x128xf32, #tpu.memory_space<vmem>>, vector<16xf32>,
        %add3A_294 = arith.constant 2 : i32
        %add3A_295 = arith.addi %mul3A_237, %add3A_294 : i32
        %get3A_296 = arith.index_cast %add3A_295 : i32 to index
        %get3A_297 = arith.constant 0 : index
        %get3A_298 = tpu.vector_load %arg17[%get3A_296, %get3A_297] {strides = array<i32>} : memref<128x128xf32, #tpu.memory_space<vmem>>, vector<16xf32>,
        %mul3A_299 = arith.mulf %get3A_298, %gather3A_264 : vector<16xf32>
        %add3A_300 = arith.constant 2 : i32
        %add3A_301 = arith.addi %mul3A_237, %add3A_300 : i32
        %swap3A_302 = arith.index_cast %add3A_301 : i32 to index
        %swap3A_303 = arith.constant 0 : index
        %swap3A_304 = tpu.vector_load %arg17[%swap3A_302, %swap3A_303] {strides = array<i32>} : memref<128x128xf32, #tpu.memory_space<vmem>>, vector<16xf32>,
        tpu.vector_store %arg17[%swap3A_302, %swap3A_303], %mul3A_299 {strides = array<i32>} : memref<128x128xf32, #tpu.memory_space<vmem>>, vector<16xf32>,
        %add3A_305 = arith.constant 3 : i32
        %add3A_306 = arith.addi %mul3A_237, %add3A_305 : i32
        %get3A_307 = arith.index_cast %add3A_306 : i32 to index
        %get3A_308 = arith.constant 0 : index
        %get3A_309 = tpu.vector_load %arg17[%get3A_307, %get3A_308] {strides = array<i32>} : memref<128x128xf32, #tpu.memory_space<vmem>>, vector<16xf32>,
        %mul3A_310 = arith.mulf %get3A_309, %gather3A_273 : vector<16xf32>
        %add3A_311 = arith.constant 3 : i32
        %add3A_312 = arith.addi %mul3A_237, %add3A_311 : i32
        %swap3A_313 = arith.index_cast %add3A_312 : i32 to index
        %swap3A_314 = arith.constant 0 : index
        %swap3A_315 = tpu.vector_load %arg17[%swap3A_313, %swap3A_314] {strides = array<i32>} : memref<128x128xf32, #tpu.memory_space<vmem>>, vector<16xf32>,
        tpu.vector_store %arg17[%swap3A_313, %swap3A_314], %mul3A_310 {strides = array<i32>} : memref<128x128xf32, #tpu.memory_space<vmem>>, vector<16xf32>,
        %add3A_316 = arith.constant 0 : i32
        %add3A_317 = arith.addi %mul3A_237, %add3A_316 : i32
        %get3A_318 = arith.index_cast %add3A_317 : i32 to index
        %get3A_319 = arith.constant 16 : index
        %get3A_320 = tpu.vector_load %arg17[%get3A_318, %get3A_319] {strides = array<i32>} : memref<128x128xf32, #tpu.memory_space<vmem>>, vector<16xf32>,
        %mul3A_321 = arith.mulf %get3A_320, %gather3A : vector<16xf32>
        %add3A_322 = arith.constant 0 : i32
        %add3A_323 = arith.addi %mul3A_237, %add3A_322 : i32
        %swap3A_324 = arith.index_cast %add3A_323 : i32 to index
        %swap3A_325 = arith.constant 16 : index
        %swap3A_326 = tpu.vector_load %arg17[%swap3A_324, %swap3A_325] {strides = array<i32>} : memref<128x128xf32, #tpu.memory_space<vmem>>, vector<16xf32>,
        tpu.vector_store %arg17[%swap3A_324, %swap3A_325], %mul3A_321 {strides = array<i32>} : memref<128x128xf32, #tpu.memory_space<vmem>>, vector<16xf32>,
        %add3A_327 = arith.constant 1 : i32
        %add3A_328 = arith.addi %mul3A_237, %add3A_327 : i32
        %get3A_329 = arith.index_cast %add3A_328 : i32 to index
        %get3A_330 = arith.constant 16 : index
        %get3A_331 = tpu.vector_load %arg17[%get3A_329, %get3A_330] {strides = array<i32>} : memref<128x128xf32, #tpu.memory_space<vmem>>, vector<16xf32>,
        %mul3A_332 = arith.mulf %get3A_331, %gather3A_255 : vector<16xf32>
        %add3A_333 = arith.constant 1 : i32
        %add3A_334 = arith.addi %mul3A_237, %add3A_333 : i32
        %swap3A_335 = arith.index_cast %add3A_334 : i32 to index
        %swap3A_336 = arith.constant 16 : index
        %swap3A_337 = tpu.vector_load %arg17[%swap3A_335, %swap3A_336] {strides = array<i32>} : memref<128x128xf32, #tpu.memory_space<vmem>>, vector<16xf32>,
        tpu.vector_store %arg17[%swap3A_335, %swap3A_336], %mul3A_332 {strides = array<i32>} : memref<128x128xf32, #tpu.memory_space<vmem>>, vector<16xf32>,
        %add3A_338 = arith.constant 2 : i32
        %add3A_339 = arith.addi %mul3A_237, %add3A_338 : i32
        %get3A_340 = arith.index_cast %add3A_339 : i32 to index
        %get3A_341 = arith.constant 16 : index
        %get3A_342 = tpu.vector_load %arg17[%get3A_340, %get3A_341] {strides = array<i32>} : memref<128x128xf32, #tpu.memory_space<vmem>>, vector<16xf32>,
        %mul3A_343 = arith.mulf %get3A_342, %gather3A_264 : vector<16xf32>
        %add3A_344 = arith.constant 2 : i32
        %add3A_345 = arith.addi %mul3A_237, %add3A_344 : i32
        %swap3A_346 = arith.index_cast %add3A_345 : i32 to index
        %swap3A_347 = arith.constant 16 : index
        %swap3A_348 = tpu.vector_load %arg17[%swap3A_346, %swap3A_347] {strides = array<i32>} : memref<128x128xf32, #tpu.memory_space<vmem>>, vector<16xf32>,
        tpu.vector_store %arg17[%swap3A_346, %swap3A_347], %mul3A_343 {strides = array<i32>} : memref<128x128xf32, #tpu.memory_space<vmem>>, vector<16xf32>,
        %add3A_349 = arith.constant 3 : i32
        %add3A_350 = arith.addi %mul3A_237, %add3A_349 : i32
        %get3A_351 = arith.index_cast %add3A_350 : i32 to index
        %get3A_352 = arith.constant 16 : index
        %get3A_353 = tpu.vector_load %arg17[%get3A_351, %get3A_352] {strides = array<i32>} : memref<128x128xf32, #tpu.memory_space<vmem>>, vector<16xf32>,
        %mul3A_354 = arith.mulf %get3A_353, %gather3A_273 : vector<16xf32>
        %add3A_355 = arith.constant 3 : i32
        %add3A_356 = arith.addi %mul3A_237, %add3A_355 : i32
        %swap3A_357 = arith.index_cast %add3A_356 : i32 to index
        %swap3A_358 = arith.constant 16 : index
        %swap3A_359 = tpu.vector_load %arg17[%swap3A_357, %swap3A_358] {strides = array<i32>} : memref<128x128xf32, #tpu.memory_space<vmem>>, vector<16xf32>,
        tpu.vector_store %arg17[%swap3A_357, %swap3A_358], %mul3A_354 {strides = array<i32>} : memref<128x128xf32, #tpu.memory_space<vmem>>, vector<16xf32>,
        %add3A_360 = arith.constant 0 : i32
        %add3A_361 = arith.addi %mul3A_237, %add3A_360 : i32
        %get3A_362 = arith.index_cast %add3A_361 : i32 to index
        %get3A_363 = arith.constant 32 : index
        %get3A_364 = tpu.vector_load %arg17[%get3A_362, %get3A_363] {strides = array<i32>} : memref<128x128xf32, #tpu.memory_space<vmem>>, vector<16xf32>,
        %mul3A_365 = arith.mulf %get3A_364, %gather3A : vector<16xf32>
        %add3A_366 = arith.constant 0 : i32
        %add3A_367 = arith.addi %mul3A_237, %add3A_366 : i32
        %swap3A_368 = arith.index_cast %add3A_367 : i32 to index
        %swap3A_369 = arith.constant 32 : index
        %swap3A_370 = tpu.vector_load %arg17[%swap3A_368, %swap3A_369] {strides = array<i32>} : memref<128x128xf32, #tpu.memory_space<vmem>>, vector<16xf32>,
        tpu.vector_store %arg17[%swap3A_368, %swap3A_369], %mul3A_365 {strides = array<i32>} : memref<128x128xf32, #tpu.memory_space<vmem>>, vector<16xf32>,
        %add3A_371 = arith.constant 1 : i32
        %add3A_372 = arith.addi %mul3A_237, %add3A_371 : i32
        %get3A_373 = arith.index_cast %add3A_372 : i32 to index
        %get3A_374 = arith.constant 32 : index
        %get3A_375 = tpu.vector_load %arg17[%get3A_373, %get3A_374] {strides = array<i32>} : memref<128x128xf32, #tpu.memory_space<vmem>>, vector<16xf32>,
        %mul3A_376 = arith.mulf %get3A_375, %gather3A_255 : vector<16xf32>
        %add3A_377 = arith.constant 1 : i32
        %add3A_378 = arith.addi %mul3A_237, %add3A_377 : i32
        %swap3A_379 = arith.index_cast %add3A_378 : i32 to index
        %swap3A_380 = arith.constant 32 : index
        %swap3A_381 = tpu.vector_load %arg17[%swap3A_379, %swap3A_380] {strides = array<i32>} : memref<128x128xf32, #tpu.memory_space<vmem>>, vector<16xf32>,
        tpu.vector_store %arg17[%swap3A_379, %swap3A_380], %mul3A_376 {strides = array<i32>} : memref<128x128xf32, #tpu.memory_space<vmem>>, vector<16xf32>,
        %add3A_382 = arith.constant 2 : i32
        %add3A_383 = arith.addi %mul3A_237, %add3A_382 : i32
        %get3A_384 = arith.index_cast %add3A_383 : i32 to index
        %get3A_385 = arith.constant 32 : index
        %get3A_386 = tpu.vector_load %arg17[%get3A_384, %get3A_385] {strides = array<i32>} : memref<128x128xf32, #tpu.memory_space<vmem>>, vector<16xf32>,
        %mul3A_387 = arith.mulf %get3A_386, %gather3A_264 : vector<16xf32>
        %add3A_388 = arith.constant 2 : i32
        %add3A_389 = arith.addi %mul3A_237, %add3A_388 : i32
        %swap3A_390 = arith.index_cast %add3A_389 : i32 to index
        %swap3A_391 = arith.constant 32 : index
        %swap3A_392 = tpu.vector_load %arg17[%swap3A_390, %swap3A_391] {strides = array<i32>} : memref<128x128xf32, #tpu.memory_space<vmem>>, vector<16xf32>,
        tpu.vector_store %arg17[%swap3A_390, %swap3A_391], %mul3A_387 {strides = array<i32>} : memref<128x128xf32, #tpu.memory_space<vmem>>, vector<16xf32>,
        %add3A_393 = arith.constant 3 : i32
        %add3A_394 = arith.addi %mul3A_237, %add3A_393 : i32
        %get3A_395 = arith.index_cast %add3A_394 : i32 to index
        %get3A_396 = arith.constant 32 : index
        %get3A_397 = tpu.vector_load %arg17[%get3A_395, %get3A_396] {strides = array<i32>} : memref<128x128xf32, #tpu.memory_space<vmem>>, vector<16xf32>,
        %mul3A_398 = arith.mulf %get3A_397, %gather3A_273 : vector<16xf32>
        %add3A_399 = arith.constant 3 : i32
        %add3A_400 = arith.addi %mul3A_237, %add3A_399 : i32
        %swap3A_401 = arith.index_cast %add3A_400 : i32 to index
        %swap3A_402 = arith.constant 32 : index
        %swap3A_403 = tpu.vector_load %arg17[%swap3A_401, %swap3A_402] {strides = array<i32>} : memref<128x128xf32, #tpu.memory_space<vmem>>, vector<16xf32>,
        tpu.vector_store %arg17[%swap3A_401, %swap3A_402], %mul3A_398 {strides = array<i32>} : memref<128x128xf32, #tpu.memory_space<vmem>>, vector<16xf32>,
        %add3A_404 = arith.constant 0 : i32
        %add3A_405 = arith.addi %mul3A_237, %add3A_404 : i32
        %get3A_406 = arith.index_cast %add3A_405 : i32 to index
        %get3A_407 = arith.constant 48 : index
        %get3A_408 = tpu.vector_load %arg17[%get3A_406, %get3A_407] {strides = array<i32>} : memref<128x128xf32, #tpu.memory_space<vmem>>, vector<16xf32>,
        %mul3A_409 = arith.mulf %get3A_408, %gather3A : vector<16xf32>
        %add3A_410 = arith.constant 0 : i32
        %add3A_411 = arith.addi %mul3A_237, %add3A_410 : i32
        %swap3A_412 = arith.index_cast %add3A_411 : i32 to index
        %swap3A_413 = arith.constant 48 : index
        %swap3A_414 = tpu.vector_load %arg17[%swap3A_412, %swap3A_413] {strides = array<i32>} : memref<128x128xf32, #tpu.memory_space<vmem>>, vector<16xf32>,
        tpu.vector_store %arg17[%swap3A_412, %swap3A_413], %mul3A_409 {strides = array<i32>} : memref<128x128xf32, #tpu.memory_space<vmem>>, vector<16xf32>,
        %add3A_415 = arith.constant 1 : i32
        %add3A_416 = arith.addi %mul3A_237, %add3A_415 : i32
        %get3A_417 = arith.index_cast %add3A_416 : i32 to index
        %get3A_418 = arith.constant 48 : index
        %get3A_419 = tpu.vector_load %arg17[%get3A_417, %get3A_418] {strides = array<i32>} : memref<128x128xf32, #tpu.memory_space<vmem>>, vector<16xf32>,
        %mul3A_420 = arith.mulf %get3A_419, %gather3A_255 : vector<16xf32>
        %add3A_421 = arith.constant 1 : i32
        %add3A_422 = arith.addi %mul3A_237, %add3A_421 : i32
        %swap3A_423 = arith.index_cast %add3A_422 : i32 to index
        %swap3A_424 = arith.constant 48 : index
        %swap3A_425 = tpu.vector_load %arg17[%swap3A_423, %swap3A_424] {strides = array<i32>} : memref<128x128xf32, #tpu.memory_space<vmem>>, vector<16xf32>,
        tpu.vector_store %arg17[%swap3A_423, %swap3A_424], %mul3A_420 {strides = array<i32>} : memref<128x128xf32, #tpu.memory_space<vmem>>, vector<16xf32>,
        %add3A_426 = arith.constant 2 : i32
        %add3A_427 = arith.addi %mul3A_237, %add3A_426 : i32
        %get3A_428 = arith.index_cast %add3A_427 : i32 to index
        %get3A_429 = arith.constant 48 : index
        %get3A_430 = tpu.vector_load %arg17[%get3A_428, %get3A_429] {strides = array<i32>} : memref<128x128xf32, #tpu.memory_space<vmem>>, vector<16xf32>,
        %mul3A_431 = arith.mulf %get3A_430, %gather3A_264 : vector<16xf32>
        %add3A_432 = arith.constant 2 : i32
        %add3A_433 = arith.addi %mul3A_237, %add3A_432 : i32
        %swap3A_434 = arith.index_cast %add3A_433 : i32 to index
        %swap3A_435 = arith.constant 48 : index
        %swap3A_436 = tpu.vector_load %arg17[%swap3A_434, %swap3A_435] {strides = array<i32>} : memref<128x128xf32, #tpu.memory_space<vmem>>, vector<16xf32>,
        tpu.vector_store %arg17[%swap3A_434, %swap3A_435], %mul3A_431 {strides = array<i32>} : memref<128x128xf32, #tpu.memory_space<vmem>>, vector<16xf32>,
        %add3A_437 = arith.constant 3 : i32
        %add3A_438 = arith.addi %mul3A_237, %add3A_437 : i32
        %get3A_439 = arith.index_cast %add3A_438 : i32 to index
        %get3A_440 = arith.constant 48 : index
        %get3A_441 = tpu.vector_load %arg17[%get3A_439, %get3A_440] {strides = array<i32>} : memref<128x128xf32, #tpu.memory_space<vmem>>, vector<16xf32>,
        %mul3A_442 = arith.mulf %get3A_441, %gather3A_273 : vector<16xf32>
        %add3A_443 = arith.constant 3 : i32
        %add3A_444 = arith.addi %mul3A_237, %add3A_443 : i32
        %swap3A_445 = arith.index_cast %add3A_444 : i32 to index
        %swap3A_446 = arith.constant 48 : index
        %swap3A_447 = tpu.vector_load %arg17[%swap3A_445, %swap3A_446] {strides = array<i32>} : memref<128x128xf32, #tpu.memory_space<vmem>>, vector<16xf32>,
        tpu.vector_store %arg17[%swap3A_445, %swap3A_446], %mul3A_442 {strides = array<i32>} : memref<128x128xf32, #tpu.memory_space<vmem>>, vector<16xf32>,
        %add3A_448 = arith.constant 0 : i32
        %add3A_449 = arith.addi %mul3A_237, %add3A_448 : i32
        %get3A_450 = arith.index_cast %add3A_449 : i32 to index
        %get3A_451 = arith.constant 64 : index
        %get3A_452 = tpu.vector_load %arg17[%get3A_450, %get3A_451] {strides = array<i32>} : memref<128x128xf32, #tpu.memory_space<vmem>>, vector<16xf32>,
        %mul3A_453 = arith.mulf %get3A_452, %gather3A : vector<16xf32>
        %add3A_454 = arith.constant 0 : i32
        %add3A_455 = arith.addi %mul3A_237, %add3A_454 : i32
        %swap3A_456 = arith.index_cast %add3A_455 : i32 to index
        %swap3A_457 = arith.constant 64 : index
        %swap3A_458 = tpu.vector_load %arg17[%swap3A_456, %swap3A_457] {strides = array<i32>} : memref<128x128xf32, #tpu.memory_space<vmem>>, vector<16xf32>,
        tpu.vector_store %arg17[%swap3A_456, %swap3A_457], %mul3A_453 {strides = array<i32>} : memref<128x128xf32, #tpu.memory_space<vmem>>, vector<16xf32>,
        %add3A_459 = arith.constant 1 : i32
        %add3A_460 = arith.addi %mul3A_237, %add3A_459 : i32
        %get3A_461 = arith.index_cast %add3A_460 : i32 to index
        %get3A_462 = arith.constant 64 : index
        %get3A_463 = tpu.vector_load %arg17[%get3A_461, %get3A_462] {strides = array<i32>} : memref<128x128xf32, #tpu.memory_space<vmem>>, vector<16xf32>,
        %mul3A_464 = arith.mulf %get3A_463, %gather3A_255 : vector<16xf32>
        %add3A_465 = arith.constant 1 : i32
        %add3A_466 = arith.addi %mul3A_237, %add3A_465 : i32
        %swap3A_467 = arith.index_cast %add3A_466 : i32 to index
        %swap3A_468 = arith.constant 64 : index
        %swap3A_469 = tpu.vector_load %arg17[%swap3A_467, %swap3A_468] {strides = array<i32>} : memref<128x128xf32, #tpu.memory_space<vmem>>, vector<16xf32>,
        tpu.vector_store %arg17[%swap3A_467, %swap3A_468], %mul3A_464 {strides = array<i32>} : memref<128x128xf32, #tpu.memory_space<vmem>>, vector<16xf32>,
        %add3A_470 = arith.constant 2 : i32
        %add3A_471 = arith.addi %mul3A_237, %add3A_470 : i32
        %get3A_472 = arith.index_cast %add3A_471 : i32 to index
        %get3A_473 = arith.constant 64 : index
        %get3A_474 = tpu.vector_load %arg17[%get3A_472, %get3A_473] {strides = array<i32>} : memref<128x128xf32, #tpu.memory_space<vmem>>, vector<16xf32>,
        %mul3A_475 = arith.mulf %get3A_474, %gather3A_264 : vector<16xf32>
        %add3A_476 = arith.constant 2 : i32
        %add3A_477 = arith.addi %mul3A_237, %add3A_476 : i32
        %swap3A_478 = arith.index_cast %add3A_477 : i32 to index
        %swap3A_479 = arith.constant 64 : index
        %swap3A_480 = tpu.vector_load %arg17[%swap3A_478, %swap3A_479] {strides = array<i32>} : memref<128x128xf32, #tpu.memory_space<vmem>>, vector<16xf32>,
        tpu.vector_store %arg17[%swap3A_478, %swap3A_479], %mul3A_475 {strides = array<i32>} : memref<128x128xf32, #tpu.memory_space<vmem>>, vector<16xf32>,
        %add3A_481 = arith.constant 3 : i32
        %add3A_482 = arith.addi %mul3A_237, %add3A_481 : i32
        %get3A_483 = arith.index_cast %add3A_482 : i32 to index
        %get3A_484 = arith.constant 64 : index
        %get3A_485 = tpu.vector_load %arg17[%get3A_483, %get3A_484] {strides = array<i32>} : memref<128x128xf32, #tpu.memory_space<vmem>>, vector<16xf32>,
        %mul3A_486 = arith.mulf %get3A_485, %gather3A_273 : vector<16xf32>
        %add3A_487 = arith.constant 3 : i32
        %add3A_488 = arith.addi %mul3A_237, %add3A_487 : i32
        %swap3A_489 = arith.index_cast %add3A_488 : i32 to index
        %swap3A_490 = arith.constant 64 : index
        %swap3A_491 = tpu.vector_load %arg17[%swap3A_489, %swap3A_490] {strides = array<i32>} : memref<128x128xf32, #tpu.memory_space<vmem>>, vector<16xf32>,
        tpu.vector_store %arg17[%swap3A_489, %swap3A_490], %mul3A_486 {strides = array<i32>} : memref<128x128xf32, #tpu.memory_space<vmem>>, vector<16xf32>,
        %add3A_492 = arith.constant 0 : i32
        %add3A_493 = arith.addi %mul3A_237, %add3A_492 : i32
        %get3A_494 = arith.index_cast %add3A_493 : i32 to index
        %get3A_495 = arith.constant 80 : index
        %get3A_496 = tpu.vector_load %arg17[%get3A_494, %get3A_495] {strides = array<i32>} : memref<128x128xf32, #tpu.memory_space<vmem>>, vector<16xf32>,
        %mul3A_497 = arith.mulf %get3A_496, %gather3A : vector<16xf32>
        %add3A_498 = arith.constant 0 : i32
        %add3A_499 = arith.addi %mul3A_237, %add3A_498 : i32
        %swap3A_500 = arith.index_cast %add3A_499 : i32 to index
        %swap3A_501 = arith.constant 80 : index
        %swap3A_502 = tpu.vector_load %arg17[%swap3A_500, %swap3A_501] {strides = array<i32>} : memref<128x128xf32, #tpu.memory_space<vmem>>, vector<16xf32>,
        tpu.vector_store %arg17[%swap3A_500, %swap3A_501], %mul3A_497 {strides = array<i32>} : memref<128x128xf32, #tpu.memory_space<vmem>>, vector<16xf32>,
        %add3A_503 = arith.constant 1 : i32
        %add3A_504 = arith.addi %mul3A_237, %add3A_503 : i32
        %get3A_505 = arith.index_cast %add3A_504 : i32 to index
        %get3A_506 = arith.constant 80 : index
        %get3A_507 = tpu.vector_load %arg17[%get3A_505, %get3A_506] {strides = array<i32>} : memref<128x128xf32, #tpu.memory_space<vmem>>, vector<16xf32>,
        %mul3A_508 = arith.mulf %get3A_507, %gather3A_255 : vector<16xf32>
        %add3A_509 = arith.constant 1 : i32
        %add3A_510 = arith.addi %mul3A_237, %add3A_509 : i32
        %swap3A_511 = arith.index_cast %add3A_510 : i32 to index
        %swap3A_512 = arith.constant 80 : index
        %swap3A_513 = tpu.vector_load %arg17[%swap3A_511, %swap3A_512] {strides = array<i32>} : memref<128x128xf32, #tpu.memory_space<vmem>>, vector<16xf32>,
        tpu.vector_store %arg17[%swap3A_511, %swap3A_512], %mul3A_508 {strides = array<i32>} : memref<128x128xf32, #tpu.memory_space<vmem>>, vector<16xf32>,
        %add3A_514 = arith.constant 2 : i32
        %add3A_515 = arith.addi %mul3A_237, %add3A_514 : i32
        %get3A_516 = arith.index_cast %add3A_515 : i32 to index
        %get3A_517 = arith.constant 80 : index
        %get3A_518 = tpu.vector_load %arg17[%get3A_516, %get3A_517] {strides = array<i32>} : memref<128x128xf32, #tpu.memory_space<vmem>>, vector<16xf32>,
        %mul3A_519 = arith.mulf %get3A_518, %gather3A_264 : vector<16xf32>
        %add3A_520 = arith.constant 2 : i32
        %add3A_521 = arith.addi %mul3A_237, %add3A_520 : i32
        %swap3A_522 = arith.index_cast %add3A_521 : i32 to index
        %swap3A_523 = arith.constant 80 : index
        %swap3A_524 = tpu.vector_load %arg17[%swap3A_522, %swap3A_523] {strides = array<i32>} : memref<128x128xf32, #tpu.memory_space<vmem>>, vector<16xf32>,
        tpu.vector_store %arg17[%swap3A_522, %swap3A_523], %mul3A_519 {strides = array<i32>} : memref<128x128xf32, #tpu.memory_space<vmem>>, vector<16xf32>,
        %add3A_525 = arith.constant 3 : i32
        %add3A_526 = arith.addi %mul3A_237, %add3A_525 : i32
        %get3A_527 = arith.index_cast %add3A_526 : i32 to index
        %get3A_528 = arith.constant 80 : index
        %get3A_529 = tpu.vector_load %arg17[%get3A_527, %get3A_528] {strides = array<i32>} : memref<128x128xf32, #tpu.memory_space<vmem>>, vector<16xf32>,
        %mul3A_530 = arith.mulf %get3A_529, %gather3A_273 : vector<16xf32>
        %add3A_531 = arith.constant 3 : i32
        %add3A_532 = arith.addi %mul3A_237, %add3A_531 : i32
        %swap3A_533 = arith.index_cast %add3A_532 : i32 to index
        %swap3A_534 = arith.constant 80 : index
        %swap3A_535 = tpu.vector_load %arg17[%swap3A_533, %swap3A_534] {strides = array<i32>} : memref<128x128xf32, #tpu.memory_space<vmem>>, vector<16xf32>,
        tpu.vector_store %arg17[%swap3A_533, %swap3A_534], %mul3A_530 {strides = array<i32>} : memref<128x128xf32, #tpu.memory_space<vmem>>, vector<16xf32>,
        %add3A_536 = arith.constant 0 : i32
        %add3A_537 = arith.addi %mul3A_237, %add3A_536 : i32
        %get3A_538 = arith.index_cast %add3A_537 : i32 to index
        %get3A_539 = arith.constant 96 : index
        %get3A_540 = tpu.vector_load %arg17[%get3A_538, %get3A_539] {strides = array<i32>} : memref<128x128xf32, #tpu.memory_space<vmem>>, vector<16xf32>,
        %mul3A_541 = arith.mulf %get3A_540, %gather3A : vector<16xf32>
        %add3A_542 = arith.constant 0 : i32
        %add3A_543 = arith.addi %mul3A_237, %add3A_542 : i32
        %swap3A_544 = arith.index_cast %add3A_543 : i32 to index
        %swap3A_545 = arith.constant 96 : index
        %swap3A_546 = tpu.vector_load %arg17[%swap3A_544, %swap3A_545] {strides = array<i32>} : memref<128x128xf32, #tpu.memory_space<vmem>>, vector<16xf32>,
        tpu.vector_store %arg17[%swap3A_544, %swap3A_545], %mul3A_541 {strides = array<i32>} : memref<128x128xf32, #tpu.memory_space<vmem>>, vector<16xf32>,
        %add3A_547 = arith.constant 1 : i32
        %add3A_548 = arith.addi %mul3A_237, %add3A_547 : i32
        %get3A_549 = arith.index_cast %add3A_548 : i32 to index
        %get3A_550 = arith.constant 96 : index
        %get3A_551 = tpu.vector_load %arg17[%get3A_549, %get3A_550] {strides = array<i32>} : memref<128x128xf32, #tpu.memory_space<vmem>>, vector<16xf32>,
        %mul3A_552 = arith.mulf %get3A_551, %gather3A_255 : vector<16xf32>
        %add3A_553 = arith.constant 1 : i32
        %add3A_554 = arith.addi %mul3A_237, %add3A_553 : i32
        %swap3A_555 = arith.index_cast %add3A_554 : i32 to index
        %swap3A_556 = arith.constant 96 : index
        %swap3A_557 = tpu.vector_load %arg17[%swap3A_555, %swap3A_556] {strides = array<i32>} : memref<128x128xf32, #tpu.memory_space<vmem>>, vector<16xf32>,
        tpu.vector_store %arg17[%swap3A_555, %swap3A_556], %mul3A_552 {strides = array<i32>} : memref<128x128xf32, #tpu.memory_space<vmem>>, vector<16xf32>,
        %add3A_558 = arith.constant 2 : i32
        %add3A_559 = arith.addi %mul3A_237, %add3A_558 : i32
        %get3A_560 = arith.index_cast %add3A_559 : i32 to index
        %get3A_561 = arith.constant 96 : index
        %get3A_562 = tpu.vector_load %arg17[%get3A_560, %get3A_561] {strides = array<i32>} : memref<128x128xf32, #tpu.memory_space<vmem>>, vector<16xf32>,
        %mul3A_563 = arith.mulf %get3A_562, %gather3A_264 : vector<16xf32>
        %add3A_564 = arith.constant 2 : i32
        %add3A_565 = arith.addi %mul3A_237, %add3A_564 : i32
        %swap3A_566 = arith.index_cast %add3A_565 : i32 to index
        %swap3A_567 = arith.constant 96 : index
        %swap3A_568 = tpu.vector_load %arg17[%swap3A_566, %swap3A_567] {strides = array<i32>} : memref<128x128xf32, #tpu.memory_space<vmem>>, vector<16xf32>,
        tpu.vector_store %arg17[%swap3A_566, %swap3A_567], %mul3A_563 {strides = array<i32>} : memref<128x128xf32, #tpu.memory_space<vmem>>, vector<16xf32>,
        %add3A_569 = arith.constant 3 : i32
        %add3A_570 = arith.addi %mul3A_237, %add3A_569 : i32
        %get3A_571 = arith.index_cast %add3A_570 : i32 to index
        %get3A_572 = arith.constant 96 : index
        %get3A_573 = tpu.vector_load %arg17[%get3A_571, %get3A_572] {strides = array<i32>} : memref<128x128xf32, #tpu.memory_space<vmem>>, vector<16xf32>,
        %mul3A_574 = arith.mulf %get3A_573, %gather3A_273 : vector<16xf32>
        %add3A_575 = arith.constant 3 : i32
        %add3A_576 = arith.addi %mul3A_237, %add3A_575 : i32
        %swap3A_577 = arith.index_cast %add3A_576 : i32 to index
        %swap3A_578 = arith.constant 96 : index
        %swap3A_579 = tpu.vector_load %arg17[%swap3A_577, %swap3A_578] {strides = array<i32>} : memref<128x128xf32, #tpu.memory_space<vmem>>, vector<16xf32>,
        tpu.vector_store %arg17[%swap3A_577, %swap3A_578], %mul3A_574 {strides = array<i32>} : memref<128x128xf32, #tpu.memory_space<vmem>>, vector<16xf32>,
        %add3A_580 = arith.constant 0 : i32
        %add3A_581 = arith.addi %mul3A_237, %add3A_580 : i32
        %get3A_582 = arith.index_cast %add3A_581 : i32 to index
        %get3A_583 = arith.constant 112 : index
        %get3A_584 = tpu.vector_load %arg17[%get3A_582, %get3A_583] {strides = array<i32>} : memref<128x128xf32, #tpu.memory_space<vmem>>, vector<16xf32>,
        %mul3A_585 = arith.mulf %get3A_584, %gather3A : vector<16xf32>
        %add3A_586 = arith.constant 0 : i32
        %add3A_587 = arith.addi %mul3A_237, %add3A_586 : i32
        %swap3A_588 = arith.index_cast %add3A_587 : i32 to index
        %swap3A_589 = arith.constant 112 : index
        %swap3A_590 = tpu.vector_load %arg17[%swap3A_588, %swap3A_589] {strides = array<i32>} : memref<128x128xf32, #tpu.memory_space<vmem>>, vector<16xf32>,
        tpu.vector_store %arg17[%swap3A_588, %swap3A_589], %mul3A_585 {strides = array<i32>} : memref<128x128xf32, #tpu.memory_space<vmem>>, vector<16xf32>,
        %add3A_591 = arith.constant 1 : i32
        %add3A_592 = arith.addi %mul3A_237, %add3A_591 : i32
        %get3A_593 = arith.index_cast %add3A_592 : i32 to index
        %get3A_594 = arith.constant 112 : index
        %get3A_595 = tpu.vector_load %arg17[%get3A_593, %get3A_594] {strides = array<i32>} : memref<128x128xf32, #tpu.memory_space<vmem>>, vector<16xf32>,
        %mul3A_596 = arith.mulf %get3A_595, %gather3A_255 : vector<16xf32>
        %add3A_597 = arith.constant 1 : i32
        %add3A_598 = arith.addi %mul3A_237, %add3A_597 : i32
        %swap3A_599 = arith.index_cast %add3A_598 : i32 to index
        %swap3A_600 = arith.constant 112 : index
        %swap3A_601 = tpu.vector_load %arg17[%swap3A_599, %swap3A_600] {strides = array<i32>} : memref<128x128xf32, #tpu.memory_space<vmem>>, vector<16xf32>,
        tpu.vector_store %arg17[%swap3A_599, %swap3A_600], %mul3A_596 {strides = array<i32>} : memref<128x128xf32, #tpu.memory_space<vmem>>, vector<16xf32>,
        %add3A_602 = arith.constant 2 : i32
        %add3A_603 = arith.addi %mul3A_237, %add3A_602 : i32
        %get3A_604 = arith.index_cast %add3A_603 : i32 to index
        %get3A_605 = arith.constant 112 : index
        %get3A_606 = tpu.vector_load %arg17[%get3A_604, %get3A_605] {strides = array<i32>} : memref<128x128xf32, #tpu.memory_space<vmem>>, vector<16xf32>,
        %mul3A_607 = arith.mulf %get3A_606, %gather3A_264 : vector<16xf32>
        %add3A_608 = arith.constant 2 : i32
        %add3A_609 = arith.addi %mul3A_237, %add3A_608 : i32
        %swap3A_610 = arith.index_cast %add3A_609 : i32 to index
        %swap3A_611 = arith.constant 112 : index
        %swap3A_612 = tpu.vector_load %arg17[%swap3A_610, %swap3A_611] {strides = array<i32>} : memref<128x128xf32, #tpu.memory_space<vmem>>, vector<16xf32>,
        tpu.vector_store %arg17[%swap3A_610, %swap3A_611], %mul3A_607 {strides = array<i32>} : memref<128x128xf32, #tpu.memory_space<vmem>>, vector<16xf32>,
        %add3A_613 = arith.constant 3 : i32
        %add3A_614 = arith.addi %mul3A_237, %add3A_613 : i32
        %get3A_615 = arith.index_cast %add3A_614 : i32 to index
        %get3A_616 = arith.constant 112 : index
        %get3A_617 = tpu.vector_load %arg17[%get3A_615, %get3A_616] {strides = array<i32>} : memref<128x128xf32, #tpu.memory_space<vmem>>, vector<16xf32>,
        %mul3A_618 = arith.mulf %get3A_617, %gather3A_273 : vector<16xf32>
        %add3A_619 = arith.constant 3 : i32
        %add3A_620 = arith.addi %mul3A_237, %add3A_619 : i32
        %swap3A_621 = arith.index_cast %add3A_620 : i32 to index
        %swap3A_622 = arith.constant 112 : index
        %swap3A_623 = tpu.vector_load %arg17[%swap3A_621, %swap3A_622] {strides = array<i32>} : memref<128x128xf32, #tpu.memory_space<vmem>>, vector<16xf32>,
        tpu.vector_store %arg17[%swap3A_621, %swap3A_622], %mul3A_618 {strides = array<i32>} : memref<128x128xf32, #tpu.memory_space<vmem>>, vector<16xf32>,
      }
      %scan3A_176 = arith.constant 32 : i32
      %run_scoped3A_177 = arith.constant 4 : i32
      "tpu.region"() ({
        %run_scoped3A_235 = tpu.sem_alloc : memref<!tpu.dma_semaphore, #tpu.memory_space<semaphore_mem>>
        %dma_start3A_236 = arith.constant 0 : i32
        %dma_start3A_237 = tpu.memref_slice %arg13[%run_scoped3A_177, %dma_start3A_236] : memref<8x128xi32, #tpu.memory_space<vmem>> -> memref<1x128xi32, #tpu.memory_space<vmem>>
        %dma_start3A_238 = tpu.memref_squeeze %dma_start3A_237 : memref<1x128xi32, #tpu.memory_space<vmem>> -> memref<128xi32, #tpu.memory_space<vmem>>
        %dma_start3A_239 = arith.constant 0 : i32
        %dma_start3A_240 = arith.constant 0 : i32
        %dma_start3A_241 = tpu.memref_slice %arg10[%dma_start3A_239, %dma_start3A_240] : memref<10000x128xf32, #tpu.memory_space<vmem_shared>> -> memref<10000x128xf32, #tpu.memory_space<vmem_shared>>
        tpu.enqueue_indirect_dma source(%arg17 : memref<128x128xf32, #tpu.memory_space<vmem>>) target(%dma_start3A_241 : memref<10000x128xf32, #tpu.memory_space<vmem_shared>>) offsets(%dma_start3A_238 : memref<128xi32, #tpu.memory_space<vmem>>) semaphore(%run_scoped3A_235 : memref<!tpu.dma_semaphore, #tpu.memory_space<semaphore_mem>>) {add = true}
        %dma_wait3A_242 = arith.constant 0 : i32
        %dma_wait3A_243 = tpu.memref_slice %arg13[%run_scoped3A_177, %dma_wait3A_242] : memref<8x128xi32, #tpu.memory_space<vmem>> -> memref<1x128xi32, #tpu.memory_space<vmem>>
        %dma_wait3A_244 = tpu.memref_squeeze %dma_wait3A_243 : memref<1x128xi32, #tpu.memory_space<vmem>> -> memref<128xi32, #tpu.memory_space<vmem>>
        %dma_wait3A_245 = arith.constant 0 : i32
        %dma_wait3A_246 = arith.constant 0 : i32
        %dma_wait3A_247 = tpu.memref_slice %arg10[%dma_wait3A_245, %dma_wait3A_246] : memref<10000x128xf32, #tpu.memory_space<vmem_shared>> -> memref<10000x128xf32, #tpu.memory_space<vmem_shared>>
        tpu.wait_indirect_dma semaphore(%run_scoped3A_235 : memref<!tpu.dma_semaphore, #tpu.memory_space<semaphore_mem>>) src(%arg17 : memref<128x128xf32, #tpu.memory_space<vmem>>) dst(%dma_wait3A_247 : memref<10000x128xf32, #tpu.memory_space<vmem_shared>>)
        tpu.yield
      }) : () -> ()
      %run_scoped3A_178 = arith.constant 4 : i32
      "tpu.region"() ({
        %run_scoped3A_235 = tpu.sem_alloc : memref<!tpu.dma_semaphore, #tpu.memory_space<semaphore_mem>>
        %dma_start3A_236 = arith.constant 512 : i32
        %dma_start3A_237 = tpu.memref_slice %arg16[%dma_start3A_236] : memref<1024xf32, #tpu.memory_space<vmem>> -> memref<128xf32, #tpu.memory_space<vmem>>
        %dma_start3A_238 = arith.constant 0 : i32
        %dma_start3A_239 = tpu.memref_slice %arg13[%run_scoped3A_178, %dma_start3A_238] : memref<8x128xi32, #tpu.memory_space<vmem>> -> memref<1x128xi32, #tpu.memory_space<vmem>>
        %dma_start3A_240 = tpu.memref_squeeze %dma_start3A_239 : memref<1x128xi32, #tpu.memory_space<vmem>> -> memref<128xi32, #tpu.memory_space<vmem>>
        %dma_start3A_241 = arith.constant 0 : i32
        %dma_start3A_242 = tpu.memref_slice %arg11[%dma_start3A_241] : memref<10240xf32, #tpu.memory_space<vmem_shared>> -> memref<10240xf32, #tpu.memory_space<vmem_shared>>
        tpu.enqueue_indirect_dma source(%dma_start3A_237 : memref<128xf32, #tpu.memory_space<vmem>>) target(%dma_start3A_242 : memref<10240xf32, #tpu.memory_space<vmem_shared>>) offsets(%dma_start3A_240 : memref<128xi32, #tpu.memory_space<vmem>>) semaphore(%run_scoped3A_235 : memref<!tpu.dma_semaphore, #tpu.memory_space<semaphore_mem>>) {add = true}
        %dma_wait3A_243 = arith.constant 512 : i32
        %dma_wait3A_244 = tpu.memref_slice %arg16[%dma_wait3A_243] : memref<1024xf32, #tpu.memory_space<vmem>> -> memref<128xf32, #tpu.memory_space<vmem>>
        %dma_wait3A_245 = arith.constant 0 : i32
        %dma_wait3A_246 = tpu.memref_slice %arg13[%run_scoped3A_178, %dma_wait3A_245] : memref<8x128xi32, #tpu.memory_space<vmem>> -> memref<1x128xi32, #tpu.memory_space<vmem>>
        %dma_wait3A_247 = tpu.memref_squeeze %dma_wait3A_246 : memref<1x128xi32, #tpu.memory_space<vmem>> -> memref<128xi32, #tpu.memory_space<vmem>>
        %dma_wait3A_248 = arith.constant 0 : i32
        %dma_wait3A_249 = tpu.memref_slice %arg11[%dma_wait3A_248] : memref<10240xf32, #tpu.memory_space<vmem_shared>> -> memref<10240xf32, #tpu.memory_space<vmem_shared>>
        tpu.wait_indirect_dma semaphore(%run_scoped3A_235 : memref<!tpu.dma_semaphore, #tpu.memory_space<semaphore_mem>>) src(%dma_wait3A_244 : memref<128xf32, #tpu.memory_space<vmem>>) dst(%dma_wait3A_249 : memref<10240xf32, #tpu.memory_space<vmem_shared>>)
        tpu.yield
      }) : () -> ()
      %dma_start3A_179 = arith.constant 6 : i32
      %dma_start3A_180 = arith.constant 0 : i32
      %dma_start3A_181 = tpu.memref_slice %arg15[%dma_start3A_179, %dma_start3A_180] : memref<8x128xi32, #tpu.memory_space<vmem>> -> memref<1x128xi32, #tpu.memory_space<vmem>>
      %dma_start3A_182 = tpu.memref_squeeze %dma_start3A_181 : memref<1x128xi32, #tpu.memory_space<vmem>> -> memref<128xi32, #tpu.memory_space<vmem>>
      %dma_start3A_183 = arith.constant 0 : i32
      %dma_start3A_184 = arith.constant 0 : i32
      %dma_start3A_185 = tpu.memref_slice %arg2[%dma_start3A_183, %dma_start3A_184] : memref<20000x128xf32, #tpu.memory_space<hbm>> -> memref<20000x128xf32, #tpu.memory_space<hbm>>
      tpu.enqueue_indirect_dma source(%dma_start3A_185 : memref<20000x128xf32, #tpu.memory_space<hbm>>) target(%arg17 : memref<128x128xf32, #tpu.memory_space<vmem>>) offsets(%dma_start3A_182 : memref<128xi32, #tpu.memory_space<vmem>>) semaphore(%arg19 : memref<!tpu.dma_semaphore, #tpu.memory_space<semaphore_mem>>)
      %dma_wait3A_186 = arith.constant 5 : i32
      %dma_wait3A_187 = arith.constant 0 : i32
      %dma_wait3A_188 = tpu.memref_slice %arg15[%dma_wait3A_186, %dma_wait3A_187] : memref<8x128xi32, #tpu.memory_space<vmem>> -> memref<1x128xi32, #tpu.memory_space<vmem>>
      %dma_wait3A_189 = tpu.memref_squeeze %dma_wait3A_188 : memref<1x128xi32, #tpu.memory_space<vmem>> -> memref<128xi32, #tpu.memory_space<vmem>>
      %dma_wait3A_190 = arith.constant 0 : i32
      %dma_wait3A_191 = arith.constant 0 : i32
      %dma_wait3A_192 = tpu.memref_slice %arg2[%dma_wait3A_190, %dma_wait3A_191] : memref<20000x128xf32, #tpu.memory_space<hbm>> -> memref<20000x128xf32, #tpu.memory_space<hbm>>
      tpu.wait_indirect_dma semaphore(%arg20 : memref<!tpu.dma_semaphore, #tpu.memory_space<semaphore_mem>>) src(%dma_wait3A_192 : memref<20000x128xf32, #tpu.memory_space<hbm>>) dst(%arg18 : memref<128x128xf32, #tpu.memory_space<vmem>>)
      %scan3A_193 = arith.constant 0 : i32
      %scan3A_194 = arith.constant 32 : i32
      %scan3A_195 = arith.addi %scan3A_193, %scan3A_194 : i32
      %scan3A_196 = arith.constant 1 : i32
      scf.for %scan3A_235 = %scan3A_193 to %scan3A_195 step %scan3A_196  : i32 {
        %mul3A_236 = arith.constant 4 : i32
        %mul3A_237 = arith.muli %scan3A_235, %mul3A_236 : i32
        %broadcast_in_dim3A = arith.constant 0 : i32
        %broadcast_in_dim3A_238 = vector.broadcast %broadcast_in_dim3A : i32 to vector<16xi32>
        %add3A_239 = arith.constant 640 : i32
        %add3A_240 = vector.broadcast %add3A_239 : i32 to vector<16xi32>
        %add3A_241 = arith.addi %broadcast_in_dim3A_238, %add3A_240 : vector<16xi32>
        %add3A_242 = vector.broadcast %mul3A_237 : i32 to vector<16xi32>
        %add3A_243 = arith.addi %add3A_241, %add3A_242 : vector<16xi32>
        %add3A_244 = arith.constant 0 : i32
        %add3A_245 = vector.broadcast %add3A_244 : i32 to vector<16xi32>
        %add3A_246 = arith.addi %add3A_243, %add3A_245 : vector<16xi32>
        %gather3A = tpu.vector_load_idx %arg16[%add3A_246] : memref<1024xf32, #tpu.memory_space<vmem>>[vector<16xi32>], vector<16xf32>,
        %add3A_247 = arith.constant 640 : i32
        %add3A_248 = vector.broadcast %add3A_247 : i32 to vector<16xi32>
        %add3A_249 = arith.addi %broadcast_in_dim3A_238, %add3A_248 : vector<16xi32>
        %add3A_250 = vector.broadcast %mul3A_237 : i32 to vector<16xi32>
        %add3A_251 = arith.addi %add3A_249, %add3A_250 : vector<16xi32>
        %add3A_252 = arith.constant 1 : i32
        %add3A_253 = vector.broadcast %add3A_252 : i32 to vector<16xi32>
        %add3A_254 = arith.addi %add3A_251, %add3A_253 : vector<16xi32>
        %gather3A_255 = tpu.vector_load_idx %arg16[%add3A_254] : memref<1024xf32, #tpu.memory_space<vmem>>[vector<16xi32>], vector<16xf32>,
        %add3A_256 = arith.constant 640 : i32
        %add3A_257 = vector.broadcast %add3A_256 : i32 to vector<16xi32>
        %add3A_258 = arith.addi %broadcast_in_dim3A_238, %add3A_257 : vector<16xi32>
        %add3A_259 = vector.broadcast %mul3A_237 : i32 to vector<16xi32>
        %add3A_260 = arith.addi %add3A_258, %add3A_259 : vector<16xi32>
        %add3A_261 = arith.constant 2 : i32
        %add3A_262 = vector.broadcast %add3A_261 : i32 to vector<16xi32>
        %add3A_263 = arith.addi %add3A_260, %add3A_262 : vector<16xi32>
        %gather3A_264 = tpu.vector_load_idx %arg16[%add3A_263] : memref<1024xf32, #tpu.memory_space<vmem>>[vector<16xi32>], vector<16xf32>,
        %add3A_265 = arith.constant 640 : i32
        %add3A_266 = vector.broadcast %add3A_265 : i32 to vector<16xi32>
        %add3A_267 = arith.addi %broadcast_in_dim3A_238, %add3A_266 : vector<16xi32>
        %add3A_268 = vector.broadcast %mul3A_237 : i32 to vector<16xi32>
        %add3A_269 = arith.addi %add3A_267, %add3A_268 : vector<16xi32>
        %add3A_270 = arith.constant 3 : i32
        %add3A_271 = vector.broadcast %add3A_270 : i32 to vector<16xi32>
        %add3A_272 = arith.addi %add3A_269, %add3A_271 : vector<16xi32>
        %gather3A_273 = tpu.vector_load_idx %arg16[%add3A_272] : memref<1024xf32, #tpu.memory_space<vmem>>[vector<16xi32>], vector<16xf32>,
        %add3A_274 = arith.constant 0 : i32
        %add3A_275 = arith.addi %mul3A_237, %add3A_274 : i32
        %get3A = arith.index_cast %add3A_275 : i32 to index
        %get3A_276 = arith.constant 0 : index
        %get3A_277 = tpu.vector_load %arg18[%get3A, %get3A_276] {strides = array<i32>} : memref<128x128xf32, #tpu.memory_space<vmem>>, vector<16xf32>,
        %mul3A_278 = arith.mulf %get3A_277, %gather3A : vector<16xf32>
        %add3A_279 = arith.constant 0 : i32
        %add3A_280 = arith.addi %mul3A_237, %add3A_279 : i32
        %swap3A = arith.index_cast %add3A_280 : i32 to index
        %swap3A_281 = arith.constant 0 : index
        %swap3A_282 = tpu.vector_load %arg18[%swap3A, %swap3A_281] {strides = array<i32>} : memref<128x128xf32, #tpu.memory_space<vmem>>, vector<16xf32>,
        tpu.vector_store %arg18[%swap3A, %swap3A_281], %mul3A_278 {strides = array<i32>} : memref<128x128xf32, #tpu.memory_space<vmem>>, vector<16xf32>,
        %add3A_283 = arith.constant 1 : i32
        %add3A_284 = arith.addi %mul3A_237, %add3A_283 : i32
        %get3A_285 = arith.index_cast %add3A_284 : i32 to index
        %get3A_286 = arith.constant 0 : index
        %get3A_287 = tpu.vector_load %arg18[%get3A_285, %get3A_286] {strides = array<i32>} : memref<128x128xf32, #tpu.memory_space<vmem>>, vector<16xf32>,
        %mul3A_288 = arith.mulf %get3A_287, %gather3A_255 : vector<16xf32>
        %add3A_289 = arith.constant 1 : i32
        %add3A_290 = arith.addi %mul3A_237, %add3A_289 : i32
        %swap3A_291 = arith.index_cast %add3A_290 : i32 to index
        %swap3A_292 = arith.constant 0 : index
        %swap3A_293 = tpu.vector_load %arg18[%swap3A_291, %swap3A_292] {strides = array<i32>} : memref<128x128xf32, #tpu.memory_space<vmem>>, vector<16xf32>,
        tpu.vector_store %arg18[%swap3A_291, %swap3A_292], %mul3A_288 {strides = array<i32>} : memref<128x128xf32, #tpu.memory_space<vmem>>, vector<16xf32>,
        %add3A_294 = arith.constant 2 : i32
        %add3A_295 = arith.addi %mul3A_237, %add3A_294 : i32
        %get3A_296 = arith.index_cast %add3A_295 : i32 to index
        %get3A_297 = arith.constant 0 : index
        %get3A_298 = tpu.vector_load %arg18[%get3A_296, %get3A_297] {strides = array<i32>} : memref<128x128xf32, #tpu.memory_space<vmem>>, vector<16xf32>,
        %mul3A_299 = arith.mulf %get3A_298, %gather3A_264 : vector<16xf32>
        %add3A_300 = arith.constant 2 : i32
        %add3A_301 = arith.addi %mul3A_237, %add3A_300 : i32
        %swap3A_302 = arith.index_cast %add3A_301 : i32 to index
        %swap3A_303 = arith.constant 0 : index
        %swap3A_304 = tpu.vector_load %arg18[%swap3A_302, %swap3A_303] {strides = array<i32>} : memref<128x128xf32, #tpu.memory_space<vmem>>, vector<16xf32>,
        tpu.vector_store %arg18[%swap3A_302, %swap3A_303], %mul3A_299 {strides = array<i32>} : memref<128x128xf32, #tpu.memory_space<vmem>>, vector<16xf32>,
        %add3A_305 = arith.constant 3 : i32
        %add3A_306 = arith.addi %mul3A_237, %add3A_305 : i32
        %get3A_307 = arith.index_cast %add3A_306 : i32 to index
        %get3A_308 = arith.constant 0 : index
        %get3A_309 = tpu.vector_load %arg18[%get3A_307, %get3A_308] {strides = array<i32>} : memref<128x128xf32, #tpu.memory_space<vmem>>, vector<16xf32>,
        %mul3A_310 = arith.mulf %get3A_309, %gather3A_273 : vector<16xf32>
        %add3A_311 = arith.constant 3 : i32
        %add3A_312 = arith.addi %mul3A_237, %add3A_311 : i32
        %swap3A_313 = arith.index_cast %add3A_312 : i32 to index
        %swap3A_314 = arith.constant 0 : index
        %swap3A_315 = tpu.vector_load %arg18[%swap3A_313, %swap3A_314] {strides = array<i32>} : memref<128x128xf32, #tpu.memory_space<vmem>>, vector<16xf32>,
        tpu.vector_store %arg18[%swap3A_313, %swap3A_314], %mul3A_310 {strides = array<i32>} : memref<128x128xf32, #tpu.memory_space<vmem>>, vector<16xf32>,
        %add3A_316 = arith.constant 0 : i32
        %add3A_317 = arith.addi %mul3A_237, %add3A_316 : i32
        %get3A_318 = arith.index_cast %add3A_317 : i32 to index
        %get3A_319 = arith.constant 16 : index
        %get3A_320 = tpu.vector_load %arg18[%get3A_318, %get3A_319] {strides = array<i32>} : memref<128x128xf32, #tpu.memory_space<vmem>>, vector<16xf32>,
        %mul3A_321 = arith.mulf %get3A_320, %gather3A : vector<16xf32>
        %add3A_322 = arith.constant 0 : i32
        %add3A_323 = arith.addi %mul3A_237, %add3A_322 : i32
        %swap3A_324 = arith.index_cast %add3A_323 : i32 to index
        %swap3A_325 = arith.constant 16 : index
        %swap3A_326 = tpu.vector_load %arg18[%swap3A_324, %swap3A_325] {strides = array<i32>} : memref<128x128xf32, #tpu.memory_space<vmem>>, vector<16xf32>,
        tpu.vector_store %arg18[%swap3A_324, %swap3A_325], %mul3A_321 {strides = array<i32>} : memref<128x128xf32, #tpu.memory_space<vmem>>, vector<16xf32>,
        %add3A_327 = arith.constant 1 : i32
        %add3A_328 = arith.addi %mul3A_237, %add3A_327 : i32
        %get3A_329 = arith.index_cast %add3A_328 : i32 to index
        %get3A_330 = arith.constant 16 : index
        %get3A_331 = tpu.vector_load %arg18[%get3A_329, %get3A_330] {strides = array<i32>} : memref<128x128xf32, #tpu.memory_space<vmem>>, vector<16xf32>,
        %mul3A_332 = arith.mulf %get3A_331, %gather3A_255 : vector<16xf32>
        %add3A_333 = arith.constant 1 : i32
        %add3A_334 = arith.addi %mul3A_237, %add3A_333 : i32
        %swap3A_335 = arith.index_cast %add3A_334 : i32 to index
        %swap3A_336 = arith.constant 16 : index
        %swap3A_337 = tpu.vector_load %arg18[%swap3A_335, %swap3A_336] {strides = array<i32>} : memref<128x128xf32, #tpu.memory_space<vmem>>, vector<16xf32>,
        tpu.vector_store %arg18[%swap3A_335, %swap3A_336], %mul3A_332 {strides = array<i32>} : memref<128x128xf32, #tpu.memory_space<vmem>>, vector<16xf32>,
        %add3A_338 = arith.constant 2 : i32
        %add3A_339 = arith.addi %mul3A_237, %add3A_338 : i32
        %get3A_340 = arith.index_cast %add3A_339 : i32 to index
        %get3A_341 = arith.constant 16 : index
        %get3A_342 = tpu.vector_load %arg18[%get3A_340, %get3A_341] {strides = array<i32>} : memref<128x128xf32, #tpu.memory_space<vmem>>, vector<16xf32>,
        %mul3A_343 = arith.mulf %get3A_342, %gather3A_264 : vector<16xf32>
        %add3A_344 = arith.constant 2 : i32
        %add3A_345 = arith.addi %mul3A_237, %add3A_344 : i32
        %swap3A_346 = arith.index_cast %add3A_345 : i32 to index
        %swap3A_347 = arith.constant 16 : index
        %swap3A_348 = tpu.vector_load %arg18[%swap3A_346, %swap3A_347] {strides = array<i32>} : memref<128x128xf32, #tpu.memory_space<vmem>>, vector<16xf32>,
        tpu.vector_store %arg18[%swap3A_346, %swap3A_347], %mul3A_343 {strides = array<i32>} : memref<128x128xf32, #tpu.memory_space<vmem>>, vector<16xf32>,
        %add3A_349 = arith.constant 3 : i32
        %add3A_350 = arith.addi %mul3A_237, %add3A_349 : i32
        %get3A_351 = arith.index_cast %add3A_350 : i32 to index
        %get3A_352 = arith.constant 16 : index
        %get3A_353 = tpu.vector_load %arg18[%get3A_351, %get3A_352] {strides = array<i32>} : memref<128x128xf32, #tpu.memory_space<vmem>>, vector<16xf32>,
        %mul3A_354 = arith.mulf %get3A_353, %gather3A_273 : vector<16xf32>
        %add3A_355 = arith.constant 3 : i32
        %add3A_356 = arith.addi %mul3A_237, %add3A_355 : i32
        %swap3A_357 = arith.index_cast %add3A_356 : i32 to index
        %swap3A_358 = arith.constant 16 : index
        %swap3A_359 = tpu.vector_load %arg18[%swap3A_357, %swap3A_358] {strides = array<i32>} : memref<128x128xf32, #tpu.memory_space<vmem>>, vector<16xf32>,
        tpu.vector_store %arg18[%swap3A_357, %swap3A_358], %mul3A_354 {strides = array<i32>} : memref<128x128xf32, #tpu.memory_space<vmem>>, vector<16xf32>,
        %add3A_360 = arith.constant 0 : i32
        %add3A_361 = arith.addi %mul3A_237, %add3A_360 : i32
        %get3A_362 = arith.index_cast %add3A_361 : i32 to index
        %get3A_363 = arith.constant 32 : index
        %get3A_364 = tpu.vector_load %arg18[%get3A_362, %get3A_363] {strides = array<i32>} : memref<128x128xf32, #tpu.memory_space<vmem>>, vector<16xf32>,
        %mul3A_365 = arith.mulf %get3A_364, %gather3A : vector<16xf32>
        %add3A_366 = arith.constant 0 : i32
        %add3A_367 = arith.addi %mul3A_237, %add3A_366 : i32
        %swap3A_368 = arith.index_cast %add3A_367 : i32 to index
        %swap3A_369 = arith.constant 32 : index
        %swap3A_370 = tpu.vector_load %arg18[%swap3A_368, %swap3A_369] {strides = array<i32>} : memref<128x128xf32, #tpu.memory_space<vmem>>, vector<16xf32>,
        tpu.vector_store %arg18[%swap3A_368, %swap3A_369], %mul3A_365 {strides = array<i32>} : memref<128x128xf32, #tpu.memory_space<vmem>>, vector<16xf32>,
        %add3A_371 = arith.constant 1 : i32
        %add3A_372 = arith.addi %mul3A_237, %add3A_371 : i32
        %get3A_373 = arith.index_cast %add3A_372 : i32 to index
        %get3A_374 = arith.constant 32 : index
        %get3A_375 = tpu.vector_load %arg18[%get3A_373, %get3A_374] {strides = array<i32>} : memref<128x128xf32, #tpu.memory_space<vmem>>, vector<16xf32>,
        %mul3A_376 = arith.mulf %get3A_375, %gather3A_255 : vector<16xf32>
        %add3A_377 = arith.constant 1 : i32
        %add3A_378 = arith.addi %mul3A_237, %add3A_377 : i32
        %swap3A_379 = arith.index_cast %add3A_378 : i32 to index
        %swap3A_380 = arith.constant 32 : index
        %swap3A_381 = tpu.vector_load %arg18[%swap3A_379, %swap3A_380] {strides = array<i32>} : memref<128x128xf32, #tpu.memory_space<vmem>>, vector<16xf32>,
        tpu.vector_store %arg18[%swap3A_379, %swap3A_380], %mul3A_376 {strides = array<i32>} : memref<128x128xf32, #tpu.memory_space<vmem>>, vector<16xf32>,
        %add3A_382 = arith.constant 2 : i32
        %add3A_383 = arith.addi %mul3A_237, %add3A_382 : i32
        %get3A_384 = arith.index_cast %add3A_383 : i32 to index
        %get3A_385 = arith.constant 32 : index
        %get3A_386 = tpu.vector_load %arg18[%get3A_384, %get3A_385] {strides = array<i32>} : memref<128x128xf32, #tpu.memory_space<vmem>>, vector<16xf32>,
        %mul3A_387 = arith.mulf %get3A_386, %gather3A_264 : vector<16xf32>
        %add3A_388 = arith.constant 2 : i32
        %add3A_389 = arith.addi %mul3A_237, %add3A_388 : i32
        %swap3A_390 = arith.index_cast %add3A_389 : i32 to index
        %swap3A_391 = arith.constant 32 : index
        %swap3A_392 = tpu.vector_load %arg18[%swap3A_390, %swap3A_391] {strides = array<i32>} : memref<128x128xf32, #tpu.memory_space<vmem>>, vector<16xf32>,
        tpu.vector_store %arg18[%swap3A_390, %swap3A_391], %mul3A_387 {strides = array<i32>} : memref<128x128xf32, #tpu.memory_space<vmem>>, vector<16xf32>,
        %add3A_393 = arith.constant 3 : i32
        %add3A_394 = arith.addi %mul3A_237, %add3A_393 : i32
        %get3A_395 = arith.index_cast %add3A_394 : i32 to index
        %get3A_396 = arith.constant 32 : index
        %get3A_397 = tpu.vector_load %arg18[%get3A_395, %get3A_396] {strides = array<i32>} : memref<128x128xf32, #tpu.memory_space<vmem>>, vector<16xf32>,
        %mul3A_398 = arith.mulf %get3A_397, %gather3A_273 : vector<16xf32>
        %add3A_399 = arith.constant 3 : i32
        %add3A_400 = arith.addi %mul3A_237, %add3A_399 : i32
        %swap3A_401 = arith.index_cast %add3A_400 : i32 to index
        %swap3A_402 = arith.constant 32 : index
        %swap3A_403 = tpu.vector_load %arg18[%swap3A_401, %swap3A_402] {strides = array<i32>} : memref<128x128xf32, #tpu.memory_space<vmem>>, vector<16xf32>,
        tpu.vector_store %arg18[%swap3A_401, %swap3A_402], %mul3A_398 {strides = array<i32>} : memref<128x128xf32, #tpu.memory_space<vmem>>, vector<16xf32>,
        %add3A_404 = arith.constant 0 : i32
        %add3A_405 = arith.addi %mul3A_237, %add3A_404 : i32
        %get3A_406 = arith.index_cast %add3A_405 : i32 to index
        %get3A_407 = arith.constant 48 : index
        %get3A_408 = tpu.vector_load %arg18[%get3A_406, %get3A_407] {strides = array<i32>} : memref<128x128xf32, #tpu.memory_space<vmem>>, vector<16xf32>,
        %mul3A_409 = arith.mulf %get3A_408, %gather3A : vector<16xf32>
        %add3A_410 = arith.constant 0 : i32
        %add3A_411 = arith.addi %mul3A_237, %add3A_410 : i32
        %swap3A_412 = arith.index_cast %add3A_411 : i32 to index
        %swap3A_413 = arith.constant 48 : index
        %swap3A_414 = tpu.vector_load %arg18[%swap3A_412, %swap3A_413] {strides = array<i32>} : memref<128x128xf32, #tpu.memory_space<vmem>>, vector<16xf32>,
        tpu.vector_store %arg18[%swap3A_412, %swap3A_413], %mul3A_409 {strides = array<i32>} : memref<128x128xf32, #tpu.memory_space<vmem>>, vector<16xf32>,
        %add3A_415 = arith.constant 1 : i32
        %add3A_416 = arith.addi %mul3A_237, %add3A_415 : i32
        %get3A_417 = arith.index_cast %add3A_416 : i32 to index
        %get3A_418 = arith.constant 48 : index
        %get3A_419 = tpu.vector_load %arg18[%get3A_417, %get3A_418] {strides = array<i32>} : memref<128x128xf32, #tpu.memory_space<vmem>>, vector<16xf32>,
        %mul3A_420 = arith.mulf %get3A_419, %gather3A_255 : vector<16xf32>
        %add3A_421 = arith.constant 1 : i32
        %add3A_422 = arith.addi %mul3A_237, %add3A_421 : i32
        %swap3A_423 = arith.index_cast %add3A_422 : i32 to index
        %swap3A_424 = arith.constant 48 : index
        %swap3A_425 = tpu.vector_load %arg18[%swap3A_423, %swap3A_424] {strides = array<i32>} : memref<128x128xf32, #tpu.memory_space<vmem>>, vector<16xf32>,
        tpu.vector_store %arg18[%swap3A_423, %swap3A_424], %mul3A_420 {strides = array<i32>} : memref<128x128xf32, #tpu.memory_space<vmem>>, vector<16xf32>,
        %add3A_426 = arith.constant 2 : i32
        %add3A_427 = arith.addi %mul3A_237, %add3A_426 : i32
        %get3A_428 = arith.index_cast %add3A_427 : i32 to index
        %get3A_429 = arith.constant 48 : index
        %get3A_430 = tpu.vector_load %arg18[%get3A_428, %get3A_429] {strides = array<i32>} : memref<128x128xf32, #tpu.memory_space<vmem>>, vector<16xf32>,
        %mul3A_431 = arith.mulf %get3A_430, %gather3A_264 : vector<16xf32>
        %add3A_432 = arith.constant 2 : i32
        %add3A_433 = arith.addi %mul3A_237, %add3A_432 : i32
        %swap3A_434 = arith.index_cast %add3A_433 : i32 to index
        %swap3A_435 = arith.constant 48 : index
        %swap3A_436 = tpu.vector_load %arg18[%swap3A_434, %swap3A_435] {strides = array<i32>} : memref<128x128xf32, #tpu.memory_space<vmem>>, vector<16xf32>,
        tpu.vector_store %arg18[%swap3A_434, %swap3A_435], %mul3A_431 {strides = array<i32>} : memref<128x128xf32, #tpu.memory_space<vmem>>, vector<16xf32>,
        %add3A_437 = arith.constant 3 : i32
        %add3A_438 = arith.addi %mul3A_237, %add3A_437 : i32
        %get3A_439 = arith.index_cast %add3A_438 : i32 to index
        %get3A_440 = arith.constant 48 : index
        %get3A_441 = tpu.vector_load %arg18[%get3A_439, %get3A_440] {strides = array<i32>} : memref<128x128xf32, #tpu.memory_space<vmem>>, vector<16xf32>,
        %mul3A_442 = arith.mulf %get3A_441, %gather3A_273 : vector<16xf32>
        %add3A_443 = arith.constant 3 : i32
        %add3A_444 = arith.addi %mul3A_237, %add3A_443 : i32
        %swap3A_445 = arith.index_cast %add3A_444 : i32 to index
        %swap3A_446 = arith.constant 48 : index
        %swap3A_447 = tpu.vector_load %arg18[%swap3A_445, %swap3A_446] {strides = array<i32>} : memref<128x128xf32, #tpu.memory_space<vmem>>, vector<16xf32>,
        tpu.vector_store %arg18[%swap3A_445, %swap3A_446], %mul3A_442 {strides = array<i32>} : memref<128x128xf32, #tpu.memory_space<vmem>>, vector<16xf32>,
        %add3A_448 = arith.constant 0 : i32
        %add3A_449 = arith.addi %mul3A_237, %add3A_448 : i32
        %get3A_450 = arith.index_cast %add3A_449 : i32 to index
        %get3A_451 = arith.constant 64 : index
        %get3A_452 = tpu.vector_load %arg18[%get3A_450, %get3A_451] {strides = array<i32>} : memref<128x128xf32, #tpu.memory_space<vmem>>, vector<16xf32>,
        %mul3A_453 = arith.mulf %get3A_452, %gather3A : vector<16xf32>
        %add3A_454 = arith.constant 0 : i32
        %add3A_455 = arith.addi %mul3A_237, %add3A_454 : i32
        %swap3A_456 = arith.index_cast %add3A_455 : i32 to index
        %swap3A_457 = arith.constant 64 : index
        %swap3A_458 = tpu.vector_load %arg18[%swap3A_456, %swap3A_457] {strides = array<i32>} : memref<128x128xf32, #tpu.memory_space<vmem>>, vector<16xf32>,
        tpu.vector_store %arg18[%swap3A_456, %swap3A_457], %mul3A_453 {strides = array<i32>} : memref<128x128xf32, #tpu.memory_space<vmem>>, vector<16xf32>,
        %add3A_459 = arith.constant 1 : i32
        %add3A_460 = arith.addi %mul3A_237, %add3A_459 : i32
        %get3A_461 = arith.index_cast %add3A_460 : i32 to index
        %get3A_462 = arith.constant 64 : index
        %get3A_463 = tpu.vector_load %arg18[%get3A_461, %get3A_462] {strides = array<i32>} : memref<128x128xf32, #tpu.memory_space<vmem>>, vector<16xf32>,
        %mul3A_464 = arith.mulf %get3A_463, %gather3A_255 : vector<16xf32>
        %add3A_465 = arith.constant 1 : i32
        %add3A_466 = arith.addi %mul3A_237, %add3A_465 : i32
        %swap3A_467 = arith.index_cast %add3A_466 : i32 to index
        %swap3A_468 = arith.constant 64 : index
        %swap3A_469 = tpu.vector_load %arg18[%swap3A_467, %swap3A_468] {strides = array<i32>} : memref<128x128xf32, #tpu.memory_space<vmem>>, vector<16xf32>,
        tpu.vector_store %arg18[%swap3A_467, %swap3A_468], %mul3A_464 {strides = array<i32>} : memref<128x128xf32, #tpu.memory_space<vmem>>, vector<16xf32>,
        %add3A_470 = arith.constant 2 : i32
        %add3A_471 = arith.addi %mul3A_237, %add3A_470 : i32
        %get3A_472 = arith.index_cast %add3A_471 : i32 to index
        %get3A_473 = arith.constant 64 : index
        %get3A_474 = tpu.vector_load %arg18[%get3A_472, %get3A_473] {strides = array<i32>} : memref<128x128xf32, #tpu.memory_space<vmem>>, vector<16xf32>,
        %mul3A_475 = arith.mulf %get3A_474, %gather3A_264 : vector<16xf32>
        %add3A_476 = arith.constant 2 : i32
        %add3A_477 = arith.addi %mul3A_237, %add3A_476 : i32
        %swap3A_478 = arith.index_cast %add3A_477 : i32 to index
        %swap3A_479 = arith.constant 64 : index
        %swap3A_480 = tpu.vector_load %arg18[%swap3A_478, %swap3A_479] {strides = array<i32>} : memref<128x128xf32, #tpu.memory_space<vmem>>, vector<16xf32>,
        tpu.vector_store %arg18[%swap3A_478, %swap3A_479], %mul3A_475 {strides = array<i32>} : memref<128x128xf32, #tpu.memory_space<vmem>>, vector<16xf32>,
        %add3A_481 = arith.constant 3 : i32
        %add3A_482 = arith.addi %mul3A_237, %add3A_481 : i32
        %get3A_483 = arith.index_cast %add3A_482 : i32 to index
        %get3A_484 = arith.constant 64 : index
        %get3A_485 = tpu.vector_load %arg18[%get3A_483, %get3A_484] {strides = array<i32>} : memref<128x128xf32, #tpu.memory_space<vmem>>, vector<16xf32>,
        %mul3A_486 = arith.mulf %get3A_485, %gather3A_273 : vector<16xf32>
        %add3A_487 = arith.constant 3 : i32
        %add3A_488 = arith.addi %mul3A_237, %add3A_487 : i32
        %swap3A_489 = arith.index_cast %add3A_488 : i32 to index
        %swap3A_490 = arith.constant 64 : index
        %swap3A_491 = tpu.vector_load %arg18[%swap3A_489, %swap3A_490] {strides = array<i32>} : memref<128x128xf32, #tpu.memory_space<vmem>>, vector<16xf32>,
        tpu.vector_store %arg18[%swap3A_489, %swap3A_490], %mul3A_486 {strides = array<i32>} : memref<128x128xf32, #tpu.memory_space<vmem>>, vector<16xf32>,
        %add3A_492 = arith.constant 0 : i32
        %add3A_493 = arith.addi %mul3A_237, %add3A_492 : i32
        %get3A_494 = arith.index_cast %add3A_493 : i32 to index
        %get3A_495 = arith.constant 80 : index
        %get3A_496 = tpu.vector_load %arg18[%get3A_494, %get3A_495] {strides = array<i32>} : memref<128x128xf32, #tpu.memory_space<vmem>>, vector<16xf32>,
        %mul3A_497 = arith.mulf %get3A_496, %gather3A : vector<16xf32>
        %add3A_498 = arith.constant 0 : i32
        %add3A_499 = arith.addi %mul3A_237, %add3A_498 : i32
        %swap3A_500 = arith.index_cast %add3A_499 : i32 to index
        %swap3A_501 = arith.constant 80 : index
        %swap3A_502 = tpu.vector_load %arg18[%swap3A_500, %swap3A_501] {strides = array<i32>} : memref<128x128xf32, #tpu.memory_space<vmem>>, vector<16xf32>,
        tpu.vector_store %arg18[%swap3A_500, %swap3A_501], %mul3A_497 {strides = array<i32>} : memref<128x128xf32, #tpu.memory_space<vmem>>, vector<16xf32>,
        %add3A_503 = arith.constant 1 : i32
        %add3A_504 = arith.addi %mul3A_237, %add3A_503 : i32
        %get3A_505 = arith.index_cast %add3A_504 : i32 to index
        %get3A_506 = arith.constant 80 : index
        %get3A_507 = tpu.vector_load %arg18[%get3A_505, %get3A_506] {strides = array<i32>} : memref<128x128xf32, #tpu.memory_space<vmem>>, vector<16xf32>,
        %mul3A_508 = arith.mulf %get3A_507, %gather3A_255 : vector<16xf32>
        %add3A_509 = arith.constant 1 : i32
        %add3A_510 = arith.addi %mul3A_237, %add3A_509 : i32
        %swap3A_511 = arith.index_cast %add3A_510 : i32 to index
        %swap3A_512 = arith.constant 80 : index
        %swap3A_513 = tpu.vector_load %arg18[%swap3A_511, %swap3A_512] {strides = array<i32>} : memref<128x128xf32, #tpu.memory_space<vmem>>, vector<16xf32>,
        tpu.vector_store %arg18[%swap3A_511, %swap3A_512], %mul3A_508 {strides = array<i32>} : memref<128x128xf32, #tpu.memory_space<vmem>>, vector<16xf32>,
        %add3A_514 = arith.constant 2 : i32
        %add3A_515 = arith.addi %mul3A_237, %add3A_514 : i32
        %get3A_516 = arith.index_cast %add3A_515 : i32 to index
        %get3A_517 = arith.constant 80 : index
        %get3A_518 = tpu.vector_load %arg18[%get3A_516, %get3A_517] {strides = array<i32>} : memref<128x128xf32, #tpu.memory_space<vmem>>, vector<16xf32>,
        %mul3A_519 = arith.mulf %get3A_518, %gather3A_264 : vector<16xf32>
        %add3A_520 = arith.constant 2 : i32
        %add3A_521 = arith.addi %mul3A_237, %add3A_520 : i32
        %swap3A_522 = arith.index_cast %add3A_521 : i32 to index
        %swap3A_523 = arith.constant 80 : index
        %swap3A_524 = tpu.vector_load %arg18[%swap3A_522, %swap3A_523] {strides = array<i32>} : memref<128x128xf32, #tpu.memory_space<vmem>>, vector<16xf32>,
        tpu.vector_store %arg18[%swap3A_522, %swap3A_523], %mul3A_519 {strides = array<i32>} : memref<128x128xf32, #tpu.memory_space<vmem>>, vector<16xf32>,
        %add3A_525 = arith.constant 3 : i32
        %add3A_526 = arith.addi %mul3A_237, %add3A_525 : i32
        %get3A_527 = arith.index_cast %add3A_526 : i32 to index
        %get3A_528 = arith.constant 80 : index
        %get3A_529 = tpu.vector_load %arg18[%get3A_527, %get3A_528] {strides = array<i32>} : memref<128x128xf32, #tpu.memory_space<vmem>>, vector<16xf32>,
        %mul3A_530 = arith.mulf %get3A_529, %gather3A_273 : vector<16xf32>
        %add3A_531 = arith.constant 3 : i32
        %add3A_532 = arith.addi %mul3A_237, %add3A_531 : i32
        %swap3A_533 = arith.index_cast %add3A_532 : i32 to index
        %swap3A_534 = arith.constant 80 : index
        %swap3A_535 = tpu.vector_load %arg18[%swap3A_533, %swap3A_534] {strides = array<i32>} : memref<128x128xf32, #tpu.memory_space<vmem>>, vector<16xf32>,
        tpu.vector_store %arg18[%swap3A_533, %swap3A_534], %mul3A_530 {strides = array<i32>} : memref<128x128xf32, #tpu.memory_space<vmem>>, vector<16xf32>,
        %add3A_536 = arith.constant 0 : i32
        %add3A_537 = arith.addi %mul3A_237, %add3A_536 : i32
        %get3A_538 = arith.index_cast %add3A_537 : i32 to index
        %get3A_539 = arith.constant 96 : index
        %get3A_540 = tpu.vector_load %arg18[%get3A_538, %get3A_539] {strides = array<i32>} : memref<128x128xf32, #tpu.memory_space<vmem>>, vector<16xf32>,
        %mul3A_541 = arith.mulf %get3A_540, %gather3A : vector<16xf32>
        %add3A_542 = arith.constant 0 : i32
        %add3A_543 = arith.addi %mul3A_237, %add3A_542 : i32
        %swap3A_544 = arith.index_cast %add3A_543 : i32 to index
        %swap3A_545 = arith.constant 96 : index
        %swap3A_546 = tpu.vector_load %arg18[%swap3A_544, %swap3A_545] {strides = array<i32>} : memref<128x128xf32, #tpu.memory_space<vmem>>, vector<16xf32>,
        tpu.vector_store %arg18[%swap3A_544, %swap3A_545], %mul3A_541 {strides = array<i32>} : memref<128x128xf32, #tpu.memory_space<vmem>>, vector<16xf32>,
        %add3A_547 = arith.constant 1 : i32
        %add3A_548 = arith.addi %mul3A_237, %add3A_547 : i32
        %get3A_549 = arith.index_cast %add3A_548 : i32 to index
        %get3A_550 = arith.constant 96 : index
        %get3A_551 = tpu.vector_load %arg18[%get3A_549, %get3A_550] {strides = array<i32>} : memref<128x128xf32, #tpu.memory_space<vmem>>, vector<16xf32>,
        %mul3A_552 = arith.mulf %get3A_551, %gather3A_255 : vector<16xf32>
        %add3A_553 = arith.constant 1 : i32
        %add3A_554 = arith.addi %mul3A_237, %add3A_553 : i32
        %swap3A_555 = arith.index_cast %add3A_554 : i32 to index
        %swap3A_556 = arith.constant 96 : index
        %swap3A_557 = tpu.vector_load %arg18[%swap3A_555, %swap3A_556] {strides = array<i32>} : memref<128x128xf32, #tpu.memory_space<vmem>>, vector<16xf32>,
        tpu.vector_store %arg18[%swap3A_555, %swap3A_556], %mul3A_552 {strides = array<i32>} : memref<128x128xf32, #tpu.memory_space<vmem>>, vector<16xf32>,
        %add3A_558 = arith.constant 2 : i32
        %add3A_559 = arith.addi %mul3A_237, %add3A_558 : i32
        %get3A_560 = arith.index_cast %add3A_559 : i32 to index
        %get3A_561 = arith.constant 96 : index
        %get3A_562 = tpu.vector_load %arg18[%get3A_560, %get3A_561] {strides = array<i32>} : memref<128x128xf32, #tpu.memory_space<vmem>>, vector<16xf32>,
        %mul3A_563 = arith.mulf %get3A_562, %gather3A_264 : vector<16xf32>
        %add3A_564 = arith.constant 2 : i32
        %add3A_565 = arith.addi %mul3A_237, %add3A_564 : i32
        %swap3A_566 = arith.index_cast %add3A_565 : i32 to index
        %swap3A_567 = arith.constant 96 : index
        %swap3A_568 = tpu.vector_load %arg18[%swap3A_566, %swap3A_567] {strides = array<i32>} : memref<128x128xf32, #tpu.memory_space<vmem>>, vector<16xf32>,
        tpu.vector_store %arg18[%swap3A_566, %swap3A_567], %mul3A_563 {strides = array<i32>} : memref<128x128xf32, #tpu.memory_space<vmem>>, vector<16xf32>,
        %add3A_569 = arith.constant 3 : i32
        %add3A_570 = arith.addi %mul3A_237, %add3A_569 : i32
        %get3A_571 = arith.index_cast %add3A_570 : i32 to index
        %get3A_572 = arith.constant 96 : index
        %get3A_573 = tpu.vector_load %arg18[%get3A_571, %get3A_572] {strides = array<i32>} : memref<128x128xf32, #tpu.memory_space<vmem>>, vector<16xf32>,
        %mul3A_574 = arith.mulf %get3A_573, %gather3A_273 : vector<16xf32>
        %add3A_575 = arith.constant 3 : i32
        %add3A_576 = arith.addi %mul3A_237, %add3A_575 : i32
        %swap3A_577 = arith.index_cast %add3A_576 : i32 to index
        %swap3A_578 = arith.constant 96 : index
        %swap3A_579 = tpu.vector_load %arg18[%swap3A_577, %swap3A_578] {strides = array<i32>} : memref<128x128xf32, #tpu.memory_space<vmem>>, vector<16xf32>,
        tpu.vector_store %arg18[%swap3A_577, %swap3A_578], %mul3A_574 {strides = array<i32>} : memref<128x128xf32, #tpu.memory_space<vmem>>, vector<16xf32>,
        %add3A_580 = arith.constant 0 : i32
        %add3A_581 = arith.addi %mul3A_237, %add3A_580 : i32
        %get3A_582 = arith.index_cast %add3A_581 : i32 to index
        %get3A_583 = arith.constant 112 : index
        %get3A_584 = tpu.vector_load %arg18[%get3A_582, %get3A_583] {strides = array<i32>} : memref<128x128xf32, #tpu.memory_space<vmem>>, vector<16xf32>,
        %mul3A_585 = arith.mulf %get3A_584, %gather3A : vector<16xf32>
        %add3A_586 = arith.constant 0 : i32
        %add3A_587 = arith.addi %mul3A_237, %add3A_586 : i32
        %swap3A_588 = arith.index_cast %add3A_587 : i32 to index
        %swap3A_589 = arith.constant 112 : index
        %swap3A_590 = tpu.vector_load %arg18[%swap3A_588, %swap3A_589] {strides = array<i32>} : memref<128x128xf32, #tpu.memory_space<vmem>>, vector<16xf32>,
        tpu.vector_store %arg18[%swap3A_588, %swap3A_589], %mul3A_585 {strides = array<i32>} : memref<128x128xf32, #tpu.memory_space<vmem>>, vector<16xf32>,
        %add3A_591 = arith.constant 1 : i32
        %add3A_592 = arith.addi %mul3A_237, %add3A_591 : i32
        %get3A_593 = arith.index_cast %add3A_592 : i32 to index
        %get3A_594 = arith.constant 112 : index
        %get3A_595 = tpu.vector_load %arg18[%get3A_593, %get3A_594] {strides = array<i32>} : memref<128x128xf32, #tpu.memory_space<vmem>>, vector<16xf32>,
        %mul3A_596 = arith.mulf %get3A_595, %gather3A_255 : vector<16xf32>
        %add3A_597 = arith.constant 1 : i32
        %add3A_598 = arith.addi %mul3A_237, %add3A_597 : i32
        %swap3A_599 = arith.index_cast %add3A_598 : i32 to index
        %swap3A_600 = arith.constant 112 : index
        %swap3A_601 = tpu.vector_load %arg18[%swap3A_599, %swap3A_600] {strides = array<i32>} : memref<128x128xf32, #tpu.memory_space<vmem>>, vector<16xf32>,
        tpu.vector_store %arg18[%swap3A_599, %swap3A_600], %mul3A_596 {strides = array<i32>} : memref<128x128xf32, #tpu.memory_space<vmem>>, vector<16xf32>,
        %add3A_602 = arith.constant 2 : i32
        %add3A_603 = arith.addi %mul3A_237, %add3A_602 : i32
        %get3A_604 = arith.index_cast %add3A_603 : i32 to index
        %get3A_605 = arith.constant 112 : index
        %get3A_606 = tpu.vector_load %arg18[%get3A_604, %get3A_605] {strides = array<i32>} : memref<128x128xf32, #tpu.memory_space<vmem>>, vector<16xf32>,
        %mul3A_607 = arith.mulf %get3A_606, %gather3A_264 : vector<16xf32>
        %add3A_608 = arith.constant 2 : i32
        %add3A_609 = arith.addi %mul3A_237, %add3A_608 : i32
        %swap3A_610 = arith.index_cast %add3A_609 : i32 to index
        %swap3A_611 = arith.constant 112 : index
        %swap3A_612 = tpu.vector_load %arg18[%swap3A_610, %swap3A_611] {strides = array<i32>} : memref<128x128xf32, #tpu.memory_space<vmem>>, vector<16xf32>,
        tpu.vector_store %arg18[%swap3A_610, %swap3A_611], %mul3A_607 {strides = array<i32>} : memref<128x128xf32, #tpu.memory_space<vmem>>, vector<16xf32>,
        %add3A_613 = arith.constant 3 : i32
        %add3A_614 = arith.addi %mul3A_237, %add3A_613 : i32
        %get3A_615 = arith.index_cast %add3A_614 : i32 to index
        %get3A_616 = arith.constant 112 : index
        %get3A_617 = tpu.vector_load %arg18[%get3A_615, %get3A_616] {strides = array<i32>} : memref<128x128xf32, #tpu.memory_space<vmem>>, vector<16xf32>,
        %mul3A_618 = arith.mulf %get3A_617, %gather3A_273 : vector<16xf32>
        %add3A_619 = arith.constant 3 : i32
        %add3A_620 = arith.addi %mul3A_237, %add3A_619 : i32
        %swap3A_621 = arith.index_cast %add3A_620 : i32 to index
        %swap3A_622 = arith.constant 112 : index
        %swap3A_623 = tpu.vector_load %arg18[%swap3A_621, %swap3A_622] {strides = array<i32>} : memref<128x128xf32, #tpu.memory_space<vmem>>, vector<16xf32>,
        tpu.vector_store %arg18[%swap3A_621, %swap3A_622], %mul3A_618 {strides = array<i32>} : memref<128x128xf32, #tpu.memory_space<vmem>>, vector<16xf32>,
      }
      %scan3A_197 = arith.constant 32 : i32
      %run_scoped3A_198 = arith.constant 5 : i32
      "tpu.region"() ({
        %run_scoped3A_235 = tpu.sem_alloc : memref<!tpu.dma_semaphore, #tpu.memory_space<semaphore_mem>>
        %dma_start3A_236 = arith.constant 0 : i32
        %dma_start3A_237 = tpu.memref_slice %arg13[%run_scoped3A_198, %dma_start3A_236] : memref<8x128xi32, #tpu.memory_space<vmem>> -> memref<1x128xi32, #tpu.memory_space<vmem>>
        %dma_start3A_238 = tpu.memref_squeeze %dma_start3A_237 : memref<1x128xi32, #tpu.memory_space<vmem>> -> memref<128xi32, #tpu.memory_space<vmem>>
        %dma_start3A_239 = arith.constant 0 : i32
        %dma_start3A_240 = arith.constant 0 : i32
        %dma_start3A_241 = tpu.memref_slice %arg10[%dma_start3A_239, %dma_start3A_240] : memref<10000x128xf32, #tpu.memory_space<vmem_shared>> -> memref<10000x128xf32, #tpu.memory_space<vmem_shared>>
        tpu.enqueue_indirect_dma source(%arg18 : memref<128x128xf32, #tpu.memory_space<vmem>>) target(%dma_start3A_241 : memref<10000x128xf32, #tpu.memory_space<vmem_shared>>) offsets(%dma_start3A_238 : memref<128xi32, #tpu.memory_space<vmem>>) semaphore(%run_scoped3A_235 : memref<!tpu.dma_semaphore, #tpu.memory_space<semaphore_mem>>) {add = true}
        %dma_wait3A_242 = arith.constant 0 : i32
        %dma_wait3A_243 = tpu.memref_slice %arg13[%run_scoped3A_198, %dma_wait3A_242] : memref<8x128xi32, #tpu.memory_space<vmem>> -> memref<1x128xi32, #tpu.memory_space<vmem>>
        %dma_wait3A_244 = tpu.memref_squeeze %dma_wait3A_243 : memref<1x128xi32, #tpu.memory_space<vmem>> -> memref<128xi32, #tpu.memory_space<vmem>>
        %dma_wait3A_245 = arith.constant 0 : i32
        %dma_wait3A_246 = arith.constant 0 : i32
        %dma_wait3A_247 = tpu.memref_slice %arg10[%dma_wait3A_245, %dma_wait3A_246] : memref<10000x128xf32, #tpu.memory_space<vmem_shared>> -> memref<10000x128xf32, #tpu.memory_space<vmem_shared>>
        tpu.wait_indirect_dma semaphore(%run_scoped3A_235 : memref<!tpu.dma_semaphore, #tpu.memory_space<semaphore_mem>>) src(%arg18 : memref<128x128xf32, #tpu.memory_space<vmem>>) dst(%dma_wait3A_247 : memref<10000x128xf32, #tpu.memory_space<vmem_shared>>)
        tpu.yield
      }) : () -> ()
      %run_scoped3A_199 = arith.constant 5 : i32
      "tpu.region"() ({
        %run_scoped3A_235 = tpu.sem_alloc : memref<!tpu.dma_semaphore, #tpu.memory_space<semaphore_mem>>
        %dma_start3A_236 = arith.constant 640 : i32
        %dma_start3A_237 = tpu.memref_slice %arg16[%dma_start3A_236] : memref<1024xf32, #tpu.memory_space<vmem>> -> memref<128xf32, #tpu.memory_space<vmem>>
        %dma_start3A_238 = arith.constant 0 : i32
        %dma_start3A_239 = tpu.memref_slice %arg13[%run_scoped3A_199, %dma_start3A_238] : memref<8x128xi32, #tpu.memory_space<vmem>> -> memref<1x128xi32, #tpu.memory_space<vmem>>
        %dma_start3A_240 = tpu.memref_squeeze %dma_start3A_239 : memref<1x128xi32, #tpu.memory_space<vmem>> -> memref<128xi32, #tpu.memory_space<vmem>>
        %dma_start3A_241 = arith.constant 0 : i32
        %dma_start3A_242 = tpu.memref_slice %arg11[%dma_start3A_241] : memref<10240xf32, #tpu.memory_space<vmem_shared>> -> memref<10240xf32, #tpu.memory_space<vmem_shared>>
        tpu.enqueue_indirect_dma source(%dma_start3A_237 : memref<128xf32, #tpu.memory_space<vmem>>) target(%dma_start3A_242 : memref<10240xf32, #tpu.memory_space<vmem_shared>>) offsets(%dma_start3A_240 : memref<128xi32, #tpu.memory_space<vmem>>) semaphore(%run_scoped3A_235 : memref<!tpu.dma_semaphore, #tpu.memory_space<semaphore_mem>>) {add = true}
        %dma_wait3A_243 = arith.constant 640 : i32
        %dma_wait3A_244 = tpu.memref_slice %arg16[%dma_wait3A_243] : memref<1024xf32, #tpu.memory_space<vmem>> -> memref<128xf32, #tpu.memory_space<vmem>>
        %dma_wait3A_245 = arith.constant 0 : i32
        %dma_wait3A_246 = tpu.memref_slice %arg13[%run_scoped3A_199, %dma_wait3A_245] : memref<8x128xi32, #tpu.memory_space<vmem>> -> memref<1x128xi32, #tpu.memory_space<vmem>>
        %dma_wait3A_247 = tpu.memref_squeeze %dma_wait3A_246 : memref<1x128xi32, #tpu.memory_space<vmem>> -> memref<128xi32, #tpu.memory_space<vmem>>
        %dma_wait3A_248 = arith.constant 0 : i32
        %dma_wait3A_249 = tpu.memref_slice %arg11[%dma_wait3A_248] : memref<10240xf32, #tpu.memory_space<vmem_shared>> -> memref<10240xf32, #tpu.memory_space<vmem_shared>>
        tpu.wait_indirect_dma semaphore(%run_scoped3A_235 : memref<!tpu.dma_semaphore, #tpu.memory_space<semaphore_mem>>) src(%dma_wait3A_244 : memref<128xf32, #tpu.memory_space<vmem>>) dst(%dma_wait3A_249 : memref<10240xf32, #tpu.memory_space<vmem_shared>>)
        tpu.yield
      }) : () -> ()
      %dma_start3A_200 = arith.constant 7 : i32
      %dma_start3A_201 = arith.constant 0 : i32
      %dma_start3A_202 = tpu.memref_slice %arg15[%dma_start3A_200, %dma_start3A_201] : memref<8x128xi32, #tpu.memory_space<vmem>> -> memref<1x128xi32, #tpu.memory_space<vmem>>
      %dma_start3A_203 = tpu.memref_squeeze %dma_start3A_202 : memref<1x128xi32, #tpu.memory_space<vmem>> -> memref<128xi32, #tpu.memory_space<vmem>>
      %dma_start3A_204 = arith.constant 0 : i32
      %dma_start3A_205 = arith.constant 0 : i32
      %dma_start3A_206 = tpu.memref_slice %arg2[%dma_start3A_204, %dma_start3A_205] : memref<20000x128xf32, #tpu.memory_space<hbm>> -> memref<20000x128xf32, #tpu.memory_space<hbm>>
      tpu.enqueue_indirect_dma source(%dma_start3A_206 : memref<20000x128xf32, #tpu.memory_space<hbm>>) target(%arg18 : memref<128x128xf32, #tpu.memory_space<vmem>>) offsets(%dma_start3A_203 : memref<128xi32, #tpu.memory_space<vmem>>) semaphore(%arg20 : memref<!tpu.dma_semaphore, #tpu.memory_space<semaphore_mem>>)
      %dma_wait3A_207 = arith.constant 6 : i32
      %dma_wait3A_208 = arith.constant 0 : i32
      %dma_wait3A_209 = tpu.memref_slice %arg15[%dma_wait3A_207, %dma_wait3A_208] : memref<8x128xi32, #tpu.memory_space<vmem>> -> memref<1x128xi32, #tpu.memory_space<vmem>>
      %dma_wait3A_210 = tpu.memref_squeeze %dma_wait3A_209 : memref<1x128xi32, #tpu.memory_space<vmem>> -> memref<128xi32, #tpu.memory_space<vmem>>
      %dma_wait3A_211 = arith.constant 0 : i32
      %dma_wait3A_212 = arith.constant 0 : i32
      %dma_wait3A_213 = tpu.memref_slice %arg2[%dma_wait3A_211, %dma_wait3A_212] : memref<20000x128xf32, #tpu.memory_space<hbm>> -> memref<20000x128xf32, #tpu.memory_space<hbm>>
      tpu.wait_indirect_dma semaphore(%arg19 : memref<!tpu.dma_semaphore, #tpu.memory_space<semaphore_mem>>) src(%dma_wait3A_213 : memref<20000x128xf32, #tpu.memory_space<hbm>>) dst(%arg17 : memref<128x128xf32, #tpu.memory_space<vmem>>)
      %scan3A_214 = arith.constant 0 : i32
      %scan3A_215 = arith.constant 32 : i32
      %scan3A_216 = arith.addi %scan3A_214, %scan3A_215 : i32
      %scan3A_217 = arith.constant 1 : i32
      scf.for %scan3A_235 = %scan3A_214 to %scan3A_216 step %scan3A_217  : i32 {
        %mul3A_236 = arith.constant 4 : i32
        %mul3A_237 = arith.muli %scan3A_235, %mul3A_236 : i32
        %broadcast_in_dim3A = arith.constant 0 : i32
        %broadcast_in_dim3A_238 = vector.broadcast %broadcast_in_dim3A : i32 to vector<16xi32>
        %add3A_239 = arith.constant 768 : i32
        %add3A_240 = vector.broadcast %add3A_239 : i32 to vector<16xi32>
        %add3A_241 = arith.addi %broadcast_in_dim3A_238, %add3A_240 : vector<16xi32>
        %add3A_242 = vector.broadcast %mul3A_237 : i32 to vector<16xi32>
        %add3A_243 = arith.addi %add3A_241, %add3A_242 : vector<16xi32>
        %add3A_244 = arith.constant 0 : i32
        %add3A_245 = vector.broadcast %add3A_244 : i32 to vector<16xi32>
        %add3A_246 = arith.addi %add3A_243, %add3A_245 : vector<16xi32>
        %gather3A = tpu.vector_load_idx %arg16[%add3A_246] : memref<1024xf32, #tpu.memory_space<vmem>>[vector<16xi32>], vector<16xf32>,
        %add3A_247 = arith.constant 768 : i32
        %add3A_248 = vector.broadcast %add3A_247 : i32 to vector<16xi32>
        %add3A_249 = arith.addi %broadcast_in_dim3A_238, %add3A_248 : vector<16xi32>
        %add3A_250 = vector.broadcast %mul3A_237 : i32 to vector<16xi32>
        %add3A_251 = arith.addi %add3A_249, %add3A_250 : vector<16xi32>
        %add3A_252 = arith.constant 1 : i32
        %add3A_253 = vector.broadcast %add3A_252 : i32 to vector<16xi32>
        %add3A_254 = arith.addi %add3A_251, %add3A_253 : vector<16xi32>
        %gather3A_255 = tpu.vector_load_idx %arg16[%add3A_254] : memref<1024xf32, #tpu.memory_space<vmem>>[vector<16xi32>], vector<16xf32>,
        %add3A_256 = arith.constant 768 : i32
        %add3A_257 = vector.broadcast %add3A_256 : i32 to vector<16xi32>
        %add3A_258 = arith.addi %broadcast_in_dim3A_238, %add3A_257 : vector<16xi32>
        %add3A_259 = vector.broadcast %mul3A_237 : i32 to vector<16xi32>
        %add3A_260 = arith.addi %add3A_258, %add3A_259 : vector<16xi32>
        %add3A_261 = arith.constant 2 : i32
        %add3A_262 = vector.broadcast %add3A_261 : i32 to vector<16xi32>
        %add3A_263 = arith.addi %add3A_260, %add3A_262 : vector<16xi32>
        %gather3A_264 = tpu.vector_load_idx %arg16[%add3A_263] : memref<1024xf32, #tpu.memory_space<vmem>>[vector<16xi32>], vector<16xf32>,
        %add3A_265 = arith.constant 768 : i32
        %add3A_266 = vector.broadcast %add3A_265 : i32 to vector<16xi32>
        %add3A_267 = arith.addi %broadcast_in_dim3A_238, %add3A_266 : vector<16xi32>
        %add3A_268 = vector.broadcast %mul3A_237 : i32 to vector<16xi32>
        %add3A_269 = arith.addi %add3A_267, %add3A_268 : vector<16xi32>
        %add3A_270 = arith.constant 3 : i32
        %add3A_271 = vector.broadcast %add3A_270 : i32 to vector<16xi32>
        %add3A_272 = arith.addi %add3A_269, %add3A_271 : vector<16xi32>
        %gather3A_273 = tpu.vector_load_idx %arg16[%add3A_272] : memref<1024xf32, #tpu.memory_space<vmem>>[vector<16xi32>], vector<16xf32>,
        %add3A_274 = arith.constant 0 : i32
        %add3A_275 = arith.addi %mul3A_237, %add3A_274 : i32
        %get3A = arith.index_cast %add3A_275 : i32 to index
        %get3A_276 = arith.constant 0 : index
        %get3A_277 = tpu.vector_load %arg17[%get3A, %get3A_276] {strides = array<i32>} : memref<128x128xf32, #tpu.memory_space<vmem>>, vector<16xf32>,
        %mul3A_278 = arith.mulf %get3A_277, %gather3A : vector<16xf32>
        %add3A_279 = arith.constant 0 : i32
        %add3A_280 = arith.addi %mul3A_237, %add3A_279 : i32
        %swap3A = arith.index_cast %add3A_280 : i32 to index
        %swap3A_281 = arith.constant 0 : index
        %swap3A_282 = tpu.vector_load %arg17[%swap3A, %swap3A_281] {strides = array<i32>} : memref<128x128xf32, #tpu.memory_space<vmem>>, vector<16xf32>,
        tpu.vector_store %arg17[%swap3A, %swap3A_281], %mul3A_278 {strides = array<i32>} : memref<128x128xf32, #tpu.memory_space<vmem>>, vector<16xf32>,
        %add3A_283 = arith.constant 1 : i32
        %add3A_284 = arith.addi %mul3A_237, %add3A_283 : i32
        %get3A_285 = arith.index_cast %add3A_284 : i32 to index
        %get3A_286 = arith.constant 0 : index
        %get3A_287 = tpu.vector_load %arg17[%get3A_285, %get3A_286] {strides = array<i32>} : memref<128x128xf32, #tpu.memory_space<vmem>>, vector<16xf32>,
        %mul3A_288 = arith.mulf %get3A_287, %gather3A_255 : vector<16xf32>
        %add3A_289 = arith.constant 1 : i32
        %add3A_290 = arith.addi %mul3A_237, %add3A_289 : i32
        %swap3A_291 = arith.index_cast %add3A_290 : i32 to index
        %swap3A_292 = arith.constant 0 : index
        %swap3A_293 = tpu.vector_load %arg17[%swap3A_291, %swap3A_292] {strides = array<i32>} : memref<128x128xf32, #tpu.memory_space<vmem>>, vector<16xf32>,
        tpu.vector_store %arg17[%swap3A_291, %swap3A_292], %mul3A_288 {strides = array<i32>} : memref<128x128xf32, #tpu.memory_space<vmem>>, vector<16xf32>,
        %add3A_294 = arith.constant 2 : i32
        %add3A_295 = arith.addi %mul3A_237, %add3A_294 : i32
        %get3A_296 = arith.index_cast %add3A_295 : i32 to index
        %get3A_297 = arith.constant 0 : index
        %get3A_298 = tpu.vector_load %arg17[%get3A_296, %get3A_297] {strides = array<i32>} : memref<128x128xf32, #tpu.memory_space<vmem>>, vector<16xf32>,
        %mul3A_299 = arith.mulf %get3A_298, %gather3A_264 : vector<16xf32>
        %add3A_300 = arith.constant 2 : i32
        %add3A_301 = arith.addi %mul3A_237, %add3A_300 : i32
        %swap3A_302 = arith.index_cast %add3A_301 : i32 to index
        %swap3A_303 = arith.constant 0 : index
        %swap3A_304 = tpu.vector_load %arg17[%swap3A_302, %swap3A_303] {strides = array<i32>} : memref<128x128xf32, #tpu.memory_space<vmem>>, vector<16xf32>,
        tpu.vector_store %arg17[%swap3A_302, %swap3A_303], %mul3A_299 {strides = array<i32>} : memref<128x128xf32, #tpu.memory_space<vmem>>, vector<16xf32>,
        %add3A_305 = arith.constant 3 : i32
        %add3A_306 = arith.addi %mul3A_237, %add3A_305 : i32
        %get3A_307 = arith.index_cast %add3A_306 : i32 to index
        %get3A_308 = arith.constant 0 : index
        %get3A_309 = tpu.vector_load %arg17[%get3A_307, %get3A_308] {strides = array<i32>} : memref<128x128xf32, #tpu.memory_space<vmem>>, vector<16xf32>,
        %mul3A_310 = arith.mulf %get3A_309, %gather3A_273 : vector<16xf32>
        %add3A_311 = arith.constant 3 : i32
        %add3A_312 = arith.addi %mul3A_237, %add3A_311 : i32
        %swap3A_313 = arith.index_cast %add3A_312 : i32 to index
        %swap3A_314 = arith.constant 0 : index
        %swap3A_315 = tpu.vector_load %arg17[%swap3A_313, %swap3A_314] {strides = array<i32>} : memref<128x128xf32, #tpu.memory_space<vmem>>, vector<16xf32>,
        tpu.vector_store %arg17[%swap3A_313, %swap3A_314], %mul3A_310 {strides = array<i32>} : memref<128x128xf32, #tpu.memory_space<vmem>>, vector<16xf32>,
        %add3A_316 = arith.constant 0 : i32
        %add3A_317 = arith.addi %mul3A_237, %add3A_316 : i32
        %get3A_318 = arith.index_cast %add3A_317 : i32 to index
        %get3A_319 = arith.constant 16 : index
        %get3A_320 = tpu.vector_load %arg17[%get3A_318, %get3A_319] {strides = array<i32>} : memref<128x128xf32, #tpu.memory_space<vmem>>, vector<16xf32>,
        %mul3A_321 = arith.mulf %get3A_320, %gather3A : vector<16xf32>
        %add3A_322 = arith.constant 0 : i32
        %add3A_323 = arith.addi %mul3A_237, %add3A_322 : i32
        %swap3A_324 = arith.index_cast %add3A_323 : i32 to index
        %swap3A_325 = arith.constant 16 : index
        %swap3A_326 = tpu.vector_load %arg17[%swap3A_324, %swap3A_325] {strides = array<i32>} : memref<128x128xf32, #tpu.memory_space<vmem>>, vector<16xf32>,
        tpu.vector_store %arg17[%swap3A_324, %swap3A_325], %mul3A_321 {strides = array<i32>} : memref<128x128xf32, #tpu.memory_space<vmem>>, vector<16xf32>,
        %add3A_327 = arith.constant 1 : i32
        %add3A_328 = arith.addi %mul3A_237, %add3A_327 : i32
        %get3A_329 = arith.index_cast %add3A_328 : i32 to index
        %get3A_330 = arith.constant 16 : index
        %get3A_331 = tpu.vector_load %arg17[%get3A_329, %get3A_330] {strides = array<i32>} : memref<128x128xf32, #tpu.memory_space<vmem>>, vector<16xf32>,
        %mul3A_332 = arith.mulf %get3A_331, %gather3A_255 : vector<16xf32>
        %add3A_333 = arith.constant 1 : i32
        %add3A_334 = arith.addi %mul3A_237, %add3A_333 : i32
        %swap3A_335 = arith.index_cast %add3A_334 : i32 to index
        %swap3A_336 = arith.constant 16 : index
        %swap3A_337 = tpu.vector_load %arg17[%swap3A_335, %swap3A_336] {strides = array<i32>} : memref<128x128xf32, #tpu.memory_space<vmem>>, vector<16xf32>,
        tpu.vector_store %arg17[%swap3A_335, %swap3A_336], %mul3A_332 {strides = array<i32>} : memref<128x128xf32, #tpu.memory_space<vmem>>, vector<16xf32>,
        %add3A_338 = arith.constant 2 : i32
        %add3A_339 = arith.addi %mul3A_237, %add3A_338 : i32
        %get3A_340 = arith.index_cast %add3A_339 : i32 to index
        %get3A_341 = arith.constant 16 : index
        %get3A_342 = tpu.vector_load %arg17[%get3A_340, %get3A_341] {strides = array<i32>} : memref<128x128xf32, #tpu.memory_space<vmem>>, vector<16xf32>,
        %mul3A_343 = arith.mulf %get3A_342, %gather3A_264 : vector<16xf32>
        %add3A_344 = arith.constant 2 : i32
        %add3A_345 = arith.addi %mul3A_237, %add3A_344 : i32
        %swap3A_346 = arith.index_cast %add3A_345 : i32 to index
        %swap3A_347 = arith.constant 16 : index
        %swap3A_348 = tpu.vector_load %arg17[%swap3A_346, %swap3A_347] {strides = array<i32>} : memref<128x128xf32, #tpu.memory_space<vmem>>, vector<16xf32>,
        tpu.vector_store %arg17[%swap3A_346, %swap3A_347], %mul3A_343 {strides = array<i32>} : memref<128x128xf32, #tpu.memory_space<vmem>>, vector<16xf32>,
        %add3A_349 = arith.constant 3 : i32
        %add3A_350 = arith.addi %mul3A_237, %add3A_349 : i32
        %get3A_351 = arith.index_cast %add3A_350 : i32 to index
        %get3A_352 = arith.constant 16 : index
        %get3A_353 = tpu.vector_load %arg17[%get3A_351, %get3A_352] {strides = array<i32>} : memref<128x128xf32, #tpu.memory_space<vmem>>, vector<16xf32>,
        %mul3A_354 = arith.mulf %get3A_353, %gather3A_273 : vector<16xf32>
        %add3A_355 = arith.constant 3 : i32
        %add3A_356 = arith.addi %mul3A_237, %add3A_355 : i32
        %swap3A_357 = arith.index_cast %add3A_356 : i32 to index
        %swap3A_358 = arith.constant 16 : index
        %swap3A_359 = tpu.vector_load %arg17[%swap3A_357, %swap3A_358] {strides = array<i32>} : memref<128x128xf32, #tpu.memory_space<vmem>>, vector<16xf32>,
        tpu.vector_store %arg17[%swap3A_357, %swap3A_358], %mul3A_354 {strides = array<i32>} : memref<128x128xf32, #tpu.memory_space<vmem>>, vector<16xf32>,
        %add3A_360 = arith.constant 0 : i32
        %add3A_361 = arith.addi %mul3A_237, %add3A_360 : i32
        %get3A_362 = arith.index_cast %add3A_361 : i32 to index
        %get3A_363 = arith.constant 32 : index
        %get3A_364 = tpu.vector_load %arg17[%get3A_362, %get3A_363] {strides = array<i32>} : memref<128x128xf32, #tpu.memory_space<vmem>>, vector<16xf32>,
        %mul3A_365 = arith.mulf %get3A_364, %gather3A : vector<16xf32>
        %add3A_366 = arith.constant 0 : i32
        %add3A_367 = arith.addi %mul3A_237, %add3A_366 : i32
        %swap3A_368 = arith.index_cast %add3A_367 : i32 to index
        %swap3A_369 = arith.constant 32 : index
        %swap3A_370 = tpu.vector_load %arg17[%swap3A_368, %swap3A_369] {strides = array<i32>} : memref<128x128xf32, #tpu.memory_space<vmem>>, vector<16xf32>,
        tpu.vector_store %arg17[%swap3A_368, %swap3A_369], %mul3A_365 {strides = array<i32>} : memref<128x128xf32, #tpu.memory_space<vmem>>, vector<16xf32>,
        %add3A_371 = arith.constant 1 : i32
        %add3A_372 = arith.addi %mul3A_237, %add3A_371 : i32
        %get3A_373 = arith.index_cast %add3A_372 : i32 to index
        %get3A_374 = arith.constant 32 : index
        %get3A_375 = tpu.vector_load %arg17[%get3A_373, %get3A_374] {strides = array<i32>} : memref<128x128xf32, #tpu.memory_space<vmem>>, vector<16xf32>,
        %mul3A_376 = arith.mulf %get3A_375, %gather3A_255 : vector<16xf32>
        %add3A_377 = arith.constant 1 : i32
        %add3A_378 = arith.addi %mul3A_237, %add3A_377 : i32
        %swap3A_379 = arith.index_cast %add3A_378 : i32 to index
        %swap3A_380 = arith.constant 32 : index
        %swap3A_381 = tpu.vector_load %arg17[%swap3A_379, %swap3A_380] {strides = array<i32>} : memref<128x128xf32, #tpu.memory_space<vmem>>, vector<16xf32>,
        tpu.vector_store %arg17[%swap3A_379, %swap3A_380], %mul3A_376 {strides = array<i32>} : memref<128x128xf32, #tpu.memory_space<vmem>>, vector<16xf32>,
        %add3A_382 = arith.constant 2 : i32
        %add3A_383 = arith.addi %mul3A_237, %add3A_382 : i32
        %get3A_384 = arith.index_cast %add3A_383 : i32 to index
        %get3A_385 = arith.constant 32 : index
        %get3A_386 = tpu.vector_load %arg17[%get3A_384, %get3A_385] {strides = array<i32>} : memref<128x128xf32, #tpu.memory_space<vmem>>, vector<16xf32>,
        %mul3A_387 = arith.mulf %get3A_386, %gather3A_264 : vector<16xf32>
        %add3A_388 = arith.constant 2 : i32
        %add3A_389 = arith.addi %mul3A_237, %add3A_388 : i32
        %swap3A_390 = arith.index_cast %add3A_389 : i32 to index
        %swap3A_391 = arith.constant 32 : index
        %swap3A_392 = tpu.vector_load %arg17[%swap3A_390, %swap3A_391] {strides = array<i32>} : memref<128x128xf32, #tpu.memory_space<vmem>>, vector<16xf32>,
        tpu.vector_store %arg17[%swap3A_390, %swap3A_391], %mul3A_387 {strides = array<i32>} : memref<128x128xf32, #tpu.memory_space<vmem>>, vector<16xf32>,
        %add3A_393 = arith.constant 3 : i32
        %add3A_394 = arith.addi %mul3A_237, %add3A_393 : i32
        %get3A_395 = arith.index_cast %add3A_394 : i32 to index
        %get3A_396 = arith.constant 32 : index
        %get3A_397 = tpu.vector_load %arg17[%get3A_395, %get3A_396] {strides = array<i32>} : memref<128x128xf32, #tpu.memory_space<vmem>>, vector<16xf32>,
        %mul3A_398 = arith.mulf %get3A_397, %gather3A_273 : vector<16xf32>
        %add3A_399 = arith.constant 3 : i32
        %add3A_400 = arith.addi %mul3A_237, %add3A_399 : i32
        %swap3A_401 = arith.index_cast %add3A_400 : i32 to index
        %swap3A_402 = arith.constant 32 : index
        %swap3A_403 = tpu.vector_load %arg17[%swap3A_401, %swap3A_402] {strides = array<i32>} : memref<128x128xf32, #tpu.memory_space<vmem>>, vector<16xf32>,
        tpu.vector_store %arg17[%swap3A_401, %swap3A_402], %mul3A_398 {strides = array<i32>} : memref<128x128xf32, #tpu.memory_space<vmem>>, vector<16xf32>,
        %add3A_404 = arith.constant 0 : i32
        %add3A_405 = arith.addi %mul3A_237, %add3A_404 : i32
        %get3A_406 = arith.index_cast %add3A_405 : i32 to index
        %get3A_407 = arith.constant 48 : index
        %get3A_408 = tpu.vector_load %arg17[%get3A_406, %get3A_407] {strides = array<i32>} : memref<128x128xf32, #tpu.memory_space<vmem>>, vector<16xf32>,
        %mul3A_409 = arith.mulf %get3A_408, %gather3A : vector<16xf32>
        %add3A_410 = arith.constant 0 : i32
        %add3A_411 = arith.addi %mul3A_237, %add3A_410 : i32
        %swap3A_412 = arith.index_cast %add3A_411 : i32 to index
        %swap3A_413 = arith.constant 48 : index
        %swap3A_414 = tpu.vector_load %arg17[%swap3A_412, %swap3A_413] {strides = array<i32>} : memref<128x128xf32, #tpu.memory_space<vmem>>, vector<16xf32>,
        tpu.vector_store %arg17[%swap3A_412, %swap3A_413], %mul3A_409 {strides = array<i32>} : memref<128x128xf32, #tpu.memory_space<vmem>>, vector<16xf32>,
        %add3A_415 = arith.constant 1 : i32
        %add3A_416 = arith.addi %mul3A_237, %add3A_415 : i32
        %get3A_417 = arith.index_cast %add3A_416 : i32 to index
        %get3A_418 = arith.constant 48 : index
        %get3A_419 = tpu.vector_load %arg17[%get3A_417, %get3A_418] {strides = array<i32>} : memref<128x128xf32, #tpu.memory_space<vmem>>, vector<16xf32>,
        %mul3A_420 = arith.mulf %get3A_419, %gather3A_255 : vector<16xf32>
        %add3A_421 = arith.constant 1 : i32
        %add3A_422 = arith.addi %mul3A_237, %add3A_421 : i32
        %swap3A_423 = arith.index_cast %add3A_422 : i32 to index
        %swap3A_424 = arith.constant 48 : index
        %swap3A_425 = tpu.vector_load %arg17[%swap3A_423, %swap3A_424] {strides = array<i32>} : memref<128x128xf32, #tpu.memory_space<vmem>>, vector<16xf32>,
        tpu.vector_store %arg17[%swap3A_423, %swap3A_424], %mul3A_420 {strides = array<i32>} : memref<128x128xf32, #tpu.memory_space<vmem>>, vector<16xf32>,
        %add3A_426 = arith.constant 2 : i32
        %add3A_427 = arith.addi %mul3A_237, %add3A_426 : i32
        %get3A_428 = arith.index_cast %add3A_427 : i32 to index
        %get3A_429 = arith.constant 48 : index
        %get3A_430 = tpu.vector_load %arg17[%get3A_428, %get3A_429] {strides = array<i32>} : memref<128x128xf32, #tpu.memory_space<vmem>>, vector<16xf32>,
        %mul3A_431 = arith.mulf %get3A_430, %gather3A_264 : vector<16xf32>
        %add3A_432 = arith.constant 2 : i32
        %add3A_433 = arith.addi %mul3A_237, %add3A_432 : i32
        %swap3A_434 = arith.index_cast %add3A_433 : i32 to index
        %swap3A_435 = arith.constant 48 : index
        %swap3A_436 = tpu.vector_load %arg17[%swap3A_434, %swap3A_435] {strides = array<i32>} : memref<128x128xf32, #tpu.memory_space<vmem>>, vector<16xf32>,
        tpu.vector_store %arg17[%swap3A_434, %swap3A_435], %mul3A_431 {strides = array<i32>} : memref<128x128xf32, #tpu.memory_space<vmem>>, vector<16xf32>,
        %add3A_437 = arith.constant 3 : i32
        %add3A_438 = arith.addi %mul3A_237, %add3A_437 : i32
        %get3A_439 = arith.index_cast %add3A_438 : i32 to index
        %get3A_440 = arith.constant 48 : index
        %get3A_441 = tpu.vector_load %arg17[%get3A_439, %get3A_440] {strides = array<i32>} : memref<128x128xf32, #tpu.memory_space<vmem>>, vector<16xf32>,
        %mul3A_442 = arith.mulf %get3A_441, %gather3A_273 : vector<16xf32>
        %add3A_443 = arith.constant 3 : i32
        %add3A_444 = arith.addi %mul3A_237, %add3A_443 : i32
        %swap3A_445 = arith.index_cast %add3A_444 : i32 to index
        %swap3A_446 = arith.constant 48 : index
        %swap3A_447 = tpu.vector_load %arg17[%swap3A_445, %swap3A_446] {strides = array<i32>} : memref<128x128xf32, #tpu.memory_space<vmem>>, vector<16xf32>,
        tpu.vector_store %arg17[%swap3A_445, %swap3A_446], %mul3A_442 {strides = array<i32>} : memref<128x128xf32, #tpu.memory_space<vmem>>, vector<16xf32>,
        %add3A_448 = arith.constant 0 : i32
        %add3A_449 = arith.addi %mul3A_237, %add3A_448 : i32
        %get3A_450 = arith.index_cast %add3A_449 : i32 to index
        %get3A_451 = arith.constant 64 : index
        %get3A_452 = tpu.vector_load %arg17[%get3A_450, %get3A_451] {strides = array<i32>} : memref<128x128xf32, #tpu.memory_space<vmem>>, vector<16xf32>,
        %mul3A_453 = arith.mulf %get3A_452, %gather3A : vector<16xf32>
        %add3A_454 = arith.constant 0 : i32
        %add3A_455 = arith.addi %mul3A_237, %add3A_454 : i32
        %swap3A_456 = arith.index_cast %add3A_455 : i32 to index
        %swap3A_457 = arith.constant 64 : index
        %swap3A_458 = tpu.vector_load %arg17[%swap3A_456, %swap3A_457] {strides = array<i32>} : memref<128x128xf32, #tpu.memory_space<vmem>>, vector<16xf32>,
        tpu.vector_store %arg17[%swap3A_456, %swap3A_457], %mul3A_453 {strides = array<i32>} : memref<128x128xf32, #tpu.memory_space<vmem>>, vector<16xf32>,
        %add3A_459 = arith.constant 1 : i32
        %add3A_460 = arith.addi %mul3A_237, %add3A_459 : i32
        %get3A_461 = arith.index_cast %add3A_460 : i32 to index
        %get3A_462 = arith.constant 64 : index
        %get3A_463 = tpu.vector_load %arg17[%get3A_461, %get3A_462] {strides = array<i32>} : memref<128x128xf32, #tpu.memory_space<vmem>>, vector<16xf32>,
        %mul3A_464 = arith.mulf %get3A_463, %gather3A_255 : vector<16xf32>
        %add3A_465 = arith.constant 1 : i32
        %add3A_466 = arith.addi %mul3A_237, %add3A_465 : i32
        %swap3A_467 = arith.index_cast %add3A_466 : i32 to index
        %swap3A_468 = arith.constant 64 : index
        %swap3A_469 = tpu.vector_load %arg17[%swap3A_467, %swap3A_468] {strides = array<i32>} : memref<128x128xf32, #tpu.memory_space<vmem>>, vector<16xf32>,
        tpu.vector_store %arg17[%swap3A_467, %swap3A_468], %mul3A_464 {strides = array<i32>} : memref<128x128xf32, #tpu.memory_space<vmem>>, vector<16xf32>,
        %add3A_470 = arith.constant 2 : i32
        %add3A_471 = arith.addi %mul3A_237, %add3A_470 : i32
        %get3A_472 = arith.index_cast %add3A_471 : i32 to index
        %get3A_473 = arith.constant 64 : index
        %get3A_474 = tpu.vector_load %arg17[%get3A_472, %get3A_473] {strides = array<i32>} : memref<128x128xf32, #tpu.memory_space<vmem>>, vector<16xf32>,
        %mul3A_475 = arith.mulf %get3A_474, %gather3A_264 : vector<16xf32>
        %add3A_476 = arith.constant 2 : i32
        %add3A_477 = arith.addi %mul3A_237, %add3A_476 : i32
        %swap3A_478 = arith.index_cast %add3A_477 : i32 to index
        %swap3A_479 = arith.constant 64 : index
        %swap3A_480 = tpu.vector_load %arg17[%swap3A_478, %swap3A_479] {strides = array<i32>} : memref<128x128xf32, #tpu.memory_space<vmem>>, vector<16xf32>,
        tpu.vector_store %arg17[%swap3A_478, %swap3A_479], %mul3A_475 {strides = array<i32>} : memref<128x128xf32, #tpu.memory_space<vmem>>, vector<16xf32>,
        %add3A_481 = arith.constant 3 : i32
        %add3A_482 = arith.addi %mul3A_237, %add3A_481 : i32
        %get3A_483 = arith.index_cast %add3A_482 : i32 to index
        %get3A_484 = arith.constant 64 : index
        %get3A_485 = tpu.vector_load %arg17[%get3A_483, %get3A_484] {strides = array<i32>} : memref<128x128xf32, #tpu.memory_space<vmem>>, vector<16xf32>,
        %mul3A_486 = arith.mulf %get3A_485, %gather3A_273 : vector<16xf32>
        %add3A_487 = arith.constant 3 : i32
        %add3A_488 = arith.addi %mul3A_237, %add3A_487 : i32
        %swap3A_489 = arith.index_cast %add3A_488 : i32 to index
        %swap3A_490 = arith.constant 64 : index
        %swap3A_491 = tpu.vector_load %arg17[%swap3A_489, %swap3A_490] {strides = array<i32>} : memref<128x128xf32, #tpu.memory_space<vmem>>, vector<16xf32>,
        tpu.vector_store %arg17[%swap3A_489, %swap3A_490], %mul3A_486 {strides = array<i32>} : memref<128x128xf32, #tpu.memory_space<vmem>>, vector<16xf32>,
        %add3A_492 = arith.constant 0 : i32
        %add3A_493 = arith.addi %mul3A_237, %add3A_492 : i32
        %get3A_494 = arith.index_cast %add3A_493 : i32 to index
        %get3A_495 = arith.constant 80 : index
        %get3A_496 = tpu.vector_load %arg17[%get3A_494, %get3A_495] {strides = array<i32>} : memref<128x128xf32, #tpu.memory_space<vmem>>, vector<16xf32>,
        %mul3A_497 = arith.mulf %get3A_496, %gather3A : vector<16xf32>
        %add3A_498 = arith.constant 0 : i32
        %add3A_499 = arith.addi %mul3A_237, %add3A_498 : i32
        %swap3A_500 = arith.index_cast %add3A_499 : i32 to index
        %swap3A_501 = arith.constant 80 : index
        %swap3A_502 = tpu.vector_load %arg17[%swap3A_500, %swap3A_501] {strides = array<i32>} : memref<128x128xf32, #tpu.memory_space<vmem>>, vector<16xf32>,
        tpu.vector_store %arg17[%swap3A_500, %swap3A_501], %mul3A_497 {strides = array<i32>} : memref<128x128xf32, #tpu.memory_space<vmem>>, vector<16xf32>,
        %add3A_503 = arith.constant 1 : i32
        %add3A_504 = arith.addi %mul3A_237, %add3A_503 : i32
        %get3A_505 = arith.index_cast %add3A_504 : i32 to index
        %get3A_506 = arith.constant 80 : index
        %get3A_507 = tpu.vector_load %arg17[%get3A_505, %get3A_506] {strides = array<i32>} : memref<128x128xf32, #tpu.memory_space<vmem>>, vector<16xf32>,
        %mul3A_508 = arith.mulf %get3A_507, %gather3A_255 : vector<16xf32>
        %add3A_509 = arith.constant 1 : i32
        %add3A_510 = arith.addi %mul3A_237, %add3A_509 : i32
        %swap3A_511 = arith.index_cast %add3A_510 : i32 to index
        %swap3A_512 = arith.constant 80 : index
        %swap3A_513 = tpu.vector_load %arg17[%swap3A_511, %swap3A_512] {strides = array<i32>} : memref<128x128xf32, #tpu.memory_space<vmem>>, vector<16xf32>,
        tpu.vector_store %arg17[%swap3A_511, %swap3A_512], %mul3A_508 {strides = array<i32>} : memref<128x128xf32, #tpu.memory_space<vmem>>, vector<16xf32>,
        %add3A_514 = arith.constant 2 : i32
        %add3A_515 = arith.addi %mul3A_237, %add3A_514 : i32
        %get3A_516 = arith.index_cast %add3A_515 : i32 to index
        %get3A_517 = arith.constant 80 : index
        %get3A_518 = tpu.vector_load %arg17[%get3A_516, %get3A_517] {strides = array<i32>} : memref<128x128xf32, #tpu.memory_space<vmem>>, vector<16xf32>,
        %mul3A_519 = arith.mulf %get3A_518, %gather3A_264 : vector<16xf32>
        %add3A_520 = arith.constant 2 : i32
        %add3A_521 = arith.addi %mul3A_237, %add3A_520 : i32
        %swap3A_522 = arith.index_cast %add3A_521 : i32 to index
        %swap3A_523 = arith.constant 80 : index
        %swap3A_524 = tpu.vector_load %arg17[%swap3A_522, %swap3A_523] {strides = array<i32>} : memref<128x128xf32, #tpu.memory_space<vmem>>, vector<16xf32>,
        tpu.vector_store %arg17[%swap3A_522, %swap3A_523], %mul3A_519 {strides = array<i32>} : memref<128x128xf32, #tpu.memory_space<vmem>>, vector<16xf32>,
        %add3A_525 = arith.constant 3 : i32
        %add3A_526 = arith.addi %mul3A_237, %add3A_525 : i32
        %get3A_527 = arith.index_cast %add3A_526 : i32 to index
        %get3A_528 = arith.constant 80 : index
        %get3A_529 = tpu.vector_load %arg17[%get3A_527, %get3A_528] {strides = array<i32>} : memref<128x128xf32, #tpu.memory_space<vmem>>, vector<16xf32>,
        %mul3A_530 = arith.mulf %get3A_529, %gather3A_273 : vector<16xf32>
        %add3A_531 = arith.constant 3 : i32
        %add3A_532 = arith.addi %mul3A_237, %add3A_531 : i32
        %swap3A_533 = arith.index_cast %add3A_532 : i32 to index
        %swap3A_534 = arith.constant 80 : index
        %swap3A_535 = tpu.vector_load %arg17[%swap3A_533, %swap3A_534] {strides = array<i32>} : memref<128x128xf32, #tpu.memory_space<vmem>>, vector<16xf32>,
        tpu.vector_store %arg17[%swap3A_533, %swap3A_534], %mul3A_530 {strides = array<i32>} : memref<128x128xf32, #tpu.memory_space<vmem>>, vector<16xf32>,
        %add3A_536 = arith.constant 0 : i32
        %add3A_537 = arith.addi %mul3A_237, %add3A_536 : i32
        %get3A_538 = arith.index_cast %add3A_537 : i32 to index
        %get3A_539 = arith.constant 96 : index
        %get3A_540 = tpu.vector_load %arg17[%get3A_538, %get3A_539] {strides = array<i32>} : memref<128x128xf32, #tpu.memory_space<vmem>>, vector<16xf32>,
        %mul3A_541 = arith.mulf %get3A_540, %gather3A : vector<16xf32>
        %add3A_542 = arith.constant 0 : i32
        %add3A_543 = arith.addi %mul3A_237, %add3A_542 : i32
        %swap3A_544 = arith.index_cast %add3A_543 : i32 to index
        %swap3A_545 = arith.constant 96 : index
        %swap3A_546 = tpu.vector_load %arg17[%swap3A_544, %swap3A_545] {strides = array<i32>} : memref<128x128xf32, #tpu.memory_space<vmem>>, vector<16xf32>,
        tpu.vector_store %arg17[%swap3A_544, %swap3A_545], %mul3A_541 {strides = array<i32>} : memref<128x128xf32, #tpu.memory_space<vmem>>, vector<16xf32>,
        %add3A_547 = arith.constant 1 : i32
        %add3A_548 = arith.addi %mul3A_237, %add3A_547 : i32
        %get3A_549 = arith.index_cast %add3A_548 : i32 to index
        %get3A_550 = arith.constant 96 : index
        %get3A_551 = tpu.vector_load %arg17[%get3A_549, %get3A_550] {strides = array<i32>} : memref<128x128xf32, #tpu.memory_space<vmem>>, vector<16xf32>,
        %mul3A_552 = arith.mulf %get3A_551, %gather3A_255 : vector<16xf32>
        %add3A_553 = arith.constant 1 : i32
        %add3A_554 = arith.addi %mul3A_237, %add3A_553 : i32
        %swap3A_555 = arith.index_cast %add3A_554 : i32 to index
        %swap3A_556 = arith.constant 96 : index
        %swap3A_557 = tpu.vector_load %arg17[%swap3A_555, %swap3A_556] {strides = array<i32>} : memref<128x128xf32, #tpu.memory_space<vmem>>, vector<16xf32>,
        tpu.vector_store %arg17[%swap3A_555, %swap3A_556], %mul3A_552 {strides = array<i32>} : memref<128x128xf32, #tpu.memory_space<vmem>>, vector<16xf32>,
        %add3A_558 = arith.constant 2 : i32
        %add3A_559 = arith.addi %mul3A_237, %add3A_558 : i32
        %get3A_560 = arith.index_cast %add3A_559 : i32 to index
        %get3A_561 = arith.constant 96 : index
        %get3A_562 = tpu.vector_load %arg17[%get3A_560, %get3A_561] {strides = array<i32>} : memref<128x128xf32, #tpu.memory_space<vmem>>, vector<16xf32>,
        %mul3A_563 = arith.mulf %get3A_562, %gather3A_264 : vector<16xf32>
        %add3A_564 = arith.constant 2 : i32
        %add3A_565 = arith.addi %mul3A_237, %add3A_564 : i32
        %swap3A_566 = arith.index_cast %add3A_565 : i32 to index
        %swap3A_567 = arith.constant 96 : index
        %swap3A_568 = tpu.vector_load %arg17[%swap3A_566, %swap3A_567] {strides = array<i32>} : memref<128x128xf32, #tpu.memory_space<vmem>>, vector<16xf32>,
        tpu.vector_store %arg17[%swap3A_566, %swap3A_567], %mul3A_563 {strides = array<i32>} : memref<128x128xf32, #tpu.memory_space<vmem>>, vector<16xf32>,
        %add3A_569 = arith.constant 3 : i32
        %add3A_570 = arith.addi %mul3A_237, %add3A_569 : i32
        %get3A_571 = arith.index_cast %add3A_570 : i32 to index
        %get3A_572 = arith.constant 96 : index
        %get3A_573 = tpu.vector_load %arg17[%get3A_571, %get3A_572] {strides = array<i32>} : memref<128x128xf32, #tpu.memory_space<vmem>>, vector<16xf32>,
        %mul3A_574 = arith.mulf %get3A_573, %gather3A_273 : vector<16xf32>
        %add3A_575 = arith.constant 3 : i32
        %add3A_576 = arith.addi %mul3A_237, %add3A_575 : i32
        %swap3A_577 = arith.index_cast %add3A_576 : i32 to index
        %swap3A_578 = arith.constant 96 : index
        %swap3A_579 = tpu.vector_load %arg17[%swap3A_577, %swap3A_578] {strides = array<i32>} : memref<128x128xf32, #tpu.memory_space<vmem>>, vector<16xf32>,
        tpu.vector_store %arg17[%swap3A_577, %swap3A_578], %mul3A_574 {strides = array<i32>} : memref<128x128xf32, #tpu.memory_space<vmem>>, vector<16xf32>,
        %add3A_580 = arith.constant 0 : i32
        %add3A_581 = arith.addi %mul3A_237, %add3A_580 : i32
        %get3A_582 = arith.index_cast %add3A_581 : i32 to index
        %get3A_583 = arith.constant 112 : index
        %get3A_584 = tpu.vector_load %arg17[%get3A_582, %get3A_583] {strides = array<i32>} : memref<128x128xf32, #tpu.memory_space<vmem>>, vector<16xf32>,
        %mul3A_585 = arith.mulf %get3A_584, %gather3A : vector<16xf32>
        %add3A_586 = arith.constant 0 : i32
        %add3A_587 = arith.addi %mul3A_237, %add3A_586 : i32
        %swap3A_588 = arith.index_cast %add3A_587 : i32 to index
        %swap3A_589 = arith.constant 112 : index
        %swap3A_590 = tpu.vector_load %arg17[%swap3A_588, %swap3A_589] {strides = array<i32>} : memref<128x128xf32, #tpu.memory_space<vmem>>, vector<16xf32>,
        tpu.vector_store %arg17[%swap3A_588, %swap3A_589], %mul3A_585 {strides = array<i32>} : memref<128x128xf32, #tpu.memory_space<vmem>>, vector<16xf32>,
        %add3A_591 = arith.constant 1 : i32
        %add3A_592 = arith.addi %mul3A_237, %add3A_591 : i32
        %get3A_593 = arith.index_cast %add3A_592 : i32 to index
        %get3A_594 = arith.constant 112 : index
        %get3A_595 = tpu.vector_load %arg17[%get3A_593, %get3A_594] {strides = array<i32>} : memref<128x128xf32, #tpu.memory_space<vmem>>, vector<16xf32>,
        %mul3A_596 = arith.mulf %get3A_595, %gather3A_255 : vector<16xf32>
        %add3A_597 = arith.constant 1 : i32
        %add3A_598 = arith.addi %mul3A_237, %add3A_597 : i32
        %swap3A_599 = arith.index_cast %add3A_598 : i32 to index
        %swap3A_600 = arith.constant 112 : index
        %swap3A_601 = tpu.vector_load %arg17[%swap3A_599, %swap3A_600] {strides = array<i32>} : memref<128x128xf32, #tpu.memory_space<vmem>>, vector<16xf32>,
        tpu.vector_store %arg17[%swap3A_599, %swap3A_600], %mul3A_596 {strides = array<i32>} : memref<128x128xf32, #tpu.memory_space<vmem>>, vector<16xf32>,
        %add3A_602 = arith.constant 2 : i32
        %add3A_603 = arith.addi %mul3A_237, %add3A_602 : i32
        %get3A_604 = arith.index_cast %add3A_603 : i32 to index
        %get3A_605 = arith.constant 112 : index
        %get3A_606 = tpu.vector_load %arg17[%get3A_604, %get3A_605] {strides = array<i32>} : memref<128x128xf32, #tpu.memory_space<vmem>>, vector<16xf32>,
        %mul3A_607 = arith.mulf %get3A_606, %gather3A_264 : vector<16xf32>
        %add3A_608 = arith.constant 2 : i32
        %add3A_609 = arith.addi %mul3A_237, %add3A_608 : i32
        %swap3A_610 = arith.index_cast %add3A_609 : i32 to index
        %swap3A_611 = arith.constant 112 : index
        %swap3A_612 = tpu.vector_load %arg17[%swap3A_610, %swap3A_611] {strides = array<i32>} : memref<128x128xf32, #tpu.memory_space<vmem>>, vector<16xf32>,
        tpu.vector_store %arg17[%swap3A_610, %swap3A_611], %mul3A_607 {strides = array<i32>} : memref<128x128xf32, #tpu.memory_space<vmem>>, vector<16xf32>,
        %add3A_613 = arith.constant 3 : i32
        %add3A_614 = arith.addi %mul3A_237, %add3A_613 : i32
        %get3A_615 = arith.index_cast %add3A_614 : i32 to index
        %get3A_616 = arith.constant 112 : index
        %get3A_617 = tpu.vector_load %arg17[%get3A_615, %get3A_616] {strides = array<i32>} : memref<128x128xf32, #tpu.memory_space<vmem>>, vector<16xf32>,
        %mul3A_618 = arith.mulf %get3A_617, %gather3A_273 : vector<16xf32>
        %add3A_619 = arith.constant 3 : i32
        %add3A_620 = arith.addi %mul3A_237, %add3A_619 : i32
        %swap3A_621 = arith.index_cast %add3A_620 : i32 to index
        %swap3A_622 = arith.constant 112 : index
        %swap3A_623 = tpu.vector_load %arg17[%swap3A_621, %swap3A_622] {strides = array<i32>} : memref<128x128xf32, #tpu.memory_space<vmem>>, vector<16xf32>,
        tpu.vector_store %arg17[%swap3A_621, %swap3A_622], %mul3A_618 {strides = array<i32>} : memref<128x128xf32, #tpu.memory_space<vmem>>, vector<16xf32>,
      }
      %scan3A_218 = arith.constant 32 : i32
      %run_scoped3A_219 = arith.constant 6 : i32
      "tpu.region"() ({
        %run_scoped3A_235 = tpu.sem_alloc : memref<!tpu.dma_semaphore, #tpu.memory_space<semaphore_mem>>
        %dma_start3A_236 = arith.constant 0 : i32
        %dma_start3A_237 = tpu.memref_slice %arg13[%run_scoped3A_219, %dma_start3A_236] : memref<8x128xi32, #tpu.memory_space<vmem>> -> memref<1x128xi32, #tpu.memory_space<vmem>>
        %dma_start3A_238 = tpu.memref_squeeze %dma_start3A_237 : memref<1x128xi32, #tpu.memory_space<vmem>> -> memref<128xi32, #tpu.memory_space<vmem>>
        %dma_start3A_239 = arith.constant 0 : i32
        %dma_start3A_240 = arith.constant 0 : i32
        %dma_start3A_241 = tpu.memref_slice %arg10[%dma_start3A_239, %dma_start3A_240] : memref<10000x128xf32, #tpu.memory_space<vmem_shared>> -> memref<10000x128xf32, #tpu.memory_space<vmem_shared>>
        tpu.enqueue_indirect_dma source(%arg17 : memref<128x128xf32, #tpu.memory_space<vmem>>) target(%dma_start3A_241 : memref<10000x128xf32, #tpu.memory_space<vmem_shared>>) offsets(%dma_start3A_238 : memref<128xi32, #tpu.memory_space<vmem>>) semaphore(%run_scoped3A_235 : memref<!tpu.dma_semaphore, #tpu.memory_space<semaphore_mem>>) {add = true}
        %dma_wait3A_242 = arith.constant 0 : i32
        %dma_wait3A_243 = tpu.memref_slice %arg13[%run_scoped3A_219, %dma_wait3A_242] : memref<8x128xi32, #tpu.memory_space<vmem>> -> memref<1x128xi32, #tpu.memory_space<vmem>>
        %dma_wait3A_244 = tpu.memref_squeeze %dma_wait3A_243 : memref<1x128xi32, #tpu.memory_space<vmem>> -> memref<128xi32, #tpu.memory_space<vmem>>
        %dma_wait3A_245 = arith.constant 0 : i32
        %dma_wait3A_246 = arith.constant 0 : i32
        %dma_wait3A_247 = tpu.memref_slice %arg10[%dma_wait3A_245, %dma_wait3A_246] : memref<10000x128xf32, #tpu.memory_space<vmem_shared>> -> memref<10000x128xf32, #tpu.memory_space<vmem_shared>>
        tpu.wait_indirect_dma semaphore(%run_scoped3A_235 : memref<!tpu.dma_semaphore, #tpu.memory_space<semaphore_mem>>) src(%arg17 : memref<128x128xf32, #tpu.memory_space<vmem>>) dst(%dma_wait3A_247 : memref<10000x128xf32, #tpu.memory_space<vmem_shared>>)
        tpu.yield
      }) : () -> ()
      %run_scoped3A_220 = arith.constant 6 : i32
      "tpu.region"() ({
        %run_scoped3A_235 = tpu.sem_alloc : memref<!tpu.dma_semaphore, #tpu.memory_space<semaphore_mem>>
        %dma_start3A_236 = arith.constant 768 : i32
        %dma_start3A_237 = tpu.memref_slice %arg16[%dma_start3A_236] : memref<1024xf32, #tpu.memory_space<vmem>> -> memref<128xf32, #tpu.memory_space<vmem>>
        %dma_start3A_238 = arith.constant 0 : i32
        %dma_start3A_239 = tpu.memref_slice %arg13[%run_scoped3A_220, %dma_start3A_238] : memref<8x128xi32, #tpu.memory_space<vmem>> -> memref<1x128xi32, #tpu.memory_space<vmem>>
        %dma_start3A_240 = tpu.memref_squeeze %dma_start3A_239 : memref<1x128xi32, #tpu.memory_space<vmem>> -> memref<128xi32, #tpu.memory_space<vmem>>
        %dma_start3A_241 = arith.constant 0 : i32
        %dma_start3A_242 = tpu.memref_slice %arg11[%dma_start3A_241] : memref<10240xf32, #tpu.memory_space<vmem_shared>> -> memref<10240xf32, #tpu.memory_space<vmem_shared>>
        tpu.enqueue_indirect_dma source(%dma_start3A_237 : memref<128xf32, #tpu.memory_space<vmem>>) target(%dma_start3A_242 : memref<10240xf32, #tpu.memory_space<vmem_shared>>) offsets(%dma_start3A_240 : memref<128xi32, #tpu.memory_space<vmem>>) semaphore(%run_scoped3A_235 : memref<!tpu.dma_semaphore, #tpu.memory_space<semaphore_mem>>) {add = true}
        %dma_wait3A_243 = arith.constant 768 : i32
        %dma_wait3A_244 = tpu.memref_slice %arg16[%dma_wait3A_243] : memref<1024xf32, #tpu.memory_space<vmem>> -> memref<128xf32, #tpu.memory_space<vmem>>
        %dma_wait3A_245 = arith.constant 0 : i32
        %dma_wait3A_246 = tpu.memref_slice %arg13[%run_scoped3A_220, %dma_wait3A_245] : memref<8x128xi32, #tpu.memory_space<vmem>> -> memref<1x128xi32, #tpu.memory_space<vmem>>
        %dma_wait3A_247 = tpu.memref_squeeze %dma_wait3A_246 : memref<1x128xi32, #tpu.memory_space<vmem>> -> memref<128xi32, #tpu.memory_space<vmem>>
        %dma_wait3A_248 = arith.constant 0 : i32
        %dma_wait3A_249 = tpu.memref_slice %arg11[%dma_wait3A_248] : memref<10240xf32, #tpu.memory_space<vmem_shared>> -> memref<10240xf32, #tpu.memory_space<vmem_shared>>
        tpu.wait_indirect_dma semaphore(%run_scoped3A_235 : memref<!tpu.dma_semaphore, #tpu.memory_space<semaphore_mem>>) src(%dma_wait3A_244 : memref<128xf32, #tpu.memory_space<vmem>>) dst(%dma_wait3A_249 : memref<10240xf32, #tpu.memory_space<vmem_shared>>)
        tpu.yield
      }) : () -> ()
      %dma_wait3A_221 = arith.constant 7 : i32
      %dma_wait3A_222 = arith.constant 0 : i32
      %dma_wait3A_223 = tpu.memref_slice %arg15[%dma_wait3A_221, %dma_wait3A_222] : memref<8x128xi32, #tpu.memory_space<vmem>> -> memref<1x128xi32, #tpu.memory_space<vmem>>
      %dma_wait3A_224 = tpu.memref_squeeze %dma_wait3A_223 : memref<1x128xi32, #tpu.memory_space<vmem>> -> memref<128xi32, #tpu.memory_space<vmem>>
      %dma_wait3A_225 = arith.constant 0 : i32
      %dma_wait3A_226 = arith.constant 0 : i32
      %dma_wait3A_227 = tpu.memref_slice %arg2[%dma_wait3A_225, %dma_wait3A_226] : memref<20000x128xf32, #tpu.memory_space<hbm>> -> memref<20000x128xf32, #tpu.memory_space<hbm>>
      tpu.wait_indirect_dma semaphore(%arg20 : memref<!tpu.dma_semaphore, #tpu.memory_space<semaphore_mem>>) src(%dma_wait3A_227 : memref<20000x128xf32, #tpu.memory_space<hbm>>) dst(%arg18 : memref<128x128xf32, #tpu.memory_space<vmem>>)
      %scan3A_228 = arith.constant 0 : i32
      %scan3A_229 = arith.constant 32 : i32
      %scan3A_230 = arith.addi %scan3A_228, %scan3A_229 : i32
      %scan3A_231 = arith.constant 1 : i32
      scf.for %scan3A_235 = %scan3A_228 to %scan3A_230 step %scan3A_231  : i32 {
        %mul3A_236 = arith.constant 4 : i32
        %mul3A_237 = arith.muli %scan3A_235, %mul3A_236 : i32
        %broadcast_in_dim3A = arith.constant 0 : i32
        %broadcast_in_dim3A_238 = vector.broadcast %broadcast_in_dim3A : i32 to vector<16xi32>
        %add3A_239 = arith.constant 896 : i32
        %add3A_240 = vector.broadcast %add3A_239 : i32 to vector<16xi32>
        %add3A_241 = arith.addi %broadcast_in_dim3A_238, %add3A_240 : vector<16xi32>
        %add3A_242 = vector.broadcast %mul3A_237 : i32 to vector<16xi32>
        %add3A_243 = arith.addi %add3A_241, %add3A_242 : vector<16xi32>
        %add3A_244 = arith.constant 0 : i32
        %add3A_245 = vector.broadcast %add3A_244 : i32 to vector<16xi32>
        %add3A_246 = arith.addi %add3A_243, %add3A_245 : vector<16xi32>
        %gather3A = tpu.vector_load_idx %arg16[%add3A_246] : memref<1024xf32, #tpu.memory_space<vmem>>[vector<16xi32>], vector<16xf32>,
        %add3A_247 = arith.constant 896 : i32
        %add3A_248 = vector.broadcast %add3A_247 : i32 to vector<16xi32>
        %add3A_249 = arith.addi %broadcast_in_dim3A_238, %add3A_248 : vector<16xi32>
        %add3A_250 = vector.broadcast %mul3A_237 : i32 to vector<16xi32>
        %add3A_251 = arith.addi %add3A_249, %add3A_250 : vector<16xi32>
        %add3A_252 = arith.constant 1 : i32
        %add3A_253 = vector.broadcast %add3A_252 : i32 to vector<16xi32>
        %add3A_254 = arith.addi %add3A_251, %add3A_253 : vector<16xi32>
        %gather3A_255 = tpu.vector_load_idx %arg16[%add3A_254] : memref<1024xf32, #tpu.memory_space<vmem>>[vector<16xi32>], vector<16xf32>,
        %add3A_256 = arith.constant 896 : i32
        %add3A_257 = vector.broadcast %add3A_256 : i32 to vector<16xi32>
        %add3A_258 = arith.addi %broadcast_in_dim3A_238, %add3A_257 : vector<16xi32>
        %add3A_259 = vector.broadcast %mul3A_237 : i32 to vector<16xi32>
        %add3A_260 = arith.addi %add3A_258, %add3A_259 : vector<16xi32>
        %add3A_261 = arith.constant 2 : i32
        %add3A_262 = vector.broadcast %add3A_261 : i32 to vector<16xi32>
        %add3A_263 = arith.addi %add3A_260, %add3A_262 : vector<16xi32>
        %gather3A_264 = tpu.vector_load_idx %arg16[%add3A_263] : memref<1024xf32, #tpu.memory_space<vmem>>[vector<16xi32>], vector<16xf32>,
        %add3A_265 = arith.constant 896 : i32
        %add3A_266 = vector.broadcast %add3A_265 : i32 to vector<16xi32>
        %add3A_267 = arith.addi %broadcast_in_dim3A_238, %add3A_266 : vector<16xi32>
        %add3A_268 = vector.broadcast %mul3A_237 : i32 to vector<16xi32>
        %add3A_269 = arith.addi %add3A_267, %add3A_268 : vector<16xi32>
        %add3A_270 = arith.constant 3 : i32
        %add3A_271 = vector.broadcast %add3A_270 : i32 to vector<16xi32>
        %add3A_272 = arith.addi %add3A_269, %add3A_271 : vector<16xi32>
        %gather3A_273 = tpu.vector_load_idx %arg16[%add3A_272] : memref<1024xf32, #tpu.memory_space<vmem>>[vector<16xi32>], vector<16xf32>,
        %add3A_274 = arith.constant 0 : i32
        %add3A_275 = arith.addi %mul3A_237, %add3A_274 : i32
        %get3A = arith.index_cast %add3A_275 : i32 to index
        %get3A_276 = arith.constant 0 : index
        %get3A_277 = tpu.vector_load %arg18[%get3A, %get3A_276] {strides = array<i32>} : memref<128x128xf32, #tpu.memory_space<vmem>>, vector<16xf32>,
        %mul3A_278 = arith.mulf %get3A_277, %gather3A : vector<16xf32>
        %add3A_279 = arith.constant 0 : i32
        %add3A_280 = arith.addi %mul3A_237, %add3A_279 : i32
        %swap3A = arith.index_cast %add3A_280 : i32 to index
        %swap3A_281 = arith.constant 0 : index
        %swap3A_282 = tpu.vector_load %arg18[%swap3A, %swap3A_281] {strides = array<i32>} : memref<128x128xf32, #tpu.memory_space<vmem>>, vector<16xf32>,
        tpu.vector_store %arg18[%swap3A, %swap3A_281], %mul3A_278 {strides = array<i32>} : memref<128x128xf32, #tpu.memory_space<vmem>>, vector<16xf32>,
        %add3A_283 = arith.constant 1 : i32
        %add3A_284 = arith.addi %mul3A_237, %add3A_283 : i32
        %get3A_285 = arith.index_cast %add3A_284 : i32 to index
        %get3A_286 = arith.constant 0 : index
        %get3A_287 = tpu.vector_load %arg18[%get3A_285, %get3A_286] {strides = array<i32>} : memref<128x128xf32, #tpu.memory_space<vmem>>, vector<16xf32>,
        %mul3A_288 = arith.mulf %get3A_287, %gather3A_255 : vector<16xf32>
        %add3A_289 = arith.constant 1 : i32
        %add3A_290 = arith.addi %mul3A_237, %add3A_289 : i32
        %swap3A_291 = arith.index_cast %add3A_290 : i32 to index
        %swap3A_292 = arith.constant 0 : index
        %swap3A_293 = tpu.vector_load %arg18[%swap3A_291, %swap3A_292] {strides = array<i32>} : memref<128x128xf32, #tpu.memory_space<vmem>>, vector<16xf32>,
        tpu.vector_store %arg18[%swap3A_291, %swap3A_292], %mul3A_288 {strides = array<i32>} : memref<128x128xf32, #tpu.memory_space<vmem>>, vector<16xf32>,
        %add3A_294 = arith.constant 2 : i32
        %add3A_295 = arith.addi %mul3A_237, %add3A_294 : i32
        %get3A_296 = arith.index_cast %add3A_295 : i32 to index
        %get3A_297 = arith.constant 0 : index
        %get3A_298 = tpu.vector_load %arg18[%get3A_296, %get3A_297] {strides = array<i32>} : memref<128x128xf32, #tpu.memory_space<vmem>>, vector<16xf32>,
        %mul3A_299 = arith.mulf %get3A_298, %gather3A_264 : vector<16xf32>
        %add3A_300 = arith.constant 2 : i32
        %add3A_301 = arith.addi %mul3A_237, %add3A_300 : i32
        %swap3A_302 = arith.index_cast %add3A_301 : i32 to index
        %swap3A_303 = arith.constant 0 : index
        %swap3A_304 = tpu.vector_load %arg18[%swap3A_302, %swap3A_303] {strides = array<i32>} : memref<128x128xf32, #tpu.memory_space<vmem>>, vector<16xf32>,
        tpu.vector_store %arg18[%swap3A_302, %swap3A_303], %mul3A_299 {strides = array<i32>} : memref<128x128xf32, #tpu.memory_space<vmem>>, vector<16xf32>,
        %add3A_305 = arith.constant 3 : i32
        %add3A_306 = arith.addi %mul3A_237, %add3A_305 : i32
        %get3A_307 = arith.index_cast %add3A_306 : i32 to index
        %get3A_308 = arith.constant 0 : index
        %get3A_309 = tpu.vector_load %arg18[%get3A_307, %get3A_308] {strides = array<i32>} : memref<128x128xf32, #tpu.memory_space<vmem>>, vector<16xf32>,
        %mul3A_310 = arith.mulf %get3A_309, %gather3A_273 : vector<16xf32>
        %add3A_311 = arith.constant 3 : i32
        %add3A_312 = arith.addi %mul3A_237, %add3A_311 : i32
        %swap3A_313 = arith.index_cast %add3A_312 : i32 to index
        %swap3A_314 = arith.constant 0 : index
        %swap3A_315 = tpu.vector_load %arg18[%swap3A_313, %swap3A_314] {strides = array<i32>} : memref<128x128xf32, #tpu.memory_space<vmem>>, vector<16xf32>,
        tpu.vector_store %arg18[%swap3A_313, %swap3A_314], %mul3A_310 {strides = array<i32>} : memref<128x128xf32, #tpu.memory_space<vmem>>, vector<16xf32>,
        %add3A_316 = arith.constant 0 : i32
        %add3A_317 = arith.addi %mul3A_237, %add3A_316 : i32
        %get3A_318 = arith.index_cast %add3A_317 : i32 to index
        %get3A_319 = arith.constant 16 : index
        %get3A_320 = tpu.vector_load %arg18[%get3A_318, %get3A_319] {strides = array<i32>} : memref<128x128xf32, #tpu.memory_space<vmem>>, vector<16xf32>,
        %mul3A_321 = arith.mulf %get3A_320, %gather3A : vector<16xf32>
        %add3A_322 = arith.constant 0 : i32
        %add3A_323 = arith.addi %mul3A_237, %add3A_322 : i32
        %swap3A_324 = arith.index_cast %add3A_323 : i32 to index
        %swap3A_325 = arith.constant 16 : index
        %swap3A_326 = tpu.vector_load %arg18[%swap3A_324, %swap3A_325] {strides = array<i32>} : memref<128x128xf32, #tpu.memory_space<vmem>>, vector<16xf32>,
        tpu.vector_store %arg18[%swap3A_324, %swap3A_325], %mul3A_321 {strides = array<i32>} : memref<128x128xf32, #tpu.memory_space<vmem>>, vector<16xf32>,
        %add3A_327 = arith.constant 1 : i32
        %add3A_328 = arith.addi %mul3A_237, %add3A_327 : i32
        %get3A_329 = arith.index_cast %add3A_328 : i32 to index
        %get3A_330 = arith.constant 16 : index
        %get3A_331 = tpu.vector_load %arg18[%get3A_329, %get3A_330] {strides = array<i32>} : memref<128x128xf32, #tpu.memory_space<vmem>>, vector<16xf32>,
        %mul3A_332 = arith.mulf %get3A_331, %gather3A_255 : vector<16xf32>
        %add3A_333 = arith.constant 1 : i32
        %add3A_334 = arith.addi %mul3A_237, %add3A_333 : i32
        %swap3A_335 = arith.index_cast %add3A_334 : i32 to index
        %swap3A_336 = arith.constant 16 : index
        %swap3A_337 = tpu.vector_load %arg18[%swap3A_335, %swap3A_336] {strides = array<i32>} : memref<128x128xf32, #tpu.memory_space<vmem>>, vector<16xf32>,
        tpu.vector_store %arg18[%swap3A_335, %swap3A_336], %mul3A_332 {strides = array<i32>} : memref<128x128xf32, #tpu.memory_space<vmem>>, vector<16xf32>,
        %add3A_338 = arith.constant 2 : i32
        %add3A_339 = arith.addi %mul3A_237, %add3A_338 : i32
        %get3A_340 = arith.index_cast %add3A_339 : i32 to index
        %get3A_341 = arith.constant 16 : index
        %get3A_342 = tpu.vector_load %arg18[%get3A_340, %get3A_341] {strides = array<i32>} : memref<128x128xf32, #tpu.memory_space<vmem>>, vector<16xf32>,
        %mul3A_343 = arith.mulf %get3A_342, %gather3A_264 : vector<16xf32>
        %add3A_344 = arith.constant 2 : i32
        %add3A_345 = arith.addi %mul3A_237, %add3A_344 : i32
        %swap3A_346 = arith.index_cast %add3A_345 : i32 to index
        %swap3A_347 = arith.constant 16 : index
        %swap3A_348 = tpu.vector_load %arg18[%swap3A_346, %swap3A_347] {strides = array<i32>} : memref<128x128xf32, #tpu.memory_space<vmem>>, vector<16xf32>,
        tpu.vector_store %arg18[%swap3A_346, %swap3A_347], %mul3A_343 {strides = array<i32>} : memref<128x128xf32, #tpu.memory_space<vmem>>, vector<16xf32>,
        %add3A_349 = arith.constant 3 : i32
        %add3A_350 = arith.addi %mul3A_237, %add3A_349 : i32
        %get3A_351 = arith.index_cast %add3A_350 : i32 to index
        %get3A_352 = arith.constant 16 : index
        %get3A_353 = tpu.vector_load %arg18[%get3A_351, %get3A_352] {strides = array<i32>} : memref<128x128xf32, #tpu.memory_space<vmem>>, vector<16xf32>,
        %mul3A_354 = arith.mulf %get3A_353, %gather3A_273 : vector<16xf32>
        %add3A_355 = arith.constant 3 : i32
        %add3A_356 = arith.addi %mul3A_237, %add3A_355 : i32
        %swap3A_357 = arith.index_cast %add3A_356 : i32 to index
        %swap3A_358 = arith.constant 16 : index
        %swap3A_359 = tpu.vector_load %arg18[%swap3A_357, %swap3A_358] {strides = array<i32>} : memref<128x128xf32, #tpu.memory_space<vmem>>, vector<16xf32>,
        tpu.vector_store %arg18[%swap3A_357, %swap3A_358], %mul3A_354 {strides = array<i32>} : memref<128x128xf32, #tpu.memory_space<vmem>>, vector<16xf32>,
        %add3A_360 = arith.constant 0 : i32
        %add3A_361 = arith.addi %mul3A_237, %add3A_360 : i32
        %get3A_362 = arith.index_cast %add3A_361 : i32 to index
        %get3A_363 = arith.constant 32 : index
        %get3A_364 = tpu.vector_load %arg18[%get3A_362, %get3A_363] {strides = array<i32>} : memref<128x128xf32, #tpu.memory_space<vmem>>, vector<16xf32>,
        %mul3A_365 = arith.mulf %get3A_364, %gather3A : vector<16xf32>
        %add3A_366 = arith.constant 0 : i32
        %add3A_367 = arith.addi %mul3A_237, %add3A_366 : i32
        %swap3A_368 = arith.index_cast %add3A_367 : i32 to index
        %swap3A_369 = arith.constant 32 : index
        %swap3A_370 = tpu.vector_load %arg18[%swap3A_368, %swap3A_369] {strides = array<i32>} : memref<128x128xf32, #tpu.memory_space<vmem>>, vector<16xf32>,
        tpu.vector_store %arg18[%swap3A_368, %swap3A_369], %mul3A_365 {strides = array<i32>} : memref<128x128xf32, #tpu.memory_space<vmem>>, vector<16xf32>,
        %add3A_371 = arith.constant 1 : i32
        %add3A_372 = arith.addi %mul3A_237, %add3A_371 : i32
        %get3A_373 = arith.index_cast %add3A_372 : i32 to index
        %get3A_374 = arith.constant 32 : index
        %get3A_375 = tpu.vector_load %arg18[%get3A_373, %get3A_374] {strides = array<i32>} : memref<128x128xf32, #tpu.memory_space<vmem>>, vector<16xf32>,
        %mul3A_376 = arith.mulf %get3A_375, %gather3A_255 : vector<16xf32>
        %add3A_377 = arith.constant 1 : i32
        %add3A_378 = arith.addi %mul3A_237, %add3A_377 : i32
        %swap3A_379 = arith.index_cast %add3A_378 : i32 to index
        %swap3A_380 = arith.constant 32 : index
        %swap3A_381 = tpu.vector_load %arg18[%swap3A_379, %swap3A_380] {strides = array<i32>} : memref<128x128xf32, #tpu.memory_space<vmem>>, vector<16xf32>,
        tpu.vector_store %arg18[%swap3A_379, %swap3A_380], %mul3A_376 {strides = array<i32>} : memref<128x128xf32, #tpu.memory_space<vmem>>, vector<16xf32>,
        %add3A_382 = arith.constant 2 : i32
        %add3A_383 = arith.addi %mul3A_237, %add3A_382 : i32
        %get3A_384 = arith.index_cast %add3A_383 : i32 to index
        %get3A_385 = arith.constant 32 : index
        %get3A_386 = tpu.vector_load %arg18[%get3A_384, %get3A_385] {strides = array<i32>} : memref<128x128xf32, #tpu.memory_space<vmem>>, vector<16xf32>,
        %mul3A_387 = arith.mulf %get3A_386, %gather3A_264 : vector<16xf32>
        %add3A_388 = arith.constant 2 : i32
        %add3A_389 = arith.addi %mul3A_237, %add3A_388 : i32
        %swap3A_390 = arith.index_cast %add3A_389 : i32 to index
        %swap3A_391 = arith.constant 32 : index
        %swap3A_392 = tpu.vector_load %arg18[%swap3A_390, %swap3A_391] {strides = array<i32>} : memref<128x128xf32, #tpu.memory_space<vmem>>, vector<16xf32>,
        tpu.vector_store %arg18[%swap3A_390, %swap3A_391], %mul3A_387 {strides = array<i32>} : memref<128x128xf32, #tpu.memory_space<vmem>>, vector<16xf32>,
        %add3A_393 = arith.constant 3 : i32
        %add3A_394 = arith.addi %mul3A_237, %add3A_393 : i32
        %get3A_395 = arith.index_cast %add3A_394 : i32 to index
        %get3A_396 = arith.constant 32 : index
        %get3A_397 = tpu.vector_load %arg18[%get3A_395, %get3A_396] {strides = array<i32>} : memref<128x128xf32, #tpu.memory_space<vmem>>, vector<16xf32>,
        %mul3A_398 = arith.mulf %get3A_397, %gather3A_273 : vector<16xf32>
        %add3A_399 = arith.constant 3 : i32
        %add3A_400 = arith.addi %mul3A_237, %add3A_399 : i32
        %swap3A_401 = arith.index_cast %add3A_400 : i32 to index
        %swap3A_402 = arith.constant 32 : index
        %swap3A_403 = tpu.vector_load %arg18[%swap3A_401, %swap3A_402] {strides = array<i32>} : memref<128x128xf32, #tpu.memory_space<vmem>>, vector<16xf32>,
        tpu.vector_store %arg18[%swap3A_401, %swap3A_402], %mul3A_398 {strides = array<i32>} : memref<128x128xf32, #tpu.memory_space<vmem>>, vector<16xf32>,
        %add3A_404 = arith.constant 0 : i32
        %add3A_405 = arith.addi %mul3A_237, %add3A_404 : i32
        %get3A_406 = arith.index_cast %add3A_405 : i32 to index
        %get3A_407 = arith.constant 48 : index
        %get3A_408 = tpu.vector_load %arg18[%get3A_406, %get3A_407] {strides = array<i32>} : memref<128x128xf32, #tpu.memory_space<vmem>>, vector<16xf32>,
        %mul3A_409 = arith.mulf %get3A_408, %gather3A : vector<16xf32>
        %add3A_410 = arith.constant 0 : i32
        %add3A_411 = arith.addi %mul3A_237, %add3A_410 : i32
        %swap3A_412 = arith.index_cast %add3A_411 : i32 to index
        %swap3A_413 = arith.constant 48 : index
        %swap3A_414 = tpu.vector_load %arg18[%swap3A_412, %swap3A_413] {strides = array<i32>} : memref<128x128xf32, #tpu.memory_space<vmem>>, vector<16xf32>,
        tpu.vector_store %arg18[%swap3A_412, %swap3A_413], %mul3A_409 {strides = array<i32>} : memref<128x128xf32, #tpu.memory_space<vmem>>, vector<16xf32>,
        %add3A_415 = arith.constant 1 : i32
        %add3A_416 = arith.addi %mul3A_237, %add3A_415 : i32
        %get3A_417 = arith.index_cast %add3A_416 : i32 to index
        %get3A_418 = arith.constant 48 : index
        %get3A_419 = tpu.vector_load %arg18[%get3A_417, %get3A_418] {strides = array<i32>} : memref<128x128xf32, #tpu.memory_space<vmem>>, vector<16xf32>,
        %mul3A_420 = arith.mulf %get3A_419, %gather3A_255 : vector<16xf32>
        %add3A_421 = arith.constant 1 : i32
        %add3A_422 = arith.addi %mul3A_237, %add3A_421 : i32
        %swap3A_423 = arith.index_cast %add3A_422 : i32 to index
        %swap3A_424 = arith.constant 48 : index
        %swap3A_425 = tpu.vector_load %arg18[%swap3A_423, %swap3A_424] {strides = array<i32>} : memref<128x128xf32, #tpu.memory_space<vmem>>, vector<16xf32>,
        tpu.vector_store %arg18[%swap3A_423, %swap3A_424], %mul3A_420 {strides = array<i32>} : memref<128x128xf32, #tpu.memory_space<vmem>>, vector<16xf32>,
        %add3A_426 = arith.constant 2 : i32
        %add3A_427 = arith.addi %mul3A_237, %add3A_426 : i32
        %get3A_428 = arith.index_cast %add3A_427 : i32 to index
        %get3A_429 = arith.constant 48 : index
        %get3A_430 = tpu.vector_load %arg18[%get3A_428, %get3A_429] {strides = array<i32>} : memref<128x128xf32, #tpu.memory_space<vmem>>, vector<16xf32>,
        %mul3A_431 = arith.mulf %get3A_430, %gather3A_264 : vector<16xf32>
        %add3A_432 = arith.constant 2 : i32
        %add3A_433 = arith.addi %mul3A_237, %add3A_432 : i32
        %swap3A_434 = arith.index_cast %add3A_433 : i32 to index
        %swap3A_435 = arith.constant 48 : index
        %swap3A_436 = tpu.vector_load %arg18[%swap3A_434, %swap3A_435] {strides = array<i32>} : memref<128x128xf32, #tpu.memory_space<vmem>>, vector<16xf32>,
        tpu.vector_store %arg18[%swap3A_434, %swap3A_435], %mul3A_431 {strides = array<i32>} : memref<128x128xf32, #tpu.memory_space<vmem>>, vector<16xf32>,
        %add3A_437 = arith.constant 3 : i32
        %add3A_438 = arith.addi %mul3A_237, %add3A_437 : i32
        %get3A_439 = arith.index_cast %add3A_438 : i32 to index
        %get3A_440 = arith.constant 48 : index
        %get3A_441 = tpu.vector_load %arg18[%get3A_439, %get3A_440] {strides = array<i32>} : memref<128x128xf32, #tpu.memory_space<vmem>>, vector<16xf32>,
        %mul3A_442 = arith.mulf %get3A_441, %gather3A_273 : vector<16xf32>
        %add3A_443 = arith.constant 3 : i32
        %add3A_444 = arith.addi %mul3A_237, %add3A_443 : i32
        %swap3A_445 = arith.index_cast %add3A_444 : i32 to index
        %swap3A_446 = arith.constant 48 : index
        %swap3A_447 = tpu.vector_load %arg18[%swap3A_445, %swap3A_446] {strides = array<i32>} : memref<128x128xf32, #tpu.memory_space<vmem>>, vector<16xf32>,
        tpu.vector_store %arg18[%swap3A_445, %swap3A_446], %mul3A_442 {strides = array<i32>} : memref<128x128xf32, #tpu.memory_space<vmem>>, vector<16xf32>,
        %add3A_448 = arith.constant 0 : i32
        %add3A_449 = arith.addi %mul3A_237, %add3A_448 : i32
        %get3A_450 = arith.index_cast %add3A_449 : i32 to index
        %get3A_451 = arith.constant 64 : index
        %get3A_452 = tpu.vector_load %arg18[%get3A_450, %get3A_451] {strides = array<i32>} : memref<128x128xf32, #tpu.memory_space<vmem>>, vector<16xf32>,
        %mul3A_453 = arith.mulf %get3A_452, %gather3A : vector<16xf32>
        %add3A_454 = arith.constant 0 : i32
        %add3A_455 = arith.addi %mul3A_237, %add3A_454 : i32
        %swap3A_456 = arith.index_cast %add3A_455 : i32 to index
        %swap3A_457 = arith.constant 64 : index
        %swap3A_458 = tpu.vector_load %arg18[%swap3A_456, %swap3A_457] {strides = array<i32>} : memref<128x128xf32, #tpu.memory_space<vmem>>, vector<16xf32>,
        tpu.vector_store %arg18[%swap3A_456, %swap3A_457], %mul3A_453 {strides = array<i32>} : memref<128x128xf32, #tpu.memory_space<vmem>>, vector<16xf32>,
        %add3A_459 = arith.constant 1 : i32
        %add3A_460 = arith.addi %mul3A_237, %add3A_459 : i32
        %get3A_461 = arith.index_cast %add3A_460 : i32 to index
        %get3A_462 = arith.constant 64 : index
        %get3A_463 = tpu.vector_load %arg18[%get3A_461, %get3A_462] {strides = array<i32>} : memref<128x128xf32, #tpu.memory_space<vmem>>, vector<16xf32>,
        %mul3A_464 = arith.mulf %get3A_463, %gather3A_255 : vector<16xf32>
        %add3A_465 = arith.constant 1 : i32
        %add3A_466 = arith.addi %mul3A_237, %add3A_465 : i32
        %swap3A_467 = arith.index_cast %add3A_466 : i32 to index
        %swap3A_468 = arith.constant 64 : index
        %swap3A_469 = tpu.vector_load %arg18[%swap3A_467, %swap3A_468] {strides = array<i32>} : memref<128x128xf32, #tpu.memory_space<vmem>>, vector<16xf32>,
        tpu.vector_store %arg18[%swap3A_467, %swap3A_468], %mul3A_464 {strides = array<i32>} : memref<128x128xf32, #tpu.memory_space<vmem>>, vector<16xf32>,
        %add3A_470 = arith.constant 2 : i32
        %add3A_471 = arith.addi %mul3A_237, %add3A_470 : i32
        %get3A_472 = arith.index_cast %add3A_471 : i32 to index
        %get3A_473 = arith.constant 64 : index
        %get3A_474 = tpu.vector_load %arg18[%get3A_472, %get3A_473] {strides = array<i32>} : memref<128x128xf32, #tpu.memory_space<vmem>>, vector<16xf32>,
        %mul3A_475 = arith.mulf %get3A_474, %gather3A_264 : vector<16xf32>
        %add3A_476 = arith.constant 2 : i32
        %add3A_477 = arith.addi %mul3A_237, %add3A_476 : i32
        %swap3A_478 = arith.index_cast %add3A_477 : i32 to index
        %swap3A_479 = arith.constant 64 : index
        %swap3A_480 = tpu.vector_load %arg18[%swap3A_478, %swap3A_479] {strides = array<i32>} : memref<128x128xf32, #tpu.memory_space<vmem>>, vector<16xf32>,
        tpu.vector_store %arg18[%swap3A_478, %swap3A_479], %mul3A_475 {strides = array<i32>} : memref<128x128xf32, #tpu.memory_space<vmem>>, vector<16xf32>,
        %add3A_481 = arith.constant 3 : i32
        %add3A_482 = arith.addi %mul3A_237, %add3A_481 : i32
        %get3A_483 = arith.index_cast %add3A_482 : i32 to index
        %get3A_484 = arith.constant 64 : index
        %get3A_485 = tpu.vector_load %arg18[%get3A_483, %get3A_484] {strides = array<i32>} : memref<128x128xf32, #tpu.memory_space<vmem>>, vector<16xf32>,
        %mul3A_486 = arith.mulf %get3A_485, %gather3A_273 : vector<16xf32>
        %add3A_487 = arith.constant 3 : i32
        %add3A_488 = arith.addi %mul3A_237, %add3A_487 : i32
        %swap3A_489 = arith.index_cast %add3A_488 : i32 to index
        %swap3A_490 = arith.constant 64 : index
        %swap3A_491 = tpu.vector_load %arg18[%swap3A_489, %swap3A_490] {strides = array<i32>} : memref<128x128xf32, #tpu.memory_space<vmem>>, vector<16xf32>,
        tpu.vector_store %arg18[%swap3A_489, %swap3A_490], %mul3A_486 {strides = array<i32>} : memref<128x128xf32, #tpu.memory_space<vmem>>, vector<16xf32>,
        %add3A_492 = arith.constant 0 : i32
        %add3A_493 = arith.addi %mul3A_237, %add3A_492 : i32
        %get3A_494 = arith.index_cast %add3A_493 : i32 to index
        %get3A_495 = arith.constant 80 : index
        %get3A_496 = tpu.vector_load %arg18[%get3A_494, %get3A_495] {strides = array<i32>} : memref<128x128xf32, #tpu.memory_space<vmem>>, vector<16xf32>,
        %mul3A_497 = arith.mulf %get3A_496, %gather3A : vector<16xf32>
        %add3A_498 = arith.constant 0 : i32
        %add3A_499 = arith.addi %mul3A_237, %add3A_498 : i32
        %swap3A_500 = arith.index_cast %add3A_499 : i32 to index
        %swap3A_501 = arith.constant 80 : index
        %swap3A_502 = tpu.vector_load %arg18[%swap3A_500, %swap3A_501] {strides = array<i32>} : memref<128x128xf32, #tpu.memory_space<vmem>>, vector<16xf32>,
        tpu.vector_store %arg18[%swap3A_500, %swap3A_501], %mul3A_497 {strides = array<i32>} : memref<128x128xf32, #tpu.memory_space<vmem>>, vector<16xf32>,
        %add3A_503 = arith.constant 1 : i32
        %add3A_504 = arith.addi %mul3A_237, %add3A_503 : i32
        %get3A_505 = arith.index_cast %add3A_504 : i32 to index
        %get3A_506 = arith.constant 80 : index
        %get3A_507 = tpu.vector_load %arg18[%get3A_505, %get3A_506] {strides = array<i32>} : memref<128x128xf32, #tpu.memory_space<vmem>>, vector<16xf32>,
        %mul3A_508 = arith.mulf %get3A_507, %gather3A_255 : vector<16xf32>
        %add3A_509 = arith.constant 1 : i32
        %add3A_510 = arith.addi %mul3A_237, %add3A_509 : i32
        %swap3A_511 = arith.index_cast %add3A_510 : i32 to index
        %swap3A_512 = arith.constant 80 : index
        %swap3A_513 = tpu.vector_load %arg18[%swap3A_511, %swap3A_512] {strides = array<i32>} : memref<128x128xf32, #tpu.memory_space<vmem>>, vector<16xf32>,
        tpu.vector_store %arg18[%swap3A_511, %swap3A_512], %mul3A_508 {strides = array<i32>} : memref<128x128xf32, #tpu.memory_space<vmem>>, vector<16xf32>,
        %add3A_514 = arith.constant 2 : i32
        %add3A_515 = arith.addi %mul3A_237, %add3A_514 : i32
        %get3A_516 = arith.index_cast %add3A_515 : i32 to index
        %get3A_517 = arith.constant 80 : index
        %get3A_518 = tpu.vector_load %arg18[%get3A_516, %get3A_517] {strides = array<i32>} : memref<128x128xf32, #tpu.memory_space<vmem>>, vector<16xf32>,
        %mul3A_519 = arith.mulf %get3A_518, %gather3A_264 : vector<16xf32>
        %add3A_520 = arith.constant 2 : i32
        %add3A_521 = arith.addi %mul3A_237, %add3A_520 : i32
        %swap3A_522 = arith.index_cast %add3A_521 : i32 to index
        %swap3A_523 = arith.constant 80 : index
        %swap3A_524 = tpu.vector_load %arg18[%swap3A_522, %swap3A_523] {strides = array<i32>} : memref<128x128xf32, #tpu.memory_space<vmem>>, vector<16xf32>,
        tpu.vector_store %arg18[%swap3A_522, %swap3A_523], %mul3A_519 {strides = array<i32>} : memref<128x128xf32, #tpu.memory_space<vmem>>, vector<16xf32>,
        %add3A_525 = arith.constant 3 : i32
        %add3A_526 = arith.addi %mul3A_237, %add3A_525 : i32
        %get3A_527 = arith.index_cast %add3A_526 : i32 to index
        %get3A_528 = arith.constant 80 : index
        %get3A_529 = tpu.vector_load %arg18[%get3A_527, %get3A_528] {strides = array<i32>} : memref<128x128xf32, #tpu.memory_space<vmem>>, vector<16xf32>,
        %mul3A_530 = arith.mulf %get3A_529, %gather3A_273 : vector<16xf32>
        %add3A_531 = arith.constant 3 : i32
        %add3A_532 = arith.addi %mul3A_237, %add3A_531 : i32
        %swap3A_533 = arith.index_cast %add3A_532 : i32 to index
        %swap3A_534 = arith.constant 80 : index
        %swap3A_535 = tpu.vector_load %arg18[%swap3A_533, %swap3A_534] {strides = array<i32>} : memref<128x128xf32, #tpu.memory_space<vmem>>, vector<16xf32>,
        tpu.vector_store %arg18[%swap3A_533, %swap3A_534], %mul3A_530 {strides = array<i32>} : memref<128x128xf32, #tpu.memory_space<vmem>>, vector<16xf32>,
        %add3A_536 = arith.constant 0 : i32
        %add3A_537 = arith.addi %mul3A_237, %add3A_536 : i32
        %get3A_538 = arith.index_cast %add3A_537 : i32 to index
        %get3A_539 = arith.constant 96 : index
        %get3A_540 = tpu.vector_load %arg18[%get3A_538, %get3A_539] {strides = array<i32>} : memref<128x128xf32, #tpu.memory_space<vmem>>, vector<16xf32>,
        %mul3A_541 = arith.mulf %get3A_540, %gather3A : vector<16xf32>
        %add3A_542 = arith.constant 0 : i32
        %add3A_543 = arith.addi %mul3A_237, %add3A_542 : i32
        %swap3A_544 = arith.index_cast %add3A_543 : i32 to index
        %swap3A_545 = arith.constant 96 : index
        %swap3A_546 = tpu.vector_load %arg18[%swap3A_544, %swap3A_545] {strides = array<i32>} : memref<128x128xf32, #tpu.memory_space<vmem>>, vector<16xf32>,
        tpu.vector_store %arg18[%swap3A_544, %swap3A_545], %mul3A_541 {strides = array<i32>} : memref<128x128xf32, #tpu.memory_space<vmem>>, vector<16xf32>,
        %add3A_547 = arith.constant 1 : i32
        %add3A_548 = arith.addi %mul3A_237, %add3A_547 : i32
        %get3A_549 = arith.index_cast %add3A_548 : i32 to index
        %get3A_550 = arith.constant 96 : index
        %get3A_551 = tpu.vector_load %arg18[%get3A_549, %get3A_550] {strides = array<i32>} : memref<128x128xf32, #tpu.memory_space<vmem>>, vector<16xf32>,
        %mul3A_552 = arith.mulf %get3A_551, %gather3A_255 : vector<16xf32>
        %add3A_553 = arith.constant 1 : i32
        %add3A_554 = arith.addi %mul3A_237, %add3A_553 : i32
        %swap3A_555 = arith.index_cast %add3A_554 : i32 to index
        %swap3A_556 = arith.constant 96 : index
        %swap3A_557 = tpu.vector_load %arg18[%swap3A_555, %swap3A_556] {strides = array<i32>} : memref<128x128xf32, #tpu.memory_space<vmem>>, vector<16xf32>,
        tpu.vector_store %arg18[%swap3A_555, %swap3A_556], %mul3A_552 {strides = array<i32>} : memref<128x128xf32, #tpu.memory_space<vmem>>, vector<16xf32>,
        %add3A_558 = arith.constant 2 : i32
        %add3A_559 = arith.addi %mul3A_237, %add3A_558 : i32
        %get3A_560 = arith.index_cast %add3A_559 : i32 to index
        %get3A_561 = arith.constant 96 : index
        %get3A_562 = tpu.vector_load %arg18[%get3A_560, %get3A_561] {strides = array<i32>} : memref<128x128xf32, #tpu.memory_space<vmem>>, vector<16xf32>,
        %mul3A_563 = arith.mulf %get3A_562, %gather3A_264 : vector<16xf32>
        %add3A_564 = arith.constant 2 : i32
        %add3A_565 = arith.addi %mul3A_237, %add3A_564 : i32
        %swap3A_566 = arith.index_cast %add3A_565 : i32 to index
        %swap3A_567 = arith.constant 96 : index
        %swap3A_568 = tpu.vector_load %arg18[%swap3A_566, %swap3A_567] {strides = array<i32>} : memref<128x128xf32, #tpu.memory_space<vmem>>, vector<16xf32>,
        tpu.vector_store %arg18[%swap3A_566, %swap3A_567], %mul3A_563 {strides = array<i32>} : memref<128x128xf32, #tpu.memory_space<vmem>>, vector<16xf32>,
        %add3A_569 = arith.constant 3 : i32
        %add3A_570 = arith.addi %mul3A_237, %add3A_569 : i32
        %get3A_571 = arith.index_cast %add3A_570 : i32 to index
        %get3A_572 = arith.constant 96 : index
        %get3A_573 = tpu.vector_load %arg18[%get3A_571, %get3A_572] {strides = array<i32>} : memref<128x128xf32, #tpu.memory_space<vmem>>, vector<16xf32>,
        %mul3A_574 = arith.mulf %get3A_573, %gather3A_273 : vector<16xf32>
        %add3A_575 = arith.constant 3 : i32
        %add3A_576 = arith.addi %mul3A_237, %add3A_575 : i32
        %swap3A_577 = arith.index_cast %add3A_576 : i32 to index
        %swap3A_578 = arith.constant 96 : index
        %swap3A_579 = tpu.vector_load %arg18[%swap3A_577, %swap3A_578] {strides = array<i32>} : memref<128x128xf32, #tpu.memory_space<vmem>>, vector<16xf32>,
        tpu.vector_store %arg18[%swap3A_577, %swap3A_578], %mul3A_574 {strides = array<i32>} : memref<128x128xf32, #tpu.memory_space<vmem>>, vector<16xf32>,
        %add3A_580 = arith.constant 0 : i32
        %add3A_581 = arith.addi %mul3A_237, %add3A_580 : i32
        %get3A_582 = arith.index_cast %add3A_581 : i32 to index
        %get3A_583 = arith.constant 112 : index
        %get3A_584 = tpu.vector_load %arg18[%get3A_582, %get3A_583] {strides = array<i32>} : memref<128x128xf32, #tpu.memory_space<vmem>>, vector<16xf32>,
        %mul3A_585 = arith.mulf %get3A_584, %gather3A : vector<16xf32>
        %add3A_586 = arith.constant 0 : i32
        %add3A_587 = arith.addi %mul3A_237, %add3A_586 : i32
        %swap3A_588 = arith.index_cast %add3A_587 : i32 to index
        %swap3A_589 = arith.constant 112 : index
        %swap3A_590 = tpu.vector_load %arg18[%swap3A_588, %swap3A_589] {strides = array<i32>} : memref<128x128xf32, #tpu.memory_space<vmem>>, vector<16xf32>,
        tpu.vector_store %arg18[%swap3A_588, %swap3A_589], %mul3A_585 {strides = array<i32>} : memref<128x128xf32, #tpu.memory_space<vmem>>, vector<16xf32>,
        %add3A_591 = arith.constant 1 : i32
        %add3A_592 = arith.addi %mul3A_237, %add3A_591 : i32
        %get3A_593 = arith.index_cast %add3A_592 : i32 to index
        %get3A_594 = arith.constant 112 : index
        %get3A_595 = tpu.vector_load %arg18[%get3A_593, %get3A_594] {strides = array<i32>} : memref<128x128xf32, #tpu.memory_space<vmem>>, vector<16xf32>,
        %mul3A_596 = arith.mulf %get3A_595, %gather3A_255 : vector<16xf32>
        %add3A_597 = arith.constant 1 : i32
        %add3A_598 = arith.addi %mul3A_237, %add3A_597 : i32
        %swap3A_599 = arith.index_cast %add3A_598 : i32 to index
        %swap3A_600 = arith.constant 112 : index
        %swap3A_601 = tpu.vector_load %arg18[%swap3A_599, %swap3A_600] {strides = array<i32>} : memref<128x128xf32, #tpu.memory_space<vmem>>, vector<16xf32>,
        tpu.vector_store %arg18[%swap3A_599, %swap3A_600], %mul3A_596 {strides = array<i32>} : memref<128x128xf32, #tpu.memory_space<vmem>>, vector<16xf32>,
        %add3A_602 = arith.constant 2 : i32
        %add3A_603 = arith.addi %mul3A_237, %add3A_602 : i32
        %get3A_604 = arith.index_cast %add3A_603 : i32 to index
        %get3A_605 = arith.constant 112 : index
        %get3A_606 = tpu.vector_load %arg18[%get3A_604, %get3A_605] {strides = array<i32>} : memref<128x128xf32, #tpu.memory_space<vmem>>, vector<16xf32>,
        %mul3A_607 = arith.mulf %get3A_606, %gather3A_264 : vector<16xf32>
        %add3A_608 = arith.constant 2 : i32
        %add3A_609 = arith.addi %mul3A_237, %add3A_608 : i32
        %swap3A_610 = arith.index_cast %add3A_609 : i32 to index
        %swap3A_611 = arith.constant 112 : index
        %swap3A_612 = tpu.vector_load %arg18[%swap3A_610, %swap3A_611] {strides = array<i32>} : memref<128x128xf32, #tpu.memory_space<vmem>>, vector<16xf32>,
        tpu.vector_store %arg18[%swap3A_610, %swap3A_611], %mul3A_607 {strides = array<i32>} : memref<128x128xf32, #tpu.memory_space<vmem>>, vector<16xf32>,
        %add3A_613 = arith.constant 3 : i32
        %add3A_614 = arith.addi %mul3A_237, %add3A_613 : i32
        %get3A_615 = arith.index_cast %add3A_614 : i32 to index
        %get3A_616 = arith.constant 112 : index
        %get3A_617 = tpu.vector_load %arg18[%get3A_615, %get3A_616] {strides = array<i32>} : memref<128x128xf32, #tpu.memory_space<vmem>>, vector<16xf32>,
        %mul3A_618 = arith.mulf %get3A_617, %gather3A_273 : vector<16xf32>
        %add3A_619 = arith.constant 3 : i32
        %add3A_620 = arith.addi %mul3A_237, %add3A_619 : i32
        %swap3A_621 = arith.index_cast %add3A_620 : i32 to index
        %swap3A_622 = arith.constant 112 : index
        %swap3A_623 = tpu.vector_load %arg18[%swap3A_621, %swap3A_622] {strides = array<i32>} : memref<128x128xf32, #tpu.memory_space<vmem>>, vector<16xf32>,
        tpu.vector_store %arg18[%swap3A_621, %swap3A_622], %mul3A_618 {strides = array<i32>} : memref<128x128xf32, #tpu.memory_space<vmem>>, vector<16xf32>,
      }
      %scan3A_232 = arith.constant 32 : i32
      %run_scoped3A_233 = arith.constant 7 : i32
      "tpu.region"() ({
        %run_scoped3A_235 = tpu.sem_alloc : memref<!tpu.dma_semaphore, #tpu.memory_space<semaphore_mem>>
        %dma_start3A_236 = arith.constant 0 : i32
        %dma_start3A_237 = tpu.memref_slice %arg13[%run_scoped3A_233, %dma_start3A_236] : memref<8x128xi32, #tpu.memory_space<vmem>> -> memref<1x128xi32, #tpu.memory_space<vmem>>
        %dma_start3A_238 = tpu.memref_squeeze %dma_start3A_237 : memref<1x128xi32, #tpu.memory_space<vmem>> -> memref<128xi32, #tpu.memory_space<vmem>>
        %dma_start3A_239 = arith.constant 0 : i32
        %dma_start3A_240 = arith.constant 0 : i32
        %dma_start3A_241 = tpu.memref_slice %arg10[%dma_start3A_239, %dma_start3A_240] : memref<10000x128xf32, #tpu.memory_space<vmem_shared>> -> memref<10000x128xf32, #tpu.memory_space<vmem_shared>>
        tpu.enqueue_indirect_dma source(%arg18 : memref<128x128xf32, #tpu.memory_space<vmem>>) target(%dma_start3A_241 : memref<10000x128xf32, #tpu.memory_space<vmem_shared>>) offsets(%dma_start3A_238 : memref<128xi32, #tpu.memory_space<vmem>>) semaphore(%run_scoped3A_235 : memref<!tpu.dma_semaphore, #tpu.memory_space<semaphore_mem>>) {add = true}
        %dma_wait3A_242 = arith.constant 0 : i32
        %dma_wait3A_243 = tpu.memref_slice %arg13[%run_scoped3A_233, %dma_wait3A_242] : memref<8x128xi32, #tpu.memory_space<vmem>> -> memref<1x128xi32, #tpu.memory_space<vmem>>
        %dma_wait3A_244 = tpu.memref_squeeze %dma_wait3A_243 : memref<1x128xi32, #tpu.memory_space<vmem>> -> memref<128xi32, #tpu.memory_space<vmem>>
        %dma_wait3A_245 = arith.constant 0 : i32
        %dma_wait3A_246 = arith.constant 0 : i32
        %dma_wait3A_247 = tpu.memref_slice %arg10[%dma_wait3A_245, %dma_wait3A_246] : memref<10000x128xf32, #tpu.memory_space<vmem_shared>> -> memref<10000x128xf32, #tpu.memory_space<vmem_shared>>
        tpu.wait_indirect_dma semaphore(%run_scoped3A_235 : memref<!tpu.dma_semaphore, #tpu.memory_space<semaphore_mem>>) src(%arg18 : memref<128x128xf32, #tpu.memory_space<vmem>>) dst(%dma_wait3A_247 : memref<10000x128xf32, #tpu.memory_space<vmem_shared>>)
        tpu.yield
      }) : () -> ()
      %run_scoped3A_234 = arith.constant 7 : i32
      "tpu.region"() ({
        %run_scoped3A_235 = tpu.sem_alloc : memref<!tpu.dma_semaphore, #tpu.memory_space<semaphore_mem>>
        %dma_start3A_236 = arith.constant 896 : i32
        %dma_start3A_237 = tpu.memref_slice %arg16[%dma_start3A_236] : memref<1024xf32, #tpu.memory_space<vmem>> -> memref<128xf32, #tpu.memory_space<vmem>>
        %dma_start3A_238 = arith.constant 0 : i32
        %dma_start3A_239 = tpu.memref_slice %arg13[%run_scoped3A_234, %dma_start3A_238] : memref<8x128xi32, #tpu.memory_space<vmem>> -> memref<1x128xi32, #tpu.memory_space<vmem>>
        %dma_start3A_240 = tpu.memref_squeeze %dma_start3A_239 : memref<1x128xi32, #tpu.memory_space<vmem>> -> memref<128xi32, #tpu.memory_space<vmem>>
        %dma_start3A_241 = arith.constant 0 : i32
        %dma_start3A_242 = tpu.memref_slice %arg11[%dma_start3A_241] : memref<10240xf32, #tpu.memory_space<vmem_shared>> -> memref<10240xf32, #tpu.memory_space<vmem_shared>>
        tpu.enqueue_indirect_dma source(%dma_start3A_237 : memref<128xf32, #tpu.memory_space<vmem>>) target(%dma_start3A_242 : memref<10240xf32, #tpu.memory_space<vmem_shared>>) offsets(%dma_start3A_240 : memref<128xi32, #tpu.memory_space<vmem>>) semaphore(%run_scoped3A_235 : memref<!tpu.dma_semaphore, #tpu.memory_space<semaphore_mem>>) {add = true}
        %dma_wait3A_243 = arith.constant 896 : i32
        %dma_wait3A_244 = tpu.memref_slice %arg16[%dma_wait3A_243] : memref<1024xf32, #tpu.memory_space<vmem>> -> memref<128xf32, #tpu.memory_space<vmem>>
        %dma_wait3A_245 = arith.constant 0 : i32
        %dma_wait3A_246 = tpu.memref_slice %arg13[%run_scoped3A_234, %dma_wait3A_245] : memref<8x128xi32, #tpu.memory_space<vmem>> -> memref<1x128xi32, #tpu.memory_space<vmem>>
        %dma_wait3A_247 = tpu.memref_squeeze %dma_wait3A_246 : memref<1x128xi32, #tpu.memory_space<vmem>> -> memref<128xi32, #tpu.memory_space<vmem>>
        %dma_wait3A_248 = arith.constant 0 : i32
        %dma_wait3A_249 = tpu.memref_slice %arg11[%dma_wait3A_248] : memref<10240xf32, #tpu.memory_space<vmem_shared>> -> memref<10240xf32, #tpu.memory_space<vmem_shared>>
        tpu.wait_indirect_dma semaphore(%run_scoped3A_235 : memref<!tpu.dma_semaphore, #tpu.memory_space<semaphore_mem>>) src(%dma_wait3A_244 : memref<128xf32, #tpu.memory_space<vmem>>) dst(%dma_wait3A_249 : memref<10240xf32, #tpu.memory_space<vmem_shared>>)
        tpu.yield
      }) : () -> ()
    }
    %scan3A_33 = arith.constant 10 : i32
    %barrier3A_34 = arith.constant 0 : index
    tpu.barrier barrier_id(%barrier3A_34)
    %eq3A = arith.constant 0 : i32
    %eq3A_35 = arith.cmpi eq, %arg1, %eq3A : i32
    %eq3A_36 = arith.constant 0 : i32
    %eq3A_37 = arith.cmpi eq, %arg0, %eq3A_36 : i32
    %and3A = arith.andi %eq3A_35, %eq3A_37 : i1
    %convert_element_type3A = arith.extui %and3A : i1 to i32
    %cond3A = arith.constant 0 : i32
    %cond3A_38 = arith.cmpi ne, %convert_element_type3A, %cond3A : i32
    scf.if %cond3A_38 {
      %run_scoped3A = arith.constant 0 : i32
      "tpu.region"() ({
        %run_scoped3A_47 = tpu.sem_alloc : memref<!tpu.dma_semaphore, #tpu.memory_space<semaphore_mem>>
        %dma_start3A = arith.constant 0 : i32
        %dma_start3A_48 = arith.constant 0 : i32
        %dma_start3A_49 = tpu.memref_slice %arg7[%run_scoped3A, %dma_start3A, %dma_start3A_48] : memref<2x10000x128xf32, #tpu.memory_space<hbm>> -> memref<1x10000x128xf32, #tpu.memory_space<hbm>>
        %dma_start3A_50 = tpu.memref_squeeze %dma_start3A_49 : memref<1x10000x128xf32, #tpu.memory_space<hbm>> -> memref<10000x128xf32, #tpu.memory_space<hbm>>
        tpu.enqueue_dma source(%arg10 : memref<10000x128xf32, #tpu.memory_space<vmem_shared>>) target(%dma_start3A_50 : memref<10000x128xf32, #tpu.memory_space<hbm>>) target_semaphore(%run_scoped3A_47 : memref<!tpu.dma_semaphore, #tpu.memory_space<semaphore_mem>>)
        %dma_wait3A = arith.constant 0 : i32
        %dma_wait3A_51 = arith.constant 0 : i32
        %dma_wait3A_52 = tpu.memref_slice %arg7[%run_scoped3A, %dma_wait3A, %dma_wait3A_51] : memref<2x10000x128xf32, #tpu.memory_space<hbm>> -> memref<1x10000x128xf32, #tpu.memory_space<hbm>>
        %dma_wait3A_53 = tpu.memref_squeeze %dma_wait3A_52 : memref<1x10000x128xf32, #tpu.memory_space<hbm>> -> memref<10000x128xf32, #tpu.memory_space<hbm>>
        tpu.wait_dma2 semaphore(%run_scoped3A_47 : memref<!tpu.dma_semaphore, #tpu.memory_space<semaphore_mem>>) src(%arg10 : memref<10000x128xf32, #tpu.memory_space<vmem_shared>>) dst(%dma_wait3A_53 : memref<10000x128xf32, #tpu.memory_space<hbm>>)
        tpu.yield
      }) : () -> ()
      "tpu.region"() ({
        %run_scoped3A_47 = tpu.sem_alloc : memref<!tpu.dma_semaphore, #tpu.memory_space<semaphore_mem>>
        tpu.enqueue_dma source(%arg11 : memref<10240xf32, #tpu.memory_space<vmem_shared>>) target(%arg8 : memref<10240xf32, #tpu.memory_space<hbm>>) target_semaphore(%run_scoped3A_47 : memref<!tpu.dma_semaphore, #tpu.memory_space<semaphore_mem>>)
        tpu.wait_dma2 semaphore(%run_scoped3A_47 : memref<!tpu.dma_semaphore, #tpu.memory_space<semaphore_mem>>) src(%arg11 : memref<10240xf32, #tpu.memory_space<vmem_shared>>) dst(%arg8 : memref<10240xf32, #tpu.memory_space<hbm>>)
        tpu.yield
      }) : () -> ()
    } else {
    }
    %eq3A_39 = arith.constant 0 : i32
    %eq3A_40 = arith.cmpi eq, %arg1, %eq3A_39 : i32
    %eq3A_41 = arith.constant 1 : i32
    %eq3A_42 = arith.cmpi eq, %arg0, %eq3A_41 : i32
    %and3A_43 = arith.andi %eq3A_40, %eq3A_42 : i1
    %convert_element_type3A_44 = arith.extui %and3A_43 : i1 to i32
    %cond3A_45 = arith.constant 0 : i32
    %cond3A_46 = arith.cmpi ne, %convert_element_type3A_44, %cond3A_45 : i32
    scf.if %cond3A_46 {
      %run_scoped3A = arith.constant 1 : i32
      "tpu.region"() ({
        %run_scoped3A_47 = tpu.sem_alloc : memref<!tpu.dma_semaphore, #tpu.memory_space<semaphore_mem>>
        %dma_start3A = arith.constant 0 : i32
        %dma_start3A_48 = arith.constant 0 : i32
        %dma_start3A_49 = tpu.memref_slice %arg7[%run_scoped3A, %dma_start3A, %dma_start3A_48] : memref<2x10000x128xf32, #tpu.memory_space<hbm>> -> memref<1x10000x128xf32, #tpu.memory_space<hbm>>
        %dma_start3A_50 = tpu.memref_squeeze %dma_start3A_49 : memref<1x10000x128xf32, #tpu.memory_space<hbm>> -> memref<10000x128xf32, #tpu.memory_space<hbm>>
        tpu.enqueue_dma source(%arg10 : memref<10000x128xf32, #tpu.memory_space<vmem_shared>>) target(%dma_start3A_50 : memref<10000x128xf32, #tpu.memory_space<hbm>>) target_semaphore(%run_scoped3A_47 : memref<!tpu.dma_semaphore, #tpu.memory_space<semaphore_mem>>)
        %dma_wait3A = arith.constant 0 : i32
        %dma_wait3A_51 = arith.constant 0 : i32
        %dma_wait3A_52 = tpu.memref_slice %arg7[%run_scoped3A, %dma_wait3A, %dma_wait3A_51] : memref<2x10000x128xf32, #tpu.memory_space<hbm>> -> memref<1x10000x128xf32, #tpu.memory_space<hbm>>
        %dma_wait3A_53 = tpu.memref_squeeze %dma_wait3A_52 : memref<1x10000x128xf32, #tpu.memory_space<hbm>> -> memref<10000x128xf32, #tpu.memory_space<hbm>>
        tpu.wait_dma2 semaphore(%run_scoped3A_47 : memref<!tpu.dma_semaphore, #tpu.memory_space<semaphore_mem>>) src(%arg10 : memref<10000x128xf32, #tpu.memory_space<vmem_shared>>) dst(%dma_wait3A_53 : memref<10000x128xf32, #tpu.memory_space<hbm>>)
        tpu.yield
      }) : () -> ()
      "tpu.region"() ({
        %run_scoped3A_47 = tpu.sem_alloc : memref<!tpu.dma_semaphore, #tpu.memory_space<semaphore_mem>>
        tpu.enqueue_dma source(%arg11 : memref<10240xf32, #tpu.memory_space<vmem_shared>>) target(%arg9 : memref<10240xf32, #tpu.memory_space<hbm>>) target_semaphore(%run_scoped3A_47 : memref<!tpu.dma_semaphore, #tpu.memory_space<semaphore_mem>>)
        tpu.wait_dma2 semaphore(%run_scoped3A_47 : memref<!tpu.dma_semaphore, #tpu.memory_space<semaphore_mem>>) src(%arg11 : memref<10240xf32, #tpu.memory_space<vmem_shared>>) dst(%arg9 : memref<10240xf32, #tpu.memory_space<hbm>>)
        tpu.yield
      }) : () -> ()
    } else {
    }
    return
  }
}

module attributes {stable_mosaic.version = 14 : i64} {
  func.func @_k1_body(%arg0: i32, %arg1: memref<1000x256xf32, #tpu.memory_space<vmem>>, %arg2: memref<256x256xf32, #tpu.memory_space<vmem>>, %arg3: memref<1x256xf32, #tpu.memory_space<vmem>>, %arg4: memref<256x8xf32, #tpu.memory_space<vmem>>, %arg5: memref<1000x128xf32, #tpu.memory_space<vmem>>, %arg6: memref<1000x128xf32, #tpu.memory_space<vmem>>, %arg7: memref<1000x8xf32, #tpu.memory_space<vmem>>, %arg8: memref<1x256xf32, #tpu.memory_space<vmem>>) attributes {dimension_semantics = [#tpu.dimension_semantics<arbitrary>], iteration_bounds = array<i64: 10>, scalar_prefetch = 0 : i64, scratch_operands = 0 : i64, tpu.core_type = #tpu.core_type<tc>, window_params = [{transform_indices = @transform_0, window_bounds = array<i64: 1000, 256>}, {pipeline_mode = #tpu.pipeline_mode<synchronous>, transform_indices = @transform_1, window_bounds = array<i64: 256, 256>}, {pipeline_mode = #tpu.pipeline_mode<synchronous>, transform_indices = @transform_2, window_bounds = array<i64: 1, 256>}, {pipeline_mode = #tpu.pipeline_mode<synchronous>, transform_indices = @transform_3, window_bounds = array<i64: 256, 8>}, {transform_indices = @transform_4, window_bounds = array<i64: 1000, 128>}, {transform_indices = @transform_5, window_bounds = array<i64: 1000, 128>}, {transform_indices = @transform_6, window_bounds = array<i64: 1000, 8>}, {pipeline_mode = #tpu.pipeline_mode<synchronous>, transform_indices = @transform_7, window_bounds = array<i64: 1, 256>}]} {
    %get3A = arith.constant 0 : index
    %get3A_0 = arith.constant 0 : index
    %get3A_1 = vector.load %arg1[%get3A, %get3A_0] : memref<1000x256xf32, #tpu.memory_space<vmem>>, vector<1000x256xf32>
    %get3A_2 = arith.constant 0 : index
    %get3A_3 = arith.constant 0 : index
    %get3A_4 = vector.load %arg2[%get3A_2, %get3A_3] : memref<256x256xf32, #tpu.memory_space<vmem>>, vector<256x256xf32>
    %dot_general3A = arith.constant dense<0.000000e+00> : vector<1000x256xf32>
    %dot_general3A_5 = tpu.matmul %get3A_1, %get3A_4, %dot_general3A {dimension_numbers = #tpu.dot_dimension_numbers<[1], [0], [0], [1], [0, 0, 1, 1], [], []>, transpose_lhs_hint = false} : vector<1000x256xf32>, vector<256x256xf32>, vector<1000x256xf32> -> vector<1000x256xf32>
    %get3A_6 = arith.constant 0 : index
    %get3A_7 = arith.constant 0 : index
    %get3A_8 = vector.load %arg3[%get3A_6, %get3A_7] : memref<1x256xf32, #tpu.memory_space<vmem>>, vector<1x256xf32>
    %add3A = vector.broadcast %get3A_8 : vector<1x256xf32> to vector<1000x256xf32>
    %add3A_9 = arith.addf %dot_general3A_5, %add3A : vector<1000x256xf32>
    %slice3A = vector.extract_strided_slice %add3A_9 {offsets = [0, 0], sizes = [1000, 128], strides = [1, 1]} : vector<1000x256xf32> to vector<1000x128xf32>
    %swap3A = arith.constant 0 : index
    %swap3A_10 = arith.constant 0 : index
    %swap3A_11 = vector.load %arg5[%swap3A, %swap3A_10] : memref<1000x128xf32, #tpu.memory_space<vmem>>, vector<1000x128xf32>
    tpu.vector_store %arg5[%swap3A, %swap3A_10], %slice3A {strides = array<i32>} : memref<1000x128xf32, #tpu.memory_space<vmem>>, vector<1000x128xf32>,
    %slice3A_12 = vector.extract_strided_slice %add3A_9 {offsets = [0, 128], sizes = [1000, 128], strides = [1, 1]} : vector<1000x256xf32> to vector<1000x128xf32>
    %swap3A_13 = arith.constant 0 : index
    %swap3A_14 = arith.constant 0 : index
    %swap3A_15 = vector.load %arg6[%swap3A_13, %swap3A_14] : memref<1000x128xf32, #tpu.memory_space<vmem>>, vector<1000x128xf32>
    tpu.vector_store %arg6[%swap3A_13, %swap3A_14], %slice3A_12 {strides = array<i32>} : memref<1000x128xf32, #tpu.memory_space<vmem>>, vector<1000x128xf32>,
    %get3A_16 = arith.constant 0 : index
    %get3A_17 = arith.constant 0 : index
    %get3A_18 = vector.load %arg4[%get3A_16, %get3A_17] : memref<256x8xf32, #tpu.memory_space<vmem>>, vector<256x8xf32>
    %dot_general3A_19 = arith.constant dense<0.000000e+00> : vector<1000x8xf32>
    %dot_general3A_20 = tpu.matmul %add3A_9, %get3A_18, %dot_general3A_19 {dimension_numbers = #tpu.dot_dimension_numbers<[1], [0], [0], [1], [0, 0, 1, 1], [], []>, transpose_lhs_hint = false} : vector<1000x256xf32>, vector<256x8xf32>, vector<1000x8xf32> -> vector<1000x8xf32>
    %swap3A_21 = arith.constant 0 : index
    %swap3A_22 = arith.constant 0 : index
    %swap3A_23 = vector.load %arg7[%swap3A_21, %swap3A_22] : memref<1000x8xf32, #tpu.memory_space<vmem>>, vector<1000x8xf32>
    tpu.vector_store %arg7[%swap3A_21, %swap3A_22], %dot_general3A_20 {strides = array<i32>} : memref<1000x8xf32, #tpu.memory_space<vmem>>, vector<1000x8xf32>,
    %reduce_sum3A = arith.constant dense<0.000000e+00> : vector<256xf32>
    %reduce_sum3A_24 = vector.multi_reduction <add>, %add3A_9, %reduce_sum3A [0] : vector<1000x256xf32> to vector<256xf32>
    %broadcast_in_dim3A = vector.shape_cast %reduce_sum3A_24 : vector<256xf32> to vector<1x256xf32>
    %eq3A = arith.constant 0 : i32
    %eq3A_25 = arith.cmpi eq, %arg0, %eq3A : i32
    %convert_element_type3A = arith.extui %eq3A_25 : i1 to i32
    %cond3A = arith.constant 0 : i32
    %cond3A_26 = arith.cmpi ne, %convert_element_type3A, %cond3A : i32
    scf.if %cond3A_26 {
      %swap3A_31 = arith.constant 0 : index
      %swap3A_32 = arith.constant 0 : index
      %swap3A_33 = vector.load %arg8[%swap3A_31, %swap3A_32] : memref<1x256xf32, #tpu.memory_space<vmem>>, vector<1x256xf32>
      tpu.vector_store %arg8[%swap3A_31, %swap3A_32], %broadcast_in_dim3A {strides = array<i32>} : memref<1x256xf32, #tpu.memory_space<vmem>>, vector<1x256xf32>,
    } else {
    }
    %gt3A = arith.constant 0 : i32
    %gt3A_27 = arith.cmpi sgt, %arg0, %gt3A : i32
    %convert_element_type3A_28 = arith.extui %gt3A_27 : i1 to i32
    %cond3A_29 = arith.constant 0 : i32
    %cond3A_30 = arith.cmpi ne, %convert_element_type3A_28, %cond3A_29 : i32
    scf.if %cond3A_30 {
      %get3A_31 = arith.constant 0 : index
      %get3A_32 = arith.constant 0 : index
      %get3A_33 = vector.load %arg8[%get3A_31, %get3A_32] : memref<1x256xf32, #tpu.memory_space<vmem>>, vector<1x256xf32>
      %add3A_34 = arith.addf %get3A_33, %broadcast_in_dim3A : vector<1x256xf32>
      %swap3A_35 = arith.constant 0 : index
      %swap3A_36 = arith.constant 0 : index
      %swap3A_37 = vector.load %arg8[%swap3A_35, %swap3A_36] : memref<1x256xf32, #tpu.memory_space<vmem>>, vector<1x256xf32>
      tpu.vector_store %arg8[%swap3A_35, %swap3A_36], %add3A_34 {strides = array<i32>} : memref<1x256xf32, #tpu.memory_space<vmem>>, vector<1x256xf32>,
    } else {
    }
    return
  }
  func.func @transform_0(%arg0: i32) -> (i32, i32) {
    %c0_i32 = arith.constant 0 : i32
    %c0_i32_0 = arith.constant 0 : i32
    return %arg0, %c0_i32 : i32, i32
  }
  func.func @transform_1(%arg0: i32) -> (i32, i32) {
    %c0_i32 = arith.constant 0 : i32
    %c0_i32_0 = arith.constant 0 : i32
    %c0_i32_1 = arith.constant 0 : i32
    return %c0_i32, %c0_i32_0 : i32, i32
  }
  func.func @transform_2(%arg0: i32) -> (i32, i32) {
    %c0_i32 = arith.constant 0 : i32
    %c0_i32_0 = arith.constant 0 : i32
    %c0_i32_1 = arith.constant 0 : i32
    return %c0_i32, %c0_i32_0 : i32, i32
  }
  func.func @transform_3(%arg0: i32) -> (i32, i32) {
    %c0_i32 = arith.constant 0 : i32
    %c0_i32_0 = arith.constant 0 : i32
    %c0_i32_1 = arith.constant 0 : i32
    return %c0_i32, %c0_i32_0 : i32, i32
  }
  func.func @transform_4(%arg0: i32) -> (i32, i32) {
    %c0_i32 = arith.constant 0 : i32
    %c0_i32_0 = arith.constant 0 : i32
    return %arg0, %c0_i32 : i32, i32
  }
  func.func @transform_5(%arg0: i32) -> (i32, i32) {
    %c0_i32 = arith.constant 0 : i32
    %c0_i32_0 = arith.constant 0 : i32
    return %arg0, %c0_i32 : i32, i32
  }
  func.func @transform_6(%arg0: i32) -> (i32, i32) {
    %c0_i32 = arith.constant 0 : i32
    %c0_i32_0 = arith.constant 0 : i32
    return %arg0, %c0_i32 : i32, i32
  }
  func.func @transform_7(%arg0: i32) -> (i32, i32) {
    %c0_i32 = arith.constant 0 : i32
    %c0_i32_0 = arith.constant 0 : i32
    %c0_i32_1 = arith.constant 0 : i32
    return %c0_i32, %c0_i32_0 : i32, i32
  }
}

module attributes {stable_mosaic.version = 14 : i64} {
  func.func @_k2w_body(%arg0: memref<20x16000xf32, #tpu.memory_space<vmem>>, %arg1: memref<20x16000xf32, #tpu.memory_space<vmem>>, %arg2: memref<20x16000xf32, #tpu.memory_space<vmem>>) attributes {dimension_semantics = [], scalar_prefetch = 0 : i64, scratch_operands = 0 : i64, tpu.core_type = #tpu.core_type<tc>} {
    %get3A = arith.constant 0 : index
    %get3A_0 = arith.constant 0 : index
    %get3A_1 = vector.load %arg1[%get3A, %get3A_0] : memref<20x16000xf32, #tpu.memory_space<vmem>>, vector<20x16000xf32>
    %get3A_2 = arith.constant 0 : index
    %get3A_3 = arith.constant 0 : index
    %get3A_4 = vector.load %arg0[%get3A_2, %get3A_3] : memref<20x16000xf32, #tpu.memory_space<vmem>>, vector<20x16000xf32>
    %exp3A = math.exp %get3A_4 : vector<20x16000xf32>
    %sub3A = arith.constant 1.000000e+00 : f32
    %sub3A_5 = vector.broadcast %sub3A : f32 to vector<20x16000xf32>
    %sub3A_6 = arith.subf %exp3A, %sub3A_5 : vector<20x16000xf32>
    %mul3A = arith.mulf %get3A_1, %sub3A_6 : vector<20x16000xf32>
    %swap3A = arith.constant 0 : index
    %swap3A_7 = arith.constant 0 : index
    %swap3A_8 = vector.load %arg2[%swap3A, %swap3A_7] : memref<20x16000xf32, #tpu.memory_space<vmem>>, vector<20x16000xf32>
    tpu.vector_store %arg2[%swap3A, %swap3A_7], %mul3A {strides = array<i32>} : memref<20x16000xf32, #tpu.memory_space<vmem>>, vector<20x16000xf32>,
    return
  }
}

module attributes {stable_mosaic.version = 14 : i64} {
  func.func @_k3_body(%arg0: i32, %arg1: i32, %arg2: memref<1x1000x128xf32, #tpu.memory_space<vmem>>, %arg3: memref<1x1000x1xf32, #tpu.memory_space<vmem>>, %arg4: memref<1x1x128xf32, #tpu.memory_space<vmem>>, %arg5: memref<1000x128xf32, #tpu.memory_space<vmem>>) attributes {dimension_semantics = [#tpu.dimension_semantics<arbitrary>, #tpu.dimension_semantics<arbitrary>], iteration_bounds = array<i64: 2, 10>, scalar_prefetch = 0 : i64, scratch_operands = 0 : i64, tpu.core_type = #tpu.core_type<tc>, window_params = [{transform_indices = @transform_0, window_bounds = array<i64: 1, 1000, 128>}, {transform_indices = @transform_1, window_bounds = array<i64: 1, 1000, 1>}, {transform_indices = @transform_2, window_bounds = array<i64: 1, 1, 128>}, {transform_indices = @transform_3, window_bounds = array<i64: 1000, 128>}]} {
    %get3A = arith.constant 0 : index
    %get3A_0 = arith.constant 0 : index
    %get3A_1 = arith.constant 0 : index
    %get3A_2 = vector.load %arg4[%get3A, %get3A_0, %get3A_1] : memref<1x1x128xf32, #tpu.memory_space<vmem>>, vector<1x1x128xf32>
    %get3A_3 = vector.shape_cast %get3A_2 : vector<1x1x128xf32> to vector<1x128xf32>
    %get3A_4 = arith.constant 0 : index
    %get3A_5 = arith.constant 0 : index
    %get3A_6 = arith.constant 0 : index
    %get3A_7 = vector.load %arg2[%get3A_4, %get3A_5, %get3A_6] : memref<1x1000x128xf32, #tpu.memory_space<vmem>>, vector<1x1000x128xf32>
    %get3A_8 = vector.shape_cast %get3A_7 : vector<1x1000x128xf32> to vector<1000x128xf32>
    %add3A = vector.broadcast %get3A_3 : vector<1x128xf32> to vector<1000x128xf32>
    %add3A_9 = arith.addf %add3A, %get3A_8 : vector<1000x128xf32>
    %get3A_10 = arith.constant 0 : index
    %get3A_11 = arith.constant 0 : index
    %get3A_12 = arith.constant 0 : index
    %get3A_13 = vector.load %arg3[%get3A_10, %get3A_11, %get3A_12] : memref<1x1000x1xf32, #tpu.memory_space<vmem>>, vector<1x1000x1xf32>
    %get3A_14 = vector.shape_cast %get3A_13 : vector<1x1000x1xf32> to vector<1000x1xf32>
    %add3A_15 = arith.constant 1.000000e+04 : f32
    %add3A_16 = vector.broadcast %add3A_15 : f32 to vector<1000x1xf32>
    %add3A_17 = arith.addf %add3A_16, %get3A_14 : vector<1000x1xf32>
    %div3A = vector.broadcast %add3A_17 : vector<1000x1xf32> to vector<1000x128xf32>
    %div3A_18 = arith.divf %add3A_9, %div3A : vector<1000x128xf32>
    %gt3A = arith.constant 0.000000e+00 : f32
    %gt3A_19 = vector.broadcast %gt3A : f32 to vector<1000x128xf32>
    %gt3A_20 = arith.cmpf ogt, %div3A_18, %gt3A_19 : vector<1000x128xf32>
    %exp3A = math.exp %div3A_18 : vector<1000x128xf32>
    %sub3A = arith.constant 1.000000e+00 : f32
    %sub3A_21 = vector.broadcast %sub3A : f32 to vector<1000x128xf32>
    %sub3A_22 = arith.subf %exp3A, %sub3A_21 : vector<1000x128xf32>
    %select_n3A = arith.select %gt3A_20, %div3A_18, %sub3A_22 : vector<1000x128xi1>, vector<1000x128xf32>
    %swap3A = arith.constant 0 : index
    %swap3A_23 = arith.constant 0 : index
    %swap3A_24 = vector.load %arg5[%swap3A, %swap3A_23] : memref<1000x128xf32, #tpu.memory_space<vmem>>, vector<1000x128xf32>
    tpu.vector_store %arg5[%swap3A, %swap3A_23], %select_n3A {strides = array<i32>} : memref<1000x128xf32, #tpu.memory_space<vmem>>, vector<1000x128xf32>,
    return
  }
  func.func @transform_0(%arg0: i32, %arg1: i32) -> (i32, i32, i32) {
    %c0_i32 = arith.constant 0 : i32
    %c0_i32_0 = arith.constant 0 : i32
    return %arg0, %arg1, %c0_i32 : i32, i32, i32
  }
  func.func @transform_1(%arg0: i32, %arg1: i32) -> (i32, i32, i32) {
    %c0_i32 = arith.constant 0 : i32
    %c0_i32_0 = arith.constant 0 : i32
    return %arg0, %arg1, %c0_i32 : i32, i32, i32
  }
  func.func @transform_2(%arg0: i32, %arg1: i32) -> (i32, i32, i32) {
    %c0_i32 = arith.constant 0 : i32
    %c0_i32_0 = arith.constant 0 : i32
    %c0_i32_1 = arith.constant 0 : i32
    return %arg0, %c0_i32, %c0_i32_0 : i32, i32, i32
  }
  func.func @transform_3(%arg0: i32, %arg1: i32) -> (i32, i32) {
    %c0_i32 = arith.constant 0 : i32
    return %arg1, %arg0 : i32, i32
  }
}

</mosaic_0001>

<sc_bundles>
// kernel: gather_offload_async_start
scs
__scs_entry_jumppad:
0x0: {  	(pc) =	sbr.rel $0x88, $3  }
0x1: {  	(tag) =	ssettag $0x0;
	lr =	simm.s32 $0x1  }
0x2: {  	[smem:$0x3F9B] =	sst lr;
	_ =	strace $0xD0000000  }
0x3: {  	_ = 	snop  }
0x4: {  	_ = 	snop  }
0x5: {  	_ = 	snop  }
0x6: {  	_ = 	snop  }
0x7: {  	_ = 	snop  }
__scs_overlays_trampoline_lowered:
0x8: {  	[smem:$0x3FAA] =	sst s0  }
0x9: {  	[smem:$0x3FAB] =	sst s1  }
0xa: {  	[smem:$0x3FAC] =	sst s2  }
0xb: {  	[smem:$0x3FAD] =	sst s3  }
0xc: {  	[smem:$0x3FAE] =	sst s4  }
0xd: {  	[smem:$0x3FAF] =	sst s5  }
0xe: {  	[smem:$0x3FB0] =	sst s6  }
0xf: {  	[smem:$0x3FB1] =	sst s7  }
0x10: {  	[smem:$0x3FB2] =	sst s8  }
0x11: {  	[smem:$0x3FB3] =	sst s9;
	s0 =	simm.s32 @!p0 $0x0  }
0x12: {  	s1 =	sld [smem:$0x3F99];
	s0 =	simm.s32 @p0 $0x1  }
0x13: {  	[smem:$0x3FB4] =	sst s0;
	s0 =	simm.s32 @!p1 $0x0  }
0x14: {  	s2 =	sld [smem:$0x3F98];
	s0 =	simm.s32 @p1 $0x1  }
0x15: {  	[smem:$0x3FB5] =	sst s0;
	s0 =	simm.s32 @!p2 $0x0  }
0x16: {  	s3 =	sld [smem:$0x3FDB];
	s0 =	simm.s32 @p2 $0x1  }
0x17: {  	s4 =	simm.s32 $0x1BF5;
	[smem:$0x3FB7] =	sst s0  }
0x18: {  	s0 =	sld [smem:$0x3F9A];
	_ =	swait.ge [sflag:s4], $0x0  }
0x19: {  	s7 =	sld [smem:$0x3F9B]  }
0x1a: {  	s8 =	sadd.s32 $0xFFFFE003, lr  }
0x1b: {  	s9 =	sadd.s32 $0xFFFFFEF7, lr;
	s5 =	simm.s32 $0xFFFFFFFF;
	p2 =	slt.u32 s8, $0xFFFFF086  }
0x1c: {  	p1 =	slt.u32 s9, $0xF7A;
	s5 =	simm.s32 @!p2 $0x0  }
0x1d: {  	s5 =	simm.s32 @p1 $0x1;
	p0 =	seq.s32 s7, s2  }
0x1e: {  	s7 =	smul.u32 @!p0 $0xF7A, s2;
	p2 =	seq.s32 @!p0 s5, $0x0  }
0x1f: {  	s9 =	smul.u32 $0xF7A, s1;
	s8 =	simm.s32 @!p0 $0x1BF5;
	p2 =	por !p2, p0  }
0x20: {  	[sflag:s8] =	ssyncset.s32 @!p0 $0xFFFFF086;
	s6 =	sadd.s32 @!p0 s3, s7;
	s7 =	simm.s32 @!p0 $0x108  }
0x21: {  	s3 =	sadd.s32 s3, s9;
	s6 =	sadd.s32 @!p0 $0x88, s6;
	s7 =	simm.s32 @p2 $0x1082  }
0x22: {  	[simem:s7], [sflag:s8] =	dma.local @!p0 [hbm:s6], $0xF7A  }
0x23: {  	s9 =	sor.u32 $0xD0000000, s2;
	s6 =	simm.s32 $0x108;
	_ =	swait.ge @!p0 [sflag:s8], $0x0  }
0x24: {  	s3 =	sadd.s32 $0x88, s3;
	s6 =	simm.s32 @!p1 $0x1082;
	[sflag:s4] =	ssyncset.s32 $0xFFFFF086  }
0x25: {  	[simem:s6], [sflag:s4] =	dma.local [hbm:s3], $0xF7A  }
0x26: {  	[smem:$0x3F9B] =	sst s1;
	(tag) =	ssettag s2;
	_ =	strace s9  }
0x27: {  	s1 =	sld [smem:$0x3FAB]  }
0x28: {  	s2 =	sld [smem:$0x3FAC]  }
0x29: {  	s4 =	sld [smem:$0x3FAE]  }
0x2a: {  	p0 =	seq.s32 s5, $0x0;
	s5 =	sld [smem:$0x3FAF]  }
0x2b: {  	s6 =	sld [smem:$0x3FB0]  }
0x2c: {  	s7 =	sld [smem:$0x3FB1]  }
0x2d: {  	s3 =	simm.s32 $0x108;
	s8 =	sld [smem:$0x3FB2]  }
0x2e: {  	s3 =	simm.s32 @!p0 $0x1082;
	s9 =	sld [smem:$0x3FB3]  }
0x2f: {  	lr =	sadd.s32 s0, s3;
	s0 =	sld [smem:$0x3FAA]  }
0x30: {  	s3 =	sld [smem:$0x3FAD]  }
0x31: {  	[smem:$0x3FB6] =	sst s10  }
0x32: {  	s10 =	sld [smem:$0x3FB4];
	_ =	sdelay $0x3  }
0x33: {  	p0 =	seq.s32 s10, $0x1;
	s10 =	sld [smem:$0x3FB6];
	_ =	sdelay $0x3  }
0x34: {  	[smem:$0x3FB6] =	sst s10  }
0x35: {  	s10 =	sld [smem:$0x3FB5];
	_ =	sdelay $0x3  }
0x36: {  	p1 =	seq.s32 s10, $0x1;
	s10 =	sld [smem:$0x3FB6];
	_ =	sdelay $0x3  }
0x37: {  	[smem:$0x3FB6] =	sst s10  }
0x38: {  	s10 =	sld [smem:$0x3FB7]  }
0x39: {  	_ = 	snop;
	(pc) =	sbr.ind lr, $3  }
0x3a: {  	_ = 	snop  }
0x3b: {  	_ = 	snop  }
0x3c: {  	p2 =	seq.s32 s10, $0x1;
	s10 =	sld [smem:$0x3FB6]  }
0x3d: {  	_ =	shalt  }
0x3e: {  	_ =	shalt  }
0x3f: {  	_ =	shalt  }
0x40: {  	_ =	shalt  }
0x41: {  	_ =	shalt  }
0x42: {  	_ =	shalt  }
0x43: {  	_ =	shalt  }
0x44: {  	_ =	shalt  }
0x45: {  	_ =	shalt  }
0x46: {  	_ =	shalt  }
0x47: {  	_ =	shalt  }
0x48: {  	_ =	shalt  }
0x49: {  	_ =	shalt  }
0x4a: {  	_ =	shalt  }
0x4b: {  	_ =	shalt  }
0x4c: {  	_ =	shalt  }
0x4d: {  	_ =	shalt  }
0x4e: {  	_ =	shalt  }
0x4f: {  	_ =	shalt  }
0x50: {  	_ =	shalt  }
0x51: {  	_ =	shalt  }
0x52: {  	_ =	shalt  }
0x53: {  	_ =	shalt  }
0x54: {  	_ =	shalt  }
0x55: {  	_ =	shalt  }
0x56: {  	_ =	shalt  }
0x57: {  	_ =	shalt  }
0x58: {  	_ =	shalt  }
0x59: {  	_ =	shalt  }
0x5a: {  	_ =	shalt  }
0x5b: {  	_ =	shalt  }
0x5c: {  	_ =	shalt  }
0x5d: {  	_ =	shalt  }
0x5e: {  	_ =	shalt  }
0x5f: {  	_ =	shalt  }
0x60: {  	_ =	shalt  }
0x61: {  	_ =	shalt  }
0x62: {  	_ =	shalt  }
0x63: {  	_ =	shalt  }
0x64: {  	_ =	shalt  }
0x65: {  	_ =	shalt  }
0x66: {  	_ =	shalt  }
0x67: {  	_ =	shalt  }
0x68: {  	_ =	shalt  }
0x69: {  	_ =	shalt  }
0x6a: {  	_ =	shalt  }
0x6b: {  	_ =	shalt  }
0x6c: {  	_ =	shalt  }
0x6d: {  	_ =	shalt  }
0x6e: {  	_ =	shalt  }
0x6f: {  	_ =	shalt  }
0x70: {  	_ =	shalt  }
0x71: {  	_ =	shalt  }
0x72: {  	_ =	shalt  }
0x73: {  	_ =	shalt  }
0x74: {  	_ =	shalt  }
0x75: {  	_ =	shalt  }
0x76: {  	_ =	shalt  }
0x77: {  	_ =	shalt  }
0x78: {  	_ =	shalt  }
0x79: {  	_ =	shalt  }
0x7a: {  	_ =	shalt  }
0x7b: {  	_ =	shalt  }
0x7c: {  	_ =	shalt  }
0x7d: {  	_ =	shalt  }
0x7e: {  	_ =	shalt  }
0x7f: {  	_ =	shalt  }
0x80: {  	_ =	shalt  }
0x81: {  	_ =	shalt  }
0x82: {  	_ =	shalt  }
0x83: {  	_ =	shalt  }
0x84: {  	_ =	shalt  }
0x85: {  	_ =	shalt  }
0x86: {  	_ =	shalt  }
0x87: {  	_ =	shalt  }
.Lfunc_end0:
.L_simem_size_0:
called_computation_lowered:
.L_overlay_start_0:
0x88: {  	s2 =	sld [smem:$0x3FD9]  }
0x89: {  	s3 =	sld [smem:$0x3FFE];
	_ =	sdelay $0x1  }
0x8a: {  	s1 =	srdreg.scid  }
0x8b: {  	s0 =	sand.u32 $0x1, s1  }
0x8c: {  	s16 =	sshll.u32 s0, $0xA;
	s2 =	sadd.s32 s3, s2  }
0x8d: {  	s2 =	sadd.s32 s2, s16  }
0x8e: {  	[smem:$0x3FC2] =	sst s2  }
0x8f: {  	_ = 	snop  }
0x90: {  	(tm) =	ssettm $0x1  }
0x91: {  	s17 =	sld [smem:$0x3FFB];
	_ =	sdelay $0x3  }
0x92: {  	_ =	strace s17  }
0x93: {  	s2 =	sld [smem:$0x3FFC];
	_ =	sdelay $0x3  }
0x94: {  	_ =	strace s2  }
0x95: {  	s2 =	sld [smem:$0x3FFD];
	_ =	sdelay $0x3  }
0x96: {  	_ =	strace s2  }
0x97: {  	_ =	strace $0x8FFFFFFF  }
0x98: {  	s18 =	sld [smem:$0x3FDB];
	_ =	sdelay $0x1  }
0x99: {  	s19 =	simm.s32 $_scs_section_size  }
0x9a: {  	s4 =	simm.s32 $_size__tile_overlayer_lowered;
	s5 =	simm.s32 $_tile_overlayer_lowered  }
0x9b: {  	s22 =	simm.s32 $0x1BFF;
	s21 =	sshll.u32 s5, $0x1;
	s2 =	sadd.s32 s19, s18  }
0x9c: {  	s6 =	simm.s32 $0x0;
	s20 =	sshll.u32 s4, $0x1;
	s4 =	sadd.s32 s21, s2  }
0x9d: {  	[timem:s6], [sflag:s22] =	dma.local [hbm:s4], s20  }
0x9e: {  	_ =	swait.ge [sflag:s22], s20  }
0x9f: {  	s3 =	ssub.s32 $0x0, s20;
	[sflag:s22] =	ssyncset.done $0x0  }
0xa0: {  	[sflag:s22] =	ssyncadd.s32 s3;
	_ =	sdelay $0x1  }
0xa1: {  	s23 =	simm.s32 $0x1B8B  }
0xa2: {  	_ =	swait.ge [sflag:s23], $0x1  }
0xa3: {  	[sflag:s23] =	ssyncset.done $0x0  }
0xa4: {  	s25 =	simm.s32 $0x1B8E;
	s24 =	sld [smem:$0x3FFE];
	[sflag:s23] =	ssyncadd.s32 $0xFFFFFFFF  }
0xa5: {  	s26 =	simm.s32 $execute0_lowered;
	[smem:$0x3FD2] =	sst s25  }
0xa6: {  	s4 =	sshll.u32 s26, $0x1;
	_ =	strace $0x80000049;
	[dreg:$0x1] =	wrdreg $0xFFFFFFFF  }
0xa7: {  	s28 =	simm.s32 $_size_execute0_lowered;
	s2 =	sadd.s32 s2, s4;
	[dreg:$0x0] =	wrdreg $0x0  }
0xa8: {  	s4 =	sshll.u32 s28, $0x1;
	[dreg:$0x2] =	wrdreg s2  }
0xa9: {  	[dreg:$0x3] =	wrdreg s4  }
0xaa: {  	[dreg:$0x4] =	wrdreg $0xC0  }
0xab: {  	_ =	task [dreg:s6], $0x5FFFF  }
0xac: {  	[dreg:$0x1] =	wrdreg $0xFFFFFFFF  }
0xad: {  	[dreg:$0x0] =	wrdreg $0x60  }
0xae: {  	[dreg:$0x2] =	wrdreg s24  }
0xaf: {  	[dreg:$0x3] =	wrdreg $0x9  }
0xb0: {  	_ =	task.clear_ibuf [dreg:s6], $0x4FFFF;
	_ =	strace $0x90000049  }
0xb1: {  	s29 =	simm.s32 $0x9;
	_ =	strace $0x8000004B  }
0xb2: {  	_ =	swait.ge [sflag:s29], $0x1  }
0xb3: {  	[sflag:s29] =	ssyncadd.s32 $0xFFFFFFFF  }
0xb4: {  	_ =	strace $0x9000004B  }
0xb5: {  	_ =	sfence  }
0xb6: {  	s30 =	sld [smem:$0x0];
	_ =	sdelay $0x2  }
0xb7: {  	s31 =	sshll.u32 s1, $0xD;
	s1 =	sshrl.u32 s1, $0x2  }
0xb8: {  	s3 =	sand.u32 $0x4000, s31;
	s1 =	sadd.s32 s1, s30  }
0xb9: {  	s0 =	sor.u32 s3, s0;
	s1 =	sshll.u32 s1, $0x11  }
0xba: {  	s0 =	sor.u32 s1, s0  }
0xbb: {  	s0 =	sadd.s32 $0x8F2B, s0  }
0xbc: {  	[sflag:s0] =	ssyncadd.remote.s32 $0x1  }
0xbd: {  	_ =	sfence.sel $0xFFFF  }
0xbe: {  	[dreg:$0x0] =	wrdreg $0xFFFFFFFF;
	(pc) =	sbr.abs _section_cstart, $3  }
0xbf: {  	[dreg:$0x1] =	wrdreg $0xFFFFFFFF  }
0xc0: {  	_ =	task.clear_ibuf [dreg:s6], $0x2FFFF;
	_ =	strace $0x9FFFFFFF  }
0xc1: {  	(tm) =	ssettm $0x7FFFFFFF  }
tec
execute0_lowered:
.L_overlay_start_1:
0x0: {  	(tag) =	ssettag $0x1  }
0x1: {  	s0 =	srdreg.scid  }
0x2: {  	s1 =	sshll.u32 s0, $0x4  }
0x3: {  	s0 =	stileid.u32;
	s1 =	sand.u32 $0x10, s1  }
0x4: {  	s1 =	sor.u32 s0, s1  }
0x5: {  	s2 =	smul.u32 $0xF, s1  }
0x6: {  	s3 =	smin.u32 s1, $0x14  }
0x7: {  	s2 =	sadd.s32 s3, s2  }
0x8: {  	p0 =	slt.u32 s1, $0x14;
	s1 =	simm.s32 $0x1400;
	s2 =	smul.u32 $0x140, s2  }
0x9: {  	s1 =	simm.s32 @!p0 $0x12C0  }
0xa: {  	s1 =	sadd.s32 s1, s2  }
0xb: {  	s3 =	smin.u32 s1, $0x27100  }
0xc: {  	s7 =	ssub.s32 s3, s2  }
0xd: {  	p0 =	sgt.s32 s7, $0x0  }
0xe: {  	s7 =	simm.s32 @!p0 $0x0  }
0xf: {  	s31 =	smulhi.u32 $0x66666667, s7  }
0x10: {  	s9 =	rddreg [dreg:$0x0];
	s6 =	simm.s32 $0x1;
	s11 =	simm.s32 $0x3  }
0x11: {  	s13 =	simm.s32 $0x0;
	s12 =	simm.s32 $0x0;
	s8 =	sshrl.u32 s31, $0x7  }
0x12: {  	s4 =	sadd.s32 $0x1A400, s9;
	s5 =	sadd.s32 $0x15400, s9;
	s10 =	smul.u32 $0x140, s8  }
.Ltmp0:
0x13: {  	s9 =	sadd.s32 $0x28B400, s9;
	s1 =	rddreg [dreg:$0x1];
	(pc) =	sbr.rel .LBB2_1-.Ltmp0, $4  }
0x14: {  	_ =	strace $0x8000004A;
	p0 =	sne.s32 s7, s10;
	s10 =	simm.s32 $0x1  }
0x15: {  	[sflag:s6] =	ssyncpa.u1 $0x0;
	s7 =	simm.s32 $0x2;
	s10 =	simm.s32 @!p0 $0x0  }
0x16: {  	[sflag:s7] =	ssyncpa.u1 $0x0;
	p0 =	por $0x0, $0x0;
	s8 =	sadd.s32 s10, s8  }
0x17: {  	vm0 =	vmmov $0xff;
	vm1 =	vcmask $0x3F20;
	[sflag:s11] =	ssyncpa.u1 $0x0;
	s11 =	smov.u32 s2;
	s10 =	sadd.s32 $0x1, s8  }
.LBB2_6:
0x18: {  	[hbm:s17] =	stream.linear.scatter [tilespmem:s14], [sflag:$0x3], $0x400, $0x38;
	[tilespmem:$0x14280] =	vst v63  }
.LBB2_7:
0x19: {  	s13 =	sadd.s32 $0x140, s11  }
0x1a: {  	s15 =	smov.u32 s2;
	p2 =	slt.s32 s13, s3  }
0x1b: {  	s15 =	smov.u32 @p2 s13;
	p2 =	sne.s32 s12, s10  }
.Ltmp1:
0x1c: {  	p1 =	slt.u32 s12, $0x2;
	(pc) =	sbr.rel @!p2 .LBB2_8-.Ltmp1, $4  }
0x1d: {  	s14 =	simm.s32 @!p1 $0x3  }
0x1e: {  	s16 =	sadd.s32 $0x1, s12;
	_ =	swait.ge @!p1 [sflag:s14], $0xA000  }
0x1f: {  	p0 =	por !p0, !p0;
	s13 =	smov.u32 s11;
	[sflag:s14] =	ssyncset.done @!p1 $0x0  }
0x20: {  	s12 =	smov.u32 s16;
	s11 =	smov.u32 s15;
	[sflag:s14] =	ssyncadd.s32 @!p1 $0xFFFF6000  }
.LBB2_1:
0x21: {  	p1 =	sge.u32 s12, s8  }
0x22: {  	s14 =	sxor.u32 @!p1 $0xFFFFFFFF, s12  }
0x23: {  	s14 =	sand.u32 @!p1 $0x1, s14  }
0x24: {  	s14 =	smul.u32 @!p1 $0x500, s14  }
0x25: {  	s31 =	sadd.s32 $0xFFFFFFFF, s12;
	s15 =	sshrl.u32 @!p1 s11, $0x3  }
0x26: {  	s16 =	sand.u32 @!p1 $0x7, s11;
	s15 =	sadd.s32 @!p1 s5, s15;
	s14 =	sshrl.u32 @!p1 s14, $0x2  }
0x27: {  	[tilespmem:s14], [sflag:$0x2] =	stream.linear.gather @!p1 [hbm4b:s15+s16], $0x140, $0x38;
	[tilespmem:$0x14280] =	vst v63  }
0x28: {  	p1 =	sge.u32 s31, s8  }
.Ltmp2:
0x29: {  	_ = 	snop;
	(pc) =	sbr.rel @p1 .LBB2_7-.Ltmp2, $1  }
0x2a: {  	_ =	sdelay $0x3  }
0x2b: {  	s14 =	simm.s32 $0x1  }
0x2c: {  	s14 =	simm.s32 @!p0 $0x0  }
0x2d: {  	s15 =	smul.u32 $0x500, s14  }
0x2e: {  	_ =	swait.ge [sflag:s7], $0x140  }
0x2f: {  	[sflag:s7] =	ssyncset.done $0x0;
	s16 =	sshrl.u32 s15, $0x2  }
0x30: {  	[sflag:s7] =	ssyncadd.s32 $0xFFFFFEC0;
	s15 =	sadd.s32 $0x0, s16  }
0x31: {  	v0 =	vld.msk [tilespmem:s15+$0x0 ss:$0x1], $0xffff;
	_ =	sdelay $0x4  }
0x32: {  	vm2 =	vgt.s32 v0, $0x0  }
0x33: {  	v0 =	vnsel vm2, $0x0, v0  }
0x34: {  	v0 =	vmin.u32 v0, $0x270FF  }
0x35: {  	v0 =	vshll.u32 v0, $0x4  }
0x36: {  	s14 =	smul.u32 $0x28000, s14;
	_ =	sdelay $0x1  }
0x37: {  	s14 =	sshrl.u32 s14, $0x2  }
0x38: {  	s14 =	sor.u32 $0x280, s14  }
0x39: {  	[tilespmem:s14], [sflag:$0x1] =	stream.indirect_vreg.gather [hbm:s4], $0x80, v0, vm0, $0x38;
	[tilespmem:$0x14280] =	vst v63  }
0x3a: {  	s17 =	sadd.s32 $0x10, s16;
	s15 =	sadd.s32 $0x400, s14  }
0x3b: {  	[tilespmem:s15], [sflag:$0x1] =	stream.indirect_vreg.gather [hbm:s4], $0x80, v0, vm1, $0x38;
	[tilespmem:$0x14280] =	vst v63  }
0x3c: {  	s18 =	simm.s32 $0x80;
	v0 =	vld.msk [tilespmem:s17+$0x0 ss:$0x1], $0xffff;
	s17 =	smov.u32 s14  }
.LBB2_3:
0x3d: {  	p1 =	sne.s32 s18, $0x4C0;
	_ =	sdelay $0x4  }
0x3e: {  	vm2 =	vgt.s32 v0, $0x0  }
0x3f: {  	v0 =	vnsel vm2, $0x0, v0  }
0x40: {  	v0 =	vmin.u32 v0, $0x270FF  }
0x41: {  	v0 =	vshll.u32 v0, $0x4;
	_ =	sdelay $0x3  }
.Ltmp3:
0x42: {  	s19 =	sshra.s32 s18, $0x2;
	s17 =	sadd.s32 $0x800, s17;
	(pc) =	sbr.rel @p1 .LBB2_3-.Ltmp3, $4  }
0x43: {  	[tilespmem:s17], [sflag:$0x1] =	stream.indirect_vreg.gather [hbm:s4], $0x80, v0, vm0, $0x38;
	[tilespmem:$0x14280] =	vst v63  }
0x44: {  	s19 =	sadd.s32 s19, s16;
	s20 =	sadd.s32 $0x400, s17  }
0x45: {  	[tilespmem:s20], [sflag:$0x1] =	stream.indirect_vreg.gather [hbm:s4], $0x80, v0, vm1, $0x38;
	[tilespmem:$0x14280] =	vst v63  }
0x46: {  	s18 =	sadd.s32 $0x40, s18;
	v0 =	vld.msk [tilespmem:s19+$0x0 ss:$0x1], $0xffff  }
0x47: {  	_ =	sdelay $0x3  }
0x48: {  	vm2 =	vgt.s32 v0, $0x0  }
0x49: {  	v0 =	vnsel vm2, $0x0, v0  }
0x4a: {  	v0 =	vmin.u32 v0, $0x270FF  }
0x4b: {  	v0 =	vshll.u32 v0, $0x4;
	_ =	sdelay $0x3  }
0x4c: {  	s16 =	sadd.s32 $0x800, s17  }
0x4d: {  	[tilespmem:s16], [sflag:$0x1] =	stream.indirect_vreg.gather [hbm:s4], $0x80, v0, vm0, $0x38;
	[tilespmem:$0x14280] =	vst v63  }
0x4e: {  	s16 =	sadd.s32 $0x400, s16  }
0x4f: {  	[tilespmem:s16], [sflag:$0x1] =	stream.indirect_vreg.gather [hbm:s4], $0x80, v0, vm1, $0x38;
	[tilespmem:$0x14280] =	vst v63  }
0x50: {  	s13 =	sshll.u32 s13, $0x4;
	_ =	swait.ge [sflag:s6], $0xA000  }
0x51: {  	s13 =	sadd.s32 s13, s9;
	[sflag:s6] =	ssyncset.done $0x0  }
0x52: {  	s17 =	sadd.s32 $0x0, s13;
	s16 =	simm.s32 $0x80;
	[sflag:s6] =	ssyncadd.s32 $0xFFFF6000  }
.LBB2_5:
0x53: {  	[hbm:s17] =	stream.linear.scatter [tilespmem:s14], [sflag:$0x3], $0x400, $0x38;
	[tilespmem:$0x14280] =	vst v63  }
0x54: {  	s17 =	smov.u32 s16;
	s14 =	smov.u32 s15;
	p1 =	sne.s32 s16, $0x1380  }
.Ltmp4:
0x55: {  	s16 =	sadd.s32 $0x80, s16;
	(pc) =	sbr.rel @p1 .LBB2_5-.Ltmp4, $2  }
0x56: {  	_ =	sdelay $0x2  }
0x57: {  	s15 =	sadd.s32 $0x400, s15;
	s17 =	sadd.s32 s17, s13  }
.Ltmp5:
0x58: {  	_ = 	snop;
	(pc) =	sbr.rel .LBB2_6-.Ltmp5, $1  }
0x59: {  	_ =	sdelay $0x3  }
.LBB2_8:
0x5a: {  	_ =	sfence.sel $0x180000  }
0x5b: {  	s2 =	simm.s32 $0x2;
	[bflag:$0x0] =	sbarrier.arrive $0xFFFF  }
0x5c: {  	s30 =	simm.s32 $0x3;
	[sflag:s2] =	ssyncpa.u1 $0x1  }
0x5d: {  	s31 =	simm.s32 $0x1;
	[sflag:s30] =	ssyncpa.u1 $0x1  }
0x5e: {  	[sflag:s31] =	ssyncpa.u1 $0x1  }
0x5f: {  	p0 =	sne.s32 s0, $0x0;
	_ =	strace $0x9000004A  }
0x60: {  	s0 =	sadd.s32 @!p0 $0x100000, s1;
	[bflag:$0x2] =	sbarrier.arrive $0xFFFF  }
0x61: {  	[sflag:s0] =	ssyncadd.tile.s32 @!p0 $0x1;
	_ =	shalt  }
.Lfunc_end2:
_tile_overlayer_lowered:
.L_overlay_start_2:
0x62: {  	(tag) =	ssettag $0x2  }
0x63: {  	s0 =	rddreg [dreg:$0x0];
	s2 =	stileid.u32  }
0x64: {  	s1 =	rddreg [dreg:$0x1];
	p0 =	sne.s32 s2, $0x0  }
0x65: {  	s3 =	rddreg [dreg:$0x2];
	[bflag:$0x3] =	sbarrier.arrive $0xFFFF;
	s2 =	simm.s32 @!p0 $0x1C01  }
0x66: {  	[timem:s3], [sflag:s2] =	dma.local @!p0 [hbm:s0], s1  }
0x67: {  	s0 =	simm.s32 @!p0 $0x1  }
0x68: {  	_ =	swait.ge @!p0 [sflag:s0], s1  }
0x69: {  	s1 =	ssub.s32 @!p0 $0x0, s1;
	[sflag:s0] =	ssyncset.done @!p0 $0x0  }
0x6a: {  	[sflag:s0] =	ssyncadd.s32 @!p0 s1  }
0x6b: {  	[bflag:$0x3] =	sbarrier.arrive $0xFFFF  }
0x6c: {  	_ =	shalt  }

// kernel: kernel.10.cloned.1.call-start
scs
__scs_entry_jumppad:
0x0: {  	(pc) =	sbr.rel $0x88, $3  }
0x1: {  	(tag) =	ssettag $0x0;
	lr =	simm.s32 $0x1  }
0x2: {  	[smem:$0x3F9B] =	sst lr;
	_ =	strace $0xD0000000  }
0x3: {  	_ = 	snop  }
0x4: {  	_ = 	snop  }
0x5: {  	_ = 	snop  }
0x6: {  	_ = 	snop  }
0x7: {  	_ = 	snop  }
__scs_overlays_trampoline_lowered:
0x8: {  	[smem:$0x3FAA] =	sst s0  }
0x9: {  	[smem:$0x3FAB] =	sst s1  }
0xa: {  	[smem:$0x3FAC] =	sst s2  }
0xb: {  	[smem:$0x3FAD] =	sst s3  }
0xc: {  	[smem:$0x3FAE] =	sst s4  }
0xd: {  	[smem:$0x3FAF] =	sst s5  }
0xe: {  	[smem:$0x3FB0] =	sst s6  }
0xf: {  	[smem:$0x3FB1] =	sst s7  }
0x10: {  	[smem:$0x3FB2] =	sst s8  }
0x11: {  	[smem:$0x3FB3] =	sst s9;
	s0 =	simm.s32 @!p0 $0x0  }
0x12: {  	s1 =	sld [smem:$0x3F99];
	s0 =	simm.s32 @p0 $0x1  }
0x13: {  	[smem:$0x3FB4] =	sst s0;
	s0 =	simm.s32 @!p1 $0x0  }
0x14: {  	s2 =	sld [smem:$0x3F98];
	s0 =	simm.s32 @p1 $0x1  }
0x15: {  	[smem:$0x3FB5] =	sst s0;
	s0 =	simm.s32 @!p2 $0x0  }
0x16: {  	s3 =	sld [smem:$0x3FDB];
	s0 =	simm.s32 @p2 $0x1  }
0x17: {  	s4 =	simm.s32 $0x1BF5;
	[smem:$0x3FB7] =	sst s0  }
0x18: {  	s0 =	sld [smem:$0x3F9A];
	_ =	swait.ge [sflag:s4], $0x0  }
0x19: {  	s7 =	sld [smem:$0x3F9B]  }
0x1a: {  	s8 =	sadd.s32 $0xFFFFE003, lr  }
0x1b: {  	s9 =	sadd.s32 $0xFFFFFEF7, lr;
	s5 =	simm.s32 $0xFFFFFFFF;
	p2 =	slt.u32 s8, $0xFFFFF086  }
0x1c: {  	p1 =	slt.u32 s9, $0xF7A;
	s5 =	simm.s32 @!p2 $0x0  }
0x1d: {  	s5 =	simm.s32 @p1 $0x1;
	p0 =	seq.s32 s7, s2  }
0x1e: {  	s7 =	smul.u32 @!p0 $0xF7A, s2;
	p2 =	seq.s32 @!p0 s5, $0x0  }
0x1f: {  	s9 =	smul.u32 $0xF7A, s1;
	s8 =	simm.s32 @!p0 $0x1BF5;
	p2 =	por !p2, p0  }
0x20: {  	[sflag:s8] =	ssyncset.s32 @!p0 $0xFFFFF086;
	s6 =	sadd.s32 @!p0 s3, s7;
	s7 =	simm.s32 @!p0 $0x108  }
0x21: {  	s3 =	sadd.s32 s3, s9;
	s6 =	sadd.s32 @!p0 $0x88, s6;
	s7 =	simm.s32 @p2 $0x1082  }
0x22: {  	[simem:s7], [sflag:s8] =	dma.local @!p0 [hbm:s6], $0xF7A  }
0x23: {  	s9 =	sor.u32 $0xD0000000, s2;
	s6 =	simm.s32 $0x108;
	_ =	swait.ge @!p0 [sflag:s8], $0x0  }
0x24: {  	s3 =	sadd.s32 $0x88, s3;
	s6 =	simm.s32 @!p1 $0x1082;
	[sflag:s4] =	ssyncset.s32 $0xFFFFF086  }
0x25: {  	[simem:s6], [sflag:s4] =	dma.local [hbm:s3], $0xF7A  }
0x26: {  	[smem:$0x3F9B] =	sst s1;
	(tag) =	ssettag s2;
	_ =	strace s9  }
0x27: {  	s1 =	sld [smem:$0x3FAB]  }
0x28: {  	s2 =	sld [smem:$0x3FAC]  }
0x29: {  	s4 =	sld [smem:$0x3FAE]  }
0x2a: {  	p0 =	seq.s32 s5, $0x0;
	s5 =	sld [smem:$0x3FAF]  }
0x2b: {  	s6 =	sld [smem:$0x3FB0]  }
0x2c: {  	s7 =	sld [smem:$0x3FB1]  }
0x2d: {  	s3 =	simm.s32 $0x108;
	s8 =	sld [smem:$0x3FB2]  }
0x2e: {  	s3 =	simm.s32 @!p0 $0x1082;
	s9 =	sld [smem:$0x3FB3]  }
0x2f: {  	lr =	sadd.s32 s0, s3;
	s0 =	sld [smem:$0x3FAA]  }
0x30: {  	s3 =	sld [smem:$0x3FAD]  }
0x31: {  	[smem:$0x3FB6] =	sst s10  }
0x32: {  	s10 =	sld [smem:$0x3FB4];
	_ =	sdelay $0x3  }
0x33: {  	p0 =	seq.s32 s10, $0x1;
	s10 =	sld [smem:$0x3FB6];
	_ =	sdelay $0x3  }
0x34: {  	[smem:$0x3FB6] =	sst s10  }
0x35: {  	s10 =	sld [smem:$0x3FB5];
	_ =	sdelay $0x3  }
0x36: {  	p1 =	seq.s32 s10, $0x1;
	s10 =	sld [smem:$0x3FB6];
	_ =	sdelay $0x3  }
0x37: {  	[smem:$0x3FB6] =	sst s10  }
0x38: {  	s10 =	sld [smem:$0x3FB7]  }
0x39: {  	_ = 	snop;
	(pc) =	sbr.ind lr, $3  }
0x3a: {  	_ = 	snop  }
0x3b: {  	_ = 	snop  }
0x3c: {  	p2 =	seq.s32 s10, $0x1;
	s10 =	sld [smem:$0x3FB6]  }
0x3d: {  	_ =	shalt  }
0x3e: {  	_ =	shalt  }
0x3f: {  	_ =	shalt  }
0x40: {  	_ =	shalt  }
0x41: {  	_ =	shalt  }
0x42: {  	_ =	shalt  }
0x43: {  	_ =	shalt  }
0x44: {  	_ =	shalt  }
0x45: {  	_ =	shalt  }
0x46: {  	_ =	shalt  }
0x47: {  	_ =	shalt  }
0x48: {  	_ =	shalt  }
0x49: {  	_ =	shalt  }
0x4a: {  	_ =	shalt  }
0x4b: {  	_ =	shalt  }
0x4c: {  	_ =	shalt  }
0x4d: {  	_ =	shalt  }
0x4e: {  	_ =	shalt  }
0x4f: {  	_ =	shalt  }
0x50: {  	_ =	shalt  }
0x51: {  	_ =	shalt  }
0x52: {  	_ =	shalt  }
0x53: {  	_ =	shalt  }
0x54: {  	_ =	shalt  }
0x55: {  	_ =	shalt  }
0x56: {  	_ =	shalt  }
0x57: {  	_ =	shalt  }
0x58: {  	_ =	shalt  }
0x59: {  	_ =	shalt  }
0x5a: {  	_ =	shalt  }
0x5b: {  	_ =	shalt  }
0x5c: {  	_ =	shalt  }
0x5d: {  	_ =	shalt  }
0x5e: {  	_ =	shalt  }
0x5f: {  	_ =	shalt  }
0x60: {  	_ =	shalt  }
0x61: {  	_ =	shalt  }
0x62: {  	_ =	shalt  }
0x63: {  	_ =	shalt  }
0x64: {  	_ =	shalt  }
0x65: {  	_ =	shalt  }
0x66: {  	_ =	shalt  }
0x67: {  	_ =	shalt  }
0x68: {  	_ =	shalt  }
0x69: {  	_ =	shalt  }
0x6a: {  	_ =	shalt  }
0x6b: {  	_ =	shalt  }
0x6c: {  	_ =	shalt  }
0x6d: {  	_ =	shalt  }
0x6e: {  	_ =	shalt  }
0x6f: {  	_ =	shalt  }
0x70: {  	_ =	shalt  }
0x71: {  	_ =	shalt  }
0x72: {  	_ =	shalt  }
0x73: {  	_ =	shalt  }
0x74: {  	_ =	shalt  }
0x75: {  	_ =	shalt  }
0x76: {  	_ =	shalt  }
0x77: {  	_ =	shalt  }
0x78: {  	_ =	shalt  }
0x79: {  	_ =	shalt  }
0x7a: {  	_ =	shalt  }
0x7b: {  	_ =	shalt  }
0x7c: {  	_ =	shalt  }
0x7d: {  	_ =	shalt  }
0x7e: {  	_ =	shalt  }
0x7f: {  	_ =	shalt  }
0x80: {  	_ =	shalt  }
0x81: {  	_ =	shalt  }
0x82: {  	_ =	shalt  }
0x83: {  	_ =	shalt  }
0x84: {  	_ =	shalt  }
0x85: {  	_ =	shalt  }
0x86: {  	_ =	shalt  }
0x87: {  	_ =	shalt  }
.Lfunc_end0:
.L_simem_size_0:
called_computation.2_lowered:
.L_overlay_start_0:
0x88: {  	s2 =	sld [smem:$0x3FD9]  }
0x89: {  	s3 =	sld [smem:$0x3FFE];
	_ =	sdelay $0x1  }
0x8a: {  	s1 =	srdreg.scid  }
0x8b: {  	s0 =	sand.u32 $0x1, s1  }
0x8c: {  	s17 =	sshll.u32 s0, $0xA;
	s2 =	sadd.s32 s3, s2  }
0x8d: {  	s2 =	sadd.s32 s2, s17  }
0x8e: {  	[smem:$0x3FC2] =	sst s2  }
0x8f: {  	_ = 	snop  }
0x90: {  	s2 =	sld [smem:$0x3FD0];
	(tm) =	ssettm $0x1  }
0x91: {  	s18 =	sld [smem:$0x3FFB];
	_ =	sdelay $0x3  }
0x92: {  	_ =	strace s18  }
0x93: {  	s3 =	sld [smem:$0x3FFC];
	_ =	sdelay $0x3  }
0x94: {  	_ =	strace s3  }
0x95: {  	s3 =	sld [smem:$0x3FFD];
	_ =	sdelay $0x3  }
0x96: {  	_ =	strace s3  }
0x97: {  	_ =	strace $0x8FFFFFFF  }
0x98: {  	s19 =	sld [smem:$0x3FDB];
	_ =	sdelay $0x1  }
0x99: {  	s4 =	simm.s32 $_scs_section_size  }
0x9a: {  	s5 =	simm.s32 $_size__tile_overlayer_lowered;
	s6 =	simm.s32 $_tile_overlayer_lowered  }
0x9b: {  	s22 =	simm.s32 $0x1BFF;
	s21 =	sshll.u32 s6, $0x1;
	s3 =	sadd.s32 s4, s19  }
0x9c: {  	s7 =	simm.s32 $0x0;
	s20 =	sshll.u32 s5, $0x1;
	s5 =	sadd.s32 s21, s3  }
0x9d: {  	[timem:s7], [sflag:s22] =	dma.local [hbm:s5], s20  }
0x9e: {  	_ =	swait.ge [sflag:s22], s20  }
0x9f: {  	s4 =	ssub.s32 $0x0, s20;
	[sflag:s22] =	ssyncset.done $0x0  }
0xa0: {  	[sflag:s22] =	ssyncadd.s32 s4;
	_ =	sdelay $0x1  }
0xa1: {  	s23 =	simm.s32 $0x1B8B  }
0xa2: {  	_ =	swait.ge [sflag:s23], $0x1  }
0xa3: {  	[sflag:s23] =	ssyncset.done $0x0  }
0xa4: {  	s25 =	simm.s32 $0x1B8E;
	s24 =	sld [smem:$0x3FFE];
	[sflag:s23] =	ssyncadd.s32 $0xFFFFFFFF  }
0xa5: {  	s26 =	simm.s32 $execute0_lowered;
	[smem:$0x3FD2] =	sst s25  }
0xa6: {  	s5 =	sshll.u32 s26, $0x1;
	_ =	strace $0x8000004C;
	[dreg:$0x1] =	wrdreg $0xFFFFFFFF  }
0xa7: {  	s28 =	simm.s32 $_size_execute0_lowered;
	s3 =	sadd.s32 s3, s5;
	[dreg:$0x0] =	wrdreg $0x0  }
0xa8: {  	s5 =	sshll.u32 s28, $0x1;
	[dreg:$0x2] =	wrdreg s3  }
0xa9: {  	[dreg:$0x3] =	wrdreg s5  }
0xaa: {  	[dreg:$0x4] =	wrdreg $0xC0  }
0xab: {  	_ =	task [dreg:s7], $0x5FFFF  }
0xac: {  	[dreg:$0x1] =	wrdreg $0xFFFFFFFF  }
0xad: {  	[dreg:$0x0] =	wrdreg $0x60  }
0xae: {  	[dreg:$0x2] =	wrdreg s2  }
0xaf: {  	[dreg:$0x3] =	wrdreg s24  }
0xb0: {  	[dreg:$0x4] =	wrdreg $0x0  }
0xb1: {  	[dreg:$0x5] =	wrdreg $0x138800  }
0xb2: {  	[dreg:$0x6] =	wrdreg $0x9  }
0xb3: {  	_ =	task.clear_ibuf [dreg:s7], $0x7FFFF;
	_ =	strace $0x9000004C  }
0xb4: {  	s29 =	simm.s32 $0x9;
	_ =	strace $0x8000004E  }
0xb5: {  	_ =	swait.ge [sflag:s29], $0x1  }
0xb6: {  	[sflag:s29] =	ssyncadd.s32 $0xFFFFFFFF  }
0xb7: {  	_ =	strace $0x9000004E  }
0xb8: {  	_ =	sfence  }
0xb9: {  	s30 =	sld [smem:$0x0];
	_ =	sdelay $0x2  }
0xba: {  	s31 =	sshll.u32 s1, $0xD;
	s1 =	sshrl.u32 s1, $0x2  }
0xbb: {  	s3 =	sand.u32 $0x4000, s31;
	s1 =	sadd.s32 s1, s30  }
0xbc: {  	s0 =	sor.u32 s3, s0;
	s1 =	sshll.u32 s1, $0x11  }
0xbd: {  	s0 =	sor.u32 s1, s0  }
0xbe: {  	s0 =	sadd.s32 $0x8F2B, s0  }
0xbf: {  	[sflag:s0] =	ssyncadd.remote.s32 $0x1  }
0xc0: {  	_ =	sfence.sel $0xFFFF  }
0xc1: {  	[dreg:$0x0] =	wrdreg $0xFFFFFFFF;
	(pc) =	sbr.abs _section_cstart, $3  }
0xc2: {  	[dreg:$0x1] =	wrdreg $0xFFFFFFFF  }
0xc3: {  	_ =	task.clear_ibuf [dreg:s7], $0x2FFFF;
	_ =	strace $0x9FFFFFFF  }
0xc4: {  	(tm) =	ssettm $0x7FFFFFFF  }
0xc5: {  	_ =	shalt  }
tec
execute0_lowered:
.L_overlay_start_1:
0x0: {  	(tag) =	ssettag $0x1  }
0x1: {  	s1 =	rddreg [dreg:$0x0]  }
0x2: {  	s2 =	rddreg [dreg:$0x1]  }
0x3: {  	s3 =	rddreg [dreg:$0x2]  }
0x4: {  	s4 =	rddreg [dreg:$0x3];
	s0 =	simm.s32 $0x0  }
0x5: {  	s11 =	stileid.u32;
	s5 =	srdreg.scid;
	s21 =	simm.s32 $0x14D80  }
0x6: {  	s22 =	simm.s32 $0x3;
	s24 =	simm.s32 $0x13D80;
	s28 =	simm.s32 $0x80  }
0x7: {  	s31 =	simm.s32 $0x18D80;
	s29 =	simm.s32 $0x14C00;
	s30 =	simm.s32 $0x14900  }
0x8: {  	s23 =	simm.s32 $0x14080;
	[smem:$0x7FF] =	sst s0;
	s7 =	sadd.s32 $0xA000, s2  }
0x9: {  	s8 =	sadd.s32 $0xF000, s2;
	s0 =	sadd.s32 $0x14000, s2;
	s6 =	smul.u32 $0x4E200, s11  }
0xa: {  	s9 =	sadd.s32 $0x19000, s2;
	s12 =	sadd.s32 $0x5600, s2;
	s5 =	sand.u32 $0x1, s5  }
0xb: {  	s13 =	sadd.s32 $0x5000, s2;
	_ =	strace $0x8000004D;
	[dreg:$0x5] =	wrdreg s9  }
0xc: {  	s15 =	smul.u32 $0xA00, s11;
	p0 =	seq.s32 s11, $0x0;
	[dreg:$0x6] =	wrdreg s12  }
0xd: {  	s25 =	sadd.s32 $0x40100, s2;
	[dreg:$0x7] =	wrdreg s13;
	s14 =	ssub.s32 $0x2, s5  }
0xe: {  	p1 =	seq.s32 s5, $0x1;
	s20 =	smul.u32 $0x2710, s5;
	s5 =	sor.u32 s5, s11  }
0xf: {  	[dreg:$0xe] =	wrdreg s25;
	s25 =	simm.s32 $0x14000;
	s13 =	simm.s32 $0x14D00  }
0x10: {  	s6 =	sshrl.u32 s6, $0x2;
	s10 =	sshrl.u32 s14, $0x1;
	p0 =	por !p0, !p1  }
0x11: {  	s2 =	smov.u32 @p1 s0;
	p1 =	sne.s32 s5, $0x0;
	s0 =	simm.s32 $0x1  }
0x12: {  	s5 =	simm.s32 $0x13E00;
	s12 =	sadd.s32 s6, s3;
	s9 =	ssub.s32 s14, s10  }
0x13: {  	s6 =	sshrl.u32 s15, $0x2;
	s16 =	sadd.s32 $0x4000, s12;
	[dreg:$0x8] =	wrdreg s12  }
0x14: {  	p0 =	por !p0, !p0;
	s17 =	sadd.s32 $0x8000, s12;
	[dreg:$0x9] =	wrdreg s16  }
0x15: {  	s15 =	simm.s32 $0x13F00;
	s18 =	sadd.s32 $0xC000, s12;
	[dreg:$0xa] =	wrdreg s17  }
0x16: {  	s10 =	simm.s32 $0x14100;
	s19 =	sadd.s32 $0x10000, s12;
	[dreg:$0xb] =	wrdreg s18  }
0x17: {  	s6 =	sadd.s32 s6, s4;
	s26 =	smax.u32 s9, $0x1;
	[dreg:$0xc] =	wrdreg s19  }
0x18: {  	s9 =	simm.s32 $0x14C80;
	s17 =	smul.u32 $0x500, s11;
	[dreg:$0xd] =	wrdreg s6  }
0x19: {  	[dreg:$0xf] =	wrdreg s26;
	s26 =	simm.s32 $0x14980;
	s6 =	simm.s32 $0x2  }
0x1a: {  	v1 =	vimm.f32 $0.0e+00;
	v0 =	vmov s20;
	s11 =	simm.s32 $0x13E80;
	s19 =	simm.s32 $0x13F80;
	s16 =	simm.s32 $0x0  }
.LBB2_1:
0x1b: {  	s14 =	simm.s32 $0x0  }
0x1c: {  	s12 =	sand.u32 $0xFE00, s14  }
0x1d: {  	[dreg:$0x10] =	wrdreg s16;
	s14 =	sand.u32 $0x70, s14;
	s20 =	sshrl.u32 s12, $0x2  }
0x1e: {  	s12 =	simm.s32 $0x40;
	s16 =	sor.u32 s14, s20;
	s14 =	simm.s32 $0x0  }
.LBB2_2:
0x1f: {  	p2 =	sne.s32 s12, $0xFFC0  }
0x20: {  	[tilespmem:s16+$0x14D80] =	vst v1;
	s14 =	sadd.s32 $0x10, s14;
	s16 =	smov.u32 s12;
	s12 =	sadd.s32 $0x40, s12  }
.Ltmp0:
0x21: {  	(pc) =	sbr.rel @p2 .LBB2_2-.Ltmp0, $4  }
0x22: {  	_ = 	snop  }
0x23: {  	s16 =	sand.u32 $0xFE00, s16  }
0x24: {  	s18 =	sand.u32 $0x70, s14;
	s16 =	sshrl.u32 s16, $0x2  }
0x25: {  	s16 =	sor.u32 s18, s16  }
0x26: {  	[tilespmem:s16+$0x14D80] =	vst v1  }
0x27: {  	[tilespmem:$0x13B00] =	vst v1  }
0x28: {  	[tilespmem:$0x13B10] =	vst v1  }
0x29: {  	[tilespmem:$0x13B20] =	vst v1  }
0x2a: {  	[tilespmem:$0x13B30] =	vst v1  }
0x2b: {  	[tilespmem:$0x13B40] =	vst v1  }
0x2c: {  	[tilespmem:$0x13B50] =	vst v1  }
0x2d: {  	[tilespmem:$0x13B60] =	vst v1  }
0x2e: {  	[tilespmem:$0x13B70] =	vst v1  }
0x2f: {  	[tilespmem:$0x13B80] =	vst v1  }
0x30: {  	[tilespmem:$0x13B90] =	vst v1  }
0x31: {  	[tilespmem:$0x13BA0] =	vst v1  }
0x32: {  	[tilespmem:$0x13BB0] =	vst v1  }
0x33: {  	[tilespmem:$0x13BC0] =	vst v1  }
0x34: {  	[tilespmem:$0x13BD0] =	vst v1  }
0x35: {  	[tilespmem:$0x13BE0] =	vst v1  }
0x36: {  	[tilespmem:$0x13BF0] =	vst v1  }
0x37: {  	[tilespmem:$0x13C00] =	vst v1  }
0x38: {  	[tilespmem:$0x13C10] =	vst v1  }
0x39: {  	[tilespmem:$0x13C20] =	vst v1  }
0x3a: {  	[tilespmem:$0x13C30] =	vst v1  }
0x3b: {  	[tilespmem:$0x13C40] =	vst v1  }
0x3c: {  	[tilespmem:$0x13C50] =	vst v1  }
0x3d: {  	[tilespmem:$0x13C60] =	vst v1  }
0x3e: {  	[tilespmem:$0x13C70] =	vst v1  }
0x3f: {  	[tilespmem:$0x13C80] =	vst v1  }
0x40: {  	[tilespmem:$0x13C90] =	vst v1  }
0x41: {  	[tilespmem:$0x13CA0] =	vst v1  }
0x42: {  	[tilespmem:$0x13CB0] =	vst v1  }
0x43: {  	[tilespmem:$0x13CC0] =	vst v1  }
0x44: {  	[tilespmem:$0x13CD0] =	vst v1  }
0x45: {  	[tilespmem:$0x13CE0] =	vst v1  }
0x46: {  	[tilespmem:$0x13CF0] =	vst v1  }
0x47: {  	[tilespmem:$0x13D00] =	vst v1  }
0x48: {  	[tilespmem:$0x13D10] =	vst v1  }
0x49: {  	[tilespmem:$0x13D20] =	vst v1  }
0x4a: {  	[tilespmem:$0x13D30] =	vst v1  }
0x4b: {  	[tilespmem:$0x13D40] =	vst v1  }
0x4c: {  	[tilespmem:$0x13D50] =	vst v1  }
0x4d: {  	[tilespmem:$0x13D60] =	vst v1  }
0x4e: {  	s12 =	rddreg [dreg:$0x8];
	[tilespmem:$0x13D70] =	vst v1  }
0x4f: {  	[spmem:s12] =	stream.linear.scatter [tilespmem:s21], [sflag:$0x3], $0x4000, $0x38;
	[tilespmem:$0x1CD80] =	vst v63  }
0x50: {  	_ =	swait.ge [sflag:s22], $0x4000  }
0x51: {  	[sflag:s22] =	ssyncset.done $0x0  }
0x52: {  	s20 =	rddreg [dreg:$0x9];
	[sflag:s22] =	ssyncadd.s32 $0xFFFFC000  }
0x53: {  	[spmem:s20] =	stream.linear.scatter [tilespmem:s21], [sflag:$0x3], $0x4000, $0x38;
	[tilespmem:$0x1CD80] =	vst v63  }
0x54: {  	_ =	swait.ge [sflag:s22], $0x4000  }
0x55: {  	[sflag:s22] =	ssyncset.done $0x0  }
0x56: {  	s14 =	rddreg [dreg:$0xa];
	[sflag:s22] =	ssyncadd.s32 $0xFFFFC000  }
0x57: {  	[spmem:s14] =	stream.linear.scatter [tilespmem:s21], [sflag:$0x3], $0x4000, $0x38;
	[tilespmem:$0x1CD80] =	vst v63  }
0x58: {  	_ =	swait.ge [sflag:s22], $0x4000  }
0x59: {  	[sflag:s22] =	ssyncset.done $0x0  }
0x5a: {  	s16 =	rddreg [dreg:$0xb];
	[sflag:s22] =	ssyncadd.s32 $0xFFFFC000  }
0x5b: {  	[spmem:s16] =	stream.linear.scatter [tilespmem:s21], [sflag:$0x3], $0x4000, $0x38;
	[tilespmem:$0x1CD80] =	vst v63  }
0x5c: {  	_ =	swait.ge [sflag:s22], $0x4000  }
0x5d: {  	[sflag:s22] =	ssyncset.done $0x0  }
0x5e: {  	s18 =	rddreg [dreg:$0xc];
	[sflag:s22] =	ssyncadd.s32 $0xFFFFC000  }
0x5f: {  	[spmem:s18] =	stream.linear.scatter [tilespmem:s21], [sflag:$0x3], $0x3880, $0x38;
	[tilespmem:$0x1CD80] =	vst v63  }
0x60: {  	_ =	swait.ge [sflag:s22], $0x3880  }
0x61: {  	[sflag:s22] =	ssyncset.done $0x0  }
0x62: {  	s14 =	simm.s32 $0x13B00;
	s20 =	rddreg [dreg:$0xd];
	[sflag:s22] =	ssyncadd.s32 $0xFFFFC780  }
0x63: {  	[spmem:s20] =	stream.linear.scatter [tilespmem:s14], [sflag:$0x3], $0x280, $0x38;
	[tilespmem:$0x1CD80] =	vst v63  }
0x64: {  	_ =	swait.ge [sflag:s22], $0x280  }
0x65: {  	[sflag:s22] =	ssyncset.done $0x0  }
0x66: {  	[sflag:s22] =	ssyncadd.s32 $0xFFFFFD80  }
0x67: {  	s16 =	simm.s32 $0x0;
	s14 =	simm.s32 $0x0;
	[bflag:$0x0] =	sbarrier.arrive $0xFFFF  }
.LBB2_4:
0x68: {  	s12 =	sshll.u32 s16, $0x7  }
0x69: {  	s12 =	sadd.s32 s17, s12  }
0x6a: {  	s18 =	sadd.s32 s7, s12  }
0x6b: {  	[tilespmem:s24], [sflag:$0x3] =	stream.linear.gather [hbm4b:s18+s14], $0x400, $0x38;
	[tilespmem:$0x1CD80] =	vst v63  }
0x6c: {  	_ =	swait.ge [sflag:s22], $0x400  }
0x6d: {  	[sflag:s22] =	ssyncset.done $0x0  }
0x6e: {  	s20 =	simm.s32 $0x14180;
	s18 =	sadd.s32 s8, s12;
	[sflag:s22] =	ssyncadd.s32 $0xFFFFFC00  }
0x6f: {  	[tilespmem:s20], [sflag:$0x3] =	stream.linear.gather [hbm4b:s18+s14], $0x400, $0x38;
	[tilespmem:$0x1CD80] =	vst v63  }
0x70: {  	_ =	swait.ge [sflag:s22], $0x400  }
0x71: {  	[sflag:s22] =	ssyncset.done $0x0  }
0x72: {  	s12 =	sadd.s32 s2, s12;
	[sflag:s22] =	ssyncadd.s32 $0xFFFFFC00  }
0x73: {  	[tilespmem:s26], [sflag:$0x3] =	stream.linear.gather [hbm4b:s12+s14], $0x400, $0x38;
	[tilespmem:$0x1CD80] =	vst v63  }
0x74: {  	_ =	swait.ge [sflag:s22], $0x400  }
0x75: {  	[sflag:s22] =	ssyncset.done $0x0  }
0x76: {  	s12 =	simm.s32 $0x0;
	[sflag:s22] =	ssyncadd.s32 $0xFFFFFC00  }
0x77: {  	s18 =	simm.s32 $0x40;
	v2 =	vld [tilespmem:s12+$0x14180]  }
.LBB2_5:
0x78: {  	p2 =	sne.s32 s18, $0xFC0  }
.Ltmp1:
0x79: {  	_ = 	snop;
	(pc) =	sbr.rel @p2 .LBB2_5-.Ltmp1, $3  }
0x7a: {  	_ =	sdelay $0x1  }
0x7b: {  	s20 =	sshra.s32 s18, $0x2;
	s18 =	sadd.s32 $0x40, s18;
	v3 =	vadd.s32 v0, v2  }
0x7c: {  	v2 =	vld [tilespmem:s20+$0x14180];
	[tilespmem:s12+$0x14580] =	vst v3;
	s12 =	smov.u32 s20  }
0x7d: {  	_ =	sdelay $0x3  }
0x7e: {  	v2 =	vadd.s32 v0, v2  }
0x7f: {  	s20 =	simm.s32 $0x14580;
	[tilespmem:s12+$0x14580] =	vst v2  }
0x80: {  	[tilespmem:s21], [sflag:$0x1] =	stream.indirect.gather [hbm4b:s1+s28], $0x80, s20, s28, $0xb8;
	[tilespmem:$0x1CD80] =	vst v63  }
0x81: {  	s18 =	simm.s32 $0x14600  }
0x82: {  	[tilespmem:s31], [sflag:$0x2] =	stream.indirect.gather [hbm4b:s1+s28], $0x80, s18, s28, $0xb8;
	[tilespmem:$0x1CD80] =	vst v63  }
0x83: {  	_ =	swait.ge [sflag:s0], $0x4000  }
0x84: {  	[sflag:s0] =	ssyncset.done $0x0  }
0x85: {  	s18 =	simm.s32 $0x14E80;
	[sflag:s0] =	ssyncadd.s32 $0xFFFFC000  }
0x86: {  	v5 =	vld [tilespmem:s18+$0xFFFFFFF0]  }
0x87: {  	v3 =	vld [tilespmem:s18+$0xB0]  }
0x88: {  	v4 =	vld [tilespmem:s18+$0xF0]  }
0x89: {  	v6 =	vld [tilespmem:s18+$0x40]  }
0x8a: {  	v7 =	vld [tilespmem:s18+$0xC0]  }
0x8b: {  	v8 =	vld [tilespmem:s18+$0xFFFFFF50]  }
0x8c: {  	v9 =	vld [tilespmem:s18+$0xFFFFFFD0]  }
0x8d: {  	v10 =	vld [tilespmem:s18+$0x50]  }
0x8e: {  	s20 =	simm.s32 $0x0;
	v11 =	vld [tilespmem:s18+$0xD0]  }
0x8f: {  	v2 =	vmov s20;
	v12 =	vld [tilespmem:s18+$0xFFFFFF60]  }
0x90: {  	v14 =	vld [tilespmem:s18+$0xFFFFFFE0]  }
0x91: {  	v16 =	vld [tilespmem:s18+$0x60]  }
0x92: {  	v13 =	vor.u32 $0x1, v2;
	v18 =	vld [tilespmem:s18+$0xE0]  }
0x93: {  	v15 =	vor.u32 $0x2, v2;
	v19 =	vld [tilespmem:s18+$0xFFFFFF70]  }
0x94: {  	v20 =	vld.idx.msk [tilespmem:v2+s26+$0x0], $0xffff  }
0x95: {  	v22 =	vld [tilespmem:s18+$0xFFFFFFB0]  }
0x96: {  	v17 =	vor.u32 $0x3, v2;
	v23 =	vld [tilespmem:s18+$0xFFFFFF30]  }
0x97: {  	v2 =	vld.idx.msk [tilespmem:v13+s26+$0x0], $0xffff  }
0x98: {  	v21 =	vld.idx.msk [tilespmem:v15+s26+$0x0], $0xffff  }
0x99: {  	v24 =	vld [tilespmem:s18+$0xA0]  }
0x9a: {  	v25 =	vld [tilespmem:s18+$0x10];
	v8 =	vmul.f32 v8, v20  }
0x9b: {  	v17 =	vld.idx.msk [tilespmem:v17+s26+$0x0], $0xffff;
	v12 =	vmul.f32 v12, v20  }
0x9c: {  	v26 =	vld [tilespmem:s18+$0xFFFFFF90];
	v14 =	vmul.f32 v14, v2;
	[tilespmem:s18+$0xFFFFFF50] =	vst v8  }
0x9d: {  	v27 =	vld [tilespmem:s18+$0xFFFFFF10];
	v6 =	vmul.f32 v6, v21;
	[tilespmem:s18+$0xFFFFFF60] =	vst v12  }
0x9e: {  	v62 =	vld [tilespmem:s18+$0x80];
	v9 =	vmul.f32 v9, v2;
	[tilespmem:s18+$0xFFFFFFE0] =	vst v14  }
0x9f: {  	v15 =	vld [tilespmem:s18+$0x30];
	v10 =	vmul.f32 v10, v21;
	[tilespmem:s18+$0x40] =	vst v6  }
0xa0: {  	v63 =	vld [tilespmem:s18+$0x0];
	v3 =	vmul.f32 v3, v17;
	[tilespmem:s18+$0xFFFFFFD0] =	vst v9  }
0xa1: {  	v29 =	vld [tilespmem:s18+$0xFFFFFF40];
	v7 =	vmul.f32 v7, v17;
	[tilespmem:s18+$0x50] =	vst v10  }
0xa2: {  	v13 =	vld [tilespmem:s18+$0x70];
	v5 =	vmul.f32 v5, v2;
	[tilespmem:s18+$0xB0] =	vst v3  }
0xa3: {  	v24 =	vmul.f32 v24, v17;
	v16 =	vmul.f32 v16, v21;
	v8 =	vld [tilespmem:s18+$0x20];
	[tilespmem:s18+$0xC0] =	vst v7  }
0xa4: {  	v28 =	vld [tilespmem:s18+$0xFFFFFF80];
	v9 =	vmul.f32 v15, v21;
	v10 =	vmul.f32 v11, v17;
	[tilespmem:s18+$0xFFFFFFF0] =	vst v5  }
0xa5: {  	v12 =	vld [tilespmem:s18+$0xFFFFFFA0];
	v11 =	vmul.f32 v22, v2;
	v3 =	vmul.f32 v18, v17;
	[tilespmem:s18+$0x60] =	vst v16  }
0xa6: {  	v14 =	vld [tilespmem:s18+$0xFFFFFF20];
	v18 =	vmul.f32 v23, v20;
	v7 =	vmul.f32 v4, v17;
	[tilespmem:s18+$0xA0] =	vst v24  }
0xa7: {  	v6 =	vld [tilespmem:s18+$0x90];
	v5 =	vmul.f32 v63, v21;
	v16 =	vmul.f32 v29, v20;
	[tilespmem:s18+$0x30] =	vst v9  }
0xa8: {  	v9 =	vmul.f32 v13, v21;
	[tilespmem:s18+$0xFFFFFFB0] =	vst v11;
	v4 =	vmul.f32 v8, v21;
	v8 =	vld [tilespmem:s18+$0xFFFFFF00]  }
0xa9: {  	v15 =	vld [tilespmem:s18+$0xFFFFFFC0];
	[tilespmem:s18+$0xF0] =	vst v7;
	v11 =	vmul.f32 v19, v20;
	v13 =	vmul.f32 v26, v2  }
0xaa: {  	v7 =	vmul.f32 v12, v2;
	[tilespmem:s18+$0x70] =	vst v9;
	v12 =	vmul.f32 v25, v21  }
0xab: {  	[tilespmem:s18+$0xFFFFFF70] =	vst v11;
	v11 =	vmul.f32 v62, v17;
	v9 =	vmul.f32 v14, v20  }
0xac: {  	[tilespmem:s18+$0xD0] =	vst v10;
	v10 =	vmul.f32 v6, v17;
	v14 =	vmul.f32 v27, v20  }
0xad: {  	s12 =	simm.s32 $0x15080;
	s20 =	simm.s32 $0x4;
	[tilespmem:s18+$0xFFFFFF30] =	vst v18;
	v6 =	vmul.f32 v28, v2;
	v8 =	vmul.f32 v8, v20  }
.LBB2_7:
0xae: {  	v17 =	vmov s20;
	v18 =	vld [tilespmem:s12+$0xFFFFFFF0];
	p2 =	sne.s32 s20, $0x7C;
	s20 =	sadd.s32 $0x4, s20;
	[tilespmem:s18+$0x20] =	vst v4;
	v2 =	vmul.f32 v15, v2  }
0xaf: {  	v4 =	vor.u32 $0x1, v17;
	v15 =	vld [tilespmem:s12+$0xB0];
	[tilespmem:s18+$0xFFFFFFA0] =	vst v7  }
0xb0: {  	v7 =	vor.u32 $0x2, v17;
	v19 =	vld [tilespmem:s12+$0xF0];
	[tilespmem:s18+$0xFFFFFF20] =	vst v9  }
0xb1: {  	v9 =	vor.u32 $0x3, v17;
	v20 =	vld [tilespmem:s12+$0x40];
	[tilespmem:s18+$0x90] =	vst v10  }
0xb2: {  	v10 =	vld [tilespmem:s12+$0xC0];
	[tilespmem:s18+$0x10] =	vst v12  }
0xb3: {  	v12 =	vld [tilespmem:s12+$0xFFFFFF50];
	[tilespmem:s18+$0xFFFFFF90] =	vst v13  }
0xb4: {  	v13 =	vld [tilespmem:s12+$0xFFFFFFD0];
	[tilespmem:s18+$0xFFFFFF10] =	vst v14  }
0xb5: {  	v14 =	vld [tilespmem:s12+$0x50];
	[tilespmem:s18+$0xFFFFFF40] =	vst v16  }
0xb6: {  	v16 =	vld [tilespmem:s12+$0xD0];
	[tilespmem:s18+$0x80] =	vst v11  }
0xb7: {  	v11 =	vld [tilespmem:s12+$0xFFFFFF60];
	[tilespmem:s18+$0xE0] =	vst v3  }
0xb8: {  	v3 =	vld [tilespmem:s12+$0xFFFFFFE0];
	[tilespmem:s18+$0xFFFFFFC0] =	vst v2  }
0xb9: {  	v21 =	vld [tilespmem:s12+$0x60];
	[tilespmem:s18+$0x0] =	vst v5  }
0xba: {  	v5 =	vld [tilespmem:s12+$0xE0];
	[tilespmem:s18+$0xFFFFFF80] =	vst v6  }
0xbb: {  	v6 =	vld [tilespmem:s12+$0xFFFFFF70];
	[tilespmem:s18+$0xFFFFFF00] =	vst v8;
	s18 =	smov.u32 s12  }
0xbc: {  	v17 =	vld.idx.msk [tilespmem:v17+s26+$0x0], $0xffff  }
0xbd: {  	v2 =	vld.idx.msk [tilespmem:v4+s26+$0x0], $0xffff  }
0xbe: {  	v8 =	vld.idx.msk [tilespmem:v7+s26+$0x0], $0xffff  }
0xbf: {  	v22 =	vld.idx.msk [tilespmem:v9+s26+$0x0], $0xffff  }
0xc0: {  	v4 =	vld [tilespmem:s12+$0x70]  }
0xc1: {  	v7 =	vld [tilespmem:s12+$0x30]  }
0xc2: {  	v12 =	vmul.f32 v12, v17;
	v11 =	vmul.f32 v11, v17;
	v9 =	vld [tilespmem:s12+$0xFFFFFFB0]  }
0xc3: {  	v13 =	vmul.f32 v13, v2;
	v3 =	vmul.f32 v3, v2;
	v23 =	vld [tilespmem:s12+$0xFFFFFF30]  }
0xc4: {  	v20 =	vmul.f32 v20, v8;
	v24 =	vld [tilespmem:s12+$0xA0];
	[tilespmem:s12+$0xFFFFFF50] =	vst v12;
	v12 =	vmul.f32 v14, v8  }
0xc5: {  	v15 =	vmul.f32 v15, v22;
	v10 =	vmul.f32 v10, v22;
	v14 =	vld [tilespmem:s12+$0x20];
	[tilespmem:s12+$0xFFFFFF60] =	vst v11  }
0xc6: {  	v16 =	vmul.f32 v16, v22;
	v11 =	vld [tilespmem:s12+$0xFFFFFFA0];
	v25 =	vmul.f32 v7, v8;
	[tilespmem:s12+$0xFFFFFFE0] =	vst v3  }
0xc7: {  	v3 =	vmul.f32 v5, v22;
	v26 =	vld [tilespmem:s12+$0xFFFFFF20];
	v27 =	vmul.f32 v9, v2;
	[tilespmem:s12+$0xFFFFFFD0] =	vst v13  }
0xc8: {  	v19 =	vmul.f32 v19, v22;
	v5 =	vld [tilespmem:s12+$0x90];
	v23 =	vmul.f32 v23, v17;
	[tilespmem:s12+$0x40] =	vst v20  }
0xc9: {  	v13 =	vld [tilespmem:s12+$0x10];
	v20 =	vmul.f32 v24, v22;
	[tilespmem:s12+$0x50] =	vst v12;
	v24 =	vmul.f32 v4, v8  }
0xca: {  	v21 =	vmul.f32 v21, v8;
	v28 =	vld [tilespmem:s12+$0xFFFFFF90];
	v4 =	vmul.f32 v14, v8;
	[tilespmem:s12+$0xB0] =	vst v15  }
0xcb: {  	v18 =	vmul.f32 v18, v2;
	v14 =	vld [tilespmem:s12+$0xFFFFFF10];
	v7 =	vmul.f32 v11, v2;
	[tilespmem:s12+$0xC0] =	vst v10  }
0xcc: {  	v6 =	vmul.f32 v6, v17;
	v11 =	vld [tilespmem:s12+$0x80];
	v9 =	vmul.f32 v26, v17;
	[tilespmem:s12+$0x30] =	vst v25  }
0xcd: {  	v25 =	vld [tilespmem:s12+$0x0];
	v10 =	vmul.f32 v5, v22;
	[tilespmem:s12+$0xD0] =	vst v16  }
0xce: {  	v16 =	vld [tilespmem:s12+$0xFFFFFF80];
	v12 =	vmul.f32 v13, v8;
	[tilespmem:s12+$0xFFFFFFB0] =	vst v27  }
0xcf: {  	v26 =	vld [tilespmem:s12+$0xFFFFFF00];
	v13 =	vmul.f32 v28, v2;
	[tilespmem:s12+$0xF0] =	vst v19  }
0xd0: {  	v14 =	vmul.f32 v14, v17;
	v19 =	vld [tilespmem:s12+$0xFFFFFF40];
	[tilespmem:s12+$0x70] =	vst v24  }
.Ltmp2:
0xd1: {  	v11 =	vmul.f32 v11, v22;
	v15 =	vld [tilespmem:s12+$0xFFFFFFC0];
	[tilespmem:s12+$0xFFFFFFF0] =	vst v18;
	(pc) =	sbr.rel @p2 .LBB2_7-.Ltmp2, $4  }
0xd2: {  	v5 =	vmul.f32 v25, v8;
	[tilespmem:s12+$0xFFFFFF70] =	vst v6  }
0xd3: {  	v6 =	vmul.f32 v16, v2;
	[tilespmem:s12+$0xFFFFFF30] =	vst v23  }
0xd4: {  	v8 =	vmul.f32 v26, v17;
	[tilespmem:s12+$0x60] =	vst v21  }
0xd5: {  	s12 =	sadd.s32 $0x200, s12;
	[tilespmem:s18+$0xA0] =	vst v20;
	v16 =	vmul.f32 v19, v17  }
0xd6: {  	[tilespmem:s18+$0x20] =	vst v4  }
0xd7: {  	[tilespmem:s18+$0xFFFFFFA0] =	vst v7  }
0xd8: {  	[tilespmem:s18+$0xFFFFFF20] =	vst v9  }
0xd9: {  	[tilespmem:s18+$0x90] =	vst v10  }
0xda: {  	[tilespmem:s18+$0x10] =	vst v12  }
0xdb: {  	[tilespmem:s18+$0xFFFFFF90] =	vst v13  }
0xdc: {  	[tilespmem:s18+$0xFFFFFF10] =	vst v14  }
0xdd: {  	[tilespmem:s18+$0x80] =	vst v11  }
0xde: {  	[tilespmem:s18+$0xE0] =	vst v3  }
0xdf: {  	[tilespmem:s18+$0x0] =	vst v5  }
0xe0: {  	[tilespmem:s18+$0xFFFFFF80] =	vst v6  }
0xe1: {  	v2 =	vmul.f32 v15, v2;
	[tilespmem:s18+$0xFFFFFF00] =	vst v8  }
0xe2: {  	[tilespmem:s18+$0xFFFFFF40] =	vst v16  }
0xe3: {  	[tilespmem:s18+$0xFFFFFFC0] =	vst v2  }
0xe4: {  	[spmem:s3] =	stream.indirect.scatter.add.f32 [tilespmem:s21], [sflag:$0x3], $0x80, s24, s28, $0xb8;
	[tilespmem:$0x1CD80] =	vst v63  }
0xe5: {  	_ =	swait.ge [sflag:s22], $0x4000  }
0xe6: {  	[sflag:s22] =	ssyncset.done $0x0  }
0xe7: {  	[sflag:s22] =	ssyncadd.s32 $0xFFFFC000  }
0xe8: {  	[spmem:s4] =	stream.indirect.scatter.add.f32 [tilespmem:s26], [sflag:$0x3], $0x1, s24, s28, $0xb8;
	[tilespmem:$0x1CD80] =	vst v63  }
0xe9: {  	_ =	swait.ge [sflag:s22], $0x80  }
0xea: {  	[sflag:s22] =	ssyncset.done $0x0  }
0xeb: {  	s12 =	simm.s32 $0x14680;
	[sflag:s22] =	ssyncadd.s32 $0xFFFFFF80  }
0xec: {  	[tilespmem:s21], [sflag:$0x1] =	stream.indirect.gather [hbm4b:s1+s28], $0x80, s12, s28, $0xb8;
	[tilespmem:$0x1CD80] =	vst v63  }
0xed: {  	_ =	swait.ge [sflag:s6], $0x4000  }
0xee: {  	[sflag:s6] =	ssyncset.done $0x0  }
0xef: {  	s18 =	simm.s32 $0x18E80;
	[sflag:s6] =	ssyncadd.s32 $0xFFFFC000  }
0xf0: {  	v5 =	vld [tilespmem:s18+$0xFFFFFFF0]  }
0xf1: {  	v3 =	vld [tilespmem:s18+$0xB0]  }
0xf2: {  	v4 =	vld [tilespmem:s18+$0xF0]  }
0xf3: {  	v6 =	vld [tilespmem:s18+$0x40]  }
0xf4: {  	v7 =	vld [tilespmem:s18+$0xC0]  }
0xf5: {  	s20 =	simm.s32 $0x0;
	v8 =	vld [tilespmem:s18+$0xFFFFFF50]  }
0xf6: {  	v2 =	vmov s20;
	v9 =	vld [tilespmem:s18+$0xFFFFFFD0]  }
0xf7: {  	v2 =	vadd.s32 $0x80, v2;
	v10 =	vld [tilespmem:s18+$0x50]  }
0xf8: {  	v2 =	vbroadcast v2, $0x0;
	v11 =	vld [tilespmem:s18+$0xD0]  }
0xf9: {  	v12 =	vld [tilespmem:s18+$0xFFFFFF60]  }
0xfa: {  	v13 =	vor.u32 $0x1, v2;
	v14 =	vld [tilespmem:s18+$0xFFFFFFE0]  }
0xfb: {  	v15 =	vor.u32 $0x2, v2;
	v16 =	vld [tilespmem:s18+$0x60]  }
0xfc: {  	v17 =	vor.u32 $0x3, v2;
	v18 =	vld [tilespmem:s18+$0xE0]  }
0xfd: {  	v19 =	vld [tilespmem:s18+$0xFFFFFF70]  }
0xfe: {  	v20 =	vld.idx.msk [tilespmem:v2+s26+$0x0], $0xffff  }
0xff: {  	v2 =	vld.idx.msk [tilespmem:v13+s26+$0x0], $0xffff  }
0x100: {  	v21 =	vld.idx.msk [tilespmem:v15+s26+$0x0], $0xffff  }
0x101: {  	v17 =	vld.idx.msk [tilespmem:v17+s26+$0x0], $0xffff  }
0x102: {  	v13 =	vld [tilespmem:s18+$0x70]  }
0x103: {  	v15 =	vld [tilespmem:s18+$0x30]  }
0x104: {  	v22 =	vld [tilespmem:s18+$0xFFFFFFB0];
	v8 =	vmul.f32 v8, v20  }
0x105: {  	v23 =	vld [tilespmem:s18+$0xFFFFFF30];
	v12 =	vmul.f32 v12, v20  }
0x106: {  	v24 =	vld [tilespmem:s18+$0xA0];
	v14 =	vmul.f32 v14, v2;
	[tilespmem:s18+$0xFFFFFF50] =	vst v8  }
0x107: {  	v25 =	vld [tilespmem:s18+$0xFFFFFF90];
	v6 =	vmul.f32 v6, v21;
	[tilespmem:s18+$0xFFFFFF60] =	vst v12  }
0x108: {  	v26 =	vld [tilespmem:s18+$0xFFFFFF10];
	v9 =	vmul.f32 v9, v2;
	[tilespmem:s18+$0xFFFFFFE0] =	vst v14  }
0x109: {  	v61 =	vld [tilespmem:s18+$0x80];
	v10 =	vmul.f32 v10, v21;
	[tilespmem:s18+$0x40] =	vst v6  }
0x10a: {  	v63 =	vld [tilespmem:s18+$0xFFFFFF80];
	v3 =	vmul.f32 v3, v17;
	[tilespmem:s18+$0xFFFFFFD0] =	vst v9  }
0x10b: {  	v28 =	vld [tilespmem:s18+$0xFFFFFF40];
	v15 =	vmul.f32 v15, v21;
	[tilespmem:s18+$0x50] =	vst v10  }
0x10c: {  	v7 =	vmul.f32 v7, v17;
	v8 =	vld [tilespmem:s18+$0x20];
	[tilespmem:s18+$0xB0] =	vst v3  }
0x10d: {  	v62 =	vmul.f32 v24, v17;
	v5 =	vmul.f32 v5, v2;
	v12 =	vld [tilespmem:s18+$0xFFFFFFA0];
	[tilespmem:s18+$0x30] =	vst v15  }
0x10e: {  	v16 =	vmul.f32 v16, v21;
	v19 =	vmul.f32 v19, v20;
	v14 =	vld [tilespmem:s18+$0xFFFFFF20];
	[tilespmem:s18+$0xC0] =	vst v7  }
0x10f: {  	v6 =	vld [tilespmem:s18+$0x90];
	v10 =	vmul.f32 v11, v17;
	v11 =	vmul.f32 v22, v2;
	[tilespmem:s18+$0xFFFFFFF0] =	vst v5  }
0x110: {  	v9 =	vld [tilespmem:s18+$0x10];
	v3 =	vmul.f32 v18, v17;
	v18 =	vmul.f32 v23, v20;
	[tilespmem:s18+$0x60] =	vst v16  }
0x111: {  	v7 =	vld [tilespmem:s18+$0x0];
	v15 =	vmul.f32 v4, v17;
	v16 =	vmul.f32 v28, v20;
	[tilespmem:s18+$0xD0] =	vst v10  }
0x112: {  	v27 =	vld [tilespmem:s18+$0xFFFFFF00];
	v10 =	vmul.f32 v13, v21;
	[tilespmem:s18+$0xFFFFFFB0] =	vst v11;
	v13 =	vmul.f32 v25, v2  }
0x113: {  	[tilespmem:s18+$0xF0] =	vst v15;
	v15 =	vld [tilespmem:s18+$0xFFFFFFC0];
	v4 =	vmul.f32 v8, v21;
	v8 =	vmul.f32 v12, v2  }
0x114: {  	[tilespmem:s18+$0x70] =	vst v10;
	v10 =	vmul.f32 v14, v20;
	v11 =	vmul.f32 v6, v17  }
0x115: {  	[tilespmem:s18+$0xFFFFFF70] =	vst v19;
	v12 =	vmul.f32 v9, v21;
	v14 =	vmul.f32 v26, v20  }
0x116: {  	[tilespmem:s18+$0xA0] =	vst v62;
	v9 =	vmul.f32 v61, v17;
	v5 =	vmul.f32 v7, v21  }
0x117: {  	s20 =	simm.s32 $0x4;
	s12 =	simm.s32 $0x19080;
	[tilespmem:s18+$0xFFFFFF30] =	vst v18;
	v6 =	vmul.f32 v63, v2;
	v7 =	vmul.f32 v27, v20  }
.LBB2_9:
0x118: {  	v17 =	vmov s20;
	v18 =	vld [tilespmem:s12+$0xFFFFFFF0];
	p2 =	sne.s32 s20, $0x7C;
	s20 =	sadd.s32 $0x4, s20;
	[tilespmem:s18+$0x20] =	vst v4;
	v2 =	vmul.f32 v15, v2  }
0x119: {  	v4 =	vadd.s32 $0x80, v17;
	v15 =	vld [tilespmem:s12+$0xB0];
	[tilespmem:s18+$0xFFFFFFA0] =	vst v8  }
0x11a: {  	v4 =	vbroadcast v4, $0x0;
	v8 =	vld [tilespmem:s12+$0xF0];
	[tilespmem:s18+$0xFFFFFF20] =	vst v10  }
0x11b: {  	v10 =	vld [tilespmem:s12+$0x40];
	[tilespmem:s18+$0x90] =	vst v11  }
0x11c: {  	v11 =	vor.u32 $0x1, v4;
	v17 =	vld [tilespmem:s12+$0xC0];
	[tilespmem:s18+$0x10] =	vst v12  }
0x11d: {  	v12 =	vor.u32 $0x2, v4;
	v19 =	vld [tilespmem:s12+$0xFFFFFF50];
	[tilespmem:s18+$0xFFFFFF90] =	vst v13  }
0x11e: {  	v13 =	vor.u32 $0x3, v4;
	v20 =	vld [tilespmem:s12+$0xFFFFFFD0];
	[tilespmem:s18+$0xFFFFFF10] =	vst v14  }
0x11f: {  	v14 =	vld [tilespmem:s12+$0x50];
	[tilespmem:s18+$0xFFFFFF40] =	vst v16  }
0x120: {  	v16 =	vld [tilespmem:s12+$0xD0];
	[tilespmem:s18+$0x80] =	vst v9  }
0x121: {  	v9 =	vld [tilespmem:s12+$0xFFFFFF60];
	[tilespmem:s18+$0xE0] =	vst v3  }
0x122: {  	v3 =	vld [tilespmem:s12+$0xFFFFFFE0];
	[tilespmem:s18+$0xFFFFFFC0] =	vst v2  }
0x123: {  	v21 =	vld [tilespmem:s12+$0x60];
	[tilespmem:s18+$0x0] =	vst v5  }
0x124: {  	v5 =	vld [tilespmem:s12+$0xE0];
	[tilespmem:s18+$0xFFFFFF80] =	vst v6  }
0x125: {  	v6 =	vld [tilespmem:s12+$0xFFFFFF70];
	[tilespmem:s18+$0xFFFFFF00] =	vst v7;
	s18 =	smov.u32 s12  }
0x126: {  	v22 =	vld.idx.msk [tilespmem:v4+s26+$0x0], $0xffff  }
0x127: {  	v2 =	vld.idx.msk [tilespmem:v11+s26+$0x0], $0xffff  }
0x128: {  	v7 =	vld.idx.msk [tilespmem:v12+s26+$0x0], $0xffff  }
0x129: {  	v23 =	vld.idx.msk [tilespmem:v13+s26+$0x0], $0xffff  }
0x12a: {  	v4 =	vld [tilespmem:s12+$0x70]  }
0x12b: {  	v11 =	vld [tilespmem:s12+$0x30]  }
0x12c: {  	v13 =	vmul.f32 v19, v22;
	v9 =	vmul.f32 v9, v22;
	v12 =	vld [tilespmem:s12+$0xFFFFFFB0]  }
0x12d: {  	v20 =	vmul.f32 v20, v2;
	v3 =	vmul.f32 v3, v2;
	v19 =	vld [tilespmem:s12+$0xFFFFFF30]  }
0x12e: {  	v10 =	vmul.f32 v10, v7;
	v24 =	vld [tilespmem:s12+$0xA0];
	[tilespmem:s12+$0xFFFFFF50] =	vst v13;
	v13 =	vmul.f32 v14, v7  }
0x12f: {  	v15 =	vmul.f32 v15, v23;
	v17 =	vmul.f32 v17, v23;
	v14 =	vld [tilespmem:s12+$0x20];
	[tilespmem:s12+$0xFFFFFF60] =	vst v9  }
0x130: {  	v16 =	vmul.f32 v16, v23;
	v9 =	vld [tilespmem:s12+$0xFFFFFFA0];
	v11 =	vmul.f32 v11, v7;
	[tilespmem:s12+$0xFFFFFFE0] =	vst v3  }
0x131: {  	v3 =	vmul.f32 v5, v23;
	v25 =	vld [tilespmem:s12+$0xFFFFFF20];
	v26 =	vmul.f32 v12, v2;
	[tilespmem:s12+$0xFFFFFFD0] =	vst v20  }
0x132: {  	v20 =	vmul.f32 v8, v23;
	v5 =	vld [tilespmem:s12+$0x90];
	v19 =	vmul.f32 v19, v22;
	[tilespmem:s12+$0x40] =	vst v10  }
0x133: {  	v27 =	vmul.f32 v4, v7;
	v12 =	vld [tilespmem:s12+$0x10];
	v24 =	vmul.f32 v24, v23;
	[tilespmem:s12+$0x50] =	vst v13  }
0x134: {  	v21 =	vmul.f32 v21, v7;
	v13 =	vld [tilespmem:s12+$0xFFFFFF90];
	v4 =	vmul.f32 v14, v7;
	[tilespmem:s12+$0xB0] =	vst v15  }
0x135: {  	v14 =	vld [tilespmem:s12+$0xFFFFFF10];
	v8 =	vmul.f32 v9, v2;
	[tilespmem:s12+$0xC0] =	vst v17;
	v17 =	vmul.f32 v18, v2  }
0x136: {  	v6 =	vmul.f32 v6, v22;
	v9 =	vld [tilespmem:s12+$0x80];
	v10 =	vmul.f32 v25, v22;
	[tilespmem:s12+$0x30] =	vst v11  }
0x137: {  	v18 =	vld [tilespmem:s12+$0x0];
	v11 =	vmul.f32 v5, v23;
	[tilespmem:s12+$0xD0] =	vst v16  }
0x138: {  	v16 =	vld [tilespmem:s12+$0xFFFFFF80];
	v12 =	vmul.f32 v12, v7;
	[tilespmem:s12+$0xFFFFFFB0] =	vst v26  }
0x139: {  	v25 =	vld [tilespmem:s12+$0xFFFFFF00];
	v13 =	vmul.f32 v13, v2;
	[tilespmem:s12+$0xF0] =	vst v20  }
0x13a: {  	v14 =	vmul.f32 v14, v22;
	v20 =	vld [tilespmem:s12+$0xFFFFFF40];
	[tilespmem:s12+$0x70] =	vst v27  }
.Ltmp3:
0x13b: {  	v9 =	vmul.f32 v9, v23;
	v15 =	vld [tilespmem:s12+$0xFFFFFFC0];
	[tilespmem:s12+$0xFFFFFFF0] =	vst v17;
	(pc) =	sbr.rel @p2 .LBB2_9-.Ltmp3, $4  }
0x13c: {  	v5 =	vmul.f32 v18, v7;
	[tilespmem:s12+$0xFFFFFF70] =	vst v6  }
0x13d: {  	v6 =	vmul.f32 v16, v2;
	[tilespmem:s12+$0xFFFFFF30] =	vst v19  }
0x13e: {  	v7 =	vmul.f32 v25, v22;
	[tilespmem:s12+$0x60] =	vst v21  }
0x13f: {  	s12 =	sadd.s32 $0x200, s12;
	[tilespmem:s18+$0xA0] =	vst v24;
	v16 =	vmul.f32 v20, v22  }
0x140: {  	[tilespmem:s18+$0x20] =	vst v4  }
0x141: {  	[tilespmem:s18+$0xFFFFFFA0] =	vst v8  }
0x142: {  	[tilespmem:s18+$0xFFFFFF20] =	vst v10  }
0x143: {  	[tilespmem:s18+$0x90] =	vst v11  }
0x144: {  	[tilespmem:s18+$0x10] =	vst v12  }
0x145: {  	[tilespmem:s18+$0xFFFFFF90] =	vst v13  }
0x146: {  	[tilespmem:s18+$0xFFFFFF10] =	vst v14  }
0x147: {  	[tilespmem:s18+$0x80] =	vst v9  }
0x148: {  	[tilespmem:s18+$0xE0] =	vst v3  }
0x149: {  	[tilespmem:s18+$0x0] =	vst v5  }
0x14a: {  	[tilespmem:s18+$0xFFFFFF80] =	vst v6  }
0x14b: {  	v2 =	vmul.f32 v15, v2;
	[tilespmem:s18+$0xFFFFFF00] =	vst v7  }
0x14c: {  	[tilespmem:s18+$0xFFFFFF40] =	vst v16  }
0x14d: {  	[tilespmem:s18+$0xFFFFFFC0] =	vst v2  }
0x14e: {  	[spmem:s3] =	stream.indirect.scatter.add.f32 [tilespmem:s31], [sflag:$0x3], $0x80, s5, s28, $0xb8;
	[tilespmem:$0x1CD80] =	vst v63  }
0x14f: {  	_ =	swait.ge [sflag:s22], $0x4000  }
0x150: {  	[sflag:s22] =	ssyncset.done $0x0  }
0x151: {  	s12 =	simm.s32 $0x14A00;
	[sflag:s22] =	ssyncadd.s32 $0xFFFFC000  }
0x152: {  	[spmem:s4] =	stream.indirect.scatter.add.f32 [tilespmem:s12], [sflag:$0x3], $0x1, s5, s28, $0xb8;
	[tilespmem:$0x1CD80] =	vst v63  }
0x153: {  	_ =	swait.ge [sflag:s22], $0x80  }
0x154: {  	[sflag:s22] =	ssyncset.done $0x0  }
0x155: {  	s18 =	simm.s32 $0x14700;
	[sflag:s22] =	ssyncadd.s32 $0xFFFFFF80  }
0x156: {  	[tilespmem:s31], [sflag:$0x2] =	stream.indirect.gather [hbm4b:s1+s28], $0x80, s18, s28, $0xb8;
	[tilespmem:$0x1CD80] =	vst v63  }
0x157: {  	_ =	swait.ge [sflag:s0], $0x4000  }
0x158: {  	[sflag:s0] =	ssyncset.done $0x0  }
0x159: {  	s18 =	simm.s32 $0x14E80;
	[sflag:s0] =	ssyncadd.s32 $0xFFFFC000  }
0x15a: {  	v5 =	vld [tilespmem:s18+$0xFFFFFFF0]  }
0x15b: {  	v3 =	vld [tilespmem:s18+$0xB0]  }
0x15c: {  	v4 =	vld [tilespmem:s18+$0xF0]  }
0x15d: {  	v6 =	vld [tilespmem:s18+$0x40]  }
0x15e: {  	v7 =	vld [tilespmem:s18+$0xC0]  }
0x15f: {  	s20 =	simm.s32 $0x0;
	v8 =	vld [tilespmem:s18+$0xFFFFFF50]  }
0x160: {  	v2 =	vmov s20;
	v9 =	vld [tilespmem:s18+$0xFFFFFFD0]  }
0x161: {  	v2 =	vadd.s32 $0x100, v2;
	v10 =	vld [tilespmem:s18+$0x50]  }
0x162: {  	v2 =	vbroadcast v2, $0x0;
	v11 =	vld [tilespmem:s18+$0xD0]  }
0x163: {  	v12 =	vld [tilespmem:s18+$0xFFFFFF60]  }
0x164: {  	v13 =	vor.u32 $0x1, v2;
	v14 =	vld [tilespmem:s18+$0xFFFFFFE0]  }
0x165: {  	v15 =	vor.u32 $0x2, v2;
	v16 =	vld [tilespmem:s18+$0x60]  }
0x166: {  	v17 =	vor.u32 $0x3, v2;
	v18 =	vld [tilespmem:s18+$0xE0]  }
0x167: {  	v19 =	vld [tilespmem:s18+$0xFFFFFF70]  }
0x168: {  	v20 =	vld.idx.msk [tilespmem:v2+s26+$0x0], $0xffff  }
0x169: {  	v2 =	vld.idx.msk [tilespmem:v13+s26+$0x0], $0xffff  }
0x16a: {  	v21 =	vld.idx.msk [tilespmem:v15+s26+$0x0], $0xffff  }
0x16b: {  	v17 =	vld.idx.msk [tilespmem:v17+s26+$0x0], $0xffff  }
0x16c: {  	v13 =	vld [tilespmem:s18+$0x70]  }
0x16d: {  	v15 =	vld [tilespmem:s18+$0x30]  }
0x16e: {  	v22 =	vld [tilespmem:s18+$0xFFFFFFB0];
	v8 =	vmul.f32 v8, v20  }
0x16f: {  	v23 =	vld [tilespmem:s18+$0xFFFFFF30];
	v12 =	vmul.f32 v12, v20  }
0x170: {  	v24 =	vld [tilespmem:s18+$0xA0];
	v14 =	vmul.f32 v14, v2;
	[tilespmem:s18+$0xFFFFFF50] =	vst v8  }
0x171: {  	v25 =	vld [tilespmem:s18+$0xFFFFFF90];
	v6 =	vmul.f32 v6, v21;
	[tilespmem:s18+$0xFFFFFF60] =	vst v12  }
0x172: {  	v26 =	vld [tilespmem:s18+$0xFFFFFF10];
	v9 =	vmul.f32 v9, v2;
	[tilespmem:s18+$0xFFFFFFE0] =	vst v14  }
0x173: {  	v61 =	vld [tilespmem:s18+$0x80];
	v10 =	vmul.f32 v10, v21;
	[tilespmem:s18+$0x40] =	vst v6  }
0x174: {  	v63 =	vld [tilespmem:s18+$0xFFFFFF80];
	v3 =	vmul.f32 v3, v17;
	[tilespmem:s18+$0xFFFFFFD0] =	vst v9  }
0x175: {  	v28 =	vld [tilespmem:s18+$0xFFFFFF40];
	v15 =	vmul.f32 v15, v21;
	[tilespmem:s18+$0x50] =	vst v10  }
0x176: {  	v7 =	vmul.f32 v7, v17;
	v8 =	vld [tilespmem:s18+$0x20];
	[tilespmem:s18+$0xB0] =	vst v3  }
0x177: {  	v62 =	vmul.f32 v24, v17;
	v5 =	vmul.f32 v5, v2;
	v12 =	vld [tilespmem:s18+$0xFFFFFFA0];
	[tilespmem:s18+$0x30] =	vst v15  }
0x178: {  	v16 =	vmul.f32 v16, v21;
	v19 =	vmul.f32 v19, v20;
	v14 =	vld [tilespmem:s18+$0xFFFFFF20];
	[tilespmem:s18+$0xC0] =	vst v7  }
0x179: {  	v6 =	vld [tilespmem:s18+$0x90];
	v10 =	vmul.f32 v11, v17;
	v11 =	vmul.f32 v22, v2;
	[tilespmem:s18+$0xFFFFFFF0] =	vst v5  }
0x17a: {  	v9 =	vld [tilespmem:s18+$0x10];
	v3 =	vmul.f32 v18, v17;
	v18 =	vmul.f32 v23, v20;
	[tilespmem:s18+$0x60] =	vst v16  }
0x17b: {  	v7 =	vld [tilespmem:s18+$0x0];
	v15 =	vmul.f32 v4, v17;
	v16 =	vmul.f32 v28, v20;
	[tilespmem:s18+$0xD0] =	vst v10  }
0x17c: {  	v27 =	vld [tilespmem:s18+$0xFFFFFF00];
	v10 =	vmul.f32 v13, v21;
	[tilespmem:s18+$0xFFFFFFB0] =	vst v11;
	v13 =	vmul.f32 v25, v2  }
0x17d: {  	[tilespmem:s18+$0xF0] =	vst v15;
	v15 =	vld [tilespmem:s18+$0xFFFFFFC0];
	v4 =	vmul.f32 v8, v21;
	v8 =	vmul.f32 v12, v2  }
0x17e: {  	[tilespmem:s18+$0x70] =	vst v10;
	v10 =	vmul.f32 v14, v20;
	v11 =	vmul.f32 v6, v17  }
0x17f: {  	[tilespmem:s18+$0xFFFFFF70] =	vst v19;
	v12 =	vmul.f32 v9, v21;
	v14 =	vmul.f32 v26, v20  }
0x180: {  	[tilespmem:s18+$0xA0] =	vst v62;
	v9 =	vmul.f32 v61, v17;
	v5 =	vmul.f32 v7, v21  }
0x181: {  	s20 =	simm.s32 $0x4;
	s12 =	simm.s32 $0x15080;
	[tilespmem:s18+$0xFFFFFF30] =	vst v18;
	v6 =	vmul.f32 v63, v2;
	v7 =	vmul.f32 v27, v20  }
.LBB2_11:
0x182: {  	v17 =	vmov s20;
	v18 =	vld [tilespmem:s12+$0xFFFFFFF0];
	p2 =	sne.s32 s20, $0x7C;
	s20 =	sadd.s32 $0x4, s20;
	[tilespmem:s18+$0x20] =	vst v4;
	v2 =	vmul.f32 v15, v2  }
0x183: {  	v4 =	vadd.s32 $0x100, v17;
	v15 =	vld [tilespmem:s12+$0xB0];
	[tilespmem:s18+$0xFFFFFFA0] =	vst v8  }
0x184: {  	v4 =	vbroadcast v4, $0x0;
	v8 =	vld [tilespmem:s12+$0xF0];
	[tilespmem:s18+$0xFFFFFF20] =	vst v10  }
0x185: {  	v10 =	vld [tilespmem:s12+$0x40];
	[tilespmem:s18+$0x90] =	vst v11  }
0x186: {  	v11 =	vor.u32 $0x1, v4;
	v17 =	vld [tilespmem:s12+$0xC0];
	[tilespmem:s18+$0x10] =	vst v12  }
0x187: {  	v12 =	vor.u32 $0x2, v4;
	v19 =	vld [tilespmem:s12+$0xFFFFFF50];
	[tilespmem:s18+$0xFFFFFF90] =	vst v13  }
0x188: {  	v13 =	vor.u32 $0x3, v4;
	v20 =	vld [tilespmem:s12+$0xFFFFFFD0];
	[tilespmem:s18+$0xFFFFFF10] =	vst v14  }
0x189: {  	v14 =	vld [tilespmem:s12+$0x50];
	[tilespmem:s18+$0xFFFFFF40] =	vst v16  }
0x18a: {  	v16 =	vld [tilespmem:s12+$0xD0];
	[tilespmem:s18+$0x80] =	vst v9  }
0x18b: {  	v9 =	vld [tilespmem:s12+$0xFFFFFF60];
	[tilespmem:s18+$0xE0] =	vst v3  }
0x18c: {  	v3 =	vld [tilespmem:s12+$0xFFFFFFE0];
	[tilespmem:s18+$0xFFFFFFC0] =	vst v2  }
0x18d: {  	v21 =	vld [tilespmem:s12+$0x60];
	[tilespmem:s18+$0x0] =	vst v5  }
0x18e: {  	v5 =	vld [tilespmem:s12+$0xE0];
	[tilespmem:s18+$0xFFFFFF80] =	vst v6  }
0x18f: {  	v6 =	vld [tilespmem:s12+$0xFFFFFF70];
	[tilespmem:s18+$0xFFFFFF00] =	vst v7;
	s18 =	smov.u32 s12  }
0x190: {  	v22 =	vld.idx.msk [tilespmem:v4+s26+$0x0], $0xffff  }
0x191: {  	v2 =	vld.idx.msk [tilespmem:v11+s26+$0x0], $0xffff  }
0x192: {  	v7 =	vld.idx.msk [tilespmem:v12+s26+$0x0], $0xffff  }
0x193: {  	v23 =	vld.idx.msk [tilespmem:v13+s26+$0x0], $0xffff  }
0x194: {  	v4 =	vld [tilespmem:s12+$0x70]  }
0x195: {  	v11 =	vld [tilespmem:s12+$0x30]  }
0x196: {  	v13 =	vmul.f32 v19, v22;
	v9 =	vmul.f32 v9, v22;
	v12 =	vld [tilespmem:s12+$0xFFFFFFB0]  }
0x197: {  	v20 =	vmul.f32 v20, v2;
	v3 =	vmul.f32 v3, v2;
	v19 =	vld [tilespmem:s12+$0xFFFFFF30]  }
0x198: {  	v10 =	vmul.f32 v10, v7;
	v24 =	vld [tilespmem:s12+$0xA0];
	[tilespmem:s12+$0xFFFFFF50] =	vst v13;
	v13 =	vmul.f32 v14, v7  }
0x199: {  	v15 =	vmul.f32 v15, v23;
	v17 =	vmul.f32 v17, v23;
	v14 =	vld [tilespmem:s12+$0x20];
	[tilespmem:s12+$0xFFFFFF60] =	vst v9  }
0x19a: {  	v16 =	vmul.f32 v16, v23;
	v9 =	vld [tilespmem:s12+$0xFFFFFFA0];
	v11 =	vmul.f32 v11, v7;
	[tilespmem:s12+$0xFFFFFFE0] =	vst v3  }
0x19b: {  	v3 =	vmul.f32 v5, v23;
	v25 =	vld [tilespmem:s12+$0xFFFFFF20];
	v26 =	vmul.f32 v12, v2;
	[tilespmem:s12+$0xFFFFFFD0] =	vst v20  }
0x19c: {  	v20 =	vmul.f32 v8, v23;
	v5 =	vld [tilespmem:s12+$0x90];
	v19 =	vmul.f32 v19, v22;
	[tilespmem:s12+$0x40] =	vst v10  }
0x19d: {  	v27 =	vmul.f32 v4, v7;
	v12 =	vld [tilespmem:s12+$0x10];
	v24 =	vmul.f32 v24, v23;
	[tilespmem:s12+$0x50] =	vst v13  }
0x19e: {  	v21 =	vmul.f32 v21, v7;
	v13 =	vld [tilespmem:s12+$0xFFFFFF90];
	v4 =	vmul.f32 v14, v7;
	[tilespmem:s12+$0xB0] =	vst v15  }
0x19f: {  	v14 =	vld [tilespmem:s12+$0xFFFFFF10];
	v8 =	vmul.f32 v9, v2;
	[tilespmem:s12+$0xC0] =	vst v17;
	v17 =	vmul.f32 v18, v2  }
0x1a0: {  	v6 =	vmul.f32 v6, v22;
	v9 =	vld [tilespmem:s12+$0x80];
	v10 =	vmul.f32 v25, v22;
	[tilespmem:s12+$0x30] =	vst v11  }
0x1a1: {  	v18 =	vld [tilespmem:s12+$0x0];
	v11 =	vmul.f32 v5, v23;
	[tilespmem:s12+$0xD0] =	vst v16  }
0x1a2: {  	v16 =	vld [tilespmem:s12+$0xFFFFFF80];
	v12 =	vmul.f32 v12, v7;
	[tilespmem:s12+$0xFFFFFFB0] =	vst v26  }
0x1a3: {  	v25 =	vld [tilespmem:s12+$0xFFFFFF00];
	v13 =	vmul.f32 v13, v2;
	[tilespmem:s12+$0xF0] =	vst v20  }
0x1a4: {  	v14 =	vmul.f32 v14, v22;
	v20 =	vld [tilespmem:s12+$0xFFFFFF40];
	[tilespmem:s12+$0x70] =	vst v27  }
.Ltmp4:
0x1a5: {  	v9 =	vmul.f32 v9, v23;
	v15 =	vld [tilespmem:s12+$0xFFFFFFC0];
	[tilespmem:s12+$0xFFFFFFF0] =	vst v17;
	(pc) =	sbr.rel @p2 .LBB2_11-.Ltmp4, $4  }
0x1a6: {  	v5 =	vmul.f32 v18, v7;
	[tilespmem:s12+$0xFFFFFF70] =	vst v6  }
0x1a7: {  	v6 =	vmul.f32 v16, v2;
	[tilespmem:s12+$0xFFFFFF30] =	vst v19  }
0x1a8: {  	v7 =	vmul.f32 v25, v22;
	[tilespmem:s12+$0x60] =	vst v21  }
0x1a9: {  	s12 =	sadd.s32 $0x200, s12;
	[tilespmem:s18+$0xA0] =	vst v24;
	v16 =	vmul.f32 v20, v22  }
0x1aa: {  	[tilespmem:s18+$0x20] =	vst v4  }
0x1ab: {  	[tilespmem:s18+$0xFFFFFFA0] =	vst v8  }
0x1ac: {  	[tilespmem:s18+$0xFFFFFF20] =	vst v10  }
0x1ad: {  	[tilespmem:s18+$0x90] =	vst v11  }
0x1ae: {  	[tilespmem:s18+$0x10] =	vst v12  }
0x1af: {  	[tilespmem:s18+$0xFFFFFF90] =	vst v13  }
0x1b0: {  	[tilespmem:s18+$0xFFFFFF10] =	vst v14  }
0x1b1: {  	[tilespmem:s18+$0x80] =	vst v9  }
0x1b2: {  	[tilespmem:s18+$0xE0] =	vst v3  }
0x1b3: {  	[tilespmem:s18+$0x0] =	vst v5  }
0x1b4: {  	[tilespmem:s18+$0xFFFFFF80] =	vst v6  }
0x1b5: {  	v2 =	vmul.f32 v15, v2;
	[tilespmem:s18+$0xFFFFFF00] =	vst v7  }
0x1b6: {  	[tilespmem:s18+$0xFFFFFF40] =	vst v16  }
0x1b7: {  	[tilespmem:s18+$0xFFFFFFC0] =	vst v2  }
0x1b8: {  	[spmem:s3] =	stream.indirect.scatter.add.f32 [tilespmem:s21], [sflag:$0x3], $0x80, s11, s28, $0xb8;
	[tilespmem:$0x1CD80] =	vst v63  }
0x1b9: {  	_ =	swait.ge [sflag:s22], $0x4000  }
0x1ba: {  	[sflag:s22] =	ssyncset.done $0x0  }
0x1bb: {  	s12 =	simm.s32 $0x14A80;
	[sflag:s22] =	ssyncadd.s32 $0xFFFFC000  }
0x1bc: {  	[spmem:s4] =	stream.indirect.scatter.add.f32 [tilespmem:s12], [sflag:$0x3], $0x1, s11, s28, $0xb8;
	[tilespmem:$0x1CD80] =	vst v63  }
0x1bd: {  	_ =	swait.ge [sflag:s22], $0x80  }
0x1be: {  	[sflag:s22] =	ssyncset.done $0x0  }
0x1bf: {  	s18 =	simm.s32 $0x14780;
	[sflag:s22] =	ssyncadd.s32 $0xFFFFFF80  }
0x1c0: {  	[tilespmem:s21], [sflag:$0x1] =	stream.indirect.gather [hbm4b:s1+s28], $0x80, s18, s28, $0xb8;
	[tilespmem:$0x1CD80] =	vst v63  }
0x1c1: {  	_ =	swait.ge [sflag:s6], $0x4000  }
0x1c2: {  	[sflag:s6] =	ssyncset.done $0x0  }
0x1c3: {  	s18 =	simm.s32 $0x18E80;
	[sflag:s6] =	ssyncadd.s32 $0xFFFFC000  }
0x1c4: {  	v5 =	vld [tilespmem:s18+$0xFFFFFFF0]  }
0x1c5: {  	v3 =	vld [tilespmem:s18+$0xB0]  }
0x1c6: {  	v4 =	vld [tilespmem:s18+$0xF0]  }
0x1c7: {  	v6 =	vld [tilespmem:s18+$0x40]  }
0x1c8: {  	v7 =	vld [tilespmem:s18+$0xC0]  }
0x1c9: {  	s20 =	simm.s32 $0x0;
	v8 =	vld [tilespmem:s18+$0xFFFFFF50]  }
0x1ca: {  	v2 =	vmov s20;
	v9 =	vld [tilespmem:s18+$0xFFFFFFD0]  }
0x1cb: {  	v2 =	vadd.s32 $0x180, v2;
	v10 =	vld [tilespmem:s18+$0x50]  }
0x1cc: {  	v2 =	vbroadcast v2, $0x0;
	v11 =	vld [tilespmem:s18+$0xD0]  }
0x1cd: {  	v12 =	vld [tilespmem:s18+$0xFFFFFF60]  }
0x1ce: {  	v13 =	vor.u32 $0x1, v2;
	v14 =	vld [tilespmem:s18+$0xFFFFFFE0]  }
0x1cf: {  	v15 =	vor.u32 $0x2, v2;
	v16 =	vld [tilespmem:s18+$0x60]  }
0x1d0: {  	v17 =	vor.u32 $0x3, v2;
	v18 =	vld [tilespmem:s18+$0xE0]  }
0x1d1: {  	v19 =	vld [tilespmem:s18+$0xFFFFFF70]  }
0x1d2: {  	v20 =	vld.idx.msk [tilespmem:v2+s26+$0x0], $0xffff  }
0x1d3: {  	v2 =	vld.idx.msk [tilespmem:v13+s26+$0x0], $0xffff  }
0x1d4: {  	v21 =	vld.idx.msk [tilespmem:v15+s26+$0x0], $0xffff  }
0x1d5: {  	v17 =	vld.idx.msk [tilespmem:v17+s26+$0x0], $0xffff  }
0x1d6: {  	v13 =	vld [tilespmem:s18+$0x70]  }
0x1d7: {  	v15 =	vld [tilespmem:s18+$0x30]  }
0x1d8: {  	v22 =	vld [tilespmem:s18+$0xFFFFFFB0];
	v8 =	vmul.f32 v8, v20  }
0x1d9: {  	v23 =	vld [tilespmem:s18+$0xFFFFFF30];
	v12 =	vmul.f32 v12, v20  }
0x1da: {  	v24 =	vld [tilespmem:s18+$0xA0];
	v14 =	vmul.f32 v14, v2;
	[tilespmem:s18+$0xFFFFFF50] =	vst v8  }
0x1db: {  	v25 =	vld [tilespmem:s18+$0xFFFFFF90];
	v6 =	vmul.f32 v6, v21;
	[tilespmem:s18+$0xFFFFFF60] =	vst v12  }
0x1dc: {  	v26 =	vld [tilespmem:s18+$0xFFFFFF10];
	v9 =	vmul.f32 v9, v2;
	[tilespmem:s18+$0xFFFFFFE0] =	vst v14  }
0x1dd: {  	v61 =	vld [tilespmem:s18+$0x80];
	v10 =	vmul.f32 v10, v21;
	[tilespmem:s18+$0x40] =	vst v6  }
0x1de: {  	v63 =	vld [tilespmem:s18+$0xFFFFFF80];
	v3 =	vmul.f32 v3, v17;
	[tilespmem:s18+$0xFFFFFFD0] =	vst v9  }
0x1df: {  	v28 =	vld [tilespmem:s18+$0xFFFFFF40];
	v15 =	vmul.f32 v15, v21;
	[tilespmem:s18+$0x50] =	vst v10  }
0x1e0: {  	v7 =	vmul.f32 v7, v17;
	v8 =	vld [tilespmem:s18+$0x20];
	[tilespmem:s18+$0xB0] =	vst v3  }
0x1e1: {  	v62 =	vmul.f32 v24, v17;
	v5 =	vmul.f32 v5, v2;
	v12 =	vld [tilespmem:s18+$0xFFFFFFA0];
	[tilespmem:s18+$0x30] =	vst v15  }
0x1e2: {  	v16 =	vmul.f32 v16, v21;
	v19 =	vmul.f32 v19, v20;
	v14 =	vld [tilespmem:s18+$0xFFFFFF20];
	[tilespmem:s18+$0xC0] =	vst v7  }
0x1e3: {  	v6 =	vld [tilespmem:s18+$0x90];
	v10 =	vmul.f32 v11, v17;
	v11 =	vmul.f32 v22, v2;
	[tilespmem:s18+$0xFFFFFFF0] =	vst v5  }
0x1e4: {  	v9 =	vld [tilespmem:s18+$0x10];
	v3 =	vmul.f32 v18, v17;
	v18 =	vmul.f32 v23, v20;
	[tilespmem:s18+$0x60] =	vst v16  }
0x1e5: {  	v7 =	vld [tilespmem:s18+$0x0];
	v15 =	vmul.f32 v4, v17;
	v16 =	vmul.f32 v28, v20;
	[tilespmem:s18+$0xD0] =	vst v10  }
0x1e6: {  	v27 =	vld [tilespmem:s18+$0xFFFFFF00];
	v10 =	vmul.f32 v13, v21;
	[tilespmem:s18+$0xFFFFFFB0] =	vst v11;
	v13 =	vmul.f32 v25, v2  }
0x1e7: {  	[tilespmem:s18+$0xF0] =	vst v15;
	v15 =	vld [tilespmem:s18+$0xFFFFFFC0];
	v4 =	vmul.f32 v8, v21;
	v8 =	vmul.f32 v12, v2  }
0x1e8: {  	[tilespmem:s18+$0x70] =	vst v10;
	v10 =	vmul.f32 v14, v20;
	v11 =	vmul.f32 v6, v17  }
0x1e9: {  	[tilespmem:s18+$0xFFFFFF70] =	vst v19;
	v12 =	vmul.f32 v9, v21;
	v14 =	vmul.f32 v26, v20  }
0x1ea: {  	[tilespmem:s18+$0xA0] =	vst v62;
	v9 =	vmul.f32 v61, v17;
	v5 =	vmul.f32 v7, v21  }
0x1eb: {  	s20 =	simm.s32 $0x4;
	s12 =	simm.s32 $0x19080;
	[tilespmem:s18+$0xFFFFFF30] =	vst v18;
	v6 =	vmul.f32 v63, v2;
	v7 =	vmul.f32 v27, v20  }
.LBB2_13:
0x1ec: {  	v17 =	vmov s20;
	v18 =	vld [tilespmem:s12+$0xFFFFFFF0];
	p2 =	sne.s32 s20, $0x7C;
	s20 =	sadd.s32 $0x4, s20;
	[tilespmem:s18+$0x20] =	vst v4;
	v2 =	vmul.f32 v15, v2  }
0x1ed: {  	v4 =	vadd.s32 $0x180, v17;
	v15 =	vld [tilespmem:s12+$0xB0];
	[tilespmem:s18+$0xFFFFFFA0] =	vst v8  }
0x1ee: {  	v4 =	vbroadcast v4, $0x0;
	v8 =	vld [tilespmem:s12+$0xF0];
	[tilespmem:s18+$0xFFFFFF20] =	vst v10  }
0x1ef: {  	v10 =	vld [tilespmem:s12+$0x40];
	[tilespmem:s18+$0x90] =	vst v11  }
0x1f0: {  	v11 =	vor.u32 $0x1, v4;
	v17 =	vld [tilespmem:s12+$0xC0];
	[tilespmem:s18+$0x10] =	vst v12  }
0x1f1: {  	v12 =	vor.u32 $0x2, v4;
	v19 =	vld [tilespmem:s12+$0xFFFFFF50];
	[tilespmem:s18+$0xFFFFFF90] =	vst v13  }
0x1f2: {  	v13 =	vor.u32 $0x3, v4;
	v20 =	vld [tilespmem:s12+$0xFFFFFFD0];
	[tilespmem:s18+$0xFFFFFF10] =	vst v14  }
0x1f3: {  	v14 =	vld [tilespmem:s12+$0x50];
	[tilespmem:s18+$0xFFFFFF40] =	vst v16  }
0x1f4: {  	v16 =	vld [tilespmem:s12+$0xD0];
	[tilespmem:s18+$0x80] =	vst v9  }
0x1f5: {  	v9 =	vld [tilespmem:s12+$0xFFFFFF60];
	[tilespmem:s18+$0xE0] =	vst v3  }
0x1f6: {  	v3 =	vld [tilespmem:s12+$0xFFFFFFE0];
	[tilespmem:s18+$0xFFFFFFC0] =	vst v2  }
0x1f7: {  	v21 =	vld [tilespmem:s12+$0x60];
	[tilespmem:s18+$0x0] =	vst v5  }
0x1f8: {  	v5 =	vld [tilespmem:s12+$0xE0];
	[tilespmem:s18+$0xFFFFFF80] =	vst v6  }
0x1f9: {  	v6 =	vld [tilespmem:s12+$0xFFFFFF70];
	[tilespmem:s18+$0xFFFFFF00] =	vst v7;
	s18 =	smov.u32 s12  }
0x1fa: {  	v22 =	vld.idx.msk [tilespmem:v4+s26+$0x0], $0xffff  }
0x1fb: {  	v2 =	vld.idx.msk [tilespmem:v11+s26+$0x0], $0xffff  }
0x1fc: {  	v7 =	vld.idx.msk [tilespmem:v12+s26+$0x0], $0xffff  }
0x1fd: {  	v23 =	vld.idx.msk [tilespmem:v13+s26+$0x0], $0xffff  }
0x1fe: {  	v4 =	vld [tilespmem:s12+$0x70]  }
0x1ff: {  	v11 =	vld [tilespmem:s12+$0x30]  }
0x200: {  	v13 =	vmul.f32 v19, v22;
	v9 =	vmul.f32 v9, v22;
	v12 =	vld [tilespmem:s12+$0xFFFFFFB0]  }
0x201: {  	v20 =	vmul.f32 v20, v2;
	v3 =	vmul.f32 v3, v2;
	v19 =	vld [tilespmem:s12+$0xFFFFFF30]  }
0x202: {  	v10 =	vmul.f32 v10, v7;
	v24 =	vld [tilespmem:s12+$0xA0];
	[tilespmem:s12+$0xFFFFFF50] =	vst v13;
	v13 =	vmul.f32 v14, v7  }
0x203: {  	v15 =	vmul.f32 v15, v23;
	v17 =	vmul.f32 v17, v23;
	v14 =	vld [tilespmem:s12+$0x20];
	[tilespmem:s12+$0xFFFFFF60] =	vst v9  }
0x204: {  	v16 =	vmul.f32 v16, v23;
	v9 =	vld [tilespmem:s12+$0xFFFFFFA0];
	v11 =	vmul.f32 v11, v7;
	[tilespmem:s12+$0xFFFFFFE0] =	vst v3  }
0x205: {  	v3 =	vmul.f32 v5, v23;
	v25 =	vld [tilespmem:s12+$0xFFFFFF20];
	v26 =	vmul.f32 v12, v2;
	[tilespmem:s12+$0xFFFFFFD0] =	vst v20  }
0x206: {  	v20 =	vmul.f32 v8, v23;
	v5 =	vld [tilespmem:s12+$0x90];
	v19 =	vmul.f32 v19, v22;
	[tilespmem:s12+$0x40] =	vst v10  }
0x207: {  	v27 =	vmul.f32 v4, v7;
	v12 =	vld [tilespmem:s12+$0x10];
	v24 =	vmul.f32 v24, v23;
	[tilespmem:s12+$0x50] =	vst v13  }
0x208: {  	v21 =	vmul.f32 v21, v7;
	v13 =	vld [tilespmem:s12+$0xFFFFFF90];
	v4 =	vmul.f32 v14, v7;
	[tilespmem:s12+$0xB0] =	vst v15  }
0x209: {  	v14 =	vld [tilespmem:s12+$0xFFFFFF10];
	v8 =	vmul.f32 v9, v2;
	[tilespmem:s12+$0xC0] =	vst v17;
	v17 =	vmul.f32 v18, v2  }
0x20a: {  	v6 =	vmul.f32 v6, v22;
	v9 =	vld [tilespmem:s12+$0x80];
	v10 =	vmul.f32 v25, v22;
	[tilespmem:s12+$0x30] =	vst v11  }
0x20b: {  	v18 =	vld [tilespmem:s12+$0x0];
	v11 =	vmul.f32 v5, v23;
	[tilespmem:s12+$0xD0] =	vst v16  }
0x20c: {  	v16 =	vld [tilespmem:s12+$0xFFFFFF80];
	v12 =	vmul.f32 v12, v7;
	[tilespmem:s12+$0xFFFFFFB0] =	vst v26  }
0x20d: {  	v25 =	vld [tilespmem:s12+$0xFFFFFF00];
	v13 =	vmul.f32 v13, v2;
	[tilespmem:s12+$0xF0] =	vst v20  }
0x20e: {  	v14 =	vmul.f32 v14, v22;
	v20 =	vld [tilespmem:s12+$0xFFFFFF40];
	[tilespmem:s12+$0x70] =	vst v27  }
.Ltmp5:
0x20f: {  	v9 =	vmul.f32 v9, v23;
	v15 =	vld [tilespmem:s12+$0xFFFFFFC0];
	[tilespmem:s12+$0xFFFFFFF0] =	vst v17;
	(pc) =	sbr.rel @p2 .LBB2_13-.Ltmp5, $4  }
0x210: {  	v5 =	vmul.f32 v18, v7;
	[tilespmem:s12+$0xFFFFFF70] =	vst v6  }
0x211: {  	v6 =	vmul.f32 v16, v2;
	[tilespmem:s12+$0xFFFFFF30] =	vst v19  }
0x212: {  	v7 =	vmul.f32 v25, v22;
	[tilespmem:s12+$0x60] =	vst v21  }
0x213: {  	s12 =	sadd.s32 $0x200, s12;
	[tilespmem:s18+$0xA0] =	vst v24;
	v16 =	vmul.f32 v20, v22  }
0x214: {  	[tilespmem:s18+$0x20] =	vst v4  }
0x215: {  	[tilespmem:s18+$0xFFFFFFA0] =	vst v8  }
0x216: {  	[tilespmem:s18+$0xFFFFFF20] =	vst v10  }
0x217: {  	[tilespmem:s18+$0x90] =	vst v11  }
0x218: {  	[tilespmem:s18+$0x10] =	vst v12  }
0x219: {  	[tilespmem:s18+$0xFFFFFF90] =	vst v13  }
0x21a: {  	[tilespmem:s18+$0xFFFFFF10] =	vst v14  }
0x21b: {  	[tilespmem:s18+$0x80] =	vst v9  }
0x21c: {  	[tilespmem:s18+$0xE0] =	vst v3  }
0x21d: {  	[tilespmem:s18+$0x0] =	vst v5  }
0x21e: {  	[tilespmem:s18+$0xFFFFFF80] =	vst v6  }
0x21f: {  	v2 =	vmul.f32 v15, v2;
	[tilespmem:s18+$0xFFFFFF00] =	vst v7  }
0x220: {  	[tilespmem:s18+$0xFFFFFF40] =	vst v16  }
0x221: {  	[tilespmem:s18+$0xFFFFFFC0] =	vst v2  }
0x222: {  	[spmem:s3] =	stream.indirect.scatter.add.f32 [tilespmem:s31], [sflag:$0x3], $0x80, s15, s28, $0xb8;
	[tilespmem:$0x1CD80] =	vst v63  }
0x223: {  	_ =	swait.ge [sflag:s22], $0x4000  }
0x224: {  	[sflag:s22] =	ssyncset.done $0x0  }
0x225: {  	s12 =	simm.s32 $0x14B00;
	[sflag:s22] =	ssyncadd.s32 $0xFFFFC000  }
0x226: {  	[spmem:s4] =	stream.indirect.scatter.add.f32 [tilespmem:s12], [sflag:$0x3], $0x1, s15, s28, $0xb8;
	[tilespmem:$0x1CD80] =	vst v63  }
0x227: {  	_ =	swait.ge [sflag:s22], $0x80  }
0x228: {  	[sflag:s22] =	ssyncset.done $0x0  }
0x229: {  	s18 =	simm.s32 $0x14800;
	[sflag:s22] =	ssyncadd.s32 $0xFFFFFF80  }
0x22a: {  	[tilespmem:s31], [sflag:$0x2] =	stream.indirect.gather [hbm4b:s1+s28], $0x80, s18, s28, $0xb8;
	[tilespmem:$0x1CD80] =	vst v63  }
0x22b: {  	_ =	swait.ge [sflag:s0], $0x4000  }
0x22c: {  	[sflag:s0] =	ssyncset.done $0x0  }
0x22d: {  	s18 =	simm.s32 $0x14E80;
	[sflag:s0] =	ssyncadd.s32 $0xFFFFC000  }
0x22e: {  	v5 =	vld [tilespmem:s18+$0xFFFFFFF0]  }
0x22f: {  	v3 =	vld [tilespmem:s18+$0xB0]  }
0x230: {  	v4 =	vld [tilespmem:s18+$0xF0]  }
0x231: {  	v6 =	vld [tilespmem:s18+$0x40]  }
0x232: {  	v7 =	vld [tilespmem:s18+$0xC0]  }
0x233: {  	s20 =	simm.s32 $0x0;
	v8 =	vld [tilespmem:s18+$0xFFFFFF50]  }
0x234: {  	v2 =	vmov s20;
	v9 =	vld [tilespmem:s18+$0xFFFFFFD0]  }
0x235: {  	v2 =	vadd.s32 $0x200, v2;
	v10 =	vld [tilespmem:s18+$0x50]  }
0x236: {  	v2 =	vbroadcast v2, $0x0;
	v11 =	vld [tilespmem:s18+$0xD0]  }
0x237: {  	v12 =	vld [tilespmem:s18+$0xFFFFFF60]  }
0x238: {  	v13 =	vor.u32 $0x1, v2;
	v14 =	vld [tilespmem:s18+$0xFFFFFFE0]  }
0x239: {  	v15 =	vor.u32 $0x2, v2;
	v16 =	vld [tilespmem:s18+$0x60]  }
0x23a: {  	v17 =	vor.u32 $0x3, v2;
	v18 =	vld [tilespmem:s18+$0xE0]  }
0x23b: {  	v19 =	vld [tilespmem:s18+$0xFFFFFF70]  }
0x23c: {  	v20 =	vld.idx.msk [tilespmem:v2+s26+$0x0], $0xffff  }
0x23d: {  	v2 =	vld.idx.msk [tilespmem:v13+s26+$0x0], $0xffff  }
0x23e: {  	v21 =	vld.idx.msk [tilespmem:v15+s26+$0x0], $0xffff  }
0x23f: {  	v17 =	vld.idx.msk [tilespmem:v17+s26+$0x0], $0xffff  }
0x240: {  	v13 =	vld [tilespmem:s18+$0x70]  }
0x241: {  	v15 =	vld [tilespmem:s18+$0x30]  }
0x242: {  	v22 =	vld [tilespmem:s18+$0xFFFFFFB0];
	v8 =	vmul.f32 v8, v20  }
0x243: {  	v23 =	vld [tilespmem:s18+$0xFFFFFF30];
	v12 =	vmul.f32 v12, v20  }
0x244: {  	v24 =	vld [tilespmem:s18+$0xA0];
	v14 =	vmul.f32 v14, v2;
	[tilespmem:s18+$0xFFFFFF50] =	vst v8  }
0x245: {  	v25 =	vld [tilespmem:s18+$0xFFFFFF90];
	v6 =	vmul.f32 v6, v21;
	[tilespmem:s18+$0xFFFFFF60] =	vst v12  }
0x246: {  	v26 =	vld [tilespmem:s18+$0xFFFFFF10];
	v9 =	vmul.f32 v9, v2;
	[tilespmem:s18+$0xFFFFFFE0] =	vst v14  }
0x247: {  	v61 =	vld [tilespmem:s18+$0x80];
	v10 =	vmul.f32 v10, v21;
	[tilespmem:s18+$0x40] =	vst v6  }
0x248: {  	v63 =	vld [tilespmem:s18+$0xFFFFFF80];
	v3 =	vmul.f32 v3, v17;
	[tilespmem:s18+$0xFFFFFFD0] =	vst v9  }
0x249: {  	v28 =	vld [tilespmem:s18+$0xFFFFFF40];
	v15 =	vmul.f32 v15, v21;
	[tilespmem:s18+$0x50] =	vst v10  }
0x24a: {  	v7 =	vmul.f32 v7, v17;
	v8 =	vld [tilespmem:s18+$0x20];
	[tilespmem:s18+$0xB0] =	vst v3  }
0x24b: {  	v62 =	vmul.f32 v24, v17;
	v5 =	vmul.f32 v5, v2;
	v12 =	vld [tilespmem:s18+$0xFFFFFFA0];
	[tilespmem:s18+$0x30] =	vst v15  }
0x24c: {  	v16 =	vmul.f32 v16, v21;
	v19 =	vmul.f32 v19, v20;
	v14 =	vld [tilespmem:s18+$0xFFFFFF20];
	[tilespmem:s18+$0xC0] =	vst v7  }
0x24d: {  	v6 =	vld [tilespmem:s18+$0x90];
	v10 =	vmul.f32 v11, v17;
	v11 =	vmul.f32 v22, v2;
	[tilespmem:s18+$0xFFFFFFF0] =	vst v5  }
0x24e: {  	v9 =	vld [tilespmem:s18+$0x10];
	v3 =	vmul.f32 v18, v17;
	v18 =	vmul.f32 v23, v20;
	[tilespmem:s18+$0x60] =	vst v16  }
0x24f: {  	v7 =	vld [tilespmem:s18+$0x0];
	v15 =	vmul.f32 v4, v17;
	v16 =	vmul.f32 v28, v20;
	[tilespmem:s18+$0xD0] =	vst v10  }
0x250: {  	v27 =	vld [tilespmem:s18+$0xFFFFFF00];
	v10 =	vmul.f32 v13, v21;
	[tilespmem:s18+$0xFFFFFFB0] =	vst v11;
	v13 =	vmul.f32 v25, v2  }
0x251: {  	[tilespmem:s18+$0xF0] =	vst v15;
	v15 =	vld [tilespmem:s18+$0xFFFFFFC0];
	v4 =	vmul.f32 v8, v21;
	v8 =	vmul.f32 v12, v2  }
0x252: {  	[tilespmem:s18+$0x70] =	vst v10;
	v10 =	vmul.f32 v14, v20;
	v11 =	vmul.f32 v6, v17  }
0x253: {  	[tilespmem:s18+$0xFFFFFF70] =	vst v19;
	v12 =	vmul.f32 v9, v21;
	v14 =	vmul.f32 v26, v20  }
0x254: {  	[tilespmem:s18+$0xA0] =	vst v62;
	v9 =	vmul.f32 v61, v17;
	v5 =	vmul.f32 v7, v21  }
0x255: {  	s20 =	simm.s32 $0x4;
	s12 =	simm.s32 $0x15080;
	[tilespmem:s18+$0xFFFFFF30] =	vst v18;
	v6 =	vmul.f32 v63, v2;
	v7 =	vmul.f32 v27, v20  }
.LBB2_15:
0x256: {  	v17 =	vmov s20;
	v18 =	vld [tilespmem:s12+$0xFFFFFFF0];
	p2 =	sne.s32 s20, $0x7C;
	s20 =	sadd.s32 $0x4, s20;
	[tilespmem:s18+$0x20] =	vst v4;
	v2 =	vmul.f32 v15, v2  }
0x257: {  	v4 =	vadd.s32 $0x200, v17;
	v15 =	vld [tilespmem:s12+$0xB0];
	[tilespmem:s18+$0xFFFFFFA0] =	vst v8  }
0x258: {  	v4 =	vbroadcast v4, $0x0;
	v8 =	vld [tilespmem:s12+$0xF0];
	[tilespmem:s18+$0xFFFFFF20] =	vst v10  }
0x259: {  	v10 =	vld [tilespmem:s12+$0x40];
	[tilespmem:s18+$0x90] =	vst v11  }
0x25a: {  	v11 =	vor.u32 $0x1, v4;
	v17 =	vld [tilespmem:s12+$0xC0];
	[tilespmem:s18+$0x10] =	vst v12  }
0x25b: {  	v12 =	vor.u32 $0x2, v4;
	v19 =	vld [tilespmem:s12+$0xFFFFFF50];
	[tilespmem:s18+$0xFFFFFF90] =	vst v13  }
0x25c: {  	v13 =	vor.u32 $0x3, v4;
	v20 =	vld [tilespmem:s12+$0xFFFFFFD0];
	[tilespmem:s18+$0xFFFFFF10] =	vst v14  }
0x25d: {  	v14 =	vld [tilespmem:s12+$0x50];
	[tilespmem:s18+$0xFFFFFF40] =	vst v16  }
0x25e: {  	v16 =	vld [tilespmem:s12+$0xD0];
	[tilespmem:s18+$0x80] =	vst v9  }
0x25f: {  	v9 =	vld [tilespmem:s12+$0xFFFFFF60];
	[tilespmem:s18+$0xE0] =	vst v3  }
0x260: {  	v3 =	vld [tilespmem:s12+$0xFFFFFFE0];
	[tilespmem:s18+$0xFFFFFFC0] =	vst v2  }
0x261: {  	v21 =	vld [tilespmem:s12+$0x60];
	[tilespmem:s18+$0x0] =	vst v5  }
0x262: {  	v5 =	vld [tilespmem:s12+$0xE0];
	[tilespmem:s18+$0xFFFFFF80] =	vst v6  }
0x263: {  	v6 =	vld [tilespmem:s12+$0xFFFFFF70];
	[tilespmem:s18+$0xFFFFFF00] =	vst v7;
	s18 =	smov.u32 s12  }
0x264: {  	v22 =	vld.idx.msk [tilespmem:v4+s26+$0x0], $0xffff  }
0x265: {  	v2 =	vld.idx.msk [tilespmem:v11+s26+$0x0], $0xffff  }
0x266: {  	v7 =	vld.idx.msk [tilespmem:v12+s26+$0x0], $0xffff  }
0x267: {  	v23 =	vld.idx.msk [tilespmem:v13+s26+$0x0], $0xffff  }
0x268: {  	v4 =	vld [tilespmem:s12+$0x70]  }
0x269: {  	v11 =	vld [tilespmem:s12+$0x30]  }
0x26a: {  	v13 =	vmul.f32 v19, v22;
	v9 =	vmul.f32 v9, v22;
	v12 =	vld [tilespmem:s12+$0xFFFFFFB0]  }
0x26b: {  	v20 =	vmul.f32 v20, v2;
	v3 =	vmul.f32 v3, v2;
	v19 =	vld [tilespmem:s12+$0xFFFFFF30]  }
0x26c: {  	v10 =	vmul.f32 v10, v7;
	v24 =	vld [tilespmem:s12+$0xA0];
	[tilespmem:s12+$0xFFFFFF50] =	vst v13;
	v13 =	vmul.f32 v14, v7  }
0x26d: {  	v15 =	vmul.f32 v15, v23;
	v17 =	vmul.f32 v17, v23;
	v14 =	vld [tilespmem:s12+$0x20];
	[tilespmem:s12+$0xFFFFFF60] =	vst v9  }
0x26e: {  	v16 =	vmul.f32 v16, v23;
	v9 =	vld [tilespmem:s12+$0xFFFFFFA0];
	v11 =	vmul.f32 v11, v7;
	[tilespmem:s12+$0xFFFFFFE0] =	vst v3  }
0x26f: {  	v3 =	vmul.f32 v5, v23;
	v25 =	vld [tilespmem:s12+$0xFFFFFF20];
	v26 =	vmul.f32 v12, v2;
	[tilespmem:s12+$0xFFFFFFD0] =	vst v20  }
0x270: {  	v20 =	vmul.f32 v8, v23;
	v5 =	vld [tilespmem:s12+$0x90];
	v19 =	vmul.f32 v19, v22;
	[tilespmem:s12+$0x40] =	vst v10  }
0x271: {  	v27 =	vmul.f32 v4, v7;
	v12 =	vld [tilespmem:s12+$0x10];
	v24 =	vmul.f32 v24, v23;
	[tilespmem:s12+$0x50] =	vst v13  }
0x272: {  	v21 =	vmul.f32 v21, v7;
	v13 =	vld [tilespmem:s12+$0xFFFFFF90];
	v4 =	vmul.f32 v14, v7;
	[tilespmem:s12+$0xB0] =	vst v15  }
0x273: {  	v14 =	vld [tilespmem:s12+$0xFFFFFF10];
	v8 =	vmul.f32 v9, v2;
	[tilespmem:s12+$0xC0] =	vst v17;
	v17 =	vmul.f32 v18, v2  }
0x274: {  	v6 =	vmul.f32 v6, v22;
	v9 =	vld [tilespmem:s12+$0x80];
	v10 =	vmul.f32 v25, v22;
	[tilespmem:s12+$0x30] =	vst v11  }
0x275: {  	v18 =	vld [tilespmem:s12+$0x0];
	v11 =	vmul.f32 v5, v23;
	[tilespmem:s12+$0xD0] =	vst v16  }
0x276: {  	v16 =	vld [tilespmem:s12+$0xFFFFFF80];
	v12 =	vmul.f32 v12, v7;
	[tilespmem:s12+$0xFFFFFFB0] =	vst v26  }
0x277: {  	v25 =	vld [tilespmem:s12+$0xFFFFFF00];
	v13 =	vmul.f32 v13, v2;
	[tilespmem:s12+$0xF0] =	vst v20  }
0x278: {  	v14 =	vmul.f32 v14, v22;
	v20 =	vld [tilespmem:s12+$0xFFFFFF40];
	[tilespmem:s12+$0x70] =	vst v27  }
.Ltmp6:
0x279: {  	v9 =	vmul.f32 v9, v23;
	v15 =	vld [tilespmem:s12+$0xFFFFFFC0];
	[tilespmem:s12+$0xFFFFFFF0] =	vst v17;
	(pc) =	sbr.rel @p2 .LBB2_15-.Ltmp6, $4  }
0x27a: {  	v5 =	vmul.f32 v18, v7;
	[tilespmem:s12+$0xFFFFFF70] =	vst v6  }
0x27b: {  	v6 =	vmul.f32 v16, v2;
	[tilespmem:s12+$0xFFFFFF30] =	vst v19  }
0x27c: {  	v7 =	vmul.f32 v25, v22;
	[tilespmem:s12+$0x60] =	vst v21  }
0x27d: {  	s12 =	sadd.s32 $0x200, s12;
	[tilespmem:s18+$0xA0] =	vst v24;
	v16 =	vmul.f32 v20, v22  }
0x27e: {  	[tilespmem:s18+$0x20] =	vst v4  }
0x27f: {  	[tilespmem:s18+$0xFFFFFFA0] =	vst v8  }
0x280: {  	[tilespmem:s18+$0xFFFFFF20] =	vst v10  }
0x281: {  	[tilespmem:s18+$0x90] =	vst v11  }
0x282: {  	[tilespmem:s18+$0x10] =	vst v12  }
0x283: {  	[tilespmem:s18+$0xFFFFFF90] =	vst v13  }
0x284: {  	[tilespmem:s18+$0xFFFFFF10] =	vst v14  }
0x285: {  	[tilespmem:s18+$0x80] =	vst v9  }
0x286: {  	[tilespmem:s18+$0xE0] =	vst v3  }
0x287: {  	[tilespmem:s18+$0x0] =	vst v5  }
0x288: {  	[tilespmem:s18+$0xFFFFFF80] =	vst v6  }
0x289: {  	v2 =	vmul.f32 v15, v2;
	[tilespmem:s18+$0xFFFFFF00] =	vst v7  }
0x28a: {  	[tilespmem:s18+$0xFFFFFF40] =	vst v16  }
0x28b: {  	[tilespmem:s18+$0xFFFFFFC0] =	vst v2  }
0x28c: {  	[spmem:s3] =	stream.indirect.scatter.add.f32 [tilespmem:s21], [sflag:$0x3], $0x80, s19, s28, $0xb8;
	[tilespmem:$0x1CD80] =	vst v63  }
0x28d: {  	_ =	swait.ge [sflag:s22], $0x4000  }
0x28e: {  	[sflag:s22] =	ssyncset.done $0x0  }
0x28f: {  	s12 =	simm.s32 $0x14B80;
	[sflag:s22] =	ssyncadd.s32 $0xFFFFC000  }
0x290: {  	[spmem:s4] =	stream.indirect.scatter.add.f32 [tilespmem:s12], [sflag:$0x3], $0x1, s19, s28, $0xb8;
	[tilespmem:$0x1CD80] =	vst v63  }
0x291: {  	_ =	swait.ge [sflag:s22], $0x80  }
0x292: {  	[sflag:s22] =	ssyncset.done $0x0  }
0x293: {  	s18 =	simm.s32 $0x14880;
	[sflag:s22] =	ssyncadd.s32 $0xFFFFFF80  }
0x294: {  	[tilespmem:s21], [sflag:$0x1] =	stream.indirect.gather [hbm4b:s1+s28], $0x80, s18, s28, $0xb8;
	[tilespmem:$0x1CD80] =	vst v63  }
0x295: {  	_ =	swait.ge [sflag:s6], $0x4000  }
0x296: {  	[sflag:s6] =	ssyncset.done $0x0  }
0x297: {  	s18 =	simm.s32 $0x18E80;
	[sflag:s6] =	ssyncadd.s32 $0xFFFFC000  }
0x298: {  	v5 =	vld [tilespmem:s18+$0xFFFFFFF0]  }
0x299: {  	v3 =	vld [tilespmem:s18+$0xB0]  }
0x29a: {  	v4 =	vld [tilespmem:s18+$0xF0]  }
0x29b: {  	v6 =	vld [tilespmem:s18+$0x40]  }
0x29c: {  	v7 =	vld [tilespmem:s18+$0xC0]  }
0x29d: {  	s20 =	simm.s32 $0x0;
	v8 =	vld [tilespmem:s18+$0xFFFFFF50]  }
0x29e: {  	v2 =	vmov s20;
	v9 =	vld [tilespmem:s18+$0xFFFFFFD0]  }
0x29f: {  	v2 =	vadd.s32 $0x280, v2;
	v10 =	vld [tilespmem:s18+$0x50]  }
0x2a0: {  	v2 =	vbroadcast v2, $0x0;
	v11 =	vld [tilespmem:s18+$0xD0]  }
0x2a1: {  	v12 =	vld [tilespmem:s18+$0xFFFFFF60]  }
0x2a2: {  	v13 =	vor.u32 $0x1, v2;
	v14 =	vld [tilespmem:s18+$0xFFFFFFE0]  }
0x2a3: {  	v15 =	vor.u32 $0x2, v2;
	v16 =	vld [tilespmem:s18+$0x60]  }
0x2a4: {  	v17 =	vor.u32 $0x3, v2;
	v18 =	vld [tilespmem:s18+$0xE0]  }
0x2a5: {  	v19 =	vld [tilespmem:s18+$0xFFFFFF70]  }
0x2a6: {  	v20 =	vld.idx.msk [tilespmem:v2+s26+$0x0], $0xffff  }
0x2a7: {  	v2 =	vld.idx.msk [tilespmem:v13+s26+$0x0], $0xffff  }
0x2a8: {  	v21 =	vld.idx.msk [tilespmem:v15+s26+$0x0], $0xffff  }
0x2a9: {  	v17 =	vld.idx.msk [tilespmem:v17+s26+$0x0], $0xffff  }
0x2aa: {  	v13 =	vld [tilespmem:s18+$0x70]  }
0x2ab: {  	v15 =	vld [tilespmem:s18+$0x30]  }
0x2ac: {  	v22 =	vld [tilespmem:s18+$0xFFFFFFB0];
	v8 =	vmul.f32 v8, v20  }
0x2ad: {  	v23 =	vld [tilespmem:s18+$0xFFFFFF30];
	v12 =	vmul.f32 v12, v20  }
0x2ae: {  	v24 =	vld [tilespmem:s18+$0xA0];
	v14 =	vmul.f32 v14, v2;
	[tilespmem:s18+$0xFFFFFF50] =	vst v8  }
0x2af: {  	v25 =	vld [tilespmem:s18+$0xFFFFFF90];
	v6 =	vmul.f32 v6, v21;
	[tilespmem:s18+$0xFFFFFF60] =	vst v12  }
0x2b0: {  	v26 =	vld [tilespmem:s18+$0xFFFFFF10];
	v9 =	vmul.f32 v9, v2;
	[tilespmem:s18+$0xFFFFFFE0] =	vst v14  }
0x2b1: {  	v61 =	vld [tilespmem:s18+$0x80];
	v10 =	vmul.f32 v10, v21;
	[tilespmem:s18+$0x40] =	vst v6  }
0x2b2: {  	v63 =	vld [tilespmem:s18+$0xFFFFFF80];
	v3 =	vmul.f32 v3, v17;
	[tilespmem:s18+$0xFFFFFFD0] =	vst v9  }
0x2b3: {  	v28 =	vld [tilespmem:s18+$0xFFFFFF40];
	v15 =	vmul.f32 v15, v21;
	[tilespmem:s18+$0x50] =	vst v10  }
0x2b4: {  	v7 =	vmul.f32 v7, v17;
	v8 =	vld [tilespmem:s18+$0x20];
	[tilespmem:s18+$0xB0] =	vst v3  }
0x2b5: {  	v62 =	vmul.f32 v24, v17;
	v5 =	vmul.f32 v5, v2;
	v12 =	vld [tilespmem:s18+$0xFFFFFFA0];
	[tilespmem:s18+$0x30] =	vst v15  }
0x2b6: {  	v16 =	vmul.f32 v16, v21;
	v19 =	vmul.f32 v19, v20;
	v14 =	vld [tilespmem:s18+$0xFFFFFF20];
	[tilespmem:s18+$0xC0] =	vst v7  }
0x2b7: {  	v6 =	vld [tilespmem:s18+$0x90];
	v10 =	vmul.f32 v11, v17;
	v11 =	vmul.f32 v22, v2;
	[tilespmem:s18+$0xFFFFFFF0] =	vst v5  }
0x2b8: {  	v9 =	vld [tilespmem:s18+$0x10];
	v3 =	vmul.f32 v18, v17;
	v18 =	vmul.f32 v23, v20;
	[tilespmem:s18+$0x60] =	vst v16  }
0x2b9: {  	v7 =	vld [tilespmem:s18+$0x0];
	v15 =	vmul.f32 v4, v17;
	v16 =	vmul.f32 v28, v20;
	[tilespmem:s18+$0xD0] =	vst v10  }
0x2ba: {  	v27 =	vld [tilespmem:s18+$0xFFFFFF00];
	v10 =	vmul.f32 v13, v21;
	[tilespmem:s18+$0xFFFFFFB0] =	vst v11;
	v13 =	vmul.f32 v25, v2  }
0x2bb: {  	[tilespmem:s18+$0xF0] =	vst v15;
	v15 =	vld [tilespmem:s18+$0xFFFFFFC0];
	v4 =	vmul.f32 v8, v21;
	v8 =	vmul.f32 v12, v2  }
0x2bc: {  	[tilespmem:s18+$0x70] =	vst v10;
	v10 =	vmul.f32 v14, v20;
	v11 =	vmul.f32 v6, v17  }
0x2bd: {  	[tilespmem:s18+$0xFFFFFF70] =	vst v19;
	v12 =	vmul.f32 v9, v21;
	v14 =	vmul.f32 v26, v20  }
0x2be: {  	[tilespmem:s18+$0xA0] =	vst v62;
	v9 =	vmul.f32 v61, v17;
	v5 =	vmul.f32 v7, v21  }
0x2bf: {  	s20 =	simm.s32 $0x4;
	s12 =	simm.s32 $0x19080;
	[tilespmem:s18+$0xFFFFFF30] =	vst v18;
	v6 =	vmul.f32 v63, v2;
	v7 =	vmul.f32 v27, v20  }
.LBB2_17:
0x2c0: {  	v17 =	vmov s20;
	v18 =	vld [tilespmem:s12+$0xFFFFFFF0];
	p2 =	sne.s32 s20, $0x7C;
	s20 =	sadd.s32 $0x4, s20;
	[tilespmem:s18+$0x20] =	vst v4;
	v2 =	vmul.f32 v15, v2  }
0x2c1: {  	v4 =	vadd.s32 $0x280, v17;
	v15 =	vld [tilespmem:s12+$0xB0];
	[tilespmem:s18+$0xFFFFFFA0] =	vst v8  }
0x2c2: {  	v4 =	vbroadcast v4, $0x0;
	v8 =	vld [tilespmem:s12+$0xF0];
	[tilespmem:s18+$0xFFFFFF20] =	vst v10  }
0x2c3: {  	v10 =	vld [tilespmem:s12+$0x40];
	[tilespmem:s18+$0x90] =	vst v11  }
0x2c4: {  	v11 =	vor.u32 $0x1, v4;
	v17 =	vld [tilespmem:s12+$0xC0];
	[tilespmem:s18+$0x10] =	vst v12  }
0x2c5: {  	v12 =	vor.u32 $0x2, v4;
	v19 =	vld [tilespmem:s12+$0xFFFFFF50];
	[tilespmem:s18+$0xFFFFFF90] =	vst v13  }
0x2c6: {  	v13 =	vor.u32 $0x3, v4;
	v20 =	vld [tilespmem:s12+$0xFFFFFFD0];
	[tilespmem:s18+$0xFFFFFF10] =	vst v14  }
0x2c7: {  	v14 =	vld [tilespmem:s12+$0x50];
	[tilespmem:s18+$0xFFFFFF40] =	vst v16  }
0x2c8: {  	v16 =	vld [tilespmem:s12+$0xD0];
	[tilespmem:s18+$0x80] =	vst v9  }
0x2c9: {  	v9 =	vld [tilespmem:s12+$0xFFFFFF60];
	[tilespmem:s18+$0xE0] =	vst v3  }
0x2ca: {  	v3 =	vld [tilespmem:s12+$0xFFFFFFE0];
	[tilespmem:s18+$0xFFFFFFC0] =	vst v2  }
0x2cb: {  	v21 =	vld [tilespmem:s12+$0x60];
	[tilespmem:s18+$0x0] =	vst v5  }
0x2cc: {  	v5 =	vld [tilespmem:s12+$0xE0];
	[tilespmem:s18+$0xFFFFFF80] =	vst v6  }
0x2cd: {  	v6 =	vld [tilespmem:s12+$0xFFFFFF70];
	[tilespmem:s18+$0xFFFFFF00] =	vst v7;
	s18 =	smov.u32 s12  }
0x2ce: {  	v22 =	vld.idx.msk [tilespmem:v4+s26+$0x0], $0xffff  }
0x2cf: {  	v2 =	vld.idx.msk [tilespmem:v11+s26+$0x0], $0xffff  }
0x2d0: {  	v7 =	vld.idx.msk [tilespmem:v12+s26+$0x0], $0xffff  }
0x2d1: {  	v23 =	vld.idx.msk [tilespmem:v13+s26+$0x0], $0xffff  }
0x2d2: {  	v4 =	vld [tilespmem:s12+$0x70]  }
0x2d3: {  	v11 =	vld [tilespmem:s12+$0x30]  }
0x2d4: {  	v13 =	vmul.f32 v19, v22;
	v9 =	vmul.f32 v9, v22;
	v12 =	vld [tilespmem:s12+$0xFFFFFFB0]  }
0x2d5: {  	v20 =	vmul.f32 v20, v2;
	v3 =	vmul.f32 v3, v2;
	v19 =	vld [tilespmem:s12+$0xFFFFFF30]  }
0x2d6: {  	v10 =	vmul.f32 v10, v7;
	v24 =	vld [tilespmem:s12+$0xA0];
	[tilespmem:s12+$0xFFFFFF50] =	vst v13;
	v13 =	vmul.f32 v14, v7  }
0x2d7: {  	v15 =	vmul.f32 v15, v23;
	v17 =	vmul.f32 v17, v23;
	v14 =	vld [tilespmem:s12+$0x20];
	[tilespmem:s12+$0xFFFFFF60] =	vst v9  }
0x2d8: {  	v16 =	vmul.f32 v16, v23;
	v9 =	vld [tilespmem:s12+$0xFFFFFFA0];
	v11 =	vmul.f32 v11, v7;
	[tilespmem:s12+$0xFFFFFFE0] =	vst v3  }
0x2d9: {  	v3 =	vmul.f32 v5, v23;
	v25 =	vld [tilespmem:s12+$0xFFFFFF20];
	v26 =	vmul.f32 v12, v2;
	[tilespmem:s12+$0xFFFFFFD0] =	vst v20  }
0x2da: {  	v20 =	vmul.f32 v8, v23;
	v5 =	vld [tilespmem:s12+$0x90];
	v19 =	vmul.f32 v19, v22;
	[tilespmem:s12+$0x40] =	vst v10  }
0x2db: {  	v27 =	vmul.f32 v4, v7;
	v12 =	vld [tilespmem:s12+$0x10];
	v24 =	vmul.f32 v24, v23;
	[tilespmem:s12+$0x50] =	vst v13  }
0x2dc: {  	v21 =	vmul.f32 v21, v7;
	v13 =	vld [tilespmem:s12+$0xFFFFFF90];
	v4 =	vmul.f32 v14, v7;
	[tilespmem:s12+$0xB0] =	vst v15  }
0x2dd: {  	v14 =	vld [tilespmem:s12+$0xFFFFFF10];
	v8 =	vmul.f32 v9, v2;
	[tilespmem:s12+$0xC0] =	vst v17;
	v17 =	vmul.f32 v18, v2  }
0x2de: {  	v6 =	vmul.f32 v6, v22;
	v9 =	vld [tilespmem:s12+$0x80];
	v10 =	vmul.f32 v25, v22;
	[tilespmem:s12+$0x30] =	vst v11  }
0x2df: {  	v18 =	vld [tilespmem:s12+$0x0];
	v11 =	vmul.f32 v5, v23;
	[tilespmem:s12+$0xD0] =	vst v16  }
0x2e0: {  	v16 =	vld [tilespmem:s12+$0xFFFFFF80];
	v12 =	vmul.f32 v12, v7;
	[tilespmem:s12+$0xFFFFFFB0] =	vst v26  }
0x2e1: {  	v25 =	vld [tilespmem:s12+$0xFFFFFF00];
	v13 =	vmul.f32 v13, v2;
	[tilespmem:s12+$0xF0] =	vst v20  }
0x2e2: {  	v14 =	vmul.f32 v14, v22;
	v20 =	vld [tilespmem:s12+$0xFFFFFF40];
	[tilespmem:s12+$0x70] =	vst v27  }
.Ltmp7:
0x2e3: {  	v9 =	vmul.f32 v9, v23;
	v15 =	vld [tilespmem:s12+$0xFFFFFFC0];
	[tilespmem:s12+$0xFFFFFFF0] =	vst v17;
	(pc) =	sbr.rel @p2 .LBB2_17-.Ltmp7, $4  }
0x2e4: {  	v5 =	vmul.f32 v18, v7;
	[tilespmem:s12+$0xFFFFFF70] =	vst v6  }
0x2e5: {  	v6 =	vmul.f32 v16, v2;
	[tilespmem:s12+$0xFFFFFF30] =	vst v19  }
0x2e6: {  	v7 =	vmul.f32 v25, v22;
	[tilespmem:s12+$0x60] =	vst v21  }
0x2e7: {  	s12 =	sadd.s32 $0x200, s12;
	[tilespmem:s18+$0xA0] =	vst v24;
	v16 =	vmul.f32 v20, v22  }
0x2e8: {  	[tilespmem:s18+$0x20] =	vst v4  }
0x2e9: {  	[tilespmem:s18+$0xFFFFFFA0] =	vst v8  }
0x2ea: {  	[tilespmem:s18+$0xFFFFFF20] =	vst v10  }
0x2eb: {  	[tilespmem:s18+$0x90] =	vst v11  }
0x2ec: {  	[tilespmem:s18+$0x10] =	vst v12  }
0x2ed: {  	[tilespmem:s18+$0xFFFFFF90] =	vst v13  }
0x2ee: {  	[tilespmem:s18+$0xFFFFFF10] =	vst v14  }
0x2ef: {  	[tilespmem:s18+$0x80] =	vst v9  }
0x2f0: {  	[tilespmem:s18+$0xE0] =	vst v3  }
0x2f1: {  	[tilespmem:s18+$0x0] =	vst v5  }
0x2f2: {  	[tilespmem:s18+$0xFFFFFF80] =	vst v6  }
0x2f3: {  	v2 =	vmul.f32 v15, v2;
	[tilespmem:s18+$0xFFFFFF00] =	vst v7  }
0x2f4: {  	[tilespmem:s18+$0xFFFFFF40] =	vst v16  }
0x2f5: {  	[tilespmem:s18+$0xFFFFFFC0] =	vst v2  }
0x2f6: {  	[spmem:s3] =	stream.indirect.scatter.add.f32 [tilespmem:s31], [sflag:$0x3], $0x80, s25, s28, $0xb8;
	[tilespmem:$0x1CD80] =	vst v63  }
0x2f7: {  	_ =	swait.ge [sflag:s22], $0x4000  }
0x2f8: {  	[sflag:s22] =	ssyncset.done $0x0  }
0x2f9: {  	[sflag:s22] =	ssyncadd.s32 $0xFFFFC000  }
0x2fa: {  	[spmem:s4] =	stream.indirect.scatter.add.f32 [tilespmem:s29], [sflag:$0x3], $0x1, s25, s28, $0xb8;
	[tilespmem:$0x1CD80] =	vst v63  }
0x2fb: {  	_ =	swait.ge [sflag:s22], $0x80  }
0x2fc: {  	[sflag:s22] =	ssyncset.done $0x0  }
0x2fd: {  	[sflag:s22] =	ssyncadd.s32 $0xFFFFFF80  }
0x2fe: {  	[tilespmem:s31], [sflag:$0x2] =	stream.indirect.gather [hbm4b:s1+s28], $0x80, s30, s28, $0xb8;
	[tilespmem:$0x1CD80] =	vst v63  }
0x2ff: {  	_ =	swait.ge [sflag:s0], $0x4000  }
0x300: {  	[sflag:s0] =	ssyncset.done $0x0  }
0x301: {  	s18 =	simm.s32 $0x14E80;
	[sflag:s0] =	ssyncadd.s32 $0xFFFFC000  }
0x302: {  	v5 =	vld [tilespmem:s18+$0xFFFFFFF0]  }
0x303: {  	v3 =	vld [tilespmem:s18+$0xB0]  }
0x304: {  	v4 =	vld [tilespmem:s18+$0xF0]  }
0x305: {  	v6 =	vld [tilespmem:s18+$0x40]  }
0x306: {  	v7 =	vld [tilespmem:s18+$0xC0]  }
0x307: {  	s12 =	simm.s32 $0x0;
	v8 =	vld [tilespmem:s18+$0xFFFFFF50]  }
0x308: {  	v2 =	vmov s12;
	v9 =	vld [tilespmem:s18+$0xFFFFFFD0]  }
0x309: {  	v2 =	vadd.s32 $0x300, v2;
	v10 =	vld [tilespmem:s18+$0x50]  }
0x30a: {  	v2 =	vbroadcast v2, $0x0;
	v11 =	vld [tilespmem:s18+$0xD0]  }
0x30b: {  	v12 =	vld [tilespmem:s18+$0xFFFFFF60]  }
0x30c: {  	v13 =	vor.u32 $0x1, v2;
	v14 =	vld [tilespmem:s18+$0xFFFFFFE0]  }
0x30d: {  	v15 =	vor.u32 $0x2, v2;
	v16 =	vld [tilespmem:s18+$0x60]  }
0x30e: {  	v17 =	vor.u32 $0x3, v2;
	v18 =	vld [tilespmem:s18+$0xE0]  }
0x30f: {  	v19 =	vld [tilespmem:s18+$0xFFFFFF70]  }
0x310: {  	v20 =	vld.idx.msk [tilespmem:v2+s26+$0x0], $0xffff  }
0x311: {  	v2 =	vld.idx.msk [tilespmem:v13+s26+$0x0], $0xffff  }
0x312: {  	v21 =	vld.idx.msk [tilespmem:v15+s26+$0x0], $0xffff  }
0x313: {  	v17 =	vld.idx.msk [tilespmem:v17+s26+$0x0], $0xffff  }
0x314: {  	v13 =	vld [tilespmem:s18+$0x70]  }
0x315: {  	v15 =	vld [tilespmem:s18+$0x30]  }
0x316: {  	v22 =	vld [tilespmem:s18+$0xFFFFFFB0];
	v8 =	vmul.f32 v8, v20  }
0x317: {  	v23 =	vld [tilespmem:s18+$0xFFFFFF30];
	v12 =	vmul.f32 v12, v20  }
0x318: {  	v24 =	vld [tilespmem:s18+$0xA0];
	v14 =	vmul.f32 v14, v2;
	[tilespmem:s18+$0xFFFFFF50] =	vst v8  }
0x319: {  	v25 =	vld [tilespmem:s18+$0xFFFFFF90];
	v6 =	vmul.f32 v6, v21;
	[tilespmem:s18+$0xFFFFFF60] =	vst v12  }
0x31a: {  	v26 =	vld [tilespmem:s18+$0xFFFFFF10];
	v9 =	vmul.f32 v9, v2;
	[tilespmem:s18+$0xFFFFFFE0] =	vst v14  }
0x31b: {  	v61 =	vld [tilespmem:s18+$0x80];
	v10 =	vmul.f32 v10, v21;
	[tilespmem:s18+$0x40] =	vst v6  }
0x31c: {  	v63 =	vld [tilespmem:s18+$0xFFFFFF80];
	v3 =	vmul.f32 v3, v17;
	[tilespmem:s18+$0xFFFFFFD0] =	vst v9  }
0x31d: {  	v28 =	vld [tilespmem:s18+$0xFFFFFF40];
	v15 =	vmul.f32 v15, v21;
	[tilespmem:s18+$0x50] =	vst v10  }
0x31e: {  	v7 =	vmul.f32 v7, v17;
	v8 =	vld [tilespmem:s18+$0x20];
	[tilespmem:s18+$0xB0] =	vst v3  }
0x31f: {  	v62 =	vmul.f32 v24, v17;
	v5 =	vmul.f32 v5, v2;
	v12 =	vld [tilespmem:s18+$0xFFFFFFA0];
	[tilespmem:s18+$0x30] =	vst v15  }
0x320: {  	v16 =	vmul.f32 v16, v21;
	v19 =	vmul.f32 v19, v20;
	v14 =	vld [tilespmem:s18+$0xFFFFFF20];
	[tilespmem:s18+$0xC0] =	vst v7  }
0x321: {  	v6 =	vld [tilespmem:s18+$0x90];
	v10 =	vmul.f32 v11, v17;
	v11 =	vmul.f32 v22, v2;
	[tilespmem:s18+$0xFFFFFFF0] =	vst v5  }
0x322: {  	v9 =	vld [tilespmem:s18+$0x10];
	v3 =	vmul.f32 v18, v17;
	v18 =	vmul.f32 v23, v20;
	[tilespmem:s18+$0x60] =	vst v16  }
0x323: {  	v7 =	vld [tilespmem:s18+$0x0];
	v15 =	vmul.f32 v4, v17;
	v16 =	vmul.f32 v28, v20;
	[tilespmem:s18+$0xD0] =	vst v10  }
0x324: {  	v27 =	vld [tilespmem:s18+$0xFFFFFF00];
	v10 =	vmul.f32 v13, v21;
	[tilespmem:s18+$0xFFFFFFB0] =	vst v11;
	v13 =	vmul.f32 v25, v2  }
0x325: {  	[tilespmem:s18+$0xF0] =	vst v15;
	v15 =	vld [tilespmem:s18+$0xFFFFFFC0];
	v4 =	vmul.f32 v8, v21;
	v8 =	vmul.f32 v12, v2  }
0x326: {  	[tilespmem:s18+$0x70] =	vst v10;
	v10 =	vmul.f32 v14, v20;
	v11 =	vmul.f32 v6, v17  }
0x327: {  	[tilespmem:s18+$0xFFFFFF70] =	vst v19;
	v12 =	vmul.f32 v9, v21;
	v14 =	vmul.f32 v26, v20  }
0x328: {  	[tilespmem:s18+$0xA0] =	vst v62;
	v9 =	vmul.f32 v61, v17;
	v5 =	vmul.f32 v7, v21  }
0x329: {  	s20 =	simm.s32 $0x4;
	s12 =	simm.s32 $0x15080;
	[tilespmem:s18+$0xFFFFFF30] =	vst v18;
	v6 =	vmul.f32 v63, v2;
	v7 =	vmul.f32 v27, v20  }
.LBB2_19:
0x32a: {  	v17 =	vmov s20;
	v18 =	vld [tilespmem:s12+$0xFFFFFFF0];
	p2 =	sne.s32 s20, $0x7C;
	s20 =	sadd.s32 $0x4, s20;
	[tilespmem:s18+$0x20] =	vst v4;
	v2 =	vmul.f32 v15, v2  }
0x32b: {  	v4 =	vadd.s32 $0x300, v17;
	v15 =	vld [tilespmem:s12+$0xB0];
	[tilespmem:s18+$0xFFFFFFA0] =	vst v8  }
0x32c: {  	v4 =	vbroadcast v4, $0x0;
	v8 =	vld [tilespmem:s12+$0xF0];
	[tilespmem:s18+$0xFFFFFF20] =	vst v10  }
0x32d: {  	v10 =	vld [tilespmem:s12+$0x40];
	[tilespmem:s18+$0x90] =	vst v11  }
0x32e: {  	v11 =	vor.u32 $0x1, v4;
	v17 =	vld [tilespmem:s12+$0xC0];
	[tilespmem:s18+$0x10] =	vst v12  }
0x32f: {  	v12 =	vor.u32 $0x2, v4;
	v19 =	vld [tilespmem:s12+$0xFFFFFF50];
	[tilespmem:s18+$0xFFFFFF90] =	vst v13  }
0x330: {  	v13 =	vor.u32 $0x3, v4;
	v20 =	vld [tilespmem:s12+$0xFFFFFFD0];
	[tilespmem:s18+$0xFFFFFF10] =	vst v14  }
0x331: {  	v14 =	vld [tilespmem:s12+$0x50];
	[tilespmem:s18+$0xFFFFFF40] =	vst v16  }
0x332: {  	v16 =	vld [tilespmem:s12+$0xD0];
	[tilespmem:s18+$0x80] =	vst v9  }
0x333: {  	v9 =	vld [tilespmem:s12+$0xFFFFFF60];
	[tilespmem:s18+$0xE0] =	vst v3  }
0x334: {  	v3 =	vld [tilespmem:s12+$0xFFFFFFE0];
	[tilespmem:s18+$0xFFFFFFC0] =	vst v2  }
0x335: {  	v21 =	vld [tilespmem:s12+$0x60];
	[tilespmem:s18+$0x0] =	vst v5  }
0x336: {  	v5 =	vld [tilespmem:s12+$0xE0];
	[tilespmem:s18+$0xFFFFFF80] =	vst v6  }
0x337: {  	v6 =	vld [tilespmem:s12+$0xFFFFFF70];
	[tilespmem:s18+$0xFFFFFF00] =	vst v7;
	s18 =	smov.u32 s12  }
0x338: {  	v22 =	vld.idx.msk [tilespmem:v4+s26+$0x0], $0xffff  }
0x339: {  	v2 =	vld.idx.msk [tilespmem:v11+s26+$0x0], $0xffff  }
0x33a: {  	v7 =	vld.idx.msk [tilespmem:v12+s26+$0x0], $0xffff  }
0x33b: {  	v23 =	vld.idx.msk [tilespmem:v13+s26+$0x0], $0xffff  }
0x33c: {  	v4 =	vld [tilespmem:s12+$0x70]  }
0x33d: {  	v11 =	vld [tilespmem:s12+$0x30]  }
0x33e: {  	v13 =	vmul.f32 v19, v22;
	v9 =	vmul.f32 v9, v22;
	v12 =	vld [tilespmem:s12+$0xFFFFFFB0]  }
0x33f: {  	v20 =	vmul.f32 v20, v2;
	v3 =	vmul.f32 v3, v2;
	v19 =	vld [tilespmem:s12+$0xFFFFFF30]  }
0x340: {  	v10 =	vmul.f32 v10, v7;
	v24 =	vld [tilespmem:s12+$0xA0];
	[tilespmem:s12+$0xFFFFFF50] =	vst v13;
	v13 =	vmul.f32 v14, v7  }
0x341: {  	v15 =	vmul.f32 v15, v23;
	v17 =	vmul.f32 v17, v23;
	v14 =	vld [tilespmem:s12+$0x20];
	[tilespmem:s12+$0xFFFFFF60] =	vst v9  }
0x342: {  	v16 =	vmul.f32 v16, v23;
	v9 =	vld [tilespmem:s12+$0xFFFFFFA0];
	v11 =	vmul.f32 v11, v7;
	[tilespmem:s12+$0xFFFFFFE0] =	vst v3  }
0x343: {  	v3 =	vmul.f32 v5, v23;
	v25 =	vld [tilespmem:s12+$0xFFFFFF20];
	v26 =	vmul.f32 v12, v2;
	[tilespmem:s12+$0xFFFFFFD0] =	vst v20  }
0x344: {  	v20 =	vmul.f32 v8, v23;
	v5 =	vld [tilespmem:s12+$0x90];
	v19 =	vmul.f32 v19, v22;
	[tilespmem:s12+$0x40] =	vst v10  }
0x345: {  	v27 =	vmul.f32 v4, v7;
	v12 =	vld [tilespmem:s12+$0x10];
	v24 =	vmul.f32 v24, v23;
	[tilespmem:s12+$0x50] =	vst v13  }
0x346: {  	v21 =	vmul.f32 v21, v7;
	v13 =	vld [tilespmem:s12+$0xFFFFFF90];
	v4 =	vmul.f32 v14, v7;
	[tilespmem:s12+$0xB0] =	vst v15  }
0x347: {  	v14 =	vld [tilespmem:s12+$0xFFFFFF10];
	v8 =	vmul.f32 v9, v2;
	[tilespmem:s12+$0xC0] =	vst v17;
	v17 =	vmul.f32 v18, v2  }
0x348: {  	v6 =	vmul.f32 v6, v22;
	v9 =	vld [tilespmem:s12+$0x80];
	v10 =	vmul.f32 v25, v22;
	[tilespmem:s12+$0x30] =	vst v11  }
0x349: {  	v18 =	vld [tilespmem:s12+$0x0];
	v11 =	vmul.f32 v5, v23;
	[tilespmem:s12+$0xD0] =	vst v16  }
0x34a: {  	v16 =	vld [tilespmem:s12+$0xFFFFFF80];
	v12 =	vmul.f32 v12, v7;
	[tilespmem:s12+$0xFFFFFFB0] =	vst v26  }
0x34b: {  	v25 =	vld [tilespmem:s12+$0xFFFFFF00];
	v13 =	vmul.f32 v13, v2;
	[tilespmem:s12+$0xF0] =	vst v20  }
0x34c: {  	v14 =	vmul.f32 v14, v22;
	v20 =	vld [tilespmem:s12+$0xFFFFFF40];
	[tilespmem:s12+$0x70] =	vst v27  }
.Ltmp8:
0x34d: {  	v9 =	vmul.f32 v9, v23;
	v15 =	vld [tilespmem:s12+$0xFFFFFFC0];
	[tilespmem:s12+$0xFFFFFFF0] =	vst v17;
	(pc) =	sbr.rel @p2 .LBB2_19-.Ltmp8, $4  }
0x34e: {  	v5 =	vmul.f32 v18, v7;
	[tilespmem:s12+$0xFFFFFF70] =	vst v6  }
0x34f: {  	v6 =	vmul.f32 v16, v2;
	[tilespmem:s12+$0xFFFFFF30] =	vst v19  }
0x350: {  	v7 =	vmul.f32 v25, v22;
	[tilespmem:s12+$0x60] =	vst v21  }
0x351: {  	s12 =	sadd.s32 $0x200, s12;
	[tilespmem:s18+$0xA0] =	vst v24;
	v16 =	vmul.f32 v20, v22  }
0x352: {  	[tilespmem:s18+$0x20] =	vst v4  }
0x353: {  	[tilespmem:s18+$0xFFFFFFA0] =	vst v8  }
0x354: {  	[tilespmem:s18+$0xFFFFFF20] =	vst v10  }
0x355: {  	[tilespmem:s18+$0x90] =	vst v11  }
0x356: {  	[tilespmem:s18+$0x10] =	vst v12  }
0x357: {  	[tilespmem:s18+$0xFFFFFF90] =	vst v13  }
0x358: {  	[tilespmem:s18+$0xFFFFFF10] =	vst v14  }
0x359: {  	[tilespmem:s18+$0x80] =	vst v9  }
0x35a: {  	[tilespmem:s18+$0xE0] =	vst v3  }
0x35b: {  	[tilespmem:s18+$0x0] =	vst v5  }
0x35c: {  	[tilespmem:s18+$0xFFFFFF80] =	vst v6  }
0x35d: {  	v2 =	vmul.f32 v15, v2;
	[tilespmem:s18+$0xFFFFFF00] =	vst v7  }
0x35e: {  	[tilespmem:s18+$0xFFFFFF40] =	vst v16  }
0x35f: {  	[tilespmem:s18+$0xFFFFFFC0] =	vst v2  }
0x360: {  	[spmem:s3] =	stream.indirect.scatter.add.f32 [tilespmem:s21], [sflag:$0x3], $0x80, s23, s28, $0xb8;
	[tilespmem:$0x1CD80] =	vst v63  }
0x361: {  	_ =	swait.ge [sflag:s22], $0x4000  }
0x362: {  	[sflag:s22] =	ssyncset.done $0x0  }
0x363: {  	[sflag:s22] =	ssyncadd.s32 $0xFFFFC000  }
0x364: {  	[spmem:s4] =	stream.indirect.scatter.add.f32 [tilespmem:s9], [sflag:$0x3], $0x1, s23, s28, $0xb8;
	[tilespmem:$0x1CD80] =	vst v63  }
0x365: {  	_ =	swait.ge [sflag:s22], $0x80  }
0x366: {  	[sflag:s22] =	ssyncset.done $0x0  }
0x367: {  	[sflag:s22] =	ssyncadd.s32 $0xFFFFFF80  }
0x368: {  	_ =	swait.ge [sflag:s6], $0x4000  }
0x369: {  	[sflag:s6] =	ssyncset.done $0x0  }
0x36a: {  	s18 =	simm.s32 $0x18E80;
	[sflag:s6] =	ssyncadd.s32 $0xFFFFC000  }
0x36b: {  	v5 =	vld [tilespmem:s18+$0xFFFFFFF0]  }
0x36c: {  	v3 =	vld [tilespmem:s18+$0xB0]  }
0x36d: {  	v4 =	vld [tilespmem:s18+$0xF0]  }
0x36e: {  	v6 =	vld [tilespmem:s18+$0x40]  }
0x36f: {  	v7 =	vld [tilespmem:s18+$0xC0]  }
0x370: {  	s12 =	simm.s32 $0x0;
	v8 =	vld [tilespmem:s18+$0xFFFFFF50]  }
0x371: {  	v2 =	vmov s12;
	v9 =	vld [tilespmem:s18+$0xFFFFFFD0]  }
0x372: {  	v2 =	vadd.s32 $0x380, v2;
	v10 =	vld [tilespmem:s18+$0x50]  }
0x373: {  	v2 =	vbroadcast v2, $0x0;
	v11 =	vld [tilespmem:s18+$0xD0]  }
0x374: {  	v12 =	vld [tilespmem:s18+$0xFFFFFF60]  }
0x375: {  	v13 =	vor.u32 $0x1, v2;
	v14 =	vld [tilespmem:s18+$0xFFFFFFE0]  }
0x376: {  	v15 =	vor.u32 $0x2, v2;
	v16 =	vld [tilespmem:s18+$0x60]  }
0x377: {  	v17 =	vor.u32 $0x3, v2;
	v18 =	vld [tilespmem:s18+$0xE0]  }
0x378: {  	v19 =	vld [tilespmem:s18+$0xFFFFFF70]  }
0x379: {  	v20 =	vld.idx.msk [tilespmem:v2+s26+$0x0], $0xffff  }
0x37a: {  	v2 =	vld.idx.msk [tilespmem:v13+s26+$0x0], $0xffff  }
0x37b: {  	v21 =	vld.idx.msk [tilespmem:v15+s26+$0x0], $0xffff  }
0x37c: {  	v17 =	vld.idx.msk [tilespmem:v17+s26+$0x0], $0xffff  }
0x37d: {  	v13 =	vld [tilespmem:s18+$0x70]  }
0x37e: {  	v15 =	vld [tilespmem:s18+$0x30]  }
0x37f: {  	v22 =	vld [tilespmem:s18+$0xFFFFFFB0];
	v8 =	vmul.f32 v8, v20  }
0x380: {  	v23 =	vld [tilespmem:s18+$0xFFFFFF30];
	v12 =	vmul.f32 v12, v20  }
0x381: {  	v24 =	vld [tilespmem:s18+$0xA0];
	v14 =	vmul.f32 v14, v2;
	[tilespmem:s18+$0xFFFFFF50] =	vst v8  }
0x382: {  	v25 =	vld [tilespmem:s18+$0xFFFFFF90];
	v6 =	vmul.f32 v6, v21;
	[tilespmem:s18+$0xFFFFFF60] =	vst v12  }
0x383: {  	v26 =	vld [tilespmem:s18+$0xFFFFFF10];
	v9 =	vmul.f32 v9, v2;
	[tilespmem:s18+$0xFFFFFFE0] =	vst v14  }
0x384: {  	v61 =	vld [tilespmem:s18+$0x80];
	v10 =	vmul.f32 v10, v21;
	[tilespmem:s18+$0x40] =	vst v6  }
0x385: {  	v63 =	vld [tilespmem:s18+$0xFFFFFF80];
	v3 =	vmul.f32 v3, v17;
	[tilespmem:s18+$0xFFFFFFD0] =	vst v9  }
0x386: {  	v28 =	vld [tilespmem:s18+$0xFFFFFF40];
	v15 =	vmul.f32 v15, v21;
	[tilespmem:s18+$0x50] =	vst v10  }
0x387: {  	v7 =	vmul.f32 v7, v17;
	v8 =	vld [tilespmem:s18+$0x20];
	[tilespmem:s18+$0xB0] =	vst v3  }
0x388: {  	v62 =	vmul.f32 v24, v17;
	v5 =	vmul.f32 v5, v2;
	v12 =	vld [tilespmem:s18+$0xFFFFFFA0];
	[tilespmem:s18+$0x30] =	vst v15  }
0x389: {  	v16 =	vmul.f32 v16, v21;
	v19 =	vmul.f32 v19, v20;
	v14 =	vld [tilespmem:s18+$0xFFFFFF20];
	[tilespmem:s18+$0xC0] =	vst v7  }
0x38a: {  	v6 =	vld [tilespmem:s18+$0x90];
	v10 =	vmul.f32 v11, v17;
	v11 =	vmul.f32 v22, v2;
	[tilespmem:s18+$0xFFFFFFF0] =	vst v5  }
0x38b: {  	v9 =	vld [tilespmem:s18+$0x10];
	v3 =	vmul.f32 v18, v17;
	v18 =	vmul.f32 v23, v20;
	[tilespmem:s18+$0x60] =	vst v16  }
0x38c: {  	v7 =	vld [tilespmem:s18+$0x0];
	v15 =	vmul.f32 v4, v17;
	v16 =	vmul.f32 v28, v20;
	[tilespmem:s18+$0xD0] =	vst v10  }
0x38d: {  	v27 =	vld [tilespmem:s18+$0xFFFFFF00];
	v10 =	vmul.f32 v13, v21;
	[tilespmem:s18+$0xFFFFFFB0] =	vst v11;
	v13 =	vmul.f32 v25, v2  }
0x38e: {  	[tilespmem:s18+$0xF0] =	vst v15;
	v15 =	vld [tilespmem:s18+$0xFFFFFFC0];
	v4 =	vmul.f32 v8, v21;
	v8 =	vmul.f32 v12, v2  }
0x38f: {  	[tilespmem:s18+$0x70] =	vst v10;
	v10 =	vmul.f32 v14, v20;
	v11 =	vmul.f32 v6, v17  }
0x390: {  	[tilespmem:s18+$0xFFFFFF70] =	vst v19;
	v12 =	vmul.f32 v9, v21;
	v14 =	vmul.f32 v26, v20  }
0x391: {  	[tilespmem:s18+$0xA0] =	vst v62;
	v9 =	vmul.f32 v61, v17;
	v5 =	vmul.f32 v7, v21  }
0x392: {  	s20 =	simm.s32 $0x4;
	s12 =	simm.s32 $0x19080;
	[tilespmem:s18+$0xFFFFFF30] =	vst v18;
	v6 =	vmul.f32 v63, v2;
	v7 =	vmul.f32 v27, v20  }
.LBB2_21:
0x393: {  	v17 =	vmov s20;
	v18 =	vld [tilespmem:s12+$0xFFFFFFF0];
	p2 =	sne.s32 s20, $0x7C;
	s20 =	sadd.s32 $0x4, s20;
	[tilespmem:s18+$0x20] =	vst v4;
	v2 =	vmul.f32 v15, v2  }
0x394: {  	v4 =	vadd.s32 $0x380, v17;
	v15 =	vld [tilespmem:s12+$0xB0];
	[tilespmem:s18+$0xFFFFFFA0] =	vst v8  }
0x395: {  	v4 =	vbroadcast v4, $0x0;
	v8 =	vld [tilespmem:s12+$0xF0];
	[tilespmem:s18+$0xFFFFFF20] =	vst v10  }
0x396: {  	v10 =	vld [tilespmem:s12+$0x40];
	[tilespmem:s18+$0x90] =	vst v11  }
0x397: {  	v11 =	vor.u32 $0x1, v4;
	v17 =	vld [tilespmem:s12+$0xC0];
	[tilespmem:s18+$0x10] =	vst v12  }
0x398: {  	v12 =	vor.u32 $0x2, v4;
	v19 =	vld [tilespmem:s12+$0xFFFFFF50];
	[tilespmem:s18+$0xFFFFFF90] =	vst v13  }
0x399: {  	v13 =	vor.u32 $0x3, v4;
	v20 =	vld [tilespmem:s12+$0xFFFFFFD0];
	[tilespmem:s18+$0xFFFFFF10] =	vst v14  }
0x39a: {  	v14 =	vld [tilespmem:s12+$0x50];
	[tilespmem:s18+$0xFFFFFF40] =	vst v16  }
0x39b: {  	v16 =	vld [tilespmem:s12+$0xD0];
	[tilespmem:s18+$0x80] =	vst v9  }
0x39c: {  	v9 =	vld [tilespmem:s12+$0xFFFFFF60];
	[tilespmem:s18+$0xE0] =	vst v3  }
0x39d: {  	v3 =	vld [tilespmem:s12+$0xFFFFFFE0];
	[tilespmem:s18+$0xFFFFFFC0] =	vst v2  }
0x39e: {  	v21 =	vld [tilespmem:s12+$0x60];
	[tilespmem:s18+$0x0] =	vst v5  }
0x39f: {  	v5 =	vld [tilespmem:s12+$0xE0];
	[tilespmem:s18+$0xFFFFFF80] =	vst v6  }
0x3a0: {  	v6 =	vld [tilespmem:s12+$0xFFFFFF70];
	[tilespmem:s18+$0xFFFFFF00] =	vst v7;
	s18 =	smov.u32 s12  }
0x3a1: {  	v22 =	vld.idx.msk [tilespmem:v4+s26+$0x0], $0xffff  }
0x3a2: {  	v2 =	vld.idx.msk [tilespmem:v11+s26+$0x0], $0xffff  }
0x3a3: {  	v7 =	vld.idx.msk [tilespmem:v12+s26+$0x0], $0xffff  }
0x3a4: {  	v23 =	vld.idx.msk [tilespmem:v13+s26+$0x0], $0xffff  }
0x3a5: {  	v4 =	vld [tilespmem:s12+$0x70]  }
0x3a6: {  	v11 =	vld [tilespmem:s12+$0x30]  }
0x3a7: {  	v13 =	vmul.f32 v19, v22;
	v9 =	vmul.f32 v9, v22;
	v12 =	vld [tilespmem:s12+$0xFFFFFFB0]  }
0x3a8: {  	v20 =	vmul.f32 v20, v2;
	v3 =	vmul.f32 v3, v2;
	v19 =	vld [tilespmem:s12+$0xFFFFFF30]  }
0x3a9: {  	v10 =	vmul.f32 v10, v7;
	v24 =	vld [tilespmem:s12+$0xA0];
	[tilespmem:s12+$0xFFFFFF50] =	vst v13;
	v13 =	vmul.f32 v14, v7  }
0x3aa: {  	v15 =	vmul.f32 v15, v23;
	v17 =	vmul.f32 v17, v23;
	v14 =	vld [tilespmem:s12+$0x20];
	[tilespmem:s12+$0xFFFFFF60] =	vst v9  }
0x3ab: {  	v16 =	vmul.f32 v16, v23;
	v9 =	vld [tilespmem:s12+$0xFFFFFFA0];
	v11 =	vmul.f32 v11, v7;
	[tilespmem:s12+$0xFFFFFFE0] =	vst v3  }
0x3ac: {  	v3 =	vmul.f32 v5, v23;
	v25 =	vld [tilespmem:s12+$0xFFFFFF20];
	v26 =	vmul.f32 v12, v2;
	[tilespmem:s12+$0xFFFFFFD0] =	vst v20  }
0x3ad: {  	v20 =	vmul.f32 v8, v23;
	v5 =	vld [tilespmem:s12+$0x90];
	v19 =	vmul.f32 v19, v22;
	[tilespmem:s12+$0x40] =	vst v10  }
0x3ae: {  	v27 =	vmul.f32 v4, v7;
	v12 =	vld [tilespmem:s12+$0x10];
	v24 =	vmul.f32 v24, v23;
	[tilespmem:s12+$0x50] =	vst v13  }
0x3af: {  	v21 =	vmul.f32 v21, v7;
	v13 =	vld [tilespmem:s12+$0xFFFFFF90];
	v4 =	vmul.f32 v14, v7;
	[tilespmem:s12+$0xB0] =	vst v15  }
0x3b0: {  	v14 =	vld [tilespmem:s12+$0xFFFFFF10];
	v8 =	vmul.f32 v9, v2;
	[tilespmem:s12+$0xC0] =	vst v17;
	v17 =	vmul.f32 v18, v2  }
0x3b1: {  	v6 =	vmul.f32 v6, v22;
	v9 =	vld [tilespmem:s12+$0x80];
	v10 =	vmul.f32 v25, v22;
	[tilespmem:s12+$0x30] =	vst v11  }
0x3b2: {  	v18 =	vld [tilespmem:s12+$0x0];
	v11 =	vmul.f32 v5, v23;
	[tilespmem:s12+$0xD0] =	vst v16  }
0x3b3: {  	v16 =	vld [tilespmem:s12+$0xFFFFFF80];
	v12 =	vmul.f32 v12, v7;
	[tilespmem:s12+$0xFFFFFFB0] =	vst v26  }
0x3b4: {  	v25 =	vld [tilespmem:s12+$0xFFFFFF00];
	v13 =	vmul.f32 v13, v2;
	[tilespmem:s12+$0xF0] =	vst v20  }
0x3b5: {  	v14 =	vmul.f32 v14, v22;
	v20 =	vld [tilespmem:s12+$0xFFFFFF40];
	[tilespmem:s12+$0x70] =	vst v27  }
.Ltmp9:
0x3b6: {  	v9 =	vmul.f32 v9, v23;
	v15 =	vld [tilespmem:s12+$0xFFFFFFC0];
	[tilespmem:s12+$0xFFFFFFF0] =	vst v17;
	(pc) =	sbr.rel @p2 .LBB2_21-.Ltmp9, $4  }
0x3b7: {  	v5 =	vmul.f32 v18, v7;
	[tilespmem:s12+$0xFFFFFF70] =	vst v6  }
0x3b8: {  	v6 =	vmul.f32 v16, v2;
	[tilespmem:s12+$0xFFFFFF30] =	vst v19  }
0x3b9: {  	v7 =	vmul.f32 v25, v22;
	[tilespmem:s12+$0x60] =	vst v21  }
0x3ba: {  	s12 =	sadd.s32 $0x200, s12;
	[tilespmem:s18+$0xA0] =	vst v24;
	v16 =	vmul.f32 v20, v22  }
0x3bb: {  	[tilespmem:s18+$0x20] =	vst v4  }
0x3bc: {  	[tilespmem:s18+$0xFFFFFFA0] =	vst v8  }
0x3bd: {  	[tilespmem:s18+$0xFFFFFF20] =	vst v10  }
0x3be: {  	[tilespmem:s18+$0x90] =	vst v11  }
0x3bf: {  	[tilespmem:s18+$0x10] =	vst v12  }
0x3c0: {  	[tilespmem:s18+$0xFFFFFF90] =	vst v13  }
0x3c1: {  	[tilespmem:s18+$0xFFFFFF10] =	vst v14  }
0x3c2: {  	[tilespmem:s18+$0x80] =	vst v9  }
0x3c3: {  	[tilespmem:s18+$0xE0] =	vst v3  }
0x3c4: {  	[tilespmem:s18+$0x0] =	vst v5  }
0x3c5: {  	[tilespmem:s18+$0xFFFFFF80] =	vst v6  }
0x3c6: {  	v2 =	vmul.f32 v15, v2;
	[tilespmem:s18+$0xFFFFFF00] =	vst v7  }
0x3c7: {  	[tilespmem:s18+$0xFFFFFF40] =	vst v16  }
0x3c8: {  	[tilespmem:s18+$0xFFFFFFC0] =	vst v2  }
0x3c9: {  	[spmem:s3] =	stream.indirect.scatter.add.f32 [tilespmem:s31], [sflag:$0x3], $0x80, s10, s28, $0xb8;
	[tilespmem:$0x1CD80] =	vst v63  }
0x3ca: {  	s16 =	sadd.s32 $0x1, s16;
	_ =	swait.ge [sflag:s22], $0x4000  }
0x3cb: {  	p2 =	sne.s32 s16, $0xA;
	[sflag:s22] =	ssyncset.done $0x0  }
.Ltmp10:
0x3cc: {  	[sflag:s22] =	ssyncadd.s32 $0xFFFFC000;
	(pc) =	sbr.rel @p2 .LBB2_4-.Ltmp10, $4  }
0x3cd: {  	[spmem:s4] =	stream.indirect.scatter.add.f32 [tilespmem:s13], [sflag:$0x3], $0x1, s10, s28, $0xb8;
	[tilespmem:$0x1CD80] =	vst v63  }
0x3ce: {  	_ =	swait.ge [sflag:s22], $0x80  }
0x3cf: {  	[sflag:s22] =	ssyncset.done $0x0  }
0x3d0: {  	[sflag:s22] =	ssyncadd.s32 $0xFFFFFF80  }
0x3d1: {  	s12 =	stileid.u32  }
0x3d2: {  	[bflag:$0x0] =	sbarrier.arrive $0xFFFF;
	s12 =	sshll.u32 @!p1 s12, $0x6  }
0x3d3: {  	s14 =	sshrl.u32 @!p1 s3, $0x3;
	s16 =	rddreg [dreg:$0x5];
	s12 =	sor.u32 @!p1 $0x1C03, s12  }
0x3d4: {  	[hbm:s16], [sflag:s12] =	dma.local @!p1 [spmem:s14], $0x27100  }
0x3d5: {  	s14 =	simm.s32 @!p1 $0x3  }
0x3d6: {  	_ =	swait.ge @!p1 [sflag:s14], $0x27100  }
0x3d7: {  	[sflag:s14] =	ssyncset.done @!p1 $0x0  }
0x3d8: {  	s16 =	sshrl.u32 @!p1 s4, $0x3;
	s18 =	rddreg [dreg:$0x6];
	[sflag:s14] =	ssyncadd.s32 @!p1 $0xFFFD8F00  }
0x3d9: {  	[hbm:s18], [sflag:s12] =	dma.local @!p1 [spmem:s16], $0x500  }
0x3da: {  	_ =	swait.ge @!p1 [sflag:s14], $0x500  }
0x3db: {  	s12 =	sshrl.u32 @p0 s3, $0x3;
	[sflag:s14] =	ssyncset.done @!p1 $0x0  }
0x3dc: {  	s16 =	rddreg [dreg:$0xe];
	[sflag:s14] =	ssyncadd.s32 @!p1 $0xFFFFFB00;
	s14 =	simm.s32 @p0 $0x1C03  }
0x3dd: {  	[hbm:s16], [sflag:s14] =	dma.local @p0 [spmem:s12], $0x27100  }
0x3de: {  	s12 =	simm.s32 @p0 $0x3  }
0x3df: {  	_ =	swait.ge @p0 [sflag:s12], $0x27100  }
0x3e0: {  	[sflag:s12] =	ssyncset.done @p0 $0x0  }
0x3e1: {  	s16 =	sshrl.u32 @p0 s4, $0x3;
	s18 =	rddreg [dreg:$0x7];
	[sflag:s12] =	ssyncadd.s32 @p0 $0xFFFD8F00  }
0x3e2: {  	[hbm:s18], [sflag:s14] =	dma.local @p0 [spmem:s16], $0x500  }
0x3e3: {  	_ =	swait.ge @p0 [sflag:s12], $0x500  }
0x3e4: {  	s18 =	rddreg [dreg:$0x10]  }
0x3e5: {  	s20 =	rddreg [dreg:$0xf];
	s16 =	sadd.s32 $0x1, s18  }
0x3e6: {  	p2 =	sne.s32 s16, s20  }
.Ltmp11:
0x3e7: {  	_ = 	snop;
	(pc) =	sbr.rel @p2 .LBB2_1-.Ltmp11, $3  }
0x3e8: {  	_ =	sdelay $0x1  }
0x3e9: {  	[sflag:s12] =	ssyncset.done @p0 $0x0  }
0x3ea: {  	[sflag:s12] =	ssyncadd.s32 @p0 $0xFFFFFB00  }
0x3eb: {  	_ =	sfence.sel $0x180000  }
0x3ec: {  	[bflag:$0x0] =	sbarrier.arrive $0xFFFF  }
0x3ed: {  	_ =	strace $0x9000004D  }
0x3ee: {  	s0 =	stileid.u32;
	[bflag:$0x2] =	sbarrier.arrive $0xFFFF  }
0x3ef: {  	p0 =	sne.s32 s0, $0x0;
	s0 =	rddreg [dreg:$0x4]  }
0x3f0: {  	s0 =	sadd.s32 @!p0 $0x100000, s0  }
0x3f1: {  	[sflag:s0] =	ssyncadd.tile.s32 @!p0 $0x1;
	_ =	shalt  }
.Lfunc_end2:
_tile_overlayer_lowered:
.L_overlay_start_2:
0x3f2: {  	(tag) =	ssettag $0x2  }
0x3f3: {  	s0 =	rddreg [dreg:$0x0];
	s2 =	stileid.u32  }
0x3f4: {  	s1 =	rddreg [dreg:$0x1];
	p0 =	sne.s32 s2, $0x0  }
0x3f5: {  	s3 =	rddreg [dreg:$0x2];
	[bflag:$0x3] =	sbarrier.arrive $0xFFFF;
	s2 =	simm.s32 @!p0 $0x1C03  }
0x3f6: {  	[timem:s3], [sflag:s2] =	dma.local @!p0 [hbm:s0], s1  }
0x3f7: {  	s0 =	simm.s32 @!p0 $0x3  }
0x3f8: {  	_ =	swait.ge @!p0 [sflag:s0], s1  }
0x3f9: {  	s1 =	ssub.s32 @!p0 $0x0, s1;
	[sflag:s0] =	ssyncset.done @!p0 $0x0  }
0x3fa: {  	[sflag:s0] =	ssyncadd.s32 @!p0 s1  }
0x3fb: {  	[bflag:$0x3] =	sbarrier.arrive $0xFFFF  }
0x3fc: {  	_ =	shalt  }

// kernel: kernel.7.cloned.1.call-start
scs
__scs_entry_jumppad:
0x0: {  	(pc) =	sbr.rel $0x88, $3  }
0x1: {  	(tag) =	ssettag $0x0;
	lr =	simm.s32 $0x1  }
0x2: {  	[smem:$0x3F9B] =	sst lr;
	_ =	strace $0xD0000000  }
0x3: {  	_ = 	snop  }
0x4: {  	_ = 	snop  }
0x5: {  	_ = 	snop  }
0x6: {  	_ = 	snop  }
0x7: {  	_ = 	snop  }
__scs_overlays_trampoline_lowered:
0x8: {  	[smem:$0x3FAA] =	sst s0  }
0x9: {  	[smem:$0x3FAB] =	sst s1  }
0xa: {  	[smem:$0x3FAC] =	sst s2  }
0xb: {  	[smem:$0x3FAD] =	sst s3  }
0xc: {  	[smem:$0x3FAE] =	sst s4  }
0xd: {  	[smem:$0x3FAF] =	sst s5  }
0xe: {  	[smem:$0x3FB0] =	sst s6  }
0xf: {  	[smem:$0x3FB1] =	sst s7  }
0x10: {  	[smem:$0x3FB2] =	sst s8  }
0x11: {  	[smem:$0x3FB3] =	sst s9;
	s0 =	simm.s32 @!p0 $0x0  }
0x12: {  	s1 =	sld [smem:$0x3F99];
	s0 =	simm.s32 @p0 $0x1  }
0x13: {  	[smem:$0x3FB4] =	sst s0;
	s0 =	simm.s32 @!p1 $0x0  }
0x14: {  	s2 =	sld [smem:$0x3F98];
	s0 =	simm.s32 @p1 $0x1  }
0x15: {  	[smem:$0x3FB5] =	sst s0;
	s0 =	simm.s32 @!p2 $0x0  }
0x16: {  	s3 =	sld [smem:$0x3FDB];
	s0 =	simm.s32 @p2 $0x1  }
0x17: {  	s4 =	simm.s32 $0x1BF5;
	[smem:$0x3FB7] =	sst s0  }
0x18: {  	s0 =	sld [smem:$0x3F9A];
	_ =	swait.ge [sflag:s4], $0x0  }
0x19: {  	s7 =	sld [smem:$0x3F9B]  }
0x1a: {  	s8 =	sadd.s32 $0xFFFFE003, lr  }
0x1b: {  	s9 =	sadd.s32 $0xFFFFFEF7, lr;
	s5 =	simm.s32 $0xFFFFFFFF;
	p2 =	slt.u32 s8, $0xFFFFF086  }
0x1c: {  	p1 =	slt.u32 s9, $0xF7A;
	s5 =	simm.s32 @!p2 $0x0  }
0x1d: {  	s5 =	simm.s32 @p1 $0x1;
	p0 =	seq.s32 s7, s2  }
0x1e: {  	s7 =	smul.u32 @!p0 $0xF7A, s2;
	p2 =	seq.s32 @!p0 s5, $0x0  }
0x1f: {  	s9 =	smul.u32 $0xF7A, s1;
	s8 =	simm.s32 @!p0 $0x1BF5;
	p2 =	por !p2, p0  }
0x20: {  	[sflag:s8] =	ssyncset.s32 @!p0 $0xFFFFF086;
	s6 =	sadd.s32 @!p0 s3, s7;
	s7 =	simm.s32 @!p0 $0x108  }
0x21: {  	s3 =	sadd.s32 s3, s9;
	s6 =	sadd.s32 @!p0 $0x88, s6;
	s7 =	simm.s32 @p2 $0x1082  }
0x22: {  	[simem:s7], [sflag:s8] =	dma.local @!p0 [hbm:s6], $0xF7A  }
0x23: {  	s9 =	sor.u32 $0xD0000000, s2;
	s6 =	simm.s32 $0x108;
	_ =	swait.ge @!p0 [sflag:s8], $0x0  }
0x24: {  	s3 =	sadd.s32 $0x88, s3;
	s6 =	simm.s32 @!p1 $0x1082;
	[sflag:s4] =	ssyncset.s32 $0xFFFFF086  }
0x25: {  	[simem:s6], [sflag:s4] =	dma.local [hbm:s3], $0xF7A  }
0x26: {  	[smem:$0x3F9B] =	sst s1;
	(tag) =	ssettag s2;
	_ =	strace s9  }
0x27: {  	s1 =	sld [smem:$0x3FAB]  }
0x28: {  	s2 =	sld [smem:$0x3FAC]  }
0x29: {  	s4 =	sld [smem:$0x3FAE]  }
0x2a: {  	p0 =	seq.s32 s5, $0x0;
	s5 =	sld [smem:$0x3FAF]  }
0x2b: {  	s6 =	sld [smem:$0x3FB0]  }
0x2c: {  	s7 =	sld [smem:$0x3FB1]  }
0x2d: {  	s3 =	simm.s32 $0x108;
	s8 =	sld [smem:$0x3FB2]  }
0x2e: {  	s3 =	simm.s32 @!p0 $0x1082;
	s9 =	sld [smem:$0x3FB3]  }
0x2f: {  	lr =	sadd.s32 s0, s3;
	s0 =	sld [smem:$0x3FAA]  }
0x30: {  	s3 =	sld [smem:$0x3FAD]  }
0x31: {  	[smem:$0x3FB6] =	sst s10  }
0x32: {  	s10 =	sld [smem:$0x3FB4];
	_ =	sdelay $0x3  }
0x33: {  	p0 =	seq.s32 s10, $0x1;
	s10 =	sld [smem:$0x3FB6];
	_ =	sdelay $0x3  }
0x34: {  	[smem:$0x3FB6] =	sst s10  }
0x35: {  	s10 =	sld [smem:$0x3FB5];
	_ =	sdelay $0x3  }
0x36: {  	p1 =	seq.s32 s10, $0x1;
	s10 =	sld [smem:$0x3FB6];
	_ =	sdelay $0x3  }
0x37: {  	[smem:$0x3FB6] =	sst s10  }
0x38: {  	s10 =	sld [smem:$0x3FB7]  }
0x39: {  	_ = 	snop;
	(pc) =	sbr.ind lr, $3  }
0x3a: {  	_ = 	snop  }
0x3b: {  	_ = 	snop  }
0x3c: {  	p2 =	seq.s32 s10, $0x1;
	s10 =	sld [smem:$0x3FB6]  }
0x3d: {  	_ =	shalt  }
0x3e: {  	_ =	shalt  }
0x3f: {  	_ =	shalt  }
0x40: {  	_ =	shalt  }
0x41: {  	_ =	shalt  }
0x42: {  	_ =	shalt  }
0x43: {  	_ =	shalt  }
0x44: {  	_ =	shalt  }
0x45: {  	_ =	shalt  }
0x46: {  	_ =	shalt  }
0x47: {  	_ =	shalt  }
0x48: {  	_ =	shalt  }
0x49: {  	_ =	shalt  }
0x4a: {  	_ =	shalt  }
0x4b: {  	_ =	shalt  }
0x4c: {  	_ =	shalt  }
0x4d: {  	_ =	shalt  }
0x4e: {  	_ =	shalt  }
0x4f: {  	_ =	shalt  }
0x50: {  	_ =	shalt  }
0x51: {  	_ =	shalt  }
0x52: {  	_ =	shalt  }
0x53: {  	_ =	shalt  }
0x54: {  	_ =	shalt  }
0x55: {  	_ =	shalt  }
0x56: {  	_ =	shalt  }
0x57: {  	_ =	shalt  }
0x58: {  	_ =	shalt  }
0x59: {  	_ =	shalt  }
0x5a: {  	_ =	shalt  }
0x5b: {  	_ =	shalt  }
0x5c: {  	_ =	shalt  }
0x5d: {  	_ =	shalt  }
0x5e: {  	_ =	shalt  }
0x5f: {  	_ =	shalt  }
0x60: {  	_ =	shalt  }
0x61: {  	_ =	shalt  }
0x62: {  	_ =	shalt  }
0x63: {  	_ =	shalt  }
0x64: {  	_ =	shalt  }
0x65: {  	_ =	shalt  }
0x66: {  	_ =	shalt  }
0x67: {  	_ =	shalt  }
0x68: {  	_ =	shalt  }
0x69: {  	_ =	shalt  }
0x6a: {  	_ =	shalt  }
0x6b: {  	_ =	shalt  }
0x6c: {  	_ =	shalt  }
0x6d: {  	_ =	shalt  }
0x6e: {  	_ =	shalt  }
0x6f: {  	_ =	shalt  }
0x70: {  	_ =	shalt  }
0x71: {  	_ =	shalt  }
0x72: {  	_ =	shalt  }
0x73: {  	_ =	shalt  }
0x74: {  	_ =	shalt  }
0x75: {  	_ =	shalt  }
0x76: {  	_ =	shalt  }
0x77: {  	_ =	shalt  }
0x78: {  	_ =	shalt  }
0x79: {  	_ =	shalt  }
0x7a: {  	_ =	shalt  }
0x7b: {  	_ =	shalt  }
0x7c: {  	_ =	shalt  }
0x7d: {  	_ =	shalt  }
0x7e: {  	_ =	shalt  }
0x7f: {  	_ =	shalt  }
0x80: {  	_ =	shalt  }
0x81: {  	_ =	shalt  }
0x82: {  	_ =	shalt  }
0x83: {  	_ =	shalt  }
0x84: {  	_ =	shalt  }
0x85: {  	_ =	shalt  }
0x86: {  	_ =	shalt  }
0x87: {  	_ =	shalt  }
.Lfunc_end0:
.L_simem_size_0:
called_computation.1_lowered:
.L_overlay_start_0:
0x88: {  	s2 =	sld [smem:$0x3FD9]  }
0x89: {  	s3 =	sld [smem:$0x3FFE];
	_ =	sdelay $0x1  }
0x8a: {  	s1 =	srdreg.scid  }
0x8b: {  	s0 =	sand.u32 $0x1, s1  }
0x8c: {  	s16 =	sshll.u32 s0, $0xA;
	s2 =	sadd.s32 s3, s2  }
0x8d: {  	s2 =	sadd.s32 s2, s16  }
0x8e: {  	[smem:$0x3FC2] =	sst s2  }
0x8f: {  	_ = 	snop  }
0x90: {  	(tm) =	ssettm $0x1  }
0x91: {  	s17 =	sld [smem:$0x3FFB];
	_ =	sdelay $0x3  }
0x92: {  	_ =	strace s17  }
0x93: {  	s2 =	sld [smem:$0x3FFC];
	_ =	sdelay $0x3  }
0x94: {  	_ =	strace s2  }
0x95: {  	s2 =	sld [smem:$0x3FFD];
	_ =	sdelay $0x3  }
0x96: {  	_ =	strace s2  }
0x97: {  	_ =	strace $0x8FFFFFFF  }
0x98: {  	s18 =	sld [smem:$0x3FDB];
	_ =	sdelay $0x1  }
0x99: {  	s19 =	simm.s32 $_scs_section_size  }
0x9a: {  	s4 =	simm.s32 $_size__tile_overlayer_lowered;
	s5 =	simm.s32 $_tile_overlayer_lowered  }
0x9b: {  	s22 =	simm.s32 $0x1BFF;
	s21 =	sshll.u32 s5, $0x1;
	s2 =	sadd.s32 s19, s18  }
0x9c: {  	s6 =	simm.s32 $0x0;
	s20 =	sshll.u32 s4, $0x1;
	s4 =	sadd.s32 s21, s2  }
0x9d: {  	[timem:s6], [sflag:s22] =	dma.local [hbm:s4], s20  }
0x9e: {  	_ =	swait.ge [sflag:s22], s20  }
0x9f: {  	s3 =	ssub.s32 $0x0, s20;
	[sflag:s22] =	ssyncset.done $0x0  }
0xa0: {  	[sflag:s22] =	ssyncadd.s32 s3;
	_ =	sdelay $0x1  }
0xa1: {  	s23 =	simm.s32 $0x1B8B  }
0xa2: {  	_ =	swait.ge [sflag:s23], $0x1  }
0xa3: {  	[sflag:s23] =	ssyncset.done $0x0  }
0xa4: {  	s25 =	simm.s32 $0x1B8E;
	s24 =	sld [smem:$0x3FFE];
	[sflag:s23] =	ssyncadd.s32 $0xFFFFFFFF  }
0xa5: {  	s26 =	simm.s32 $execute0_lowered;
	[smem:$0x3FD2] =	sst s25  }
0xa6: {  	s4 =	sshll.u32 s26, $0x1;
	_ =	strace $0x80000046;
	[dreg:$0x1] =	wrdreg $0xFFFFFFFF  }
0xa7: {  	s28 =	simm.s32 $_size_execute0_lowered;
	s2 =	sadd.s32 s2, s4;
	[dreg:$0x0] =	wrdreg $0x0  }
0xa8: {  	s4 =	sshll.u32 s28, $0x1;
	[dreg:$0x2] =	wrdreg s2  }
0xa9: {  	[dreg:$0x3] =	wrdreg s4  }
0xaa: {  	[dreg:$0x4] =	wrdreg $0xC0  }
0xab: {  	_ =	task [dreg:s6], $0x5FFFF  }
0xac: {  	[dreg:$0x1] =	wrdreg $0xFFFFFFFF  }
0xad: {  	[dreg:$0x0] =	wrdreg $0x60  }
0xae: {  	[dreg:$0x2] =	wrdreg s24  }
0xaf: {  	[dreg:$0x3] =	wrdreg $0x9  }
0xb0: {  	_ =	task.clear_ibuf [dreg:s6], $0x4FFFF;
	_ =	strace $0x90000046  }
0xb1: {  	s29 =	simm.s32 $0x9;
	_ =	strace $0x80000048  }
0xb2: {  	_ =	swait.ge [sflag:s29], $0x1  }
0xb3: {  	[sflag:s29] =	ssyncadd.s32 $0xFFFFFFFF  }
0xb4: {  	_ =	strace $0x90000048  }
0xb5: {  	_ =	sfence  }
0xb6: {  	s30 =	sld [smem:$0x0];
	_ =	sdelay $0x2  }
0xb7: {  	s31 =	sshll.u32 s1, $0xD;
	s1 =	sshrl.u32 s1, $0x2  }
0xb8: {  	s3 =	sand.u32 $0x4000, s31;
	s1 =	sadd.s32 s1, s30  }
0xb9: {  	s0 =	sor.u32 s3, s0;
	s1 =	sshll.u32 s1, $0x11  }
0xba: {  	s0 =	sor.u32 s1, s0  }
0xbb: {  	s0 =	sadd.s32 $0x8F2B, s0  }
0xbc: {  	[sflag:s0] =	ssyncadd.remote.s32 $0x1  }
0xbd: {  	_ =	sfence.sel $0xFFFF  }
0xbe: {  	[dreg:$0x0] =	wrdreg $0xFFFFFFFF;
	(pc) =	sbr.abs _section_cstart, $3  }
0xbf: {  	[dreg:$0x1] =	wrdreg $0xFFFFFFFF  }
0xc0: {  	_ =	task.clear_ibuf [dreg:s6], $0x2FFFF;
	_ =	strace $0x9FFFFFFF  }
0xc1: {  	(tm) =	ssettm $0x7FFFFFFF  }
tec
execute0_lowered:
.L_overlay_start_1:
0x0: {  	(tag) =	ssettag $0x1  }
0x1: {  	s7 =	rddreg [dreg:$0x0]  }
0x2: {  	s0 =	rddreg [dreg:$0x1];
	s3 =	srdreg.scid  }
0x3: {  	s2 =	simm.s32 $0x0;
	s1 =	stileid.u32;
	s9 =	simm.s32 $0x10400  }
0x4: {  	s12 =	simm.s32 $0x0;
	s10 =	sand.u32 $0x1, s3;
	[smem:$0x7FF] =	sst s2  }
0x5: {  	s8 =	smul.u32 $0x4E2, s1;
	s3 =	sadd.s32 $0xA000, s7;
	s5 =	ssub.s32 $0x2, s10  }
0x6: {  	_ =	strace $0x80000047;
	p0 =	seq.s32 s10, $0x1;
	s11 =	sor.u32 $0x2, s10  }
0x7: {  	v0 =	vmov s10;
	s10 =	simm.s32 $0xC400;
	s6 =	sshrl.u32 s5, $0x1;
	s4 =	sadd.s32 s7, s8  }
0x8: {  	s9 =	simm.s32 @!p0 $0xB400;
	v1 =	vmov s11;
	s11 =	simm.s32 $0xEB80;
	s6 =	ssub.s32 s5, s6  }
0x9: {  	s5 =	sadd.s32 $0x5000, s4;
	s7 =	sadd.s32 s9, s7;
	s9 =	simm.s32 $0x9C80  }
0xa: {  	s6 =	smax.u32 s6, $0x1;
	s7 =	sadd.s32 s7, s8;
	s8 =	simm.s32 $0x1  }
.LBB2_1:
0xb: {  	[tilespmem:s2], [sflag:$0x1] =	stream.linear.gather [hbm4b:s3+s2], $0x9C80, $0x38;
	[tilespmem:$0x11300] =	vst v63  }
0xc: {  	_ =	swait.ge [sflag:s8], $0x9C80  }
0xd: {  	[sflag:s8] =	ssyncset.done $0x0  }
0xe: {  	[sflag:s8] =	ssyncadd.s32 $0xFFFF6380  }
0xf: {  	[tilespmem:s9], [sflag:$0x1] =	stream.linear.gather [hbm4b:s4+s2], $0x2710, $0x38;
	[tilespmem:$0x11300] =	vst v63  }
0x10: {  	_ =	swait.ge [sflag:s8], $0x2710  }
0x11: {  	[sflag:s8] =	ssyncset.done $0x0  }
0x12: {  	[sflag:s8] =	ssyncadd.s32 $0xFFFFD8F0  }
0x13: {  	[tilespmem:s10], [sflag:$0x1] =	stream.linear.gather [hbm4b:s5+s2], $0x2710, $0x38;
	[tilespmem:$0x11300] =	vst v63  }
0x14: {  	_ =	swait.ge [sflag:s8], $0x2710  }
0x15: {  	[sflag:s8] =	ssyncset.done $0x0  }
0x16: {  	s13 =	simm.s32 $0x0;
	[sflag:s8] =	ssyncadd.s32 $0xFFFFD8F0  }
0x17: {  	v2 =	vld [tilespmem:s13+$0xC400]  }
0x18: {  	v3 =	vld [tilespmem:s13+$0x9C80];
	_ =	sdelay $0x3  }
0x19: {  	v2 =	vshll.u32 v2, $0x2  }
0x1a: {  	v3 =	vshll.u32 v3, $0x2;
	v2 =	vor.u32 v1, v2  }
0x1b: {  	v3 =	vor.u32 v0, v3;
	_ =	sdelay $0x1  }
0x1c: {  	s14 =	simm.s32 $0x10  }
0x1d: {  	v4 =	vld [tilespmem:s14+$0xC400]  }
0x1e: {  	v2 =	vld.idx.msk [tilespmem:v2+s2+$0x0], $0xffff  }
0x1f: {  	s15 =	simm.s32 $0x80;
	v3 =	vld.idx.msk [tilespmem:v3+s2+$0x0], $0xffff  }
.LBB2_2:
0x20: {  	p0 =	sne.s32 s15, $0x9C00;
	v5 =	vld [tilespmem:s14+$0x9C80];
	_ =	sdelay $0x3  }
0x21: {  	v2 =	vadd.f32 v2, v3;
	v4 =	vshll.u32 v4, $0x2  }
0x22: {  	v3 =	vshll.u32 v5, $0x2;
	v4 =	vor.u32 v1, v4  }
0x23: {  	v5 =	vmul.f32 $2.000000030e-01, v2;
	v3 =	vor.u32 v0, v3  }
0x24: {  	vm0 =	vge.f32 v2, $0.0e+00  }
.Ltmp0:
0x25: {  	v2 =	vsel vm0, v2, v5;
	(pc) =	sbr.rel @p0 .LBB2_2-.Ltmp0, $4  }
0x26: {  	[tilespmem:s13+$0xEB80] =	vst v2;
	s13 =	smov.u32 s14  }
0x27: {  	v2 =	vld.idx.msk [tilespmem:v4+s2+$0x0], $0xffff  }
0x28: {  	s14 =	sshra.s32 s15, $0x2;
	v3 =	vld.idx.msk [tilespmem:v3+s2+$0x0], $0xffff  }
0x29: {  	s15 =	sadd.s32 $0x40, s15;
	v4 =	vld [tilespmem:s14+$0xC400]  }
0x2a: {  	v5 =	vld [tilespmem:s14+$0x9C80];
	_ =	sdelay $0x3  }
0x2b: {  	v2 =	vadd.f32 v2, v3;
	v4 =	vshll.u32 v4, $0x2  }
0x2c: {  	v3 =	vshll.u32 v5, $0x2;
	v4 =	vor.u32 v1, v4  }
0x2d: {  	v63 =	vmul.f32 $2.000000030e-01, v2;
	v3 =	vor.u32 v0, v3  }
0x2e: {  	vm0 =	vge.f32 v2, $0.0e+00  }
0x2f: {  	v2 =	vsel vm0, v2, v63  }
0x30: {  	[tilespmem:s13+$0xEB80] =	vst v2  }
0x31: {  	v2 =	vld.idx.msk [tilespmem:v4+s2+$0x0], $0xffff  }
0x32: {  	v3 =	vld.idx.msk [tilespmem:v3+s2+$0x0], $0xffff;
	_ =	sdelay $0x4  }
0x33: {  	v2 =	vadd.f32 v2, v3;
	_ =	sdelay $0x1  }
0x34: {  	v3 =	vmul.f32 $2.000000030e-01, v2  }
0x35: {  	s12 =	sadd.s32 $0x1, s12;
	vm15 =	vge.f32 v2, $0.0e+00  }
0x36: {  	p0 =	sne.s32 s12, s6;
	v2 =	vsel vm15, v2, v3  }
.Ltmp1:
0x37: {  	[tilespmem:s14+$0xEB80] =	vst v2;
	(pc) =	sbr.rel @p0 .LBB2_1-.Ltmp1, $4  }
0x38: {  	[hbm4b:s7+s2] =	stream.linear.scatter [tilespmem:s11], [sflag:$0x1], $0x2710, $0x38;
	[tilespmem:$0x11300] =	vst v63  }
0x39: {  	_ =	swait.ge [sflag:s8], $0x2710  }
0x3a: {  	[sflag:s8] =	ssyncset.done $0x0  }
0x3b: {  	[sflag:s8] =	ssyncadd.s32 $0xFFFFD8F0  }
0x3c: {  	_ =	sfence.sel $0x180000  }
0x3d: {  	[bflag:$0x0] =	sbarrier.arrive $0xFFFF  }
0x3e: {  	p0 =	sne.s32 s1, $0x0;
	_ =	strace $0x90000047  }
0x3f: {  	s0 =	sadd.s32 @!p0 $0x100000, s0;
	[bflag:$0x2] =	sbarrier.arrive $0xFFFF  }
0x40: {  	[sflag:s0] =	ssyncadd.tile.s32 @!p0 $0x1;
	_ =	shalt  }
.Lfunc_end2:
_tile_overlayer_lowered:
.L_overlay_start_2:
0x41: {  	(tag) =	ssettag $0x2  }
0x42: {  	s0 =	rddreg [dreg:$0x0];
	s2 =	stileid.u32  }
0x43: {  	s1 =	rddreg [dreg:$0x1];
	p0 =	sne.s32 s2, $0x0  }
0x44: {  	s3 =	rddreg [dreg:$0x2];
	[bflag:$0x3] =	sbarrier.arrive $0xFFFF;
	s2 =	simm.s32 @!p0 $0x1C01  }
0x45: {  	[timem:s3], [sflag:s2] =	dma.local @!p0 [hbm:s0], s1  }
0x46: {  	s0 =	simm.s32 @!p0 $0x1  }
0x47: {  	_ =	swait.ge @!p0 [sflag:s0], s1  }
0x48: {  	s1 =	ssub.s32 @!p0 $0x0, s1;
	[sflag:s0] =	ssyncset.done @!p0 $0x0  }
0x49: {  	[sflag:s0] =	ssyncadd.s32 @!p0 s1  }
0x4a: {  	[bflag:$0x3] =	sbarrier.arrive $0xFFFF  }
0x4b: {  	_ =	shalt  }

</sc_bundles>
